<compile_context>
chip_gen: v7x
topology: tpu7x:2x2x1
jax: 0.10.2.dev20260603
libtpu: 0.0.44.dev20260713+nightly
codegen_flags: <defaults>
</compile_context>

<pallas_src>
import functools

import jax
import jax.numpy as jnp
from jax import lax
from jax.experimental import pallas as pl
from jax.experimental.pallas import tpu as pltpu
from jax.experimental.pallas import tpu_sc as plsc

_N = 10000
_E = 320000
_F = 128
_C = 10

_NSUB = 16
_NCORE = 2
_NW = _NSUB * _NCORE
_NPAD = 10240
_STRIPE = _NPAD // _NSUB
_EPW = 10240
_EPAD = _NW * _EPW
_SUB = 128

_sc_mesh = plsc.VectorSubcoreMesh(core_axis_name="c", subcore_axis_name="s")


def _deg_body(dst_hbm, ew_hbm, out_hbm, zb, ewv, dstv, acc, sem):
    c = lax.axis_index("c")
    s = lax.axis_index("s")
    wid = s * _NCORE + c
    base = wid * _EPW

    def zstore(i, _):
        zb[pl.ds(i * 16, 16)] = jnp.zeros((16,), jnp.float32)
        return 0

    lax.fori_loop(0, _STRIPE // 16, zstore, 0)
    pltpu.sync_copy(zb, acc.at[pl.ds(s * _STRIPE, _STRIPE)])
    plsc.subcore_barrier()

    def chunk(k, _):
        cb = base + k * 1024
        pltpu.sync_copy(ew_hbm.at[pl.ds(cb, 1024)], ewv)
        for j in range(8):
            pltpu.sync_copy(dst_hbm.at[pl.ds(cb + j * _SUB, _SUB)], dstv.at[j])
        for j in range(8):
            pltpu.sync_copy(ewv.at[pl.ds(j * _SUB, _SUB)],
                            acc.at[dstv.at[j]], add=True)
        return 0

    lax.fori_loop(0, _EPW // 1024, chunk, 0)
    plsc.subcore_barrier()
    pltpu.sync_copy(acc.at[pl.ds(s * _STRIPE, _STRIPE)],
                    out_hbm.at[c, pl.ds(s * _STRIPE, _STRIPE)])


_deg_call = pl.kernel(
    _deg_body,
    out_type=jax.ShapeDtypeStruct((_NCORE, _NPAD), jnp.float32),
    mesh=_sc_mesh,
    scratch_types=[
        pltpu.VMEM((_STRIPE,), jnp.float32),
        pltpu.VMEM((1024,), jnp.float32),
        pltpu.VMEM((8, _SUB), jnp.int32),
        pltpu.VMEM_SHARED((_NPAD,), jnp.float32),
        pltpu.SemaphoreType.DMA,
    ],
)


_CHUNK = 256
_ZR = 32


def _agg_body(src_hbm, dst_hbm, ew_hbm, xw2_hbm, out_hbm,
              zrow, srcv, dstv, ewv, rows, acc, sem):
    c = lax.axis_index("c")
    s = lax.axis_index("s")
    wid = s * _NCORE + c
    base = wid * _EPW

    def zstore(i, _):
        r = i // 8
        j = i % 8
        zrow[r, pl.ds(j * 16, 16)] = jnp.zeros((16,), jnp.float32)
        return 0

    lax.fori_loop(0, _ZR * 8, zstore, 0)
    for t in range(_STRIPE // _ZR):
        pltpu.sync_copy(zrow, acc.at[pl.ds(s * _STRIPE + t * _ZR, _ZR)])
    plsc.subcore_barrier()

    def chunk(k, _):
        cb = base + k * _CHUNK
        pltpu.sync_copy(ew_hbm.at[pl.ds(cb, _CHUNK)], ewv)
        for j in range(_CHUNK // _SUB):
            pltpu.sync_copy(src_hbm.at[pl.ds(cb + j * _SUB, _SUB)], srcv.at[j])
            pltpu.sync_copy(dst_hbm.at[pl.ds(cb + j * _SUB, _SUB)], dstv.at[j])
        for j in range(_CHUNK // _SUB):
            pltpu.async_copy(xw2_hbm.at[srcv.at[j]],
                             rows.at[pl.ds(j * _SUB, _SUB)], sem).wait()

        def scale(g, _):
            wv = ewv[pl.ds(g * 16, 16)]
            for i in range(16):
                w = wv[i]
                e = g * 16 + i
                for j in range(_F // 16):
                    rows[e, pl.ds(j * 16, 16)] = rows[e, pl.ds(j * 16, 16)] * w
            return 0

        lax.fori_loop(0, _CHUNK // 16, scale, 0)
        for j in range(_CHUNK // _SUB):
            pltpu.sync_copy(rows.at[pl.ds(j * _SUB, _SUB)],
                            acc.at[dstv.at[j]], add=True)
        return 0

    lax.fori_loop(0, _EPW // _CHUNK, chunk, 0)
    plsc.subcore_barrier()
    pltpu.sync_copy(acc.at[pl.ds(s * _STRIPE, _STRIPE)],
                    out_hbm.at[c, pl.ds(s * _STRIPE, _STRIPE)])


_agg_call = pl.kernel(
    _agg_body,
    out_type=jax.ShapeDtypeStruct((_NCORE, _NPAD, _F), jnp.float32),
    mesh=_sc_mesh,
    scratch_types=[
        pltpu.VMEM((_ZR, _F), jnp.float32),
        pltpu.VMEM((_CHUNK // _SUB, _SUB), jnp.int32),
        pltpu.VMEM((_CHUNK // _SUB, _SUB), jnp.int32),
        pltpu.VMEM((_CHUNK,), jnp.float32),
        pltpu.VMEM((_CHUNK, _F), jnp.float32),
        pltpu.VMEM_SHARED((_NPAD, _F), jnp.float32),
        pltpu.SemaphoreType.DMA,
    ],
)


_RB = 1000


def _mm_body(x_ref, w_ref, d0_ref, d1_ref, xw2_ref, dinv_ref):
    deg = d0_ref[...] + d1_ref[...] + 1.0
    dinv = jnp.where(deg > 0, lax.rsqrt(deg), 0.0)
    xw = jnp.dot(x_ref[...], w_ref[...], preferred_element_type=jnp.float32)
    xw2_ref[...] = xw * dinv
    dinv_ref[...] = dinv


_mm_call = pl.pallas_call(
    _mm_body,
    grid=(_N // _RB,),
    in_specs=[
        pl.BlockSpec((_RB, _F), lambda i: (i, 0)),
        pl.BlockSpec((_F, _F), lambda i: (0, 0)),
        pl.BlockSpec((_RB, 1), lambda i: (i, 0)),
        pl.BlockSpec((_RB, 1), lambda i: (i, 0)),
    ],
    out_specs=[
        pl.BlockSpec((_RB, _F), lambda i: (i, 0)),
        pl.BlockSpec((_RB, 1), lambda i: (i, 0)),
    ],
    out_shape=[
        jax.ShapeDtypeStruct((_N, _F), jnp.float32),
        jax.ShapeDtypeStruct((_N, 1), jnp.float32),
    ],
)


def _gru_body(p0_ref, p1_ref, xw2_ref, dinv_ref, gb_ref,
              wz_ref, bz_ref, wh_ref, bh_ref, lw_ref, lb_ref,
              probs_ref, h1_ref):
    h = dinv_ref[...] * (p0_ref[...] + p1_ref[...] + xw2_ref[...]) + gb_ref[...]
    z = jax.nn.sigmoid(
        jnp.dot(h, wz_ref[...], preferred_element_type=jnp.float32) + bz_ref[...])
    ht = jnp.tanh(
        jnp.dot(h, wh_ref[...], preferred_element_type=jnp.float32) + bh_ref[...])
    h1 = (1.0 - z) * ht
    hr = jnp.maximum(h1, 0.0)
    logits = jnp.dot(hr, lw_ref[...], preferred_element_type=jnp.float32) + lb_ref[...]
    m = jnp.max(logits, axis=1, keepdims=True)
    e = jnp.exp(logits - m)
    probs_ref[...] = e / jnp.sum(e, axis=1, keepdims=True)
    h1_ref[...] = h1


_gru_call = pl.pallas_call(
    _gru_body,
    grid=(_N // _RB,),
    in_specs=[
        pl.BlockSpec((_RB, _F), lambda i: (i, 0)),
        pl.BlockSpec((_RB, _F), lambda i: (i, 0)),
        pl.BlockSpec((_RB, _F), lambda i: (i, 0)),
        pl.BlockSpec((_RB, 1), lambda i: (i, 0)),
        pl.BlockSpec((1, _F), lambda i: (0, 0)),
        pl.BlockSpec((_F, _F), lambda i: (0, 0)),
        pl.BlockSpec((1, _F), lambda i: (0, 0)),
        pl.BlockSpec((_F, _F), lambda i: (0, 0)),
        pl.BlockSpec((1, _F), lambda i: (0, 0)),
        pl.BlockSpec((_F, _C), lambda i: (0, 0)),
        pl.BlockSpec((1, _C), lambda i: (0, 0)),
    ],
    out_specs=[
        pl.BlockSpec((_RB, _C), lambda i: (i, 0)),
        pl.BlockSpec((_RB, _F), lambda i: (i, 0)),
    ],
    out_shape=[
        jax.ShapeDtypeStruct((_N, _C), jnp.float32),
        jax.ShapeDtypeStruct((_N, _F), jnp.float32),
    ],
)


def kernel(x, edge_index, edge_weight, gcn_w, gcn_b,
           w_z, b_z, w_r, b_r, w_h, b_h, lin_w, lin_b):
    del w_r, b_r
    pad = _EPAD - _E
    src = jnp.concatenate([edge_index[0], jnp.zeros((pad,), edge_index.dtype)])
    dst = jnp.concatenate([edge_index[1], jnp.zeros((pad,), edge_index.dtype)])
    ewp = jnp.concatenate([edge_weight, jnp.zeros((pad,), edge_weight.dtype)])

    degp = _deg_call(dst, ewp)
    d0 = degp[0, :_N].reshape(_N, 1)
    d1 = degp[1, :_N].reshape(_N, 1)
    xw2, dinv = _mm_call(x, gcn_w, d0, d1)

    aggp = _agg_call(src, dst, ewp, xw2)
    p0 = aggp[0, :_N]
    p1 = aggp[1, :_N]

    wz = (w_z[0, 0] + w_z[1, 0])[:_F]
    wh = (w_h[0, 0] + w_h[1, 0])[:_F]
    probs, h1 = _gru_call(p0, p1, xw2, dinv, gcn_b.reshape(1, _F),
                          wz, b_z.reshape(1, _F), wh, b_h.reshape(1, _F),
                          lin_w, lin_b.reshape(1, _C))
    return probs, h1

# --- scband reference (transcript-rebuilt; emitter-appended) ---
"""Pipeline reference for scband-dcrnn-rgcn-89008902243183 (READ-ONLY COPY).

The authoritative reference and input builder live on the scoring server;
editing this copy changes nothing except your own understanding.
"""

import jax, jax.numpy as jnp
import numpy as np

N = 10000
E = 320000
F_IN = 128
S = 128
C = 10


def _gcn_conv(x, edge_index, edge_weight, W, b):
    # PyG GCNConv with edge_weight: add self-loops (weight 1), sym-normalize, x @ W, scatter-add at dst, + bias
    src = edge_index[0]
    dst = edge_index[1]
    loop = jnp.arange(N, dtype=edge_index.dtype)
    src2 = jnp.concatenate([src, loop])
    dst2 = jnp.concatenate([dst, loop])
    ew2 = jnp.concatenate([edge_weight, jnp.ones((N,), x.dtype)])
    deg = jax.ops.segment_sum(ew2, dst2, num_segments=N)
    dinv = jnp.where(deg > 0, 1.0 / jnp.sqrt(deg), 0.0)
    norm = dinv[src2] * ew2 * dinv[dst2]
    xw = x @ W
    out = jax.ops.segment_sum(xw[src2] * norm[:, None], dst2, num_segments=N)
    return out + b


def _dconv_k1(X, W, b):
    # torch_geometric_temporal DConv with K=1: H = X @ W[0,0] + X @ W[1,0] + b (no propagation for K=1)
    return X @ W[0, 0] + X @ W[1, 0] + b


def _forward(x, edge_index, edge_weight, gcn_w, gcn_b, w_z, b_z, w_r, b_r, w_h, b_h, lin_w, lin_b):
    h = _gcn_conv(x, edge_index, edge_weight, gcn_w, gcn_b)
    H0 = jnp.zeros((N, S), x.dtype)  # hidden1=None -> zeros
    Z = jax.nn.sigmoid(_dconv_k1(jnp.concatenate([h, H0], axis=1), w_z, b_z))
    R = jax.nn.sigmoid(_dconv_k1(jnp.concatenate([h, H0], axis=1), w_r, b_r))
    H_tilde = jnp.tanh(_dconv_k1(jnp.concatenate([h, R * H0], axis=1), w_h, b_h))
    H1 = Z * H0 + (1.0 - Z) * H_tilde
    hr = jax.nn.relu(H1)
    logits = hr @ lin_w + lin_b
    return jax.nn.softmax(logits, axis=1), H1


def setup_inputs(seed: int = 0):
    key = jax.random.key(seed)
    k = [jax.random.fold_in(key, i) for i in range(13)]
    return {
        "x": jax.random.normal(k[0], (N, F_IN), jnp.float32),
        "edge_index": jax.random.randint(k[1], (2, E), 0, N, dtype=jnp.int32),
        "edge_weight": jax.random.uniform(k[2], (E,), jnp.float32),
        "gcn_w": jax.random.normal(k[3], (F_IN, F_IN), jnp.float32) * 0.05,
        "gcn_b": jnp.zeros((F_IN,), jnp.float32),
        "w_z": jax.random.normal(k[4], (2, 1, F_IN + S, S), jnp.float32) * 0.05,
        "b_z": jnp.zeros((S,), jnp.float32),
        "w_r": jax.random.normal(k[5], (2, 1, F_IN + S, S), jnp.float32) * 0.05,
        "b_r": jnp.zeros((S,), jnp.float32),
        "w_h": jax.random.normal(k[6], (2, 1, F_IN + S, S), jnp.float32) * 0.05,
        "b_h": jnp.zeros((S,), jnp.float32),
        "lin_w": jax.random.normal(k[7], (S, C), jnp.float32) * 0.05,
        "lin_b": jnp.zeros((C,), jnp.float32),
    }


def reference(x, edge_index, edge_weight, gcn_w, gcn_b, w_z, b_z, w_r, b_r, w_h, b_h, lin_w, lin_b):
    probs, hidden1 = _forward(x, edge_index, edge_weight, gcn_w, gcn_b, w_z, b_z, w_r, b_r, w_h, b_h, lin_w, lin_b)
    return probs, hidden1

if __name__ == "__main__":
    import jax
    _d = setup_inputs()
    print(jax.jit(kernel)(*tuple(_d.values())))

</pallas_src>

<mosaic_0001>
#map = affine_map<(d0, d1) -> (0)>
#map1 = affine_map<(d0, d1) -> (0, 0)>
#map2 = affine_map<(d0, d1) -> (0, 0, 0)>
module attributes {stable_mosaic.version = 14 : i64} {
  func.func @_agg_body(%arg0: i32, %arg1: i32, %arg2: memref<327680xi32, #tpu.memory_space<hbm>>, %arg3: memref<327680xi32, #tpu.memory_space<hbm>>, %arg4: memref<327680xf32, #tpu.memory_space<hbm>>, %arg5: memref<10000x128xf32, #tpu.memory_space<hbm>>, %arg6: memref<2x10240x128xf32, #tpu.memory_space<hbm>>, %arg7: memref<32x128xf32, #tpu.memory_space<vmem>>, %arg8: memref<2x128xi32, #tpu.memory_space<vmem>>, %arg9: memref<2x128xi32, #tpu.memory_space<vmem>>, %arg10: memref<256xf32, #tpu.memory_space<vmem>>, %arg11: memref<256x128xf32, #tpu.memory_space<vmem>>, %arg12: memref<10240x128xf32, #tpu.memory_space<vmem_shared>>, %arg13: memref<!tpu.dma_semaphore, #tpu.memory_space<semaphore_mem>>) attributes {dimension_semantics = [#tpu.dimension_semantics<core_parallel>, #tpu.dimension_semantics<subcore_parallel>], iteration_bounds = array<i64: 2, 16>, scalar_prefetch = 0 : i64, scratch_operands = 7 : i64, tpu.core_type = #tpu.core_type<sc_vector_subcore>, window_params = [{transform_indices = #map}, {transform_indices = #map}, {transform_indices = #map}, {transform_indices = #map1}, {transform_indices = #map2}]} {
    %mul3A = arith.constant 2 : i32
    %mul3A_0 = arith.muli %arg1, %mul3A : i32
    %add3A = arith.addi %mul3A_0, %arg0 : i32
    %mul3A_1 = arith.constant 10240 : i32
    %mul3A_2 = arith.muli %add3A, %mul3A_1 : i32
    %scan3A = arith.constant 0 : i32
    %scan3A_3 = arith.constant 0 : i32
    %scan3A_4 = arith.constant 256 : i32
    %scan3A_5 = arith.addi %scan3A_3, %scan3A_4 : i32
    %scan3A_6 = arith.constant 1 : i32
    %scan3A_7 = scf.for %scan3A_101 = %scan3A_3 to %scan3A_5 step %scan3A_6 iter_args(%scan3A_102 = %scan3A) -> (i32)  : i32 {
      %jit3A = arith.constant 8 : i32
      %div3A = arith.divsi %scan3A_101, %jit3A : i32
      %sign3A = arith.constant 0 : i32
      %sign3A_103 = arith.cmpi sgt, %scan3A_101, %sign3A : i32
      %sign3A_104 = arith.extui %sign3A_103 : i1 to i32
      %sign3A_105 = arith.constant 0 : i32
      %sign3A_106 = arith.cmpi slt, %scan3A_101, %sign3A_105 : i32
      %sign3A_107 = arith.extui %sign3A_106 : i1 to i32
      %sign3A_108 = arith.subi %sign3A_104, %sign3A_107 : i32
      %sign3A_109 = arith.constant 0 : i32
      %sign3A_110 = arith.cmpi sgt, %jit3A, %sign3A_109 : i32
      %sign3A_111 = arith.extui %sign3A_110 : i1 to i32
      %sign3A_112 = arith.constant 0 : i32
      %sign3A_113 = arith.cmpi slt, %jit3A, %sign3A_112 : i32
      %sign3A_114 = arith.extui %sign3A_113 : i1 to i32
      %sign3A_115 = arith.subi %sign3A_111, %sign3A_114 : i32
      %ne3A = arith.cmpi ne, %sign3A_108, %sign3A_115 : i32
      %rem3A = arith.remsi %scan3A_101, %jit3A : i32
      %ne3A_116 = arith.constant 0 : i32
      %ne3A_117 = arith.cmpi ne, %rem3A, %ne3A_116 : i32
      %and3A = arith.andi %ne3A, %ne3A_117 : i1
      %sub3A = arith.constant 1 : i32
      %sub3A_118 = arith.subi %div3A, %sub3A : i32
      %select_n3A = arith.select %and3A, %sub3A_118, %div3A : i32
      %jit3A_119 = arith.constant 8 : i32
      %eq3A = arith.constant 0 : i32
      %eq3A_120 = arith.cmpi eq, %jit3A_119, %eq3A : i32
      %jit3A_121 = arith.constant 1 : i32
      %select_n3A_122 = arith.select %eq3A_120, %jit3A_121, %jit3A_119 : i32
      %rem3A_123 = arith.remsi %scan3A_101, %select_n3A_122 : i32
      %ne3A_124 = arith.constant 0 : i32
      %ne3A_125 = arith.cmpi ne, %rem3A_123, %ne3A_124 : i32
      %lt3A = arith.constant 0 : i32
      %lt3A_126 = arith.cmpi slt, %rem3A_123, %lt3A : i32
      %lt3A_127 = arith.constant 0 : i32
      %lt3A_128 = arith.cmpi slt, %select_n3A_122, %lt3A_127 : i32
      %ne3A_129 = arith.xori %lt3A_126, %lt3A_128 : i1
      %and3A_130 = arith.andi %ne3A_129, %ne3A_125 : i1
      %add3A_131 = arith.addi %rem3A_123, %select_n3A_122 : i32
      %select_n3A_132 = arith.select %and3A_130, %add3A_131, %rem3A_123 : i32
      %broadcast_in_dim3A = arith.constant 0.000000e+00 : f32
      %broadcast_in_dim3A_133 = vector.broadcast %broadcast_in_dim3A : f32 to vector<16xf32>
      %mul3A_134 = arith.constant 16 : i32
      %mul3A_135 = arith.muli %select_n3A_132, %mul3A_134 : i32
      %swap3A = arith.index_cast %select_n3A : i32 to index
      %swap3A_136 = arith.index_cast %mul3A_135 : i32 to index
      %swap3A_137 = tpu.vector_load %arg7[%swap3A, %swap3A_136] {strides = array<i32>} : memref<32x128xf32, #tpu.memory_space<vmem>>, vector<1x16xf32>,
      %swap3A_138 = vector.shape_cast %swap3A_137 : vector<1x16xf32> to vector<16xf32>
      %swap3A_139 = vector.shape_cast %broadcast_in_dim3A_133 : vector<16xf32> to vector<1x16xf32>
      tpu.vector_store %arg7[%swap3A, %swap3A_136], %swap3A_139 {strides = array<i32>} : memref<32x128xf32, #tpu.memory_space<vmem>>, vector<1x16xf32>,
      %scan3A_140 = arith.constant 0 : i32
      scf.yield %scan3A_140 : i32
    }
    %scan3A_8 = arith.constant 256 : i32
    %mul3A_9 = arith.constant 640 : i32
    %mul3A_10 = arith.muli %arg1, %mul3A_9 : i32
    %add3A_11 = arith.constant 0 : i32
    %add3A_12 = arith.addi %mul3A_10, %add3A_11 : i32
    "tpu.region"() ({
      %run_scoped3A = tpu.sem_alloc : memref<!tpu.dma_semaphore, #tpu.memory_space<semaphore_mem>>
      %dma_start3A = arith.constant 0 : i32
      %dma_start3A_101 = tpu.memref_slice %arg12[%add3A_12, %dma_start3A] : memref<10240x128xf32, #tpu.memory_space<vmem_shared>> -> memref<32x128xf32, #tpu.memory_space<vmem_shared>>
      %dma_start3A_102 = arith.constant 0 : i32
      %dma_start3A_103 = tpu.memref_slice %arg12[%add3A_12, %dma_start3A_102] : memref<10240x128xf32, #tpu.memory_space<vmem_shared>> -> memref<32x128xf32, #tpu.memory_space<vmem_shared>>
      tpu.enqueue_dma source(%arg7 : memref<32x128xf32, #tpu.memory_space<vmem>>) target(%dma_start3A_103 : memref<32x128xf32, #tpu.memory_space<vmem_shared>>) target_semaphore(%run_scoped3A : memref<!tpu.dma_semaphore, #tpu.memory_space<semaphore_mem>>)
      %dma_wait3A = arith.constant 0 : i32
      %dma_wait3A_104 = tpu.memref_slice %arg12[%add3A_12, %dma_wait3A] : memref<10240x128xf32, #tpu.memory_space<vmem_shared>> -> memref<32x128xf32, #tpu.memory_space<vmem_shared>>
      %dma_wait3A_105 = arith.constant 0 : i32
      %dma_wait3A_106 = tpu.memref_slice %arg12[%add3A_12, %dma_wait3A_105] : memref<10240x128xf32, #tpu.memory_space<vmem_shared>> -> memref<32x128xf32, #tpu.memory_space<vmem_shared>>
      tpu.wait_dma2 semaphore(%run_scoped3A : memref<!tpu.dma_semaphore, #tpu.memory_space<semaphore_mem>>) src(%arg7 : memref<32x128xf32, #tpu.memory_space<vmem>>) dst(%dma_wait3A_106 : memref<32x128xf32, #tpu.memory_space<vmem_shared>>)
      tpu.yield
    }) : () -> ()
    %mul3A_13 = arith.constant 640 : i32
    %mul3A_14 = arith.muli %arg1, %mul3A_13 : i32
    %add3A_15 = arith.constant 32 : i32
    %add3A_16 = arith.addi %mul3A_14, %add3A_15 : i32
    "tpu.region"() ({
      %run_scoped3A = tpu.sem_alloc : memref<!tpu.dma_semaphore, #tpu.memory_space<semaphore_mem>>
      %dma_start3A = arith.constant 0 : i32
      %dma_start3A_101 = tpu.memref_slice %arg12[%add3A_16, %dma_start3A] : memref<10240x128xf32, #tpu.memory_space<vmem_shared>> -> memref<32x128xf32, #tpu.memory_space<vmem_shared>>
      %dma_start3A_102 = arith.constant 0 : i32
      %dma_start3A_103 = tpu.memref_slice %arg12[%add3A_16, %dma_start3A_102] : memref<10240x128xf32, #tpu.memory_space<vmem_shared>> -> memref<32x128xf32, #tpu.memory_space<vmem_shared>>
      tpu.enqueue_dma source(%arg7 : memref<32x128xf32, #tpu.memory_space<vmem>>) target(%dma_start3A_103 : memref<32x128xf32, #tpu.memory_space<vmem_shared>>) target_semaphore(%run_scoped3A : memref<!tpu.dma_semaphore, #tpu.memory_space<semaphore_mem>>)
      %dma_wait3A = arith.constant 0 : i32
      %dma_wait3A_104 = tpu.memref_slice %arg12[%add3A_16, %dma_wait3A] : memref<10240x128xf32, #tpu.memory_space<vmem_shared>> -> memref<32x128xf32, #tpu.memory_space<vmem_shared>>
      %dma_wait3A_105 = arith.constant 0 : i32
      %dma_wait3A_106 = tpu.memref_slice %arg12[%add3A_16, %dma_wait3A_105] : memref<10240x128xf32, #tpu.memory_space<vmem_shared>> -> memref<32x128xf32, #tpu.memory_space<vmem_shared>>
      tpu.wait_dma2 semaphore(%run_scoped3A : memref<!tpu.dma_semaphore, #tpu.memory_space<semaphore_mem>>) src(%arg7 : memref<32x128xf32, #tpu.memory_space<vmem>>) dst(%dma_wait3A_106 : memref<32x128xf32, #tpu.memory_space<vmem_shared>>)
      tpu.yield
    }) : () -> ()
    %mul3A_17 = arith.constant 640 : i32
    %mul3A_18 = arith.muli %arg1, %mul3A_17 : i32
    %add3A_19 = arith.constant 64 : i32
    %add3A_20 = arith.addi %mul3A_18, %add3A_19 : i32
    "tpu.region"() ({
      %run_scoped3A = tpu.sem_alloc : memref<!tpu.dma_semaphore, #tpu.memory_space<semaphore_mem>>
      %dma_start3A = arith.constant 0 : i32
      %dma_start3A_101 = tpu.memref_slice %arg12[%add3A_20, %dma_start3A] : memref<10240x128xf32, #tpu.memory_space<vmem_shared>> -> memref<32x128xf32, #tpu.memory_space<vmem_shared>>
      %dma_start3A_102 = arith.constant 0 : i32
      %dma_start3A_103 = tpu.memref_slice %arg12[%add3A_20, %dma_start3A_102] : memref<10240x128xf32, #tpu.memory_space<vmem_shared>> -> memref<32x128xf32, #tpu.memory_space<vmem_shared>>
      tpu.enqueue_dma source(%arg7 : memref<32x128xf32, #tpu.memory_space<vmem>>) target(%dma_start3A_103 : memref<32x128xf32, #tpu.memory_space<vmem_shared>>) target_semaphore(%run_scoped3A : memref<!tpu.dma_semaphore, #tpu.memory_space<semaphore_mem>>)
      %dma_wait3A = arith.constant 0 : i32
      %dma_wait3A_104 = tpu.memref_slice %arg12[%add3A_20, %dma_wait3A] : memref<10240x128xf32, #tpu.memory_space<vmem_shared>> -> memref<32x128xf32, #tpu.memory_space<vmem_shared>>
      %dma_wait3A_105 = arith.constant 0 : i32
      %dma_wait3A_106 = tpu.memref_slice %arg12[%add3A_20, %dma_wait3A_105] : memref<10240x128xf32, #tpu.memory_space<vmem_shared>> -> memref<32x128xf32, #tpu.memory_space<vmem_shared>>
      tpu.wait_dma2 semaphore(%run_scoped3A : memref<!tpu.dma_semaphore, #tpu.memory_space<semaphore_mem>>) src(%arg7 : memref<32x128xf32, #tpu.memory_space<vmem>>) dst(%dma_wait3A_106 : memref<32x128xf32, #tpu.memory_space<vmem_shared>>)
      tpu.yield
    }) : () -> ()
    %mul3A_21 = arith.constant 640 : i32
    %mul3A_22 = arith.muli %arg1, %mul3A_21 : i32
    %add3A_23 = arith.constant 96 : i32
    %add3A_24 = arith.addi %mul3A_22, %add3A_23 : i32
    "tpu.region"() ({
      %run_scoped3A = tpu.sem_alloc : memref<!tpu.dma_semaphore, #tpu.memory_space<semaphore_mem>>
      %dma_start3A = arith.constant 0 : i32
      %dma_start3A_101 = tpu.memref_slice %arg12[%add3A_24, %dma_start3A] : memref<10240x128xf32, #tpu.memory_space<vmem_shared>> -> memref<32x128xf32, #tpu.memory_space<vmem_shared>>
      %dma_start3A_102 = arith.constant 0 : i32
      %dma_start3A_103 = tpu.memref_slice %arg12[%add3A_24, %dma_start3A_102] : memref<10240x128xf32, #tpu.memory_space<vmem_shared>> -> memref<32x128xf32, #tpu.memory_space<vmem_shared>>
      tpu.enqueue_dma source(%arg7 : memref<32x128xf32, #tpu.memory_space<vmem>>) target(%dma_start3A_103 : memref<32x128xf32, #tpu.memory_space<vmem_shared>>) target_semaphore(%run_scoped3A : memref<!tpu.dma_semaphore, #tpu.memory_space<semaphore_mem>>)
      %dma_wait3A = arith.constant 0 : i32
      %dma_wait3A_104 = tpu.memref_slice %arg12[%add3A_24, %dma_wait3A] : memref<10240x128xf32, #tpu.memory_space<vmem_shared>> -> memref<32x128xf32, #tpu.memory_space<vmem_shared>>
      %dma_wait3A_105 = arith.constant 0 : i32
      %dma_wait3A_106 = tpu.memref_slice %arg12[%add3A_24, %dma_wait3A_105] : memref<10240x128xf32, #tpu.memory_space<vmem_shared>> -> memref<32x128xf32, #tpu.memory_space<vmem_shared>>
      tpu.wait_dma2 semaphore(%run_scoped3A : memref<!tpu.dma_semaphore, #tpu.memory_space<semaphore_mem>>) src(%arg7 : memref<32x128xf32, #tpu.memory_space<vmem>>) dst(%dma_wait3A_106 : memref<32x128xf32, #tpu.memory_space<vmem_shared>>)
      tpu.yield
    }) : () -> ()
    %mul3A_25 = arith.constant 640 : i32
    %mul3A_26 = arith.muli %arg1, %mul3A_25 : i32
    %add3A_27 = arith.constant 128 : i32
    %add3A_28 = arith.addi %mul3A_26, %add3A_27 : i32
    "tpu.region"() ({
      %run_scoped3A = tpu.sem_alloc : memref<!tpu.dma_semaphore, #tpu.memory_space<semaphore_mem>>
      %dma_start3A = arith.constant 0 : i32
      %dma_start3A_101 = tpu.memref_slice %arg12[%add3A_28, %dma_start3A] : memref<10240x128xf32, #tpu.memory_space<vmem_shared>> -> memref<32x128xf32, #tpu.memory_space<vmem_shared>>
      %dma_start3A_102 = arith.constant 0 : i32
      %dma_start3A_103 = tpu.memref_slice %arg12[%add3A_28, %dma_start3A_102] : memref<10240x128xf32, #tpu.memory_space<vmem_shared>> -> memref<32x128xf32, #tpu.memory_space<vmem_shared>>
      tpu.enqueue_dma source(%arg7 : memref<32x128xf32, #tpu.memory_space<vmem>>) target(%dma_start3A_103 : memref<32x128xf32, #tpu.memory_space<vmem_shared>>) target_semaphore(%run_scoped3A : memref<!tpu.dma_semaphore, #tpu.memory_space<semaphore_mem>>)
      %dma_wait3A = arith.constant 0 : i32
      %dma_wait3A_104 = tpu.memref_slice %arg12[%add3A_28, %dma_wait3A] : memref<10240x128xf32, #tpu.memory_space<vmem_shared>> -> memref<32x128xf32, #tpu.memory_space<vmem_shared>>
      %dma_wait3A_105 = arith.constant 0 : i32
      %dma_wait3A_106 = tpu.memref_slice %arg12[%add3A_28, %dma_wait3A_105] : memref<10240x128xf32, #tpu.memory_space<vmem_shared>> -> memref<32x128xf32, #tpu.memory_space<vmem_shared>>
      tpu.wait_dma2 semaphore(%run_scoped3A : memref<!tpu.dma_semaphore, #tpu.memory_space<semaphore_mem>>) src(%arg7 : memref<32x128xf32, #tpu.memory_space<vmem>>) dst(%dma_wait3A_106 : memref<32x128xf32, #tpu.memory_space<vmem_shared>>)
      tpu.yield
    }) : () -> ()
    %mul3A_29 = arith.constant 640 : i32
    %mul3A_30 = arith.muli %arg1, %mul3A_29 : i32
    %add3A_31 = arith.constant 160 : i32
    %add3A_32 = arith.addi %mul3A_30, %add3A_31 : i32
    "tpu.region"() ({
      %run_scoped3A = tpu.sem_alloc : memref<!tpu.dma_semaphore, #tpu.memory_space<semaphore_mem>>
      %dma_start3A = arith.constant 0 : i32
      %dma_start3A_101 = tpu.memref_slice %arg12[%add3A_32, %dma_start3A] : memref<10240x128xf32, #tpu.memory_space<vmem_shared>> -> memref<32x128xf32, #tpu.memory_space<vmem_shared>>
      %dma_start3A_102 = arith.constant 0 : i32
      %dma_start3A_103 = tpu.memref_slice %arg12[%add3A_32, %dma_start3A_102] : memref<10240x128xf32, #tpu.memory_space<vmem_shared>> -> memref<32x128xf32, #tpu.memory_space<vmem_shared>>
      tpu.enqueue_dma source(%arg7 : memref<32x128xf32, #tpu.memory_space<vmem>>) target(%dma_start3A_103 : memref<32x128xf32, #tpu.memory_space<vmem_shared>>) target_semaphore(%run_scoped3A : memref<!tpu.dma_semaphore, #tpu.memory_space<semaphore_mem>>)
      %dma_wait3A = arith.constant 0 : i32
      %dma_wait3A_104 = tpu.memref_slice %arg12[%add3A_32, %dma_wait3A] : memref<10240x128xf32, #tpu.memory_space<vmem_shared>> -> memref<32x128xf32, #tpu.memory_space<vmem_shared>>
      %dma_wait3A_105 = arith.constant 0 : i32
      %dma_wait3A_106 = tpu.memref_slice %arg12[%add3A_32, %dma_wait3A_105] : memref<10240x128xf32, #tpu.memory_space<vmem_shared>> -> memref<32x128xf32, #tpu.memory_space<vmem_shared>>
      tpu.wait_dma2 semaphore(%run_scoped3A : memref<!tpu.dma_semaphore, #tpu.memory_space<semaphore_mem>>) src(%arg7 : memref<32x128xf32, #tpu.memory_space<vmem>>) dst(%dma_wait3A_106 : memref<32x128xf32, #tpu.memory_space<vmem_shared>>)
      tpu.yield
    }) : () -> ()
    %mul3A_33 = arith.constant 640 : i32
    %mul3A_34 = arith.muli %arg1, %mul3A_33 : i32
    %add3A_35 = arith.constant 192 : i32
    %add3A_36 = arith.addi %mul3A_34, %add3A_35 : i32
    "tpu.region"() ({
      %run_scoped3A = tpu.sem_alloc : memref<!tpu.dma_semaphore, #tpu.memory_space<semaphore_mem>>
      %dma_start3A = arith.constant 0 : i32
      %dma_start3A_101 = tpu.memref_slice %arg12[%add3A_36, %dma_start3A] : memref<10240x128xf32, #tpu.memory_space<vmem_shared>> -> memref<32x128xf32, #tpu.memory_space<vmem_shared>>
      %dma_start3A_102 = arith.constant 0 : i32
      %dma_start3A_103 = tpu.memref_slice %arg12[%add3A_36, %dma_start3A_102] : memref<10240x128xf32, #tpu.memory_space<vmem_shared>> -> memref<32x128xf32, #tpu.memory_space<vmem_shared>>
      tpu.enqueue_dma source(%arg7 : memref<32x128xf32, #tpu.memory_space<vmem>>) target(%dma_start3A_103 : memref<32x128xf32, #tpu.memory_space<vmem_shared>>) target_semaphore(%run_scoped3A : memref<!tpu.dma_semaphore, #tpu.memory_space<semaphore_mem>>)
      %dma_wait3A = arith.constant 0 : i32
      %dma_wait3A_104 = tpu.memref_slice %arg12[%add3A_36, %dma_wait3A] : memref<10240x128xf32, #tpu.memory_space<vmem_shared>> -> memref<32x128xf32, #tpu.memory_space<vmem_shared>>
      %dma_wait3A_105 = arith.constant 0 : i32
      %dma_wait3A_106 = tpu.memref_slice %arg12[%add3A_36, %dma_wait3A_105] : memref<10240x128xf32, #tpu.memory_space<vmem_shared>> -> memref<32x128xf32, #tpu.memory_space<vmem_shared>>
      tpu.wait_dma2 semaphore(%run_scoped3A : memref<!tpu.dma_semaphore, #tpu.memory_space<semaphore_mem>>) src(%arg7 : memref<32x128xf32, #tpu.memory_space<vmem>>) dst(%dma_wait3A_106 : memref<32x128xf32, #tpu.memory_space<vmem_shared>>)
      tpu.yield
    }) : () -> ()
    %mul3A_37 = arith.constant 640 : i32
    %mul3A_38 = arith.muli %arg1, %mul3A_37 : i32
    %add3A_39 = arith.constant 224 : i32
    %add3A_40 = arith.addi %mul3A_38, %add3A_39 : i32
    "tpu.region"() ({
      %run_scoped3A = tpu.sem_alloc : memref<!tpu.dma_semaphore, #tpu.memory_space<semaphore_mem>>
      %dma_start3A = arith.constant 0 : i32
      %dma_start3A_101 = tpu.memref_slice %arg12[%add3A_40, %dma_start3A] : memref<10240x128xf32, #tpu.memory_space<vmem_shared>> -> memref<32x128xf32, #tpu.memory_space<vmem_shared>>
      %dma_start3A_102 = arith.constant 0 : i32
      %dma_start3A_103 = tpu.memref_slice %arg12[%add3A_40, %dma_start3A_102] : memref<10240x128xf32, #tpu.memory_space<vmem_shared>> -> memref<32x128xf32, #tpu.memory_space<vmem_shared>>
      tpu.enqueue_dma source(%arg7 : memref<32x128xf32, #tpu.memory_space<vmem>>) target(%dma_start3A_103 : memref<32x128xf32, #tpu.memory_space<vmem_shared>>) target_semaphore(%run_scoped3A : memref<!tpu.dma_semaphore, #tpu.memory_space<semaphore_mem>>)
      %dma_wait3A = arith.constant 0 : i32
      %dma_wait3A_104 = tpu.memref_slice %arg12[%add3A_40, %dma_wait3A] : memref<10240x128xf32, #tpu.memory_space<vmem_shared>> -> memref<32x128xf32, #tpu.memory_space<vmem_shared>>
      %dma_wait3A_105 = arith.constant 0 : i32
      %dma_wait3A_106 = tpu.memref_slice %arg12[%add3A_40, %dma_wait3A_105] : memref<10240x128xf32, #tpu.memory_space<vmem_shared>> -> memref<32x128xf32, #tpu.memory_space<vmem_shared>>
      tpu.wait_dma2 semaphore(%run_scoped3A : memref<!tpu.dma_semaphore, #tpu.memory_space<semaphore_mem>>) src(%arg7 : memref<32x128xf32, #tpu.memory_space<vmem>>) dst(%dma_wait3A_106 : memref<32x128xf32, #tpu.memory_space<vmem_shared>>)
      tpu.yield
    }) : () -> ()
    %mul3A_41 = arith.constant 640 : i32
    %mul3A_42 = arith.muli %arg1, %mul3A_41 : i32
    %add3A_43 = arith.constant 256 : i32
    %add3A_44 = arith.addi %mul3A_42, %add3A_43 : i32
    "tpu.region"() ({
      %run_scoped3A = tpu.sem_alloc : memref<!tpu.dma_semaphore, #tpu.memory_space<semaphore_mem>>
      %dma_start3A = arith.constant 0 : i32
      %dma_start3A_101 = tpu.memref_slice %arg12[%add3A_44, %dma_start3A] : memref<10240x128xf32, #tpu.memory_space<vmem_shared>> -> memref<32x128xf32, #tpu.memory_space<vmem_shared>>
      %dma_start3A_102 = arith.constant 0 : i32
      %dma_start3A_103 = tpu.memref_slice %arg12[%add3A_44, %dma_start3A_102] : memref<10240x128xf32, #tpu.memory_space<vmem_shared>> -> memref<32x128xf32, #tpu.memory_space<vmem_shared>>
      tpu.enqueue_dma source(%arg7 : memref<32x128xf32, #tpu.memory_space<vmem>>) target(%dma_start3A_103 : memref<32x128xf32, #tpu.memory_space<vmem_shared>>) target_semaphore(%run_scoped3A : memref<!tpu.dma_semaphore, #tpu.memory_space<semaphore_mem>>)
      %dma_wait3A = arith.constant 0 : i32
      %dma_wait3A_104 = tpu.memref_slice %arg12[%add3A_44, %dma_wait3A] : memref<10240x128xf32, #tpu.memory_space<vmem_shared>> -> memref<32x128xf32, #tpu.memory_space<vmem_shared>>
      %dma_wait3A_105 = arith.constant 0 : i32
      %dma_wait3A_106 = tpu.memref_slice %arg12[%add3A_44, %dma_wait3A_105] : memref<10240x128xf32, #tpu.memory_space<vmem_shared>> -> memref<32x128xf32, #tpu.memory_space<vmem_shared>>
      tpu.wait_dma2 semaphore(%run_scoped3A : memref<!tpu.dma_semaphore, #tpu.memory_space<semaphore_mem>>) src(%arg7 : memref<32x128xf32, #tpu.memory_space<vmem>>) dst(%dma_wait3A_106 : memref<32x128xf32, #tpu.memory_space<vmem_shared>>)
      tpu.yield
    }) : () -> ()
    %mul3A_45 = arith.constant 640 : i32
    %mul3A_46 = arith.muli %arg1, %mul3A_45 : i32
    %add3A_47 = arith.constant 288 : i32
    %add3A_48 = arith.addi %mul3A_46, %add3A_47 : i32
    "tpu.region"() ({
      %run_scoped3A = tpu.sem_alloc : memref<!tpu.dma_semaphore, #tpu.memory_space<semaphore_mem>>
      %dma_start3A = arith.constant 0 : i32
      %dma_start3A_101 = tpu.memref_slice %arg12[%add3A_48, %dma_start3A] : memref<10240x128xf32, #tpu.memory_space<vmem_shared>> -> memref<32x128xf32, #tpu.memory_space<vmem_shared>>
      %dma_start3A_102 = arith.constant 0 : i32
      %dma_start3A_103 = tpu.memref_slice %arg12[%add3A_48, %dma_start3A_102] : memref<10240x128xf32, #tpu.memory_space<vmem_shared>> -> memref<32x128xf32, #tpu.memory_space<vmem_shared>>
      tpu.enqueue_dma source(%arg7 : memref<32x128xf32, #tpu.memory_space<vmem>>) target(%dma_start3A_103 : memref<32x128xf32, #tpu.memory_space<vmem_shared>>) target_semaphore(%run_scoped3A : memref<!tpu.dma_semaphore, #tpu.memory_space<semaphore_mem>>)
      %dma_wait3A = arith.constant 0 : i32
      %dma_wait3A_104 = tpu.memref_slice %arg12[%add3A_48, %dma_wait3A] : memref<10240x128xf32, #tpu.memory_space<vmem_shared>> -> memref<32x128xf32, #tpu.memory_space<vmem_shared>>
      %dma_wait3A_105 = arith.constant 0 : i32
      %dma_wait3A_106 = tpu.memref_slice %arg12[%add3A_48, %dma_wait3A_105] : memref<10240x128xf32, #tpu.memory_space<vmem_shared>> -> memref<32x128xf32, #tpu.memory_space<vmem_shared>>
      tpu.wait_dma2 semaphore(%run_scoped3A : memref<!tpu.dma_semaphore, #tpu.memory_space<semaphore_mem>>) src(%arg7 : memref<32x128xf32, #tpu.memory_space<vmem>>) dst(%dma_wait3A_106 : memref<32x128xf32, #tpu.memory_space<vmem_shared>>)
      tpu.yield
    }) : () -> ()
    %mul3A_49 = arith.constant 640 : i32
    %mul3A_50 = arith.muli %arg1, %mul3A_49 : i32
    %add3A_51 = arith.constant 320 : i32
    %add3A_52 = arith.addi %mul3A_50, %add3A_51 : i32
    "tpu.region"() ({
      %run_scoped3A = tpu.sem_alloc : memref<!tpu.dma_semaphore, #tpu.memory_space<semaphore_mem>>
      %dma_start3A = arith.constant 0 : i32
      %dma_start3A_101 = tpu.memref_slice %arg12[%add3A_52, %dma_start3A] : memref<10240x128xf32, #tpu.memory_space<vmem_shared>> -> memref<32x128xf32, #tpu.memory_space<vmem_shared>>
      %dma_start3A_102 = arith.constant 0 : i32
      %dma_start3A_103 = tpu.memref_slice %arg12[%add3A_52, %dma_start3A_102] : memref<10240x128xf32, #tpu.memory_space<vmem_shared>> -> memref<32x128xf32, #tpu.memory_space<vmem_shared>>
      tpu.enqueue_dma source(%arg7 : memref<32x128xf32, #tpu.memory_space<vmem>>) target(%dma_start3A_103 : memref<32x128xf32, #tpu.memory_space<vmem_shared>>) target_semaphore(%run_scoped3A : memref<!tpu.dma_semaphore, #tpu.memory_space<semaphore_mem>>)
      %dma_wait3A = arith.constant 0 : i32
      %dma_wait3A_104 = tpu.memref_slice %arg12[%add3A_52, %dma_wait3A] : memref<10240x128xf32, #tpu.memory_space<vmem_shared>> -> memref<32x128xf32, #tpu.memory_space<vmem_shared>>
      %dma_wait3A_105 = arith.constant 0 : i32
      %dma_wait3A_106 = tpu.memref_slice %arg12[%add3A_52, %dma_wait3A_105] : memref<10240x128xf32, #tpu.memory_space<vmem_shared>> -> memref<32x128xf32, #tpu.memory_space<vmem_shared>>
      tpu.wait_dma2 semaphore(%run_scoped3A : memref<!tpu.dma_semaphore, #tpu.memory_space<semaphore_mem>>) src(%arg7 : memref<32x128xf32, #tpu.memory_space<vmem>>) dst(%dma_wait3A_106 : memref<32x128xf32, #tpu.memory_space<vmem_shared>>)
      tpu.yield
    }) : () -> ()
    %mul3A_53 = arith.constant 640 : i32
    %mul3A_54 = arith.muli %arg1, %mul3A_53 : i32
    %add3A_55 = arith.constant 352 : i32
    %add3A_56 = arith.addi %mul3A_54, %add3A_55 : i32
    "tpu.region"() ({
      %run_scoped3A = tpu.sem_alloc : memref<!tpu.dma_semaphore, #tpu.memory_space<semaphore_mem>>
      %dma_start3A = arith.constant 0 : i32
      %dma_start3A_101 = tpu.memref_slice %arg12[%add3A_56, %dma_start3A] : memref<10240x128xf32, #tpu.memory_space<vmem_shared>> -> memref<32x128xf32, #tpu.memory_space<vmem_shared>>
      %dma_start3A_102 = arith.constant 0 : i32
      %dma_start3A_103 = tpu.memref_slice %arg12[%add3A_56, %dma_start3A_102] : memref<10240x128xf32, #tpu.memory_space<vmem_shared>> -> memref<32x128xf32, #tpu.memory_space<vmem_shared>>
      tpu.enqueue_dma source(%arg7 : memref<32x128xf32, #tpu.memory_space<vmem>>) target(%dma_start3A_103 : memref<32x128xf32, #tpu.memory_space<vmem_shared>>) target_semaphore(%run_scoped3A : memref<!tpu.dma_semaphore, #tpu.memory_space<semaphore_mem>>)
      %dma_wait3A = arith.constant 0 : i32
      %dma_wait3A_104 = tpu.memref_slice %arg12[%add3A_56, %dma_wait3A] : memref<10240x128xf32, #tpu.memory_space<vmem_shared>> -> memref<32x128xf32, #tpu.memory_space<vmem_shared>>
      %dma_wait3A_105 = arith.constant 0 : i32
      %dma_wait3A_106 = tpu.memref_slice %arg12[%add3A_56, %dma_wait3A_105] : memref<10240x128xf32, #tpu.memory_space<vmem_shared>> -> memref<32x128xf32, #tpu.memory_space<vmem_shared>>
      tpu.wait_dma2 semaphore(%run_scoped3A : memref<!tpu.dma_semaphore, #tpu.memory_space<semaphore_mem>>) src(%arg7 : memref<32x128xf32, #tpu.memory_space<vmem>>) dst(%dma_wait3A_106 : memref<32x128xf32, #tpu.memory_space<vmem_shared>>)
      tpu.yield
    }) : () -> ()
    %mul3A_57 = arith.constant 640 : i32
    %mul3A_58 = arith.muli %arg1, %mul3A_57 : i32
    %add3A_59 = arith.constant 384 : i32
    %add3A_60 = arith.addi %mul3A_58, %add3A_59 : i32
    "tpu.region"() ({
      %run_scoped3A = tpu.sem_alloc : memref<!tpu.dma_semaphore, #tpu.memory_space<semaphore_mem>>
      %dma_start3A = arith.constant 0 : i32
      %dma_start3A_101 = tpu.memref_slice %arg12[%add3A_60, %dma_start3A] : memref<10240x128xf32, #tpu.memory_space<vmem_shared>> -> memref<32x128xf32, #tpu.memory_space<vmem_shared>>
      %dma_start3A_102 = arith.constant 0 : i32
      %dma_start3A_103 = tpu.memref_slice %arg12[%add3A_60, %dma_start3A_102] : memref<10240x128xf32, #tpu.memory_space<vmem_shared>> -> memref<32x128xf32, #tpu.memory_space<vmem_shared>>
      tpu.enqueue_dma source(%arg7 : memref<32x128xf32, #tpu.memory_space<vmem>>) target(%dma_start3A_103 : memref<32x128xf32, #tpu.memory_space<vmem_shared>>) target_semaphore(%run_scoped3A : memref<!tpu.dma_semaphore, #tpu.memory_space<semaphore_mem>>)
      %dma_wait3A = arith.constant 0 : i32
      %dma_wait3A_104 = tpu.memref_slice %arg12[%add3A_60, %dma_wait3A] : memref<10240x128xf32, #tpu.memory_space<vmem_shared>> -> memref<32x128xf32, #tpu.memory_space<vmem_shared>>
      %dma_wait3A_105 = arith.constant 0 : i32
      %dma_wait3A_106 = tpu.memref_slice %arg12[%add3A_60, %dma_wait3A_105] : memref<10240x128xf32, #tpu.memory_space<vmem_shared>> -> memref<32x128xf32, #tpu.memory_space<vmem_shared>>
      tpu.wait_dma2 semaphore(%run_scoped3A : memref<!tpu.dma_semaphore, #tpu.memory_space<semaphore_mem>>) src(%arg7 : memref<32x128xf32, #tpu.memory_space<vmem>>) dst(%dma_wait3A_106 : memref<32x128xf32, #tpu.memory_space<vmem_shared>>)
      tpu.yield
    }) : () -> ()
    %mul3A_61 = arith.constant 640 : i32
    %mul3A_62 = arith.muli %arg1, %mul3A_61 : i32
    %add3A_63 = arith.constant 416 : i32
    %add3A_64 = arith.addi %mul3A_62, %add3A_63 : i32
    "tpu.region"() ({
      %run_scoped3A = tpu.sem_alloc : memref<!tpu.dma_semaphore, #tpu.memory_space<semaphore_mem>>
      %dma_start3A = arith.constant 0 : i32
      %dma_start3A_101 = tpu.memref_slice %arg12[%add3A_64, %dma_start3A] : memref<10240x128xf32, #tpu.memory_space<vmem_shared>> -> memref<32x128xf32, #tpu.memory_space<vmem_shared>>
      %dma_start3A_102 = arith.constant 0 : i32
      %dma_start3A_103 = tpu.memref_slice %arg12[%add3A_64, %dma_start3A_102] : memref<10240x128xf32, #tpu.memory_space<vmem_shared>> -> memref<32x128xf32, #tpu.memory_space<vmem_shared>>
      tpu.enqueue_dma source(%arg7 : memref<32x128xf32, #tpu.memory_space<vmem>>) target(%dma_start3A_103 : memref<32x128xf32, #tpu.memory_space<vmem_shared>>) target_semaphore(%run_scoped3A : memref<!tpu.dma_semaphore, #tpu.memory_space<semaphore_mem>>)
      %dma_wait3A = arith.constant 0 : i32
      %dma_wait3A_104 = tpu.memref_slice %arg12[%add3A_64, %dma_wait3A] : memref<10240x128xf32, #tpu.memory_space<vmem_shared>> -> memref<32x128xf32, #tpu.memory_space<vmem_shared>>
      %dma_wait3A_105 = arith.constant 0 : i32
      %dma_wait3A_106 = tpu.memref_slice %arg12[%add3A_64, %dma_wait3A_105] : memref<10240x128xf32, #tpu.memory_space<vmem_shared>> -> memref<32x128xf32, #tpu.memory_space<vmem_shared>>
      tpu.wait_dma2 semaphore(%run_scoped3A : memref<!tpu.dma_semaphore, #tpu.memory_space<semaphore_mem>>) src(%arg7 : memref<32x128xf32, #tpu.memory_space<vmem>>) dst(%dma_wait3A_106 : memref<32x128xf32, #tpu.memory_space<vmem_shared>>)
      tpu.yield
    }) : () -> ()
    %mul3A_65 = arith.constant 640 : i32
    %mul3A_66 = arith.muli %arg1, %mul3A_65 : i32
    %add3A_67 = arith.constant 448 : i32
    %add3A_68 = arith.addi %mul3A_66, %add3A_67 : i32
    "tpu.region"() ({
      %run_scoped3A = tpu.sem_alloc : memref<!tpu.dma_semaphore, #tpu.memory_space<semaphore_mem>>
      %dma_start3A = arith.constant 0 : i32
      %dma_start3A_101 = tpu.memref_slice %arg12[%add3A_68, %dma_start3A] : memref<10240x128xf32, #tpu.memory_space<vmem_shared>> -> memref<32x128xf32, #tpu.memory_space<vmem_shared>>
      %dma_start3A_102 = arith.constant 0 : i32
      %dma_start3A_103 = tpu.memref_slice %arg12[%add3A_68, %dma_start3A_102] : memref<10240x128xf32, #tpu.memory_space<vmem_shared>> -> memref<32x128xf32, #tpu.memory_space<vmem_shared>>
      tpu.enqueue_dma source(%arg7 : memref<32x128xf32, #tpu.memory_space<vmem>>) target(%dma_start3A_103 : memref<32x128xf32, #tpu.memory_space<vmem_shared>>) target_semaphore(%run_scoped3A : memref<!tpu.dma_semaphore, #tpu.memory_space<semaphore_mem>>)
      %dma_wait3A = arith.constant 0 : i32
      %dma_wait3A_104 = tpu.memref_slice %arg12[%add3A_68, %dma_wait3A] : memref<10240x128xf32, #tpu.memory_space<vmem_shared>> -> memref<32x128xf32, #tpu.memory_space<vmem_shared>>
      %dma_wait3A_105 = arith.constant 0 : i32
      %dma_wait3A_106 = tpu.memref_slice %arg12[%add3A_68, %dma_wait3A_105] : memref<10240x128xf32, #tpu.memory_space<vmem_shared>> -> memref<32x128xf32, #tpu.memory_space<vmem_shared>>
      tpu.wait_dma2 semaphore(%run_scoped3A : memref<!tpu.dma_semaphore, #tpu.memory_space<semaphore_mem>>) src(%arg7 : memref<32x128xf32, #tpu.memory_space<vmem>>) dst(%dma_wait3A_106 : memref<32x128xf32, #tpu.memory_space<vmem_shared>>)
      tpu.yield
    }) : () -> ()
    %mul3A_69 = arith.constant 640 : i32
    %mul3A_70 = arith.muli %arg1, %mul3A_69 : i32
    %add3A_71 = arith.constant 480 : i32
    %add3A_72 = arith.addi %mul3A_70, %add3A_71 : i32
    "tpu.region"() ({
      %run_scoped3A = tpu.sem_alloc : memref<!tpu.dma_semaphore, #tpu.memory_space<semaphore_mem>>
      %dma_start3A = arith.constant 0 : i32
      %dma_start3A_101 = tpu.memref_slice %arg12[%add3A_72, %dma_start3A] : memref<10240x128xf32, #tpu.memory_space<vmem_shared>> -> memref<32x128xf32, #tpu.memory_space<vmem_shared>>
      %dma_start3A_102 = arith.constant 0 : i32
      %dma_start3A_103 = tpu.memref_slice %arg12[%add3A_72, %dma_start3A_102] : memref<10240x128xf32, #tpu.memory_space<vmem_shared>> -> memref<32x128xf32, #tpu.memory_space<vmem_shared>>
      tpu.enqueue_dma source(%arg7 : memref<32x128xf32, #tpu.memory_space<vmem>>) target(%dma_start3A_103 : memref<32x128xf32, #tpu.memory_space<vmem_shared>>) target_semaphore(%run_scoped3A : memref<!tpu.dma_semaphore, #tpu.memory_space<semaphore_mem>>)
      %dma_wait3A = arith.constant 0 : i32
      %dma_wait3A_104 = tpu.memref_slice %arg12[%add3A_72, %dma_wait3A] : memref<10240x128xf32, #tpu.memory_space<vmem_shared>> -> memref<32x128xf32, #tpu.memory_space<vmem_shared>>
      %dma_wait3A_105 = arith.constant 0 : i32
      %dma_wait3A_106 = tpu.memref_slice %arg12[%add3A_72, %dma_wait3A_105] : memref<10240x128xf32, #tpu.memory_space<vmem_shared>> -> memref<32x128xf32, #tpu.memory_space<vmem_shared>>
      tpu.wait_dma2 semaphore(%run_scoped3A : memref<!tpu.dma_semaphore, #tpu.memory_space<semaphore_mem>>) src(%arg7 : memref<32x128xf32, #tpu.memory_space<vmem>>) dst(%dma_wait3A_106 : memref<32x128xf32, #tpu.memory_space<vmem_shared>>)
      tpu.yield
    }) : () -> ()
    %mul3A_73 = arith.constant 640 : i32
    %mul3A_74 = arith.muli %arg1, %mul3A_73 : i32
    %add3A_75 = arith.constant 512 : i32
    %add3A_76 = arith.addi %mul3A_74, %add3A_75 : i32
    "tpu.region"() ({
      %run_scoped3A = tpu.sem_alloc : memref<!tpu.dma_semaphore, #tpu.memory_space<semaphore_mem>>
      %dma_start3A = arith.constant 0 : i32
      %dma_start3A_101 = tpu.memref_slice %arg12[%add3A_76, %dma_start3A] : memref<10240x128xf32, #tpu.memory_space<vmem_shared>> -> memref<32x128xf32, #tpu.memory_space<vmem_shared>>
      %dma_start3A_102 = arith.constant 0 : i32
      %dma_start3A_103 = tpu.memref_slice %arg12[%add3A_76, %dma_start3A_102] : memref<10240x128xf32, #tpu.memory_space<vmem_shared>> -> memref<32x128xf32, #tpu.memory_space<vmem_shared>>
      tpu.enqueue_dma source(%arg7 : memref<32x128xf32, #tpu.memory_space<vmem>>) target(%dma_start3A_103 : memref<32x128xf32, #tpu.memory_space<vmem_shared>>) target_semaphore(%run_scoped3A : memref<!tpu.dma_semaphore, #tpu.memory_space<semaphore_mem>>)
      %dma_wait3A = arith.constant 0 : i32
      %dma_wait3A_104 = tpu.memref_slice %arg12[%add3A_76, %dma_wait3A] : memref<10240x128xf32, #tpu.memory_space<vmem_shared>> -> memref<32x128xf32, #tpu.memory_space<vmem_shared>>
      %dma_wait3A_105 = arith.constant 0 : i32
      %dma_wait3A_106 = tpu.memref_slice %arg12[%add3A_76, %dma_wait3A_105] : memref<10240x128xf32, #tpu.memory_space<vmem_shared>> -> memref<32x128xf32, #tpu.memory_space<vmem_shared>>
      tpu.wait_dma2 semaphore(%run_scoped3A : memref<!tpu.dma_semaphore, #tpu.memory_space<semaphore_mem>>) src(%arg7 : memref<32x128xf32, #tpu.memory_space<vmem>>) dst(%dma_wait3A_106 : memref<32x128xf32, #tpu.memory_space<vmem_shared>>)
      tpu.yield
    }) : () -> ()
    %mul3A_77 = arith.constant 640 : i32
    %mul3A_78 = arith.muli %arg1, %mul3A_77 : i32
    %add3A_79 = arith.constant 544 : i32
    %add3A_80 = arith.addi %mul3A_78, %add3A_79 : i32
    "tpu.region"() ({
      %run_scoped3A = tpu.sem_alloc : memref<!tpu.dma_semaphore, #tpu.memory_space<semaphore_mem>>
      %dma_start3A = arith.constant 0 : i32
      %dma_start3A_101 = tpu.memref_slice %arg12[%add3A_80, %dma_start3A] : memref<10240x128xf32, #tpu.memory_space<vmem_shared>> -> memref<32x128xf32, #tpu.memory_space<vmem_shared>>
      %dma_start3A_102 = arith.constant 0 : i32
      %dma_start3A_103 = tpu.memref_slice %arg12[%add3A_80, %dma_start3A_102] : memref<10240x128xf32, #tpu.memory_space<vmem_shared>> -> memref<32x128xf32, #tpu.memory_space<vmem_shared>>
      tpu.enqueue_dma source(%arg7 : memref<32x128xf32, #tpu.memory_space<vmem>>) target(%dma_start3A_103 : memref<32x128xf32, #tpu.memory_space<vmem_shared>>) target_semaphore(%run_scoped3A : memref<!tpu.dma_semaphore, #tpu.memory_space<semaphore_mem>>)
      %dma_wait3A = arith.constant 0 : i32
      %dma_wait3A_104 = tpu.memref_slice %arg12[%add3A_80, %dma_wait3A] : memref<10240x128xf32, #tpu.memory_space<vmem_shared>> -> memref<32x128xf32, #tpu.memory_space<vmem_shared>>
      %dma_wait3A_105 = arith.constant 0 : i32
      %dma_wait3A_106 = tpu.memref_slice %arg12[%add3A_80, %dma_wait3A_105] : memref<10240x128xf32, #tpu.memory_space<vmem_shared>> -> memref<32x128xf32, #tpu.memory_space<vmem_shared>>
      tpu.wait_dma2 semaphore(%run_scoped3A : memref<!tpu.dma_semaphore, #tpu.memory_space<semaphore_mem>>) src(%arg7 : memref<32x128xf32, #tpu.memory_space<vmem>>) dst(%dma_wait3A_106 : memref<32x128xf32, #tpu.memory_space<vmem_shared>>)
      tpu.yield
    }) : () -> ()
    %mul3A_81 = arith.constant 640 : i32
    %mul3A_82 = arith.muli %arg1, %mul3A_81 : i32
    %add3A_83 = arith.constant 576 : i32
    %add3A_84 = arith.addi %mul3A_82, %add3A_83 : i32
    "tpu.region"() ({
      %run_scoped3A = tpu.sem_alloc : memref<!tpu.dma_semaphore, #tpu.memory_space<semaphore_mem>>
      %dma_start3A = arith.constant 0 : i32
      %dma_start3A_101 = tpu.memref_slice %arg12[%add3A_84, %dma_start3A] : memref<10240x128xf32, #tpu.memory_space<vmem_shared>> -> memref<32x128xf32, #tpu.memory_space<vmem_shared>>
      %dma_start3A_102 = arith.constant 0 : i32
      %dma_start3A_103 = tpu.memref_slice %arg12[%add3A_84, %dma_start3A_102] : memref<10240x128xf32, #tpu.memory_space<vmem_shared>> -> memref<32x128xf32, #tpu.memory_space<vmem_shared>>
      tpu.enqueue_dma source(%arg7 : memref<32x128xf32, #tpu.memory_space<vmem>>) target(%dma_start3A_103 : memref<32x128xf32, #tpu.memory_space<vmem_shared>>) target_semaphore(%run_scoped3A : memref<!tpu.dma_semaphore, #tpu.memory_space<semaphore_mem>>)
      %dma_wait3A = arith.constant 0 : i32
      %dma_wait3A_104 = tpu.memref_slice %arg12[%add3A_84, %dma_wait3A] : memref<10240x128xf32, #tpu.memory_space<vmem_shared>> -> memref<32x128xf32, #tpu.memory_space<vmem_shared>>
      %dma_wait3A_105 = arith.constant 0 : i32
      %dma_wait3A_106 = tpu.memref_slice %arg12[%add3A_84, %dma_wait3A_105] : memref<10240x128xf32, #tpu.memory_space<vmem_shared>> -> memref<32x128xf32, #tpu.memory_space<vmem_shared>>
      tpu.wait_dma2 semaphore(%run_scoped3A : memref<!tpu.dma_semaphore, #tpu.memory_space<semaphore_mem>>) src(%arg7 : memref<32x128xf32, #tpu.memory_space<vmem>>) dst(%dma_wait3A_106 : memref<32x128xf32, #tpu.memory_space<vmem_shared>>)
      tpu.yield
    }) : () -> ()
    %mul3A_85 = arith.constant 640 : i32
    %mul3A_86 = arith.muli %arg1, %mul3A_85 : i32
    %add3A_87 = arith.constant 608 : i32
    %add3A_88 = arith.addi %mul3A_86, %add3A_87 : i32
    "tpu.region"() ({
      %run_scoped3A = tpu.sem_alloc : memref<!tpu.dma_semaphore, #tpu.memory_space<semaphore_mem>>
      %dma_start3A = arith.constant 0 : i32
      %dma_start3A_101 = tpu.memref_slice %arg12[%add3A_88, %dma_start3A] : memref<10240x128xf32, #tpu.memory_space<vmem_shared>> -> memref<32x128xf32, #tpu.memory_space<vmem_shared>>
      %dma_start3A_102 = arith.constant 0 : i32
      %dma_start3A_103 = tpu.memref_slice %arg12[%add3A_88, %dma_start3A_102] : memref<10240x128xf32, #tpu.memory_space<vmem_shared>> -> memref<32x128xf32, #tpu.memory_space<vmem_shared>>
      tpu.enqueue_dma source(%arg7 : memref<32x128xf32, #tpu.memory_space<vmem>>) target(%dma_start3A_103 : memref<32x128xf32, #tpu.memory_space<vmem_shared>>) target_semaphore(%run_scoped3A : memref<!tpu.dma_semaphore, #tpu.memory_space<semaphore_mem>>)
      %dma_wait3A = arith.constant 0 : i32
      %dma_wait3A_104 = tpu.memref_slice %arg12[%add3A_88, %dma_wait3A] : memref<10240x128xf32, #tpu.memory_space<vmem_shared>> -> memref<32x128xf32, #tpu.memory_space<vmem_shared>>
      %dma_wait3A_105 = arith.constant 0 : i32
      %dma_wait3A_106 = tpu.memref_slice %arg12[%add3A_88, %dma_wait3A_105] : memref<10240x128xf32, #tpu.memory_space<vmem_shared>> -> memref<32x128xf32, #tpu.memory_space<vmem_shared>>
      tpu.wait_dma2 semaphore(%run_scoped3A : memref<!tpu.dma_semaphore, #tpu.memory_space<semaphore_mem>>) src(%arg7 : memref<32x128xf32, #tpu.memory_space<vmem>>) dst(%dma_wait3A_106 : memref<32x128xf32, #tpu.memory_space<vmem_shared>>)
      tpu.yield
    }) : () -> ()
    %barrier3A = arith.constant 0 : index
    tpu.barrier barrier_id(%barrier3A)
    %scan3A_89 = arith.constant 0 : i32
    %scan3A_90 = arith.constant 0 : i32
    %scan3A_91 = arith.constant 40 : i32
    %scan3A_92 = arith.addi %scan3A_90, %scan3A_91 : i32
    %scan3A_93 = arith.constant 1 : i32
    %scan3A_94 = scf.for %scan3A_101 = %scan3A_90 to %scan3A_92 step %scan3A_93 iter_args(%scan3A_102 = %scan3A_89) -> (i32)  : i32 {
      %mul3A_103 = arith.constant 256 : i32
      %mul3A_104 = arith.muli %scan3A_101, %mul3A_103 : i32
      %add3A_105 = arith.addi %mul3A_2, %mul3A_104 : i32
      "tpu.region"() ({
        %run_scoped3A_165 = tpu.sem_alloc : memref<!tpu.dma_semaphore, #tpu.memory_space<semaphore_mem>>
        %dma_start3A_166 = tpu.memref_slice %arg4[%add3A_105] : memref<327680xf32, #tpu.memory_space<hbm>> -> memref<256xf32, #tpu.memory_space<hbm>>
        %dma_start3A_167 = tpu.memref_slice %arg4[%add3A_105] : memref<327680xf32, #tpu.memory_space<hbm>> -> memref<256xf32, #tpu.memory_space<hbm>>
        tpu.enqueue_dma source(%dma_start3A_167 : memref<256xf32, #tpu.memory_space<hbm>>) target(%arg10 : memref<256xf32, #tpu.memory_space<vmem>>) target_semaphore(%run_scoped3A_165 : memref<!tpu.dma_semaphore, #tpu.memory_space<semaphore_mem>>)
        %dma_wait3A_168 = tpu.memref_slice %arg4[%add3A_105] : memref<327680xf32, #tpu.memory_space<hbm>> -> memref<256xf32, #tpu.memory_space<hbm>>
        %dma_wait3A_169 = tpu.memref_slice %arg4[%add3A_105] : memref<327680xf32, #tpu.memory_space<hbm>> -> memref<256xf32, #tpu.memory_space<hbm>>
        tpu.wait_dma2 semaphore(%run_scoped3A_165 : memref<!tpu.dma_semaphore, #tpu.memory_space<semaphore_mem>>) src(%dma_wait3A_169 : memref<256xf32, #tpu.memory_space<hbm>>) dst(%arg10 : memref<256xf32, #tpu.memory_space<vmem>>)
        tpu.yield
      }) : () -> ()
      %add3A_106 = arith.constant 0 : i32
      %add3A_107 = arith.addi %add3A_105, %add3A_106 : i32
      %run_scoped3A = arith.constant 0 : i32
      "tpu.region"() ({
        %run_scoped3A_165 = tpu.sem_alloc : memref<!tpu.dma_semaphore, #tpu.memory_space<semaphore_mem>>
        %dma_start3A_166 = arith.constant 0 : i32
        %dma_start3A_167 = tpu.memref_slice %arg8[%run_scoped3A, %dma_start3A_166] : memref<2x128xi32, #tpu.memory_space<vmem>> -> memref<1x128xi32, #tpu.memory_space<vmem>>
        %dma_start3A_168 = tpu.memref_squeeze %dma_start3A_167 : memref<1x128xi32, #tpu.memory_space<vmem>> -> memref<128xi32, #tpu.memory_space<vmem>>
        %dma_start3A_169 = tpu.memref_slice %arg2[%add3A_107] : memref<327680xi32, #tpu.memory_space<hbm>> -> memref<128xi32, #tpu.memory_space<hbm>>
        %dma_start3A_170 = arith.constant 0 : i32
        %dma_start3A_171 = tpu.memref_slice %arg8[%run_scoped3A, %dma_start3A_170] : memref<2x128xi32, #tpu.memory_space<vmem>> -> memref<1x128xi32, #tpu.memory_space<vmem>>
        %dma_start3A_172 = tpu.memref_squeeze %dma_start3A_171 : memref<1x128xi32, #tpu.memory_space<vmem>> -> memref<128xi32, #tpu.memory_space<vmem>>
        %dma_start3A_173 = tpu.memref_slice %arg2[%add3A_107] : memref<327680xi32, #tpu.memory_space<hbm>> -> memref<128xi32, #tpu.memory_space<hbm>>
        tpu.enqueue_dma source(%dma_start3A_173 : memref<128xi32, #tpu.memory_space<hbm>>) target(%dma_start3A_172 : memref<128xi32, #tpu.memory_space<vmem>>) target_semaphore(%run_scoped3A_165 : memref<!tpu.dma_semaphore, #tpu.memory_space<semaphore_mem>>)
        %dma_wait3A_174 = arith.constant 0 : i32
        %dma_wait3A_175 = tpu.memref_slice %arg8[%run_scoped3A, %dma_wait3A_174] : memref<2x128xi32, #tpu.memory_space<vmem>> -> memref<1x128xi32, #tpu.memory_space<vmem>>
        %dma_wait3A_176 = tpu.memref_squeeze %dma_wait3A_175 : memref<1x128xi32, #tpu.memory_space<vmem>> -> memref<128xi32, #tpu.memory_space<vmem>>
        %dma_wait3A_177 = tpu.memref_slice %arg2[%add3A_107] : memref<327680xi32, #tpu.memory_space<hbm>> -> memref<128xi32, #tpu.memory_space<hbm>>
        %dma_wait3A_178 = arith.constant 0 : i32
        %dma_wait3A_179 = tpu.memref_slice %arg8[%run_scoped3A, %dma_wait3A_178] : memref<2x128xi32, #tpu.memory_space<vmem>> -> memref<1x128xi32, #tpu.memory_space<vmem>>
        %dma_wait3A_180 = tpu.memref_squeeze %dma_wait3A_179 : memref<1x128xi32, #tpu.memory_space<vmem>> -> memref<128xi32, #tpu.memory_space<vmem>>
        %dma_wait3A_181 = tpu.memref_slice %arg2[%add3A_107] : memref<327680xi32, #tpu.memory_space<hbm>> -> memref<128xi32, #tpu.memory_space<hbm>>
        tpu.wait_dma2 semaphore(%run_scoped3A_165 : memref<!tpu.dma_semaphore, #tpu.memory_space<semaphore_mem>>) src(%dma_wait3A_181 : memref<128xi32, #tpu.memory_space<hbm>>) dst(%dma_wait3A_180 : memref<128xi32, #tpu.memory_space<vmem>>)
        tpu.yield
      }) : () -> ()
      %add3A_108 = arith.constant 0 : i32
      %add3A_109 = arith.addi %add3A_105, %add3A_108 : i32
      %run_scoped3A_110 = arith.constant 0 : i32
      "tpu.region"() ({
        %run_scoped3A_165 = tpu.sem_alloc : memref<!tpu.dma_semaphore, #tpu.memory_space<semaphore_mem>>
        %dma_start3A_166 = arith.constant 0 : i32
        %dma_start3A_167 = tpu.memref_slice %arg9[%run_scoped3A_110, %dma_start3A_166] : memref<2x128xi32, #tpu.memory_space<vmem>> -> memref<1x128xi32, #tpu.memory_space<vmem>>
        %dma_start3A_168 = tpu.memref_squeeze %dma_start3A_167 : memref<1x128xi32, #tpu.memory_space<vmem>> -> memref<128xi32, #tpu.memory_space<vmem>>
        %dma_start3A_169 = tpu.memref_slice %arg3[%add3A_109] : memref<327680xi32, #tpu.memory_space<hbm>> -> memref<128xi32, #tpu.memory_space<hbm>>
        %dma_start3A_170 = arith.constant 0 : i32
        %dma_start3A_171 = tpu.memref_slice %arg9[%run_scoped3A_110, %dma_start3A_170] : memref<2x128xi32, #tpu.memory_space<vmem>> -> memref<1x128xi32, #tpu.memory_space<vmem>>
        %dma_start3A_172 = tpu.memref_squeeze %dma_start3A_171 : memref<1x128xi32, #tpu.memory_space<vmem>> -> memref<128xi32, #tpu.memory_space<vmem>>
        %dma_start3A_173 = tpu.memref_slice %arg3[%add3A_109] : memref<327680xi32, #tpu.memory_space<hbm>> -> memref<128xi32, #tpu.memory_space<hbm>>
        tpu.enqueue_dma source(%dma_start3A_173 : memref<128xi32, #tpu.memory_space<hbm>>) target(%dma_start3A_172 : memref<128xi32, #tpu.memory_space<vmem>>) target_semaphore(%run_scoped3A_165 : memref<!tpu.dma_semaphore, #tpu.memory_space<semaphore_mem>>)
        %dma_wait3A_174 = arith.constant 0 : i32
        %dma_wait3A_175 = tpu.memref_slice %arg9[%run_scoped3A_110, %dma_wait3A_174] : memref<2x128xi32, #tpu.memory_space<vmem>> -> memref<1x128xi32, #tpu.memory_space<vmem>>
        %dma_wait3A_176 = tpu.memref_squeeze %dma_wait3A_175 : memref<1x128xi32, #tpu.memory_space<vmem>> -> memref<128xi32, #tpu.memory_space<vmem>>
        %dma_wait3A_177 = tpu.memref_slice %arg3[%add3A_109] : memref<327680xi32, #tpu.memory_space<hbm>> -> memref<128xi32, #tpu.memory_space<hbm>>
        %dma_wait3A_178 = arith.constant 0 : i32
        %dma_wait3A_179 = tpu.memref_slice %arg9[%run_scoped3A_110, %dma_wait3A_178] : memref<2x128xi32, #tpu.memory_space<vmem>> -> memref<1x128xi32, #tpu.memory_space<vmem>>
        %dma_wait3A_180 = tpu.memref_squeeze %dma_wait3A_179 : memref<1x128xi32, #tpu.memory_space<vmem>> -> memref<128xi32, #tpu.memory_space<vmem>>
        %dma_wait3A_181 = tpu.memref_slice %arg3[%add3A_109] : memref<327680xi32, #tpu.memory_space<hbm>> -> memref<128xi32, #tpu.memory_space<hbm>>
        tpu.wait_dma2 semaphore(%run_scoped3A_165 : memref<!tpu.dma_semaphore, #tpu.memory_space<semaphore_mem>>) src(%dma_wait3A_181 : memref<128xi32, #tpu.memory_space<hbm>>) dst(%dma_wait3A_180 : memref<128xi32, #tpu.memory_space<vmem>>)
        tpu.yield
      }) : () -> ()
      %add3A_111 = arith.constant 128 : i32
      %add3A_112 = arith.addi %add3A_105, %add3A_111 : i32
      %run_scoped3A_113 = arith.constant 1 : i32
      "tpu.region"() ({
        %run_scoped3A_165 = tpu.sem_alloc : memref<!tpu.dma_semaphore, #tpu.memory_space<semaphore_mem>>
        %dma_start3A_166 = arith.constant 0 : i32
        %dma_start3A_167 = tpu.memref_slice %arg8[%run_scoped3A_113, %dma_start3A_166] : memref<2x128xi32, #tpu.memory_space<vmem>> -> memref<1x128xi32, #tpu.memory_space<vmem>>
        %dma_start3A_168 = tpu.memref_squeeze %dma_start3A_167 : memref<1x128xi32, #tpu.memory_space<vmem>> -> memref<128xi32, #tpu.memory_space<vmem>>
        %dma_start3A_169 = tpu.memref_slice %arg2[%add3A_112] : memref<327680xi32, #tpu.memory_space<hbm>> -> memref<128xi32, #tpu.memory_space<hbm>>
        %dma_start3A_170 = arith.constant 0 : i32
        %dma_start3A_171 = tpu.memref_slice %arg8[%run_scoped3A_113, %dma_start3A_170] : memref<2x128xi32, #tpu.memory_space<vmem>> -> memref<1x128xi32, #tpu.memory_space<vmem>>
        %dma_start3A_172 = tpu.memref_squeeze %dma_start3A_171 : memref<1x128xi32, #tpu.memory_space<vmem>> -> memref<128xi32, #tpu.memory_space<vmem>>
        %dma_start3A_173 = tpu.memref_slice %arg2[%add3A_112] : memref<327680xi32, #tpu.memory_space<hbm>> -> memref<128xi32, #tpu.memory_space<hbm>>
        tpu.enqueue_dma source(%dma_start3A_173 : memref<128xi32, #tpu.memory_space<hbm>>) target(%dma_start3A_172 : memref<128xi32, #tpu.memory_space<vmem>>) target_semaphore(%run_scoped3A_165 : memref<!tpu.dma_semaphore, #tpu.memory_space<semaphore_mem>>)
        %dma_wait3A_174 = arith.constant 0 : i32
        %dma_wait3A_175 = tpu.memref_slice %arg8[%run_scoped3A_113, %dma_wait3A_174] : memref<2x128xi32, #tpu.memory_space<vmem>> -> memref<1x128xi32, #tpu.memory_space<vmem>>
        %dma_wait3A_176 = tpu.memref_squeeze %dma_wait3A_175 : memref<1x128xi32, #tpu.memory_space<vmem>> -> memref<128xi32, #tpu.memory_space<vmem>>
        %dma_wait3A_177 = tpu.memref_slice %arg2[%add3A_112] : memref<327680xi32, #tpu.memory_space<hbm>> -> memref<128xi32, #tpu.memory_space<hbm>>
        %dma_wait3A_178 = arith.constant 0 : i32
        %dma_wait3A_179 = tpu.memref_slice %arg8[%run_scoped3A_113, %dma_wait3A_178] : memref<2x128xi32, #tpu.memory_space<vmem>> -> memref<1x128xi32, #tpu.memory_space<vmem>>
        %dma_wait3A_180 = tpu.memref_squeeze %dma_wait3A_179 : memref<1x128xi32, #tpu.memory_space<vmem>> -> memref<128xi32, #tpu.memory_space<vmem>>
        %dma_wait3A_181 = tpu.memref_slice %arg2[%add3A_112] : memref<327680xi32, #tpu.memory_space<hbm>> -> memref<128xi32, #tpu.memory_space<hbm>>
        tpu.wait_dma2 semaphore(%run_scoped3A_165 : memref<!tpu.dma_semaphore, #tpu.memory_space<semaphore_mem>>) src(%dma_wait3A_181 : memref<128xi32, #tpu.memory_space<hbm>>) dst(%dma_wait3A_180 : memref<128xi32, #tpu.memory_space<vmem>>)
        tpu.yield
      }) : () -> ()
      %add3A_114 = arith.constant 128 : i32
      %add3A_115 = arith.addi %add3A_105, %add3A_114 : i32
      %run_scoped3A_116 = arith.constant 1 : i32
      "tpu.region"() ({
        %run_scoped3A_165 = tpu.sem_alloc : memref<!tpu.dma_semaphore, #tpu.memory_space<semaphore_mem>>
        %dma_start3A_166 = arith.constant 0 : i32
        %dma_start3A_167 = tpu.memref_slice %arg9[%run_scoped3A_116, %dma_start3A_166] : memref<2x128xi32, #tpu.memory_space<vmem>> -> memref<1x128xi32, #tpu.memory_space<vmem>>
        %dma_start3A_168 = tpu.memref_squeeze %dma_start3A_167 : memref<1x128xi32, #tpu.memory_space<vmem>> -> memref<128xi32, #tpu.memory_space<vmem>>
        %dma_start3A_169 = tpu.memref_slice %arg3[%add3A_115] : memref<327680xi32, #tpu.memory_space<hbm>> -> memref<128xi32, #tpu.memory_space<hbm>>
        %dma_start3A_170 = arith.constant 0 : i32
        %dma_start3A_171 = tpu.memref_slice %arg9[%run_scoped3A_116, %dma_start3A_170] : memref<2x128xi32, #tpu.memory_space<vmem>> -> memref<1x128xi32, #tpu.memory_space<vmem>>
        %dma_start3A_172 = tpu.memref_squeeze %dma_start3A_171 : memref<1x128xi32, #tpu.memory_space<vmem>> -> memref<128xi32, #tpu.memory_space<vmem>>
        %dma_start3A_173 = tpu.memref_slice %arg3[%add3A_115] : memref<327680xi32, #tpu.memory_space<hbm>> -> memref<128xi32, #tpu.memory_space<hbm>>
        tpu.enqueue_dma source(%dma_start3A_173 : memref<128xi32, #tpu.memory_space<hbm>>) target(%dma_start3A_172 : memref<128xi32, #tpu.memory_space<vmem>>) target_semaphore(%run_scoped3A_165 : memref<!tpu.dma_semaphore, #tpu.memory_space<semaphore_mem>>)
        %dma_wait3A_174 = arith.constant 0 : i32
        %dma_wait3A_175 = tpu.memref_slice %arg9[%run_scoped3A_116, %dma_wait3A_174] : memref<2x128xi32, #tpu.memory_space<vmem>> -> memref<1x128xi32, #tpu.memory_space<vmem>>
        %dma_wait3A_176 = tpu.memref_squeeze %dma_wait3A_175 : memref<1x128xi32, #tpu.memory_space<vmem>> -> memref<128xi32, #tpu.memory_space<vmem>>
        %dma_wait3A_177 = tpu.memref_slice %arg3[%add3A_115] : memref<327680xi32, #tpu.memory_space<hbm>> -> memref<128xi32, #tpu.memory_space<hbm>>
        %dma_wait3A_178 = arith.constant 0 : i32
        %dma_wait3A_179 = tpu.memref_slice %arg9[%run_scoped3A_116, %dma_wait3A_178] : memref<2x128xi32, #tpu.memory_space<vmem>> -> memref<1x128xi32, #tpu.memory_space<vmem>>
        %dma_wait3A_180 = tpu.memref_squeeze %dma_wait3A_179 : memref<1x128xi32, #tpu.memory_space<vmem>> -> memref<128xi32, #tpu.memory_space<vmem>>
        %dma_wait3A_181 = tpu.memref_slice %arg3[%add3A_115] : memref<327680xi32, #tpu.memory_space<hbm>> -> memref<128xi32, #tpu.memory_space<hbm>>
        tpu.wait_dma2 semaphore(%run_scoped3A_165 : memref<!tpu.dma_semaphore, #tpu.memory_space<semaphore_mem>>) src(%dma_wait3A_181 : memref<128xi32, #tpu.memory_space<hbm>>) dst(%dma_wait3A_180 : memref<128xi32, #tpu.memory_space<vmem>>)
        tpu.yield
      }) : () -> ()
      %dma_start3A = arith.constant 0 : i32
      %dma_start3A_117 = arith.constant 0 : i32
      %dma_start3A_118 = arith.constant 0 : i32
      %dma_start3A_119 = tpu.memref_slice %arg11[%dma_start3A_117, %dma_start3A_118] : memref<256x128xf32, #tpu.memory_space<vmem>> -> memref<128x128xf32, #tpu.memory_space<vmem>>
      %dma_start3A_120 = arith.constant 0 : i32
      %dma_start3A_121 = tpu.memref_slice %arg8[%dma_start3A, %dma_start3A_120] : memref<2x128xi32, #tpu.memory_space<vmem>> -> memref<1x128xi32, #tpu.memory_space<vmem>>
      %dma_start3A_122 = tpu.memref_squeeze %dma_start3A_121 : memref<1x128xi32, #tpu.memory_space<vmem>> -> memref<128xi32, #tpu.memory_space<vmem>>
      %dma_start3A_123 = arith.constant 0 : i32
      %dma_start3A_124 = arith.constant 0 : i32
      %dma_start3A_125 = tpu.memref_slice %arg5[%dma_start3A_123, %dma_start3A_124] : memref<10000x128xf32, #tpu.memory_space<hbm>> -> memref<10000x128xf32, #tpu.memory_space<hbm>>
      tpu.enqueue_indirect_dma source(%dma_start3A_125 : memref<10000x128xf32, #tpu.memory_space<hbm>>) target(%dma_start3A_119 : memref<128x128xf32, #tpu.memory_space<vmem>>) offsets(%dma_start3A_122 : memref<128xi32, #tpu.memory_space<vmem>>) semaphore(%arg13 : memref<!tpu.dma_semaphore, #tpu.memory_space<semaphore_mem>>)
      %dma_wait3A = arith.constant 0 : i32
      %dma_wait3A_126 = arith.constant 0 : i32
      %dma_wait3A_127 = arith.constant 0 : i32
      %dma_wait3A_128 = tpu.memref_slice %arg11[%dma_wait3A_126, %dma_wait3A_127] : memref<256x128xf32, #tpu.memory_space<vmem>> -> memref<128x128xf32, #tpu.memory_space<vmem>>
      %dma_wait3A_129 = arith.constant 0 : i32
      %dma_wait3A_130 = tpu.memref_slice %arg8[%dma_wait3A, %dma_wait3A_129] : memref<2x128xi32, #tpu.memory_space<vmem>> -> memref<1x128xi32, #tpu.memory_space<vmem>>
      %dma_wait3A_131 = tpu.memref_squeeze %dma_wait3A_130 : memref<1x128xi32, #tpu.memory_space<vmem>> -> memref<128xi32, #tpu.memory_space<vmem>>
      %dma_wait3A_132 = arith.constant 0 : i32
      %dma_wait3A_133 = arith.constant 0 : i32
      %dma_wait3A_134 = tpu.memref_slice %arg5[%dma_wait3A_132, %dma_wait3A_133] : memref<10000x128xf32, #tpu.memory_space<hbm>> -> memref<10000x128xf32, #tpu.memory_space<hbm>>
      tpu.wait_indirect_dma semaphore(%arg13 : memref<!tpu.dma_semaphore, #tpu.memory_space<semaphore_mem>>) src(%dma_wait3A_134 : memref<10000x128xf32, #tpu.memory_space<hbm>>) dst(%dma_wait3A_128 : memref<128x128xf32, #tpu.memory_space<vmem>>)
      %dma_start3A_135 = arith.constant 1 : i32
      %dma_start3A_136 = arith.constant 128 : i32
      %dma_start3A_137 = arith.constant 0 : i32
      %dma_start3A_138 = tpu.memref_slice %arg11[%dma_start3A_136, %dma_start3A_137] : memref<256x128xf32, #tpu.memory_space<vmem>> -> memref<128x128xf32, #tpu.memory_space<vmem>>
      %dma_start3A_139 = arith.constant 0 : i32
      %dma_start3A_140 = tpu.memref_slice %arg8[%dma_start3A_135, %dma_start3A_139] : memref<2x128xi32, #tpu.memory_space<vmem>> -> memref<1x128xi32, #tpu.memory_space<vmem>>
      %dma_start3A_141 = tpu.memref_squeeze %dma_start3A_140 : memref<1x128xi32, #tpu.memory_space<vmem>> -> memref<128xi32, #tpu.memory_space<vmem>>
      %dma_start3A_142 = arith.constant 0 : i32
      %dma_start3A_143 = arith.constant 0 : i32
      %dma_start3A_144 = tpu.memref_slice %arg5[%dma_start3A_142, %dma_start3A_143] : memref<10000x128xf32, #tpu.memory_space<hbm>> -> memref<10000x128xf32, #tpu.memory_space<hbm>>
      tpu.enqueue_indirect_dma source(%dma_start3A_144 : memref<10000x128xf32, #tpu.memory_space<hbm>>) target(%dma_start3A_138 : memref<128x128xf32, #tpu.memory_space<vmem>>) offsets(%dma_start3A_141 : memref<128xi32, #tpu.memory_space<vmem>>) semaphore(%arg13 : memref<!tpu.dma_semaphore, #tpu.memory_space<semaphore_mem>>)
      %dma_wait3A_145 = arith.constant 1 : i32
      %dma_wait3A_146 = arith.constant 128 : i32
      %dma_wait3A_147 = arith.constant 0 : i32
      %dma_wait3A_148 = tpu.memref_slice %arg11[%dma_wait3A_146, %dma_wait3A_147] : memref<256x128xf32, #tpu.memory_space<vmem>> -> memref<128x128xf32, #tpu.memory_space<vmem>>
      %dma_wait3A_149 = arith.constant 0 : i32
      %dma_wait3A_150 = tpu.memref_slice %arg8[%dma_wait3A_145, %dma_wait3A_149] : memref<2x128xi32, #tpu.memory_space<vmem>> -> memref<1x128xi32, #tpu.memory_space<vmem>>
      %dma_wait3A_151 = tpu.memref_squeeze %dma_wait3A_150 : memref<1x128xi32, #tpu.memory_space<vmem>> -> memref<128xi32, #tpu.memory_space<vmem>>
      %dma_wait3A_152 = arith.constant 0 : i32
      %dma_wait3A_153 = arith.constant 0 : i32
      %dma_wait3A_154 = tpu.memref_slice %arg5[%dma_wait3A_152, %dma_wait3A_153] : memref<10000x128xf32, #tpu.memory_space<hbm>> -> memref<10000x128xf32, #tpu.memory_space<hbm>>
      tpu.wait_indirect_dma semaphore(%arg13 : memref<!tpu.dma_semaphore, #tpu.memory_space<semaphore_mem>>) src(%dma_wait3A_154 : memref<10000x128xf32, #tpu.memory_space<hbm>>) dst(%dma_wait3A_148 : memref<128x128xf32, #tpu.memory_space<vmem>>)
      %scan3A_155 = arith.constant 0 : i32
      %scan3A_156 = arith.constant 0 : i32
      %scan3A_157 = arith.constant 16 : i32
      %scan3A_158 = arith.addi %scan3A_156, %scan3A_157 : i32
      %scan3A_159 = arith.constant 1 : i32
      %scan3A_160 = scf.for %scan3A_165 = %scan3A_156 to %scan3A_158 step %scan3A_159 iter_args(%scan3A_166 = %scan3A_155) -> (i32)  : i32 {
        %mul3A_167 = arith.constant 16 : i32
        %mul3A_168 = arith.muli %scan3A_165, %mul3A_167 : i32
        %get3A = arith.index_cast %mul3A_168 : i32 to index
        %get3A_169 = tpu.vector_load %arg10[%get3A] {strides = array<i32>} : memref<256xf32, #tpu.memory_space<vmem>>, vector<16xf32>,
        %get3A_170 = vector.shape_cast %get3A_169 : vector<16xf32> to vector<16xf32>
        %slice3A = vector.extract_strided_slice %get3A_170 {offsets = [0], sizes = [1], strides = [1]} : vector<16xf32> to vector<1xf32>
        %squeeze3A = vector.extract %slice3A[0] : f32 from vector<1xf32>
        %mul3A_171 = arith.constant 16 : i32
        %mul3A_172 = arith.muli %scan3A_165, %mul3A_171 : i32
        %add3A_173 = arith.constant 0 : i32
        %add3A_174 = arith.addi %mul3A_172, %add3A_173 : i32
        %get3A_175 = arith.index_cast %add3A_174 : i32 to index
        %get3A_176 = arith.constant 0 : index
        %get3A_177 = tpu.vector_load %arg11[%get3A_175, %get3A_176] {strides = array<i32>} : memref<256x128xf32, #tpu.memory_space<vmem>>, vector<1x16xf32>,
        %get3A_178 = vector.shape_cast %get3A_177 : vector<1x16xf32> to vector<16xf32>
        %mul3A_179 = vector.broadcast %squeeze3A : f32 to vector<16xf32>
        %mul3A_180 = arith.mulf %get3A_178, %mul3A_179 : vector<16xf32>
        %swap3A = arith.index_cast %add3A_174 : i32 to index
        %swap3A_181 = arith.constant 0 : index
        %swap3A_182 = tpu.vector_load %arg11[%swap3A, %swap3A_181] {strides = array<i32>} : memref<256x128xf32, #tpu.memory_space<vmem>>, vector<1x16xf32>,
        %swap3A_183 = vector.shape_cast %swap3A_182 : vector<1x16xf32> to vector<16xf32>
        %swap3A_184 = vector.shape_cast %mul3A_180 : vector<16xf32> to vector<1x16xf32>
        tpu.vector_store %arg11[%swap3A, %swap3A_181], %swap3A_184 {strides = array<i32>} : memref<256x128xf32, #tpu.memory_space<vmem>>, vector<1x16xf32>,
        %get3A_185 = arith.index_cast %add3A_174 : i32 to index
        %get3A_186 = arith.constant 16 : index
        %get3A_187 = tpu.vector_load %arg11[%get3A_185, %get3A_186] {strides = array<i32>} : memref<256x128xf32, #tpu.memory_space<vmem>>, vector<1x16xf32>,
        %get3A_188 = vector.shape_cast %get3A_187 : vector<1x16xf32> to vector<16xf32>
        %mul3A_189 = vector.broadcast %squeeze3A : f32 to vector<16xf32>
        %mul3A_190 = arith.mulf %get3A_188, %mul3A_189 : vector<16xf32>
        %swap3A_191 = arith.index_cast %add3A_174 : i32 to index
        %swap3A_192 = arith.constant 16 : index
        %swap3A_193 = tpu.vector_load %arg11[%swap3A_191, %swap3A_192] {strides = array<i32>} : memref<256x128xf32, #tpu.memory_space<vmem>>, vector<1x16xf32>,
        %swap3A_194 = vector.shape_cast %swap3A_193 : vector<1x16xf32> to vector<16xf32>
        %swap3A_195 = vector.shape_cast %mul3A_190 : vector<16xf32> to vector<1x16xf32>
        tpu.vector_store %arg11[%swap3A_191, %swap3A_192], %swap3A_195 {strides = array<i32>} : memref<256x128xf32, #tpu.memory_space<vmem>>, vector<1x16xf32>,
        %get3A_196 = arith.index_cast %add3A_174 : i32 to index
        %get3A_197 = arith.constant 32 : index
        %get3A_198 = tpu.vector_load %arg11[%get3A_196, %get3A_197] {strides = array<i32>} : memref<256x128xf32, #tpu.memory_space<vmem>>, vector<1x16xf32>,
        %get3A_199 = vector.shape_cast %get3A_198 : vector<1x16xf32> to vector<16xf32>
        %mul3A_200 = vector.broadcast %squeeze3A : f32 to vector<16xf32>
        %mul3A_201 = arith.mulf %get3A_199, %mul3A_200 : vector<16xf32>
        %swap3A_202 = arith.index_cast %add3A_174 : i32 to index
        %swap3A_203 = arith.constant 32 : index
        %swap3A_204 = tpu.vector_load %arg11[%swap3A_202, %swap3A_203] {strides = array<i32>} : memref<256x128xf32, #tpu.memory_space<vmem>>, vector<1x16xf32>,
        %swap3A_205 = vector.shape_cast %swap3A_204 : vector<1x16xf32> to vector<16xf32>
        %swap3A_206 = vector.shape_cast %mul3A_201 : vector<16xf32> to vector<1x16xf32>
        tpu.vector_store %arg11[%swap3A_202, %swap3A_203], %swap3A_206 {strides = array<i32>} : memref<256x128xf32, #tpu.memory_space<vmem>>, vector<1x16xf32>,
        %get3A_207 = arith.index_cast %add3A_174 : i32 to index
        %get3A_208 = arith.constant 48 : index
        %get3A_209 = tpu.vector_load %arg11[%get3A_207, %get3A_208] {strides = array<i32>} : memref<256x128xf32, #tpu.memory_space<vmem>>, vector<1x16xf32>,
        %get3A_210 = vector.shape_cast %get3A_209 : vector<1x16xf32> to vector<16xf32>
        %mul3A_211 = vector.broadcast %squeeze3A : f32 to vector<16xf32>
        %mul3A_212 = arith.mulf %get3A_210, %mul3A_211 : vector<16xf32>
        %swap3A_213 = arith.index_cast %add3A_174 : i32 to index
        %swap3A_214 = arith.constant 48 : index
        %swap3A_215 = tpu.vector_load %arg11[%swap3A_213, %swap3A_214] {strides = array<i32>} : memref<256x128xf32, #tpu.memory_space<vmem>>, vector<1x16xf32>,
        %swap3A_216 = vector.shape_cast %swap3A_215 : vector<1x16xf32> to vector<16xf32>
        %swap3A_217 = vector.shape_cast %mul3A_212 : vector<16xf32> to vector<1x16xf32>
        tpu.vector_store %arg11[%swap3A_213, %swap3A_214], %swap3A_217 {strides = array<i32>} : memref<256x128xf32, #tpu.memory_space<vmem>>, vector<1x16xf32>,
        %get3A_218 = arith.index_cast %add3A_174 : i32 to index
        %get3A_219 = arith.constant 64 : index
        %get3A_220 = tpu.vector_load %arg11[%get3A_218, %get3A_219] {strides = array<i32>} : memref<256x128xf32, #tpu.memory_space<vmem>>, vector<1x16xf32>,
        %get3A_221 = vector.shape_cast %get3A_220 : vector<1x16xf32> to vector<16xf32>
        %mul3A_222 = vector.broadcast %squeeze3A : f32 to vector<16xf32>
        %mul3A_223 = arith.mulf %get3A_221, %mul3A_222 : vector<16xf32>
        %swap3A_224 = arith.index_cast %add3A_174 : i32 to index
        %swap3A_225 = arith.constant 64 : index
        %swap3A_226 = tpu.vector_load %arg11[%swap3A_224, %swap3A_225] {strides = array<i32>} : memref<256x128xf32, #tpu.memory_space<vmem>>, vector<1x16xf32>,
        %swap3A_227 = vector.shape_cast %swap3A_226 : vector<1x16xf32> to vector<16xf32>
        %swap3A_228 = vector.shape_cast %mul3A_223 : vector<16xf32> to vector<1x16xf32>
        tpu.vector_store %arg11[%swap3A_224, %swap3A_225], %swap3A_228 {strides = array<i32>} : memref<256x128xf32, #tpu.memory_space<vmem>>, vector<1x16xf32>,
        %get3A_229 = arith.index_cast %add3A_174 : i32 to index
        %get3A_230 = arith.constant 80 : index
        %get3A_231 = tpu.vector_load %arg11[%get3A_229, %get3A_230] {strides = array<i32>} : memref<256x128xf32, #tpu.memory_space<vmem>>, vector<1x16xf32>,
        %get3A_232 = vector.shape_cast %get3A_231 : vector<1x16xf32> to vector<16xf32>
        %mul3A_233 = vector.broadcast %squeeze3A : f32 to vector<16xf32>
        %mul3A_234 = arith.mulf %get3A_232, %mul3A_233 : vector<16xf32>
        %swap3A_235 = arith.index_cast %add3A_174 : i32 to index
        %swap3A_236 = arith.constant 80 : index
        %swap3A_237 = tpu.vector_load %arg11[%swap3A_235, %swap3A_236] {strides = array<i32>} : memref<256x128xf32, #tpu.memory_space<vmem>>, vector<1x16xf32>,
        %swap3A_238 = vector.shape_cast %swap3A_237 : vector<1x16xf32> to vector<16xf32>
        %swap3A_239 = vector.shape_cast %mul3A_234 : vector<16xf32> to vector<1x16xf32>
        tpu.vector_store %arg11[%swap3A_235, %swap3A_236], %swap3A_239 {strides = array<i32>} : memref<256x128xf32, #tpu.memory_space<vmem>>, vector<1x16xf32>,
        %get3A_240 = arith.index_cast %add3A_174 : i32 to index
        %get3A_241 = arith.constant 96 : index
        %get3A_242 = tpu.vector_load %arg11[%get3A_240, %get3A_241] {strides = array<i32>} : memref<256x128xf32, #tpu.memory_space<vmem>>, vector<1x16xf32>,
        %get3A_243 = vector.shape_cast %get3A_242 : vector<1x16xf32> to vector<16xf32>
        %mul3A_244 = vector.broadcast %squeeze3A : f32 to vector<16xf32>
        %mul3A_245 = arith.mulf %get3A_243, %mul3A_244 : vector<16xf32>
        %swap3A_246 = arith.index_cast %add3A_174 : i32 to index
        %swap3A_247 = arith.constant 96 : index
        %swap3A_248 = tpu.vector_load %arg11[%swap3A_246, %swap3A_247] {strides = array<i32>} : memref<256x128xf32, #tpu.memory_space<vmem>>, vector<1x16xf32>,
        %swap3A_249 = vector.shape_cast %swap3A_248 : vector<1x16xf32> to vector<16xf32>
        %swap3A_250 = vector.shape_cast %mul3A_245 : vector<16xf32> to vector<1x16xf32>
        tpu.vector_store %arg11[%swap3A_246, %swap3A_247], %swap3A_250 {strides = array<i32>} : memref<256x128xf32, #tpu.memory_space<vmem>>, vector<1x16xf32>,
        %get3A_251 = arith.index_cast %add3A_174 : i32 to index
        %get3A_252 = arith.constant 112 : index
        %get3A_253 = tpu.vector_load %arg11[%get3A_251, %get3A_252] {strides = array<i32>} : memref<256x128xf32, #tpu.memory_space<vmem>>, vector<1x16xf32>,
        %get3A_254 = vector.shape_cast %get3A_253 : vector<1x16xf32> to vector<16xf32>
        %mul3A_255 = vector.broadcast %squeeze3A : f32 to vector<16xf32>
        %mul3A_256 = arith.mulf %get3A_254, %mul3A_255 : vector<16xf32>
        %swap3A_257 = arith.index_cast %add3A_174 : i32 to index
        %swap3A_258 = arith.constant 112 : index
        %swap3A_259 = tpu.vector_load %arg11[%swap3A_257, %swap3A_258] {strides = array<i32>} : memref<256x128xf32, #tpu.memory_space<vmem>>, vector<1x16xf32>,
        %swap3A_260 = vector.shape_cast %swap3A_259 : vector<1x16xf32> to vector<16xf32>
        %swap3A_261 = vector.shape_cast %mul3A_256 : vector<16xf32> to vector<1x16xf32>
        tpu.vector_store %arg11[%swap3A_257, %swap3A_258], %swap3A_261 {strides = array<i32>} : memref<256x128xf32, #tpu.memory_space<vmem>>, vector<1x16xf32>,
        %slice3A_262 = vector.extract_strided_slice %get3A_170 {offsets = [1], sizes = [1], strides = [1]} : vector<16xf32> to vector<1xf32>
        %squeeze3A_263 = vector.extract %slice3A_262[0] : f32 from vector<1xf32>
        %mul3A_264 = arith.constant 16 : i32
        %mul3A_265 = arith.muli %scan3A_165, %mul3A_264 : i32
        %add3A_266 = arith.constant 1 : i32
        %add3A_267 = arith.addi %mul3A_265, %add3A_266 : i32
        %get3A_268 = arith.index_cast %add3A_267 : i32 to index
        %get3A_269 = arith.constant 0 : index
        %get3A_270 = tpu.vector_load %arg11[%get3A_268, %get3A_269] {strides = array<i32>} : memref<256x128xf32, #tpu.memory_space<vmem>>, vector<1x16xf32>,
        %get3A_271 = vector.shape_cast %get3A_270 : vector<1x16xf32> to vector<16xf32>
        %mul3A_272 = vector.broadcast %squeeze3A_263 : f32 to vector<16xf32>
        %mul3A_273 = arith.mulf %get3A_271, %mul3A_272 : vector<16xf32>
        %swap3A_274 = arith.index_cast %add3A_267 : i32 to index
        %swap3A_275 = arith.constant 0 : index
        %swap3A_276 = tpu.vector_load %arg11[%swap3A_274, %swap3A_275] {strides = array<i32>} : memref<256x128xf32, #tpu.memory_space<vmem>>, vector<1x16xf32>,
        %swap3A_277 = vector.shape_cast %swap3A_276 : vector<1x16xf32> to vector<16xf32>
        %swap3A_278 = vector.shape_cast %mul3A_273 : vector<16xf32> to vector<1x16xf32>
        tpu.vector_store %arg11[%swap3A_274, %swap3A_275], %swap3A_278 {strides = array<i32>} : memref<256x128xf32, #tpu.memory_space<vmem>>, vector<1x16xf32>,
        %get3A_279 = arith.index_cast %add3A_267 : i32 to index
        %get3A_280 = arith.constant 16 : index
        %get3A_281 = tpu.vector_load %arg11[%get3A_279, %get3A_280] {strides = array<i32>} : memref<256x128xf32, #tpu.memory_space<vmem>>, vector<1x16xf32>,
        %get3A_282 = vector.shape_cast %get3A_281 : vector<1x16xf32> to vector<16xf32>
        %mul3A_283 = vector.broadcast %squeeze3A_263 : f32 to vector<16xf32>
        %mul3A_284 = arith.mulf %get3A_282, %mul3A_283 : vector<16xf32>
        %swap3A_285 = arith.index_cast %add3A_267 : i32 to index
        %swap3A_286 = arith.constant 16 : index
        %swap3A_287 = tpu.vector_load %arg11[%swap3A_285, %swap3A_286] {strides = array<i32>} : memref<256x128xf32, #tpu.memory_space<vmem>>, vector<1x16xf32>,
        %swap3A_288 = vector.shape_cast %swap3A_287 : vector<1x16xf32> to vector<16xf32>
        %swap3A_289 = vector.shape_cast %mul3A_284 : vector<16xf32> to vector<1x16xf32>
        tpu.vector_store %arg11[%swap3A_285, %swap3A_286], %swap3A_289 {strides = array<i32>} : memref<256x128xf32, #tpu.memory_space<vmem>>, vector<1x16xf32>,
        %get3A_290 = arith.index_cast %add3A_267 : i32 to index
        %get3A_291 = arith.constant 32 : index
        %get3A_292 = tpu.vector_load %arg11[%get3A_290, %get3A_291] {strides = array<i32>} : memref<256x128xf32, #tpu.memory_space<vmem>>, vector<1x16xf32>,
        %get3A_293 = vector.shape_cast %get3A_292 : vector<1x16xf32> to vector<16xf32>
        %mul3A_294 = vector.broadcast %squeeze3A_263 : f32 to vector<16xf32>
        %mul3A_295 = arith.mulf %get3A_293, %mul3A_294 : vector<16xf32>
        %swap3A_296 = arith.index_cast %add3A_267 : i32 to index
        %swap3A_297 = arith.constant 32 : index
        %swap3A_298 = tpu.vector_load %arg11[%swap3A_296, %swap3A_297] {strides = array<i32>} : memref<256x128xf32, #tpu.memory_space<vmem>>, vector<1x16xf32>,
        %swap3A_299 = vector.shape_cast %swap3A_298 : vector<1x16xf32> to vector<16xf32>
        %swap3A_300 = vector.shape_cast %mul3A_295 : vector<16xf32> to vector<1x16xf32>
        tpu.vector_store %arg11[%swap3A_296, %swap3A_297], %swap3A_300 {strides = array<i32>} : memref<256x128xf32, #tpu.memory_space<vmem>>, vector<1x16xf32>,
        %get3A_301 = arith.index_cast %add3A_267 : i32 to index
        %get3A_302 = arith.constant 48 : index
        %get3A_303 = tpu.vector_load %arg11[%get3A_301, %get3A_302] {strides = array<i32>} : memref<256x128xf32, #tpu.memory_space<vmem>>, vector<1x16xf32>,
        %get3A_304 = vector.shape_cast %get3A_303 : vector<1x16xf32> to vector<16xf32>
        %mul3A_305 = vector.broadcast %squeeze3A_263 : f32 to vector<16xf32>
        %mul3A_306 = arith.mulf %get3A_304, %mul3A_305 : vector<16xf32>
        %swap3A_307 = arith.index_cast %add3A_267 : i32 to index
        %swap3A_308 = arith.constant 48 : index
        %swap3A_309 = tpu.vector_load %arg11[%swap3A_307, %swap3A_308] {strides = array<i32>} : memref<256x128xf32, #tpu.memory_space<vmem>>, vector<1x16xf32>,
        %swap3A_310 = vector.shape_cast %swap3A_309 : vector<1x16xf32> to vector<16xf32>
        %swap3A_311 = vector.shape_cast %mul3A_306 : vector<16xf32> to vector<1x16xf32>
        tpu.vector_store %arg11[%swap3A_307, %swap3A_308], %swap3A_311 {strides = array<i32>} : memref<256x128xf32, #tpu.memory_space<vmem>>, vector<1x16xf32>,
        %get3A_312 = arith.index_cast %add3A_267 : i32 to index
        %get3A_313 = arith.constant 64 : index
        %get3A_314 = tpu.vector_load %arg11[%get3A_312, %get3A_313] {strides = array<i32>} : memref<256x128xf32, #tpu.memory_space<vmem>>, vector<1x16xf32>,
        %get3A_315 = vector.shape_cast %get3A_314 : vector<1x16xf32> to vector<16xf32>
        %mul3A_316 = vector.broadcast %squeeze3A_263 : f32 to vector<16xf32>
        %mul3A_317 = arith.mulf %get3A_315, %mul3A_316 : vector<16xf32>
        %swap3A_318 = arith.index_cast %add3A_267 : i32 to index
        %swap3A_319 = arith.constant 64 : index
        %swap3A_320 = tpu.vector_load %arg11[%swap3A_318, %swap3A_319] {strides = array<i32>} : memref<256x128xf32, #tpu.memory_space<vmem>>, vector<1x16xf32>,
        %swap3A_321 = vector.shape_cast %swap3A_320 : vector<1x16xf32> to vector<16xf32>
        %swap3A_322 = vector.shape_cast %mul3A_317 : vector<16xf32> to vector<1x16xf32>
        tpu.vector_store %arg11[%swap3A_318, %swap3A_319], %swap3A_322 {strides = array<i32>} : memref<256x128xf32, #tpu.memory_space<vmem>>, vector<1x16xf32>,
        %get3A_323 = arith.index_cast %add3A_267 : i32 to index
        %get3A_324 = arith.constant 80 : index
        %get3A_325 = tpu.vector_load %arg11[%get3A_323, %get3A_324] {strides = array<i32>} : memref<256x128xf32, #tpu.memory_space<vmem>>, vector<1x16xf32>,
        %get3A_326 = vector.shape_cast %get3A_325 : vector<1x16xf32> to vector<16xf32>
        %mul3A_327 = vector.broadcast %squeeze3A_263 : f32 to vector<16xf32>
        %mul3A_328 = arith.mulf %get3A_326, %mul3A_327 : vector<16xf32>
        %swap3A_329 = arith.index_cast %add3A_267 : i32 to index
        %swap3A_330 = arith.constant 80 : index
        %swap3A_331 = tpu.vector_load %arg11[%swap3A_329, %swap3A_330] {strides = array<i32>} : memref<256x128xf32, #tpu.memory_space<vmem>>, vector<1x16xf32>,
        %swap3A_332 = vector.shape_cast %swap3A_331 : vector<1x16xf32> to vector<16xf32>
        %swap3A_333 = vector.shape_cast %mul3A_328 : vector<16xf32> to vector<1x16xf32>
        tpu.vector_store %arg11[%swap3A_329, %swap3A_330], %swap3A_333 {strides = array<i32>} : memref<256x128xf32, #tpu.memory_space<vmem>>, vector<1x16xf32>,
        %get3A_334 = arith.index_cast %add3A_267 : i32 to index
        %get3A_335 = arith.constant 96 : index
        %get3A_336 = tpu.vector_load %arg11[%get3A_334, %get3A_335] {strides = array<i32>} : memref<256x128xf32, #tpu.memory_space<vmem>>, vector<1x16xf32>,
        %get3A_337 = vector.shape_cast %get3A_336 : vector<1x16xf32> to vector<16xf32>
        %mul3A_338 = vector.broadcast %squeeze3A_263 : f32 to vector<16xf32>
        %mul3A_339 = arith.mulf %get3A_337, %mul3A_338 : vector<16xf32>
        %swap3A_340 = arith.index_cast %add3A_267 : i32 to index
        %swap3A_341 = arith.constant 96 : index
        %swap3A_342 = tpu.vector_load %arg11[%swap3A_340, %swap3A_341] {strides = array<i32>} : memref<256x128xf32, #tpu.memory_space<vmem>>, vector<1x16xf32>,
        %swap3A_343 = vector.shape_cast %swap3A_342 : vector<1x16xf32> to vector<16xf32>
        %swap3A_344 = vector.shape_cast %mul3A_339 : vector<16xf32> to vector<1x16xf32>
        tpu.vector_store %arg11[%swap3A_340, %swap3A_341], %swap3A_344 {strides = array<i32>} : memref<256x128xf32, #tpu.memory_space<vmem>>, vector<1x16xf32>,
        %get3A_345 = arith.index_cast %add3A_267 : i32 to index
        %get3A_346 = arith.constant 112 : index
        %get3A_347 = tpu.vector_load %arg11[%get3A_345, %get3A_346] {strides = array<i32>} : memref<256x128xf32, #tpu.memory_space<vmem>>, vector<1x16xf32>,
        %get3A_348 = vector.shape_cast %get3A_347 : vector<1x16xf32> to vector<16xf32>
        %mul3A_349 = vector.broadcast %squeeze3A_263 : f32 to vector<16xf32>
        %mul3A_350 = arith.mulf %get3A_348, %mul3A_349 : vector<16xf32>
        %swap3A_351 = arith.index_cast %add3A_267 : i32 to index
        %swap3A_352 = arith.constant 112 : index
        %swap3A_353 = tpu.vector_load %arg11[%swap3A_351, %swap3A_352] {strides = array<i32>} : memref<256x128xf32, #tpu.memory_space<vmem>>, vector<1x16xf32>,
        %swap3A_354 = vector.shape_cast %swap3A_353 : vector<1x16xf32> to vector<16xf32>
        %swap3A_355 = vector.shape_cast %mul3A_350 : vector<16xf32> to vector<1x16xf32>
        tpu.vector_store %arg11[%swap3A_351, %swap3A_352], %swap3A_355 {strides = array<i32>} : memref<256x128xf32, #tpu.memory_space<vmem>>, vector<1x16xf32>,
        %slice3A_356 = vector.extract_strided_slice %get3A_170 {offsets = [2], sizes = [1], strides = [1]} : vector<16xf32> to vector<1xf32>
        %squeeze3A_357 = vector.extract %slice3A_356[0] : f32 from vector<1xf32>
        %mul3A_358 = arith.constant 16 : i32
        %mul3A_359 = arith.muli %scan3A_165, %mul3A_358 : i32
        %add3A_360 = arith.constant 2 : i32
        %add3A_361 = arith.addi %mul3A_359, %add3A_360 : i32
        %get3A_362 = arith.index_cast %add3A_361 : i32 to index
        %get3A_363 = arith.constant 0 : index
        %get3A_364 = tpu.vector_load %arg11[%get3A_362, %get3A_363] {strides = array<i32>} : memref<256x128xf32, #tpu.memory_space<vmem>>, vector<1x16xf32>,
        %get3A_365 = vector.shape_cast %get3A_364 : vector<1x16xf32> to vector<16xf32>
        %mul3A_366 = vector.broadcast %squeeze3A_357 : f32 to vector<16xf32>
        %mul3A_367 = arith.mulf %get3A_365, %mul3A_366 : vector<16xf32>
        %swap3A_368 = arith.index_cast %add3A_361 : i32 to index
        %swap3A_369 = arith.constant 0 : index
        %swap3A_370 = tpu.vector_load %arg11[%swap3A_368, %swap3A_369] {strides = array<i32>} : memref<256x128xf32, #tpu.memory_space<vmem>>, vector<1x16xf32>,
        %swap3A_371 = vector.shape_cast %swap3A_370 : vector<1x16xf32> to vector<16xf32>
        %swap3A_372 = vector.shape_cast %mul3A_367 : vector<16xf32> to vector<1x16xf32>
        tpu.vector_store %arg11[%swap3A_368, %swap3A_369], %swap3A_372 {strides = array<i32>} : memref<256x128xf32, #tpu.memory_space<vmem>>, vector<1x16xf32>,
        %get3A_373 = arith.index_cast %add3A_361 : i32 to index
        %get3A_374 = arith.constant 16 : index
        %get3A_375 = tpu.vector_load %arg11[%get3A_373, %get3A_374] {strides = array<i32>} : memref<256x128xf32, #tpu.memory_space<vmem>>, vector<1x16xf32>,
        %get3A_376 = vector.shape_cast %get3A_375 : vector<1x16xf32> to vector<16xf32>
        %mul3A_377 = vector.broadcast %squeeze3A_357 : f32 to vector<16xf32>
        %mul3A_378 = arith.mulf %get3A_376, %mul3A_377 : vector<16xf32>
        %swap3A_379 = arith.index_cast %add3A_361 : i32 to index
        %swap3A_380 = arith.constant 16 : index
        %swap3A_381 = tpu.vector_load %arg11[%swap3A_379, %swap3A_380] {strides = array<i32>} : memref<256x128xf32, #tpu.memory_space<vmem>>, vector<1x16xf32>,
        %swap3A_382 = vector.shape_cast %swap3A_381 : vector<1x16xf32> to vector<16xf32>
        %swap3A_383 = vector.shape_cast %mul3A_378 : vector<16xf32> to vector<1x16xf32>
        tpu.vector_store %arg11[%swap3A_379, %swap3A_380], %swap3A_383 {strides = array<i32>} : memref<256x128xf32, #tpu.memory_space<vmem>>, vector<1x16xf32>,
        %get3A_384 = arith.index_cast %add3A_361 : i32 to index
        %get3A_385 = arith.constant 32 : index
        %get3A_386 = tpu.vector_load %arg11[%get3A_384, %get3A_385] {strides = array<i32>} : memref<256x128xf32, #tpu.memory_space<vmem>>, vector<1x16xf32>,
        %get3A_387 = vector.shape_cast %get3A_386 : vector<1x16xf32> to vector<16xf32>
        %mul3A_388 = vector.broadcast %squeeze3A_357 : f32 to vector<16xf32>
        %mul3A_389 = arith.mulf %get3A_387, %mul3A_388 : vector<16xf32>
        %swap3A_390 = arith.index_cast %add3A_361 : i32 to index
        %swap3A_391 = arith.constant 32 : index
        %swap3A_392 = tpu.vector_load %arg11[%swap3A_390, %swap3A_391] {strides = array<i32>} : memref<256x128xf32, #tpu.memory_space<vmem>>, vector<1x16xf32>,
        %swap3A_393 = vector.shape_cast %swap3A_392 : vector<1x16xf32> to vector<16xf32>
        %swap3A_394 = vector.shape_cast %mul3A_389 : vector<16xf32> to vector<1x16xf32>
        tpu.vector_store %arg11[%swap3A_390, %swap3A_391], %swap3A_394 {strides = array<i32>} : memref<256x128xf32, #tpu.memory_space<vmem>>, vector<1x16xf32>,
        %get3A_395 = arith.index_cast %add3A_361 : i32 to index
        %get3A_396 = arith.constant 48 : index
        %get3A_397 = tpu.vector_load %arg11[%get3A_395, %get3A_396] {strides = array<i32>} : memref<256x128xf32, #tpu.memory_space<vmem>>, vector<1x16xf32>,
        %get3A_398 = vector.shape_cast %get3A_397 : vector<1x16xf32> to vector<16xf32>
        %mul3A_399 = vector.broadcast %squeeze3A_357 : f32 to vector<16xf32>
        %mul3A_400 = arith.mulf %get3A_398, %mul3A_399 : vector<16xf32>
        %swap3A_401 = arith.index_cast %add3A_361 : i32 to index
        %swap3A_402 = arith.constant 48 : index
        %swap3A_403 = tpu.vector_load %arg11[%swap3A_401, %swap3A_402] {strides = array<i32>} : memref<256x128xf32, #tpu.memory_space<vmem>>, vector<1x16xf32>,
        %swap3A_404 = vector.shape_cast %swap3A_403 : vector<1x16xf32> to vector<16xf32>
        %swap3A_405 = vector.shape_cast %mul3A_400 : vector<16xf32> to vector<1x16xf32>
        tpu.vector_store %arg11[%swap3A_401, %swap3A_402], %swap3A_405 {strides = array<i32>} : memref<256x128xf32, #tpu.memory_space<vmem>>, vector<1x16xf32>,
        %get3A_406 = arith.index_cast %add3A_361 : i32 to index
        %get3A_407 = arith.constant 64 : index
        %get3A_408 = tpu.vector_load %arg11[%get3A_406, %get3A_407] {strides = array<i32>} : memref<256x128xf32, #tpu.memory_space<vmem>>, vector<1x16xf32>,
        %get3A_409 = vector.shape_cast %get3A_408 : vector<1x16xf32> to vector<16xf32>
        %mul3A_410 = vector.broadcast %squeeze3A_357 : f32 to vector<16xf32>
        %mul3A_411 = arith.mulf %get3A_409, %mul3A_410 : vector<16xf32>
        %swap3A_412 = arith.index_cast %add3A_361 : i32 to index
        %swap3A_413 = arith.constant 64 : index
        %swap3A_414 = tpu.vector_load %arg11[%swap3A_412, %swap3A_413] {strides = array<i32>} : memref<256x128xf32, #tpu.memory_space<vmem>>, vector<1x16xf32>,
        %swap3A_415 = vector.shape_cast %swap3A_414 : vector<1x16xf32> to vector<16xf32>
        %swap3A_416 = vector.shape_cast %mul3A_411 : vector<16xf32> to vector<1x16xf32>
        tpu.vector_store %arg11[%swap3A_412, %swap3A_413], %swap3A_416 {strides = array<i32>} : memref<256x128xf32, #tpu.memory_space<vmem>>, vector<1x16xf32>,
        %get3A_417 = arith.index_cast %add3A_361 : i32 to index
        %get3A_418 = arith.constant 80 : index
        %get3A_419 = tpu.vector_load %arg11[%get3A_417, %get3A_418] {strides = array<i32>} : memref<256x128xf32, #tpu.memory_space<vmem>>, vector<1x16xf32>,
        %get3A_420 = vector.shape_cast %get3A_419 : vector<1x16xf32> to vector<16xf32>
        %mul3A_421 = vector.broadcast %squeeze3A_357 : f32 to vector<16xf32>
        %mul3A_422 = arith.mulf %get3A_420, %mul3A_421 : vector<16xf32>
        %swap3A_423 = arith.index_cast %add3A_361 : i32 to index
        %swap3A_424 = arith.constant 80 : index
        %swap3A_425 = tpu.vector_load %arg11[%swap3A_423, %swap3A_424] {strides = array<i32>} : memref<256x128xf32, #tpu.memory_space<vmem>>, vector<1x16xf32>,
        %swap3A_426 = vector.shape_cast %swap3A_425 : vector<1x16xf32> to vector<16xf32>
        %swap3A_427 = vector.shape_cast %mul3A_422 : vector<16xf32> to vector<1x16xf32>
        tpu.vector_store %arg11[%swap3A_423, %swap3A_424], %swap3A_427 {strides = array<i32>} : memref<256x128xf32, #tpu.memory_space<vmem>>, vector<1x16xf32>,
        %get3A_428 = arith.index_cast %add3A_361 : i32 to index
        %get3A_429 = arith.constant 96 : index
        %get3A_430 = tpu.vector_load %arg11[%get3A_428, %get3A_429] {strides = array<i32>} : memref<256x128xf32, #tpu.memory_space<vmem>>, vector<1x16xf32>,
        %get3A_431 = vector.shape_cast %get3A_430 : vector<1x16xf32> to vector<16xf32>
        %mul3A_432 = vector.broadcast %squeeze3A_357 : f32 to vector<16xf32>
        %mul3A_433 = arith.mulf %get3A_431, %mul3A_432 : vector<16xf32>
        %swap3A_434 = arith.index_cast %add3A_361 : i32 to index
        %swap3A_435 = arith.constant 96 : index
        %swap3A_436 = tpu.vector_load %arg11[%swap3A_434, %swap3A_435] {strides = array<i32>} : memref<256x128xf32, #tpu.memory_space<vmem>>, vector<1x16xf32>,
        %swap3A_437 = vector.shape_cast %swap3A_436 : vector<1x16xf32> to vector<16xf32>
        %swap3A_438 = vector.shape_cast %mul3A_433 : vector<16xf32> to vector<1x16xf32>
        tpu.vector_store %arg11[%swap3A_434, %swap3A_435], %swap3A_438 {strides = array<i32>} : memref<256x128xf32, #tpu.memory_space<vmem>>, vector<1x16xf32>,
        %get3A_439 = arith.index_cast %add3A_361 : i32 to index
        %get3A_440 = arith.constant 112 : index
        %get3A_441 = tpu.vector_load %arg11[%get3A_439, %get3A_440] {strides = array<i32>} : memref<256x128xf32, #tpu.memory_space<vmem>>, vector<1x16xf32>,
        %get3A_442 = vector.shape_cast %get3A_441 : vector<1x16xf32> to vector<16xf32>
        %mul3A_443 = vector.broadcast %squeeze3A_357 : f32 to vector<16xf32>
        %mul3A_444 = arith.mulf %get3A_442, %mul3A_443 : vector<16xf32>
        %swap3A_445 = arith.index_cast %add3A_361 : i32 to index
        %swap3A_446 = arith.constant 112 : index
        %swap3A_447 = tpu.vector_load %arg11[%swap3A_445, %swap3A_446] {strides = array<i32>} : memref<256x128xf32, #tpu.memory_space<vmem>>, vector<1x16xf32>,
        %swap3A_448 = vector.shape_cast %swap3A_447 : vector<1x16xf32> to vector<16xf32>
        %swap3A_449 = vector.shape_cast %mul3A_444 : vector<16xf32> to vector<1x16xf32>
        tpu.vector_store %arg11[%swap3A_445, %swap3A_446], %swap3A_449 {strides = array<i32>} : memref<256x128xf32, #tpu.memory_space<vmem>>, vector<1x16xf32>,
        %slice3A_450 = vector.extract_strided_slice %get3A_170 {offsets = [3], sizes = [1], strides = [1]} : vector<16xf32> to vector<1xf32>
        %squeeze3A_451 = vector.extract %slice3A_450[0] : f32 from vector<1xf32>
        %mul3A_452 = arith.constant 16 : i32
        %mul3A_453 = arith.muli %scan3A_165, %mul3A_452 : i32
        %add3A_454 = arith.constant 3 : i32
        %add3A_455 = arith.addi %mul3A_453, %add3A_454 : i32
        %get3A_456 = arith.index_cast %add3A_455 : i32 to index
        %get3A_457 = arith.constant 0 : index
        %get3A_458 = tpu.vector_load %arg11[%get3A_456, %get3A_457] {strides = array<i32>} : memref<256x128xf32, #tpu.memory_space<vmem>>, vector<1x16xf32>,
        %get3A_459 = vector.shape_cast %get3A_458 : vector<1x16xf32> to vector<16xf32>
        %mul3A_460 = vector.broadcast %squeeze3A_451 : f32 to vector<16xf32>
        %mul3A_461 = arith.mulf %get3A_459, %mul3A_460 : vector<16xf32>
        %swap3A_462 = arith.index_cast %add3A_455 : i32 to index
        %swap3A_463 = arith.constant 0 : index
        %swap3A_464 = tpu.vector_load %arg11[%swap3A_462, %swap3A_463] {strides = array<i32>} : memref<256x128xf32, #tpu.memory_space<vmem>>, vector<1x16xf32>,
        %swap3A_465 = vector.shape_cast %swap3A_464 : vector<1x16xf32> to vector<16xf32>
        %swap3A_466 = vector.shape_cast %mul3A_461 : vector<16xf32> to vector<1x16xf32>
        tpu.vector_store %arg11[%swap3A_462, %swap3A_463], %swap3A_466 {strides = array<i32>} : memref<256x128xf32, #tpu.memory_space<vmem>>, vector<1x16xf32>,
        %get3A_467 = arith.index_cast %add3A_455 : i32 to index
        %get3A_468 = arith.constant 16 : index
        %get3A_469 = tpu.vector_load %arg11[%get3A_467, %get3A_468] {strides = array<i32>} : memref<256x128xf32, #tpu.memory_space<vmem>>, vector<1x16xf32>,
        %get3A_470 = vector.shape_cast %get3A_469 : vector<1x16xf32> to vector<16xf32>
        %mul3A_471 = vector.broadcast %squeeze3A_451 : f32 to vector<16xf32>
        %mul3A_472 = arith.mulf %get3A_470, %mul3A_471 : vector<16xf32>
        %swap3A_473 = arith.index_cast %add3A_455 : i32 to index
        %swap3A_474 = arith.constant 16 : index
        %swap3A_475 = tpu.vector_load %arg11[%swap3A_473, %swap3A_474] {strides = array<i32>} : memref<256x128xf32, #tpu.memory_space<vmem>>, vector<1x16xf32>,
        %swap3A_476 = vector.shape_cast %swap3A_475 : vector<1x16xf32> to vector<16xf32>
        %swap3A_477 = vector.shape_cast %mul3A_472 : vector<16xf32> to vector<1x16xf32>
        tpu.vector_store %arg11[%swap3A_473, %swap3A_474], %swap3A_477 {strides = array<i32>} : memref<256x128xf32, #tpu.memory_space<vmem>>, vector<1x16xf32>,
        %get3A_478 = arith.index_cast %add3A_455 : i32 to index
        %get3A_479 = arith.constant 32 : index
        %get3A_480 = tpu.vector_load %arg11[%get3A_478, %get3A_479] {strides = array<i32>} : memref<256x128xf32, #tpu.memory_space<vmem>>, vector<1x16xf32>,
        %get3A_481 = vector.shape_cast %get3A_480 : vector<1x16xf32> to vector<16xf32>
        %mul3A_482 = vector.broadcast %squeeze3A_451 : f32 to vector<16xf32>
        %mul3A_483 = arith.mulf %get3A_481, %mul3A_482 : vector<16xf32>
        %swap3A_484 = arith.index_cast %add3A_455 : i32 to index
        %swap3A_485 = arith.constant 32 : index
        %swap3A_486 = tpu.vector_load %arg11[%swap3A_484, %swap3A_485] {strides = array<i32>} : memref<256x128xf32, #tpu.memory_space<vmem>>, vector<1x16xf32>,
        %swap3A_487 = vector.shape_cast %swap3A_486 : vector<1x16xf32> to vector<16xf32>
        %swap3A_488 = vector.shape_cast %mul3A_483 : vector<16xf32> to vector<1x16xf32>
        tpu.vector_store %arg11[%swap3A_484, %swap3A_485], %swap3A_488 {strides = array<i32>} : memref<256x128xf32, #tpu.memory_space<vmem>>, vector<1x16xf32>,
        %get3A_489 = arith.index_cast %add3A_455 : i32 to index
        %get3A_490 = arith.constant 48 : index
        %get3A_491 = tpu.vector_load %arg11[%get3A_489, %get3A_490] {strides = array<i32>} : memref<256x128xf32, #tpu.memory_space<vmem>>, vector<1x16xf32>,
        %get3A_492 = vector.shape_cast %get3A_491 : vector<1x16xf32> to vector<16xf32>
        %mul3A_493 = vector.broadcast %squeeze3A_451 : f32 to vector<16xf32>
        %mul3A_494 = arith.mulf %get3A_492, %mul3A_493 : vector<16xf32>
        %swap3A_495 = arith.index_cast %add3A_455 : i32 to index
        %swap3A_496 = arith.constant 48 : index
        %swap3A_497 = tpu.vector_load %arg11[%swap3A_495, %swap3A_496] {strides = array<i32>} : memref<256x128xf32, #tpu.memory_space<vmem>>, vector<1x16xf32>,
        %swap3A_498 = vector.shape_cast %swap3A_497 : vector<1x16xf32> to vector<16xf32>
        %swap3A_499 = vector.shape_cast %mul3A_494 : vector<16xf32> to vector<1x16xf32>
        tpu.vector_store %arg11[%swap3A_495, %swap3A_496], %swap3A_499 {strides = array<i32>} : memref<256x128xf32, #tpu.memory_space<vmem>>, vector<1x16xf32>,
        %get3A_500 = arith.index_cast %add3A_455 : i32 to index
        %get3A_501 = arith.constant 64 : index
        %get3A_502 = tpu.vector_load %arg11[%get3A_500, %get3A_501] {strides = array<i32>} : memref<256x128xf32, #tpu.memory_space<vmem>>, vector<1x16xf32>,
        %get3A_503 = vector.shape_cast %get3A_502 : vector<1x16xf32> to vector<16xf32>
        %mul3A_504 = vector.broadcast %squeeze3A_451 : f32 to vector<16xf32>
        %mul3A_505 = arith.mulf %get3A_503, %mul3A_504 : vector<16xf32>
        %swap3A_506 = arith.index_cast %add3A_455 : i32 to index
        %swap3A_507 = arith.constant 64 : index
        %swap3A_508 = tpu.vector_load %arg11[%swap3A_506, %swap3A_507] {strides = array<i32>} : memref<256x128xf32, #tpu.memory_space<vmem>>, vector<1x16xf32>,
        %swap3A_509 = vector.shape_cast %swap3A_508 : vector<1x16xf32> to vector<16xf32>
        %swap3A_510 = vector.shape_cast %mul3A_505 : vector<16xf32> to vector<1x16xf32>
        tpu.vector_store %arg11[%swap3A_506, %swap3A_507], %swap3A_510 {strides = array<i32>} : memref<256x128xf32, #tpu.memory_space<vmem>>, vector<1x16xf32>,
        %get3A_511 = arith.index_cast %add3A_455 : i32 to index
        %get3A_512 = arith.constant 80 : index
        %get3A_513 = tpu.vector_load %arg11[%get3A_511, %get3A_512] {strides = array<i32>} : memref<256x128xf32, #tpu.memory_space<vmem>>, vector<1x16xf32>,
        %get3A_514 = vector.shape_cast %get3A_513 : vector<1x16xf32> to vector<16xf32>
        %mul3A_515 = vector.broadcast %squeeze3A_451 : f32 to vector<16xf32>
        %mul3A_516 = arith.mulf %get3A_514, %mul3A_515 : vector<16xf32>
        %swap3A_517 = arith.index_cast %add3A_455 : i32 to index
        %swap3A_518 = arith.constant 80 : index
        %swap3A_519 = tpu.vector_load %arg11[%swap3A_517, %swap3A_518] {strides = array<i32>} : memref<256x128xf32, #tpu.memory_space<vmem>>, vector<1x16xf32>,
        %swap3A_520 = vector.shape_cast %swap3A_519 : vector<1x16xf32> to vector<16xf32>
        %swap3A_521 = vector.shape_cast %mul3A_516 : vector<16xf32> to vector<1x16xf32>
        tpu.vector_store %arg11[%swap3A_517, %swap3A_518], %swap3A_521 {strides = array<i32>} : memref<256x128xf32, #tpu.memory_space<vmem>>, vector<1x16xf32>,
        %get3A_522 = arith.index_cast %add3A_455 : i32 to index
        %get3A_523 = arith.constant 96 : index
        %get3A_524 = tpu.vector_load %arg11[%get3A_522, %get3A_523] {strides = array<i32>} : memref<256x128xf32, #tpu.memory_space<vmem>>, vector<1x16xf32>,
        %get3A_525 = vector.shape_cast %get3A_524 : vector<1x16xf32> to vector<16xf32>
        %mul3A_526 = vector.broadcast %squeeze3A_451 : f32 to vector<16xf32>
        %mul3A_527 = arith.mulf %get3A_525, %mul3A_526 : vector<16xf32>
        %swap3A_528 = arith.index_cast %add3A_455 : i32 to index
        %swap3A_529 = arith.constant 96 : index
        %swap3A_530 = tpu.vector_load %arg11[%swap3A_528, %swap3A_529] {strides = array<i32>} : memref<256x128xf32, #tpu.memory_space<vmem>>, vector<1x16xf32>,
        %swap3A_531 = vector.shape_cast %swap3A_530 : vector<1x16xf32> to vector<16xf32>
        %swap3A_532 = vector.shape_cast %mul3A_527 : vector<16xf32> to vector<1x16xf32>
        tpu.vector_store %arg11[%swap3A_528, %swap3A_529], %swap3A_532 {strides = array<i32>} : memref<256x128xf32, #tpu.memory_space<vmem>>, vector<1x16xf32>,
        %get3A_533 = arith.index_cast %add3A_455 : i32 to index
        %get3A_534 = arith.constant 112 : index
        %get3A_535 = tpu.vector_load %arg11[%get3A_533, %get3A_534] {strides = array<i32>} : memref<256x128xf32, #tpu.memory_space<vmem>>, vector<1x16xf32>,
        %get3A_536 = vector.shape_cast %get3A_535 : vector<1x16xf32> to vector<16xf32>
        %mul3A_537 = vector.broadcast %squeeze3A_451 : f32 to vector<16xf32>
        %mul3A_538 = arith.mulf %get3A_536, %mul3A_537 : vector<16xf32>
        %swap3A_539 = arith.index_cast %add3A_455 : i32 to index
        %swap3A_540 = arith.constant 112 : index
        %swap3A_541 = tpu.vector_load %arg11[%swap3A_539, %swap3A_540] {strides = array<i32>} : memref<256x128xf32, #tpu.memory_space<vmem>>, vector<1x16xf32>,
        %swap3A_542 = vector.shape_cast %swap3A_541 : vector<1x16xf32> to vector<16xf32>
        %swap3A_543 = vector.shape_cast %mul3A_538 : vector<16xf32> to vector<1x16xf32>
        tpu.vector_store %arg11[%swap3A_539, %swap3A_540], %swap3A_543 {strides = array<i32>} : memref<256x128xf32, #tpu.memory_space<vmem>>, vector<1x16xf32>,
        %slice3A_544 = vector.extract_strided_slice %get3A_170 {offsets = [4], sizes = [1], strides = [1]} : vector<16xf32> to vector<1xf32>
        %squeeze3A_545 = vector.extract %slice3A_544[0] : f32 from vector<1xf32>
        %mul3A_546 = arith.constant 16 : i32
        %mul3A_547 = arith.muli %scan3A_165, %mul3A_546 : i32
        %add3A_548 = arith.constant 4 : i32
        %add3A_549 = arith.addi %mul3A_547, %add3A_548 : i32
        %get3A_550 = arith.index_cast %add3A_549 : i32 to index
        %get3A_551 = arith.constant 0 : index
        %get3A_552 = tpu.vector_load %arg11[%get3A_550, %get3A_551] {strides = array<i32>} : memref<256x128xf32, #tpu.memory_space<vmem>>, vector<1x16xf32>,
        %get3A_553 = vector.shape_cast %get3A_552 : vector<1x16xf32> to vector<16xf32>
        %mul3A_554 = vector.broadcast %squeeze3A_545 : f32 to vector<16xf32>
        %mul3A_555 = arith.mulf %get3A_553, %mul3A_554 : vector<16xf32>
        %swap3A_556 = arith.index_cast %add3A_549 : i32 to index
        %swap3A_557 = arith.constant 0 : index
        %swap3A_558 = tpu.vector_load %arg11[%swap3A_556, %swap3A_557] {strides = array<i32>} : memref<256x128xf32, #tpu.memory_space<vmem>>, vector<1x16xf32>,
        %swap3A_559 = vector.shape_cast %swap3A_558 : vector<1x16xf32> to vector<16xf32>
        %swap3A_560 = vector.shape_cast %mul3A_555 : vector<16xf32> to vector<1x16xf32>
        tpu.vector_store %arg11[%swap3A_556, %swap3A_557], %swap3A_560 {strides = array<i32>} : memref<256x128xf32, #tpu.memory_space<vmem>>, vector<1x16xf32>,
        %get3A_561 = arith.index_cast %add3A_549 : i32 to index
        %get3A_562 = arith.constant 16 : index
        %get3A_563 = tpu.vector_load %arg11[%get3A_561, %get3A_562] {strides = array<i32>} : memref<256x128xf32, #tpu.memory_space<vmem>>, vector<1x16xf32>,
        %get3A_564 = vector.shape_cast %get3A_563 : vector<1x16xf32> to vector<16xf32>
        %mul3A_565 = vector.broadcast %squeeze3A_545 : f32 to vector<16xf32>
        %mul3A_566 = arith.mulf %get3A_564, %mul3A_565 : vector<16xf32>
        %swap3A_567 = arith.index_cast %add3A_549 : i32 to index
        %swap3A_568 = arith.constant 16 : index
        %swap3A_569 = tpu.vector_load %arg11[%swap3A_567, %swap3A_568] {strides = array<i32>} : memref<256x128xf32, #tpu.memory_space<vmem>>, vector<1x16xf32>,
        %swap3A_570 = vector.shape_cast %swap3A_569 : vector<1x16xf32> to vector<16xf32>
        %swap3A_571 = vector.shape_cast %mul3A_566 : vector<16xf32> to vector<1x16xf32>
        tpu.vector_store %arg11[%swap3A_567, %swap3A_568], %swap3A_571 {strides = array<i32>} : memref<256x128xf32, #tpu.memory_space<vmem>>, vector<1x16xf32>,
        %get3A_572 = arith.index_cast %add3A_549 : i32 to index
        %get3A_573 = arith.constant 32 : index
        %get3A_574 = tpu.vector_load %arg11[%get3A_572, %get3A_573] {strides = array<i32>} : memref<256x128xf32, #tpu.memory_space<vmem>>, vector<1x16xf32>,
        %get3A_575 = vector.shape_cast %get3A_574 : vector<1x16xf32> to vector<16xf32>
        %mul3A_576 = vector.broadcast %squeeze3A_545 : f32 to vector<16xf32>
        %mul3A_577 = arith.mulf %get3A_575, %mul3A_576 : vector<16xf32>
        %swap3A_578 = arith.index_cast %add3A_549 : i32 to index
        %swap3A_579 = arith.constant 32 : index
        %swap3A_580 = tpu.vector_load %arg11[%swap3A_578, %swap3A_579] {strides = array<i32>} : memref<256x128xf32, #tpu.memory_space<vmem>>, vector<1x16xf32>,
        %swap3A_581 = vector.shape_cast %swap3A_580 : vector<1x16xf32> to vector<16xf32>
        %swap3A_582 = vector.shape_cast %mul3A_577 : vector<16xf32> to vector<1x16xf32>
        tpu.vector_store %arg11[%swap3A_578, %swap3A_579], %swap3A_582 {strides = array<i32>} : memref<256x128xf32, #tpu.memory_space<vmem>>, vector<1x16xf32>,
        %get3A_583 = arith.index_cast %add3A_549 : i32 to index
        %get3A_584 = arith.constant 48 : index
        %get3A_585 = tpu.vector_load %arg11[%get3A_583, %get3A_584] {strides = array<i32>} : memref<256x128xf32, #tpu.memory_space<vmem>>, vector<1x16xf32>,
        %get3A_586 = vector.shape_cast %get3A_585 : vector<1x16xf32> to vector<16xf32>
        %mul3A_587 = vector.broadcast %squeeze3A_545 : f32 to vector<16xf32>
        %mul3A_588 = arith.mulf %get3A_586, %mul3A_587 : vector<16xf32>
        %swap3A_589 = arith.index_cast %add3A_549 : i32 to index
        %swap3A_590 = arith.constant 48 : index
        %swap3A_591 = tpu.vector_load %arg11[%swap3A_589, %swap3A_590] {strides = array<i32>} : memref<256x128xf32, #tpu.memory_space<vmem>>, vector<1x16xf32>,
        %swap3A_592 = vector.shape_cast %swap3A_591 : vector<1x16xf32> to vector<16xf32>
        %swap3A_593 = vector.shape_cast %mul3A_588 : vector<16xf32> to vector<1x16xf32>
        tpu.vector_store %arg11[%swap3A_589, %swap3A_590], %swap3A_593 {strides = array<i32>} : memref<256x128xf32, #tpu.memory_space<vmem>>, vector<1x16xf32>,
        %get3A_594 = arith.index_cast %add3A_549 : i32 to index
        %get3A_595 = arith.constant 64 : index
        %get3A_596 = tpu.vector_load %arg11[%get3A_594, %get3A_595] {strides = array<i32>} : memref<256x128xf32, #tpu.memory_space<vmem>>, vector<1x16xf32>,
        %get3A_597 = vector.shape_cast %get3A_596 : vector<1x16xf32> to vector<16xf32>
        %mul3A_598 = vector.broadcast %squeeze3A_545 : f32 to vector<16xf32>
        %mul3A_599 = arith.mulf %get3A_597, %mul3A_598 : vector<16xf32>
        %swap3A_600 = arith.index_cast %add3A_549 : i32 to index
        %swap3A_601 = arith.constant 64 : index
        %swap3A_602 = tpu.vector_load %arg11[%swap3A_600, %swap3A_601] {strides = array<i32>} : memref<256x128xf32, #tpu.memory_space<vmem>>, vector<1x16xf32>,
        %swap3A_603 = vector.shape_cast %swap3A_602 : vector<1x16xf32> to vector<16xf32>
        %swap3A_604 = vector.shape_cast %mul3A_599 : vector<16xf32> to vector<1x16xf32>
        tpu.vector_store %arg11[%swap3A_600, %swap3A_601], %swap3A_604 {strides = array<i32>} : memref<256x128xf32, #tpu.memory_space<vmem>>, vector<1x16xf32>,
        %get3A_605 = arith.index_cast %add3A_549 : i32 to index
        %get3A_606 = arith.constant 80 : index
        %get3A_607 = tpu.vector_load %arg11[%get3A_605, %get3A_606] {strides = array<i32>} : memref<256x128xf32, #tpu.memory_space<vmem>>, vector<1x16xf32>,
        %get3A_608 = vector.shape_cast %get3A_607 : vector<1x16xf32> to vector<16xf32>
        %mul3A_609 = vector.broadcast %squeeze3A_545 : f32 to vector<16xf32>
        %mul3A_610 = arith.mulf %get3A_608, %mul3A_609 : vector<16xf32>
        %swap3A_611 = arith.index_cast %add3A_549 : i32 to index
        %swap3A_612 = arith.constant 80 : index
        %swap3A_613 = tpu.vector_load %arg11[%swap3A_611, %swap3A_612] {strides = array<i32>} : memref<256x128xf32, #tpu.memory_space<vmem>>, vector<1x16xf32>,
        %swap3A_614 = vector.shape_cast %swap3A_613 : vector<1x16xf32> to vector<16xf32>
        %swap3A_615 = vector.shape_cast %mul3A_610 : vector<16xf32> to vector<1x16xf32>
        tpu.vector_store %arg11[%swap3A_611, %swap3A_612], %swap3A_615 {strides = array<i32>} : memref<256x128xf32, #tpu.memory_space<vmem>>, vector<1x16xf32>,
        %get3A_616 = arith.index_cast %add3A_549 : i32 to index
        %get3A_617 = arith.constant 96 : index
        %get3A_618 = tpu.vector_load %arg11[%get3A_616, %get3A_617] {strides = array<i32>} : memref<256x128xf32, #tpu.memory_space<vmem>>, vector<1x16xf32>,
        %get3A_619 = vector.shape_cast %get3A_618 : vector<1x16xf32> to vector<16xf32>
        %mul3A_620 = vector.broadcast %squeeze3A_545 : f32 to vector<16xf32>
        %mul3A_621 = arith.mulf %get3A_619, %mul3A_620 : vector<16xf32>
        %swap3A_622 = arith.index_cast %add3A_549 : i32 to index
        %swap3A_623 = arith.constant 96 : index
        %swap3A_624 = tpu.vector_load %arg11[%swap3A_622, %swap3A_623] {strides = array<i32>} : memref<256x128xf32, #tpu.memory_space<vmem>>, vector<1x16xf32>,
        %swap3A_625 = vector.shape_cast %swap3A_624 : vector<1x16xf32> to vector<16xf32>
        %swap3A_626 = vector.shape_cast %mul3A_621 : vector<16xf32> to vector<1x16xf32>
        tpu.vector_store %arg11[%swap3A_622, %swap3A_623], %swap3A_626 {strides = array<i32>} : memref<256x128xf32, #tpu.memory_space<vmem>>, vector<1x16xf32>,
        %get3A_627 = arith.index_cast %add3A_549 : i32 to index
        %get3A_628 = arith.constant 112 : index
        %get3A_629 = tpu.vector_load %arg11[%get3A_627, %get3A_628] {strides = array<i32>} : memref<256x128xf32, #tpu.memory_space<vmem>>, vector<1x16xf32>,
        %get3A_630 = vector.shape_cast %get3A_629 : vector<1x16xf32> to vector<16xf32>
        %mul3A_631 = vector.broadcast %squeeze3A_545 : f32 to vector<16xf32>
        %mul3A_632 = arith.mulf %get3A_630, %mul3A_631 : vector<16xf32>
        %swap3A_633 = arith.index_cast %add3A_549 : i32 to index
        %swap3A_634 = arith.constant 112 : index
        %swap3A_635 = tpu.vector_load %arg11[%swap3A_633, %swap3A_634] {strides = array<i32>} : memref<256x128xf32, #tpu.memory_space<vmem>>, vector<1x16xf32>,
        %swap3A_636 = vector.shape_cast %swap3A_635 : vector<1x16xf32> to vector<16xf32>
        %swap3A_637 = vector.shape_cast %mul3A_632 : vector<16xf32> to vector<1x16xf32>
        tpu.vector_store %arg11[%swap3A_633, %swap3A_634], %swap3A_637 {strides = array<i32>} : memref<256x128xf32, #tpu.memory_space<vmem>>, vector<1x16xf32>,
        %slice3A_638 = vector.extract_strided_slice %get3A_170 {offsets = [5], sizes = [1], strides = [1]} : vector<16xf32> to vector<1xf32>
        %squeeze3A_639 = vector.extract %slice3A_638[0] : f32 from vector<1xf32>
        %mul3A_640 = arith.constant 16 : i32
        %mul3A_641 = arith.muli %scan3A_165, %mul3A_640 : i32
        %add3A_642 = arith.constant 5 : i32
        %add3A_643 = arith.addi %mul3A_641, %add3A_642 : i32
        %get3A_644 = arith.index_cast %add3A_643 : i32 to index
        %get3A_645 = arith.constant 0 : index
        %get3A_646 = tpu.vector_load %arg11[%get3A_644, %get3A_645] {strides = array<i32>} : memref<256x128xf32, #tpu.memory_space<vmem>>, vector<1x16xf32>,
        %get3A_647 = vector.shape_cast %get3A_646 : vector<1x16xf32> to vector<16xf32>
        %mul3A_648 = vector.broadcast %squeeze3A_639 : f32 to vector<16xf32>
        %mul3A_649 = arith.mulf %get3A_647, %mul3A_648 : vector<16xf32>
        %swap3A_650 = arith.index_cast %add3A_643 : i32 to index
        %swap3A_651 = arith.constant 0 : index
        %swap3A_652 = tpu.vector_load %arg11[%swap3A_650, %swap3A_651] {strides = array<i32>} : memref<256x128xf32, #tpu.memory_space<vmem>>, vector<1x16xf32>,
        %swap3A_653 = vector.shape_cast %swap3A_652 : vector<1x16xf32> to vector<16xf32>
        %swap3A_654 = vector.shape_cast %mul3A_649 : vector<16xf32> to vector<1x16xf32>
        tpu.vector_store %arg11[%swap3A_650, %swap3A_651], %swap3A_654 {strides = array<i32>} : memref<256x128xf32, #tpu.memory_space<vmem>>, vector<1x16xf32>,
        %get3A_655 = arith.index_cast %add3A_643 : i32 to index
        %get3A_656 = arith.constant 16 : index
        %get3A_657 = tpu.vector_load %arg11[%get3A_655, %get3A_656] {strides = array<i32>} : memref<256x128xf32, #tpu.memory_space<vmem>>, vector<1x16xf32>,
        %get3A_658 = vector.shape_cast %get3A_657 : vector<1x16xf32> to vector<16xf32>
        %mul3A_659 = vector.broadcast %squeeze3A_639 : f32 to vector<16xf32>
        %mul3A_660 = arith.mulf %get3A_658, %mul3A_659 : vector<16xf32>
        %swap3A_661 = arith.index_cast %add3A_643 : i32 to index
        %swap3A_662 = arith.constant 16 : index
        %swap3A_663 = tpu.vector_load %arg11[%swap3A_661, %swap3A_662] {strides = array<i32>} : memref<256x128xf32, #tpu.memory_space<vmem>>, vector<1x16xf32>,
        %swap3A_664 = vector.shape_cast %swap3A_663 : vector<1x16xf32> to vector<16xf32>
        %swap3A_665 = vector.shape_cast %mul3A_660 : vector<16xf32> to vector<1x16xf32>
        tpu.vector_store %arg11[%swap3A_661, %swap3A_662], %swap3A_665 {strides = array<i32>} : memref<256x128xf32, #tpu.memory_space<vmem>>, vector<1x16xf32>,
        %get3A_666 = arith.index_cast %add3A_643 : i32 to index
        %get3A_667 = arith.constant 32 : index
        %get3A_668 = tpu.vector_load %arg11[%get3A_666, %get3A_667] {strides = array<i32>} : memref<256x128xf32, #tpu.memory_space<vmem>>, vector<1x16xf32>,
        %get3A_669 = vector.shape_cast %get3A_668 : vector<1x16xf32> to vector<16xf32>
        %mul3A_670 = vector.broadcast %squeeze3A_639 : f32 to vector<16xf32>
        %mul3A_671 = arith.mulf %get3A_669, %mul3A_670 : vector<16xf32>
        %swap3A_672 = arith.index_cast %add3A_643 : i32 to index
        %swap3A_673 = arith.constant 32 : index
        %swap3A_674 = tpu.vector_load %arg11[%swap3A_672, %swap3A_673] {strides = array<i32>} : memref<256x128xf32, #tpu.memory_space<vmem>>, vector<1x16xf32>,
        %swap3A_675 = vector.shape_cast %swap3A_674 : vector<1x16xf32> to vector<16xf32>
        %swap3A_676 = vector.shape_cast %mul3A_671 : vector<16xf32> to vector<1x16xf32>
        tpu.vector_store %arg11[%swap3A_672, %swap3A_673], %swap3A_676 {strides = array<i32>} : memref<256x128xf32, #tpu.memory_space<vmem>>, vector<1x16xf32>,
        %get3A_677 = arith.index_cast %add3A_643 : i32 to index
        %get3A_678 = arith.constant 48 : index
        %get3A_679 = tpu.vector_load %arg11[%get3A_677, %get3A_678] {strides = array<i32>} : memref<256x128xf32, #tpu.memory_space<vmem>>, vector<1x16xf32>,
        %get3A_680 = vector.shape_cast %get3A_679 : vector<1x16xf32> to vector<16xf32>
        %mul3A_681 = vector.broadcast %squeeze3A_639 : f32 to vector<16xf32>
        %mul3A_682 = arith.mulf %get3A_680, %mul3A_681 : vector<16xf32>
        %swap3A_683 = arith.index_cast %add3A_643 : i32 to index
        %swap3A_684 = arith.constant 48 : index
        %swap3A_685 = tpu.vector_load %arg11[%swap3A_683, %swap3A_684] {strides = array<i32>} : memref<256x128xf32, #tpu.memory_space<vmem>>, vector<1x16xf32>,
        %swap3A_686 = vector.shape_cast %swap3A_685 : vector<1x16xf32> to vector<16xf32>
        %swap3A_687 = vector.shape_cast %mul3A_682 : vector<16xf32> to vector<1x16xf32>
        tpu.vector_store %arg11[%swap3A_683, %swap3A_684], %swap3A_687 {strides = array<i32>} : memref<256x128xf32, #tpu.memory_space<vmem>>, vector<1x16xf32>,
        %get3A_688 = arith.index_cast %add3A_643 : i32 to index
        %get3A_689 = arith.constant 64 : index
        %get3A_690 = tpu.vector_load %arg11[%get3A_688, %get3A_689] {strides = array<i32>} : memref<256x128xf32, #tpu.memory_space<vmem>>, vector<1x16xf32>,
        %get3A_691 = vector.shape_cast %get3A_690 : vector<1x16xf32> to vector<16xf32>
        %mul3A_692 = vector.broadcast %squeeze3A_639 : f32 to vector<16xf32>
        %mul3A_693 = arith.mulf %get3A_691, %mul3A_692 : vector<16xf32>
        %swap3A_694 = arith.index_cast %add3A_643 : i32 to index
        %swap3A_695 = arith.constant 64 : index
        %swap3A_696 = tpu.vector_load %arg11[%swap3A_694, %swap3A_695] {strides = array<i32>} : memref<256x128xf32, #tpu.memory_space<vmem>>, vector<1x16xf32>,
        %swap3A_697 = vector.shape_cast %swap3A_696 : vector<1x16xf32> to vector<16xf32>
        %swap3A_698 = vector.shape_cast %mul3A_693 : vector<16xf32> to vector<1x16xf32>
        tpu.vector_store %arg11[%swap3A_694, %swap3A_695], %swap3A_698 {strides = array<i32>} : memref<256x128xf32, #tpu.memory_space<vmem>>, vector<1x16xf32>,
        %get3A_699 = arith.index_cast %add3A_643 : i32 to index
        %get3A_700 = arith.constant 80 : index
        %get3A_701 = tpu.vector_load %arg11[%get3A_699, %get3A_700] {strides = array<i32>} : memref<256x128xf32, #tpu.memory_space<vmem>>, vector<1x16xf32>,
        %get3A_702 = vector.shape_cast %get3A_701 : vector<1x16xf32> to vector<16xf32>
        %mul3A_703 = vector.broadcast %squeeze3A_639 : f32 to vector<16xf32>
        %mul3A_704 = arith.mulf %get3A_702, %mul3A_703 : vector<16xf32>
        %swap3A_705 = arith.index_cast %add3A_643 : i32 to index
        %swap3A_706 = arith.constant 80 : index
        %swap3A_707 = tpu.vector_load %arg11[%swap3A_705, %swap3A_706] {strides = array<i32>} : memref<256x128xf32, #tpu.memory_space<vmem>>, vector<1x16xf32>,
        %swap3A_708 = vector.shape_cast %swap3A_707 : vector<1x16xf32> to vector<16xf32>
        %swap3A_709 = vector.shape_cast %mul3A_704 : vector<16xf32> to vector<1x16xf32>
        tpu.vector_store %arg11[%swap3A_705, %swap3A_706], %swap3A_709 {strides = array<i32>} : memref<256x128xf32, #tpu.memory_space<vmem>>, vector<1x16xf32>,
        %get3A_710 = arith.index_cast %add3A_643 : i32 to index
        %get3A_711 = arith.constant 96 : index
        %get3A_712 = tpu.vector_load %arg11[%get3A_710, %get3A_711] {strides = array<i32>} : memref<256x128xf32, #tpu.memory_space<vmem>>, vector<1x16xf32>,
        %get3A_713 = vector.shape_cast %get3A_712 : vector<1x16xf32> to vector<16xf32>
        %mul3A_714 = vector.broadcast %squeeze3A_639 : f32 to vector<16xf32>
        %mul3A_715 = arith.mulf %get3A_713, %mul3A_714 : vector<16xf32>
        %swap3A_716 = arith.index_cast %add3A_643 : i32 to index
        %swap3A_717 = arith.constant 96 : index
        %swap3A_718 = tpu.vector_load %arg11[%swap3A_716, %swap3A_717] {strides = array<i32>} : memref<256x128xf32, #tpu.memory_space<vmem>>, vector<1x16xf32>,
        %swap3A_719 = vector.shape_cast %swap3A_718 : vector<1x16xf32> to vector<16xf32>
        %swap3A_720 = vector.shape_cast %mul3A_715 : vector<16xf32> to vector<1x16xf32>
        tpu.vector_store %arg11[%swap3A_716, %swap3A_717], %swap3A_720 {strides = array<i32>} : memref<256x128xf32, #tpu.memory_space<vmem>>, vector<1x16xf32>,
        %get3A_721 = arith.index_cast %add3A_643 : i32 to index
        %get3A_722 = arith.constant 112 : index
        %get3A_723 = tpu.vector_load %arg11[%get3A_721, %get3A_722] {strides = array<i32>} : memref<256x128xf32, #tpu.memory_space<vmem>>, vector<1x16xf32>,
        %get3A_724 = vector.shape_cast %get3A_723 : vector<1x16xf32> to vector<16xf32>
        %mul3A_725 = vector.broadcast %squeeze3A_639 : f32 to vector<16xf32>
        %mul3A_726 = arith.mulf %get3A_724, %mul3A_725 : vector<16xf32>
        %swap3A_727 = arith.index_cast %add3A_643 : i32 to index
        %swap3A_728 = arith.constant 112 : index
        %swap3A_729 = tpu.vector_load %arg11[%swap3A_727, %swap3A_728] {strides = array<i32>} : memref<256x128xf32, #tpu.memory_space<vmem>>, vector<1x16xf32>,
        %swap3A_730 = vector.shape_cast %swap3A_729 : vector<1x16xf32> to vector<16xf32>
        %swap3A_731 = vector.shape_cast %mul3A_726 : vector<16xf32> to vector<1x16xf32>
        tpu.vector_store %arg11[%swap3A_727, %swap3A_728], %swap3A_731 {strides = array<i32>} : memref<256x128xf32, #tpu.memory_space<vmem>>, vector<1x16xf32>,
        %slice3A_732 = vector.extract_strided_slice %get3A_170 {offsets = [6], sizes = [1], strides = [1]} : vector<16xf32> to vector<1xf32>
        %squeeze3A_733 = vector.extract %slice3A_732[0] : f32 from vector<1xf32>
        %mul3A_734 = arith.constant 16 : i32
        %mul3A_735 = arith.muli %scan3A_165, %mul3A_734 : i32
        %add3A_736 = arith.constant 6 : i32
        %add3A_737 = arith.addi %mul3A_735, %add3A_736 : i32
        %get3A_738 = arith.index_cast %add3A_737 : i32 to index
        %get3A_739 = arith.constant 0 : index
        %get3A_740 = tpu.vector_load %arg11[%get3A_738, %get3A_739] {strides = array<i32>} : memref<256x128xf32, #tpu.memory_space<vmem>>, vector<1x16xf32>,
        %get3A_741 = vector.shape_cast %get3A_740 : vector<1x16xf32> to vector<16xf32>
        %mul3A_742 = vector.broadcast %squeeze3A_733 : f32 to vector<16xf32>
        %mul3A_743 = arith.mulf %get3A_741, %mul3A_742 : vector<16xf32>
        %swap3A_744 = arith.index_cast %add3A_737 : i32 to index
        %swap3A_745 = arith.constant 0 : index
        %swap3A_746 = tpu.vector_load %arg11[%swap3A_744, %swap3A_745] {strides = array<i32>} : memref<256x128xf32, #tpu.memory_space<vmem>>, vector<1x16xf32>,
        %swap3A_747 = vector.shape_cast %swap3A_746 : vector<1x16xf32> to vector<16xf32>
        %swap3A_748 = vector.shape_cast %mul3A_743 : vector<16xf32> to vector<1x16xf32>
        tpu.vector_store %arg11[%swap3A_744, %swap3A_745], %swap3A_748 {strides = array<i32>} : memref<256x128xf32, #tpu.memory_space<vmem>>, vector<1x16xf32>,
        %get3A_749 = arith.index_cast %add3A_737 : i32 to index
        %get3A_750 = arith.constant 16 : index
        %get3A_751 = tpu.vector_load %arg11[%get3A_749, %get3A_750] {strides = array<i32>} : memref<256x128xf32, #tpu.memory_space<vmem>>, vector<1x16xf32>,
        %get3A_752 = vector.shape_cast %get3A_751 : vector<1x16xf32> to vector<16xf32>
        %mul3A_753 = vector.broadcast %squeeze3A_733 : f32 to vector<16xf32>
        %mul3A_754 = arith.mulf %get3A_752, %mul3A_753 : vector<16xf32>
        %swap3A_755 = arith.index_cast %add3A_737 : i32 to index
        %swap3A_756 = arith.constant 16 : index
        %swap3A_757 = tpu.vector_load %arg11[%swap3A_755, %swap3A_756] {strides = array<i32>} : memref<256x128xf32, #tpu.memory_space<vmem>>, vector<1x16xf32>,
        %swap3A_758 = vector.shape_cast %swap3A_757 : vector<1x16xf32> to vector<16xf32>
        %swap3A_759 = vector.shape_cast %mul3A_754 : vector<16xf32> to vector<1x16xf32>
        tpu.vector_store %arg11[%swap3A_755, %swap3A_756], %swap3A_759 {strides = array<i32>} : memref<256x128xf32, #tpu.memory_space<vmem>>, vector<1x16xf32>,
        %get3A_760 = arith.index_cast %add3A_737 : i32 to index
        %get3A_761 = arith.constant 32 : index
        %get3A_762 = tpu.vector_load %arg11[%get3A_760, %get3A_761] {strides = array<i32>} : memref<256x128xf32, #tpu.memory_space<vmem>>, vector<1x16xf32>,
        %get3A_763 = vector.shape_cast %get3A_762 : vector<1x16xf32> to vector<16xf32>
        %mul3A_764 = vector.broadcast %squeeze3A_733 : f32 to vector<16xf32>
        %mul3A_765 = arith.mulf %get3A_763, %mul3A_764 : vector<16xf32>
        %swap3A_766 = arith.index_cast %add3A_737 : i32 to index
        %swap3A_767 = arith.constant 32 : index
        %swap3A_768 = tpu.vector_load %arg11[%swap3A_766, %swap3A_767] {strides = array<i32>} : memref<256x128xf32, #tpu.memory_space<vmem>>, vector<1x16xf32>,
        %swap3A_769 = vector.shape_cast %swap3A_768 : vector<1x16xf32> to vector<16xf32>
        %swap3A_770 = vector.shape_cast %mul3A_765 : vector<16xf32> to vector<1x16xf32>
        tpu.vector_store %arg11[%swap3A_766, %swap3A_767], %swap3A_770 {strides = array<i32>} : memref<256x128xf32, #tpu.memory_space<vmem>>, vector<1x16xf32>,
        %get3A_771 = arith.index_cast %add3A_737 : i32 to index
        %get3A_772 = arith.constant 48 : index
        %get3A_773 = tpu.vector_load %arg11[%get3A_771, %get3A_772] {strides = array<i32>} : memref<256x128xf32, #tpu.memory_space<vmem>>, vector<1x16xf32>,
        %get3A_774 = vector.shape_cast %get3A_773 : vector<1x16xf32> to vector<16xf32>
        %mul3A_775 = vector.broadcast %squeeze3A_733 : f32 to vector<16xf32>
        %mul3A_776 = arith.mulf %get3A_774, %mul3A_775 : vector<16xf32>
        %swap3A_777 = arith.index_cast %add3A_737 : i32 to index
        %swap3A_778 = arith.constant 48 : index
        %swap3A_779 = tpu.vector_load %arg11[%swap3A_777, %swap3A_778] {strides = array<i32>} : memref<256x128xf32, #tpu.memory_space<vmem>>, vector<1x16xf32>,
        %swap3A_780 = vector.shape_cast %swap3A_779 : vector<1x16xf32> to vector<16xf32>
        %swap3A_781 = vector.shape_cast %mul3A_776 : vector<16xf32> to vector<1x16xf32>
        tpu.vector_store %arg11[%swap3A_777, %swap3A_778], %swap3A_781 {strides = array<i32>} : memref<256x128xf32, #tpu.memory_space<vmem>>, vector<1x16xf32>,
        %get3A_782 = arith.index_cast %add3A_737 : i32 to index
        %get3A_783 = arith.constant 64 : index
        %get3A_784 = tpu.vector_load %arg11[%get3A_782, %get3A_783] {strides = array<i32>} : memref<256x128xf32, #tpu.memory_space<vmem>>, vector<1x16xf32>,
        %get3A_785 = vector.shape_cast %get3A_784 : vector<1x16xf32> to vector<16xf32>
        %mul3A_786 = vector.broadcast %squeeze3A_733 : f32 to vector<16xf32>
        %mul3A_787 = arith.mulf %get3A_785, %mul3A_786 : vector<16xf32>
        %swap3A_788 = arith.index_cast %add3A_737 : i32 to index
        %swap3A_789 = arith.constant 64 : index
        %swap3A_790 = tpu.vector_load %arg11[%swap3A_788, %swap3A_789] {strides = array<i32>} : memref<256x128xf32, #tpu.memory_space<vmem>>, vector<1x16xf32>,
        %swap3A_791 = vector.shape_cast %swap3A_790 : vector<1x16xf32> to vector<16xf32>
        %swap3A_792 = vector.shape_cast %mul3A_787 : vector<16xf32> to vector<1x16xf32>
        tpu.vector_store %arg11[%swap3A_788, %swap3A_789], %swap3A_792 {strides = array<i32>} : memref<256x128xf32, #tpu.memory_space<vmem>>, vector<1x16xf32>,
        %get3A_793 = arith.index_cast %add3A_737 : i32 to index
        %get3A_794 = arith.constant 80 : index
        %get3A_795 = tpu.vector_load %arg11[%get3A_793, %get3A_794] {strides = array<i32>} : memref<256x128xf32, #tpu.memory_space<vmem>>, vector<1x16xf32>,
        %get3A_796 = vector.shape_cast %get3A_795 : vector<1x16xf32> to vector<16xf32>
        %mul3A_797 = vector.broadcast %squeeze3A_733 : f32 to vector<16xf32>
        %mul3A_798 = arith.mulf %get3A_796, %mul3A_797 : vector<16xf32>
        %swap3A_799 = arith.index_cast %add3A_737 : i32 to index
        %swap3A_800 = arith.constant 80 : index
        %swap3A_801 = tpu.vector_load %arg11[%swap3A_799, %swap3A_800] {strides = array<i32>} : memref<256x128xf32, #tpu.memory_space<vmem>>, vector<1x16xf32>,
        %swap3A_802 = vector.shape_cast %swap3A_801 : vector<1x16xf32> to vector<16xf32>
        %swap3A_803 = vector.shape_cast %mul3A_798 : vector<16xf32> to vector<1x16xf32>
        tpu.vector_store %arg11[%swap3A_799, %swap3A_800], %swap3A_803 {strides = array<i32>} : memref<256x128xf32, #tpu.memory_space<vmem>>, vector<1x16xf32>,
        %get3A_804 = arith.index_cast %add3A_737 : i32 to index
        %get3A_805 = arith.constant 96 : index
        %get3A_806 = tpu.vector_load %arg11[%get3A_804, %get3A_805] {strides = array<i32>} : memref<256x128xf32, #tpu.memory_space<vmem>>, vector<1x16xf32>,
        %get3A_807 = vector.shape_cast %get3A_806 : vector<1x16xf32> to vector<16xf32>
        %mul3A_808 = vector.broadcast %squeeze3A_733 : f32 to vector<16xf32>
        %mul3A_809 = arith.mulf %get3A_807, %mul3A_808 : vector<16xf32>
        %swap3A_810 = arith.index_cast %add3A_737 : i32 to index
        %swap3A_811 = arith.constant 96 : index
        %swap3A_812 = tpu.vector_load %arg11[%swap3A_810, %swap3A_811] {strides = array<i32>} : memref<256x128xf32, #tpu.memory_space<vmem>>, vector<1x16xf32>,
        %swap3A_813 = vector.shape_cast %swap3A_812 : vector<1x16xf32> to vector<16xf32>
        %swap3A_814 = vector.shape_cast %mul3A_809 : vector<16xf32> to vector<1x16xf32>
        tpu.vector_store %arg11[%swap3A_810, %swap3A_811], %swap3A_814 {strides = array<i32>} : memref<256x128xf32, #tpu.memory_space<vmem>>, vector<1x16xf32>,
        %get3A_815 = arith.index_cast %add3A_737 : i32 to index
        %get3A_816 = arith.constant 112 : index
        %get3A_817 = tpu.vector_load %arg11[%get3A_815, %get3A_816] {strides = array<i32>} : memref<256x128xf32, #tpu.memory_space<vmem>>, vector<1x16xf32>,
        %get3A_818 = vector.shape_cast %get3A_817 : vector<1x16xf32> to vector<16xf32>
        %mul3A_819 = vector.broadcast %squeeze3A_733 : f32 to vector<16xf32>
        %mul3A_820 = arith.mulf %get3A_818, %mul3A_819 : vector<16xf32>
        %swap3A_821 = arith.index_cast %add3A_737 : i32 to index
        %swap3A_822 = arith.constant 112 : index
        %swap3A_823 = tpu.vector_load %arg11[%swap3A_821, %swap3A_822] {strides = array<i32>} : memref<256x128xf32, #tpu.memory_space<vmem>>, vector<1x16xf32>,
        %swap3A_824 = vector.shape_cast %swap3A_823 : vector<1x16xf32> to vector<16xf32>
        %swap3A_825 = vector.shape_cast %mul3A_820 : vector<16xf32> to vector<1x16xf32>
        tpu.vector_store %arg11[%swap3A_821, %swap3A_822], %swap3A_825 {strides = array<i32>} : memref<256x128xf32, #tpu.memory_space<vmem>>, vector<1x16xf32>,
        %slice3A_826 = vector.extract_strided_slice %get3A_170 {offsets = [7], sizes = [1], strides = [1]} : vector<16xf32> to vector<1xf32>
        %squeeze3A_827 = vector.extract %slice3A_826[0] : f32 from vector<1xf32>
        %mul3A_828 = arith.constant 16 : i32
        %mul3A_829 = arith.muli %scan3A_165, %mul3A_828 : i32
        %add3A_830 = arith.constant 7 : i32
        %add3A_831 = arith.addi %mul3A_829, %add3A_830 : i32
        %get3A_832 = arith.index_cast %add3A_831 : i32 to index
        %get3A_833 = arith.constant 0 : index
        %get3A_834 = tpu.vector_load %arg11[%get3A_832, %get3A_833] {strides = array<i32>} : memref<256x128xf32, #tpu.memory_space<vmem>>, vector<1x16xf32>,
        %get3A_835 = vector.shape_cast %get3A_834 : vector<1x16xf32> to vector<16xf32>
        %mul3A_836 = vector.broadcast %squeeze3A_827 : f32 to vector<16xf32>
        %mul3A_837 = arith.mulf %get3A_835, %mul3A_836 : vector<16xf32>
        %swap3A_838 = arith.index_cast %add3A_831 : i32 to index
        %swap3A_839 = arith.constant 0 : index
        %swap3A_840 = tpu.vector_load %arg11[%swap3A_838, %swap3A_839] {strides = array<i32>} : memref<256x128xf32, #tpu.memory_space<vmem>>, vector<1x16xf32>,
        %swap3A_841 = vector.shape_cast %swap3A_840 : vector<1x16xf32> to vector<16xf32>
        %swap3A_842 = vector.shape_cast %mul3A_837 : vector<16xf32> to vector<1x16xf32>
        tpu.vector_store %arg11[%swap3A_838, %swap3A_839], %swap3A_842 {strides = array<i32>} : memref<256x128xf32, #tpu.memory_space<vmem>>, vector<1x16xf32>,
        %get3A_843 = arith.index_cast %add3A_831 : i32 to index
        %get3A_844 = arith.constant 16 : index
        %get3A_845 = tpu.vector_load %arg11[%get3A_843, %get3A_844] {strides = array<i32>} : memref<256x128xf32, #tpu.memory_space<vmem>>, vector<1x16xf32>,
        %get3A_846 = vector.shape_cast %get3A_845 : vector<1x16xf32> to vector<16xf32>
        %mul3A_847 = vector.broadcast %squeeze3A_827 : f32 to vector<16xf32>
        %mul3A_848 = arith.mulf %get3A_846, %mul3A_847 : vector<16xf32>
        %swap3A_849 = arith.index_cast %add3A_831 : i32 to index
        %swap3A_850 = arith.constant 16 : index
        %swap3A_851 = tpu.vector_load %arg11[%swap3A_849, %swap3A_850] {strides = array<i32>} : memref<256x128xf32, #tpu.memory_space<vmem>>, vector<1x16xf32>,
        %swap3A_852 = vector.shape_cast %swap3A_851 : vector<1x16xf32> to vector<16xf32>
        %swap3A_853 = vector.shape_cast %mul3A_848 : vector<16xf32> to vector<1x16xf32>
        tpu.vector_store %arg11[%swap3A_849, %swap3A_850], %swap3A_853 {strides = array<i32>} : memref<256x128xf32, #tpu.memory_space<vmem>>, vector<1x16xf32>,
        %get3A_854 = arith.index_cast %add3A_831 : i32 to index
        %get3A_855 = arith.constant 32 : index
        %get3A_856 = tpu.vector_load %arg11[%get3A_854, %get3A_855] {strides = array<i32>} : memref<256x128xf32, #tpu.memory_space<vmem>>, vector<1x16xf32>,
        %get3A_857 = vector.shape_cast %get3A_856 : vector<1x16xf32> to vector<16xf32>
        %mul3A_858 = vector.broadcast %squeeze3A_827 : f32 to vector<16xf32>
        %mul3A_859 = arith.mulf %get3A_857, %mul3A_858 : vector<16xf32>
        %swap3A_860 = arith.index_cast %add3A_831 : i32 to index
        %swap3A_861 = arith.constant 32 : index
        %swap3A_862 = tpu.vector_load %arg11[%swap3A_860, %swap3A_861] {strides = array<i32>} : memref<256x128xf32, #tpu.memory_space<vmem>>, vector<1x16xf32>,
        %swap3A_863 = vector.shape_cast %swap3A_862 : vector<1x16xf32> to vector<16xf32>
        %swap3A_864 = vector.shape_cast %mul3A_859 : vector<16xf32> to vector<1x16xf32>
        tpu.vector_store %arg11[%swap3A_860, %swap3A_861], %swap3A_864 {strides = array<i32>} : memref<256x128xf32, #tpu.memory_space<vmem>>, vector<1x16xf32>,
        %get3A_865 = arith.index_cast %add3A_831 : i32 to index
        %get3A_866 = arith.constant 48 : index
        %get3A_867 = tpu.vector_load %arg11[%get3A_865, %get3A_866] {strides = array<i32>} : memref<256x128xf32, #tpu.memory_space<vmem>>, vector<1x16xf32>,
        %get3A_868 = vector.shape_cast %get3A_867 : vector<1x16xf32> to vector<16xf32>
        %mul3A_869 = vector.broadcast %squeeze3A_827 : f32 to vector<16xf32>
        %mul3A_870 = arith.mulf %get3A_868, %mul3A_869 : vector<16xf32>
        %swap3A_871 = arith.index_cast %add3A_831 : i32 to index
        %swap3A_872 = arith.constant 48 : index
        %swap3A_873 = tpu.vector_load %arg11[%swap3A_871, %swap3A_872] {strides = array<i32>} : memref<256x128xf32, #tpu.memory_space<vmem>>, vector<1x16xf32>,
        %swap3A_874 = vector.shape_cast %swap3A_873 : vector<1x16xf32> to vector<16xf32>
        %swap3A_875 = vector.shape_cast %mul3A_870 : vector<16xf32> to vector<1x16xf32>
        tpu.vector_store %arg11[%swap3A_871, %swap3A_872], %swap3A_875 {strides = array<i32>} : memref<256x128xf32, #tpu.memory_space<vmem>>, vector<1x16xf32>,
        %get3A_876 = arith.index_cast %add3A_831 : i32 to index
        %get3A_877 = arith.constant 64 : index
        %get3A_878 = tpu.vector_load %arg11[%get3A_876, %get3A_877] {strides = array<i32>} : memref<256x128xf32, #tpu.memory_space<vmem>>, vector<1x16xf32>,
        %get3A_879 = vector.shape_cast %get3A_878 : vector<1x16xf32> to vector<16xf32>
        %mul3A_880 = vector.broadcast %squeeze3A_827 : f32 to vector<16xf32>
        %mul3A_881 = arith.mulf %get3A_879, %mul3A_880 : vector<16xf32>
        %swap3A_882 = arith.index_cast %add3A_831 : i32 to index
        %swap3A_883 = arith.constant 64 : index
        %swap3A_884 = tpu.vector_load %arg11[%swap3A_882, %swap3A_883] {strides = array<i32>} : memref<256x128xf32, #tpu.memory_space<vmem>>, vector<1x16xf32>,
        %swap3A_885 = vector.shape_cast %swap3A_884 : vector<1x16xf32> to vector<16xf32>
        %swap3A_886 = vector.shape_cast %mul3A_881 : vector<16xf32> to vector<1x16xf32>
        tpu.vector_store %arg11[%swap3A_882, %swap3A_883], %swap3A_886 {strides = array<i32>} : memref<256x128xf32, #tpu.memory_space<vmem>>, vector<1x16xf32>,
        %get3A_887 = arith.index_cast %add3A_831 : i32 to index
        %get3A_888 = arith.constant 80 : index
        %get3A_889 = tpu.vector_load %arg11[%get3A_887, %get3A_888] {strides = array<i32>} : memref<256x128xf32, #tpu.memory_space<vmem>>, vector<1x16xf32>,
        %get3A_890 = vector.shape_cast %get3A_889 : vector<1x16xf32> to vector<16xf32>
        %mul3A_891 = vector.broadcast %squeeze3A_827 : f32 to vector<16xf32>
        %mul3A_892 = arith.mulf %get3A_890, %mul3A_891 : vector<16xf32>
        %swap3A_893 = arith.index_cast %add3A_831 : i32 to index
        %swap3A_894 = arith.constant 80 : index
        %swap3A_895 = tpu.vector_load %arg11[%swap3A_893, %swap3A_894] {strides = array<i32>} : memref<256x128xf32, #tpu.memory_space<vmem>>, vector<1x16xf32>,
        %swap3A_896 = vector.shape_cast %swap3A_895 : vector<1x16xf32> to vector<16xf32>
        %swap3A_897 = vector.shape_cast %mul3A_892 : vector<16xf32> to vector<1x16xf32>
        tpu.vector_store %arg11[%swap3A_893, %swap3A_894], %swap3A_897 {strides = array<i32>} : memref<256x128xf32, #tpu.memory_space<vmem>>, vector<1x16xf32>,
        %get3A_898 = arith.index_cast %add3A_831 : i32 to index
        %get3A_899 = arith.constant 96 : index
        %get3A_900 = tpu.vector_load %arg11[%get3A_898, %get3A_899] {strides = array<i32>} : memref<256x128xf32, #tpu.memory_space<vmem>>, vector<1x16xf32>,
        %get3A_901 = vector.shape_cast %get3A_900 : vector<1x16xf32> to vector<16xf32>
        %mul3A_902 = vector.broadcast %squeeze3A_827 : f32 to vector<16xf32>
        %mul3A_903 = arith.mulf %get3A_901, %mul3A_902 : vector<16xf32>
        %swap3A_904 = arith.index_cast %add3A_831 : i32 to index
        %swap3A_905 = arith.constant 96 : index
        %swap3A_906 = tpu.vector_load %arg11[%swap3A_904, %swap3A_905] {strides = array<i32>} : memref<256x128xf32, #tpu.memory_space<vmem>>, vector<1x16xf32>,
        %swap3A_907 = vector.shape_cast %swap3A_906 : vector<1x16xf32> to vector<16xf32>
        %swap3A_908 = vector.shape_cast %mul3A_903 : vector<16xf32> to vector<1x16xf32>
        tpu.vector_store %arg11[%swap3A_904, %swap3A_905], %swap3A_908 {strides = array<i32>} : memref<256x128xf32, #tpu.memory_space<vmem>>, vector<1x16xf32>,
        %get3A_909 = arith.index_cast %add3A_831 : i32 to index
        %get3A_910 = arith.constant 112 : index
        %get3A_911 = tpu.vector_load %arg11[%get3A_909, %get3A_910] {strides = array<i32>} : memref<256x128xf32, #tpu.memory_space<vmem>>, vector<1x16xf32>,
        %get3A_912 = vector.shape_cast %get3A_911 : vector<1x16xf32> to vector<16xf32>
        %mul3A_913 = vector.broadcast %squeeze3A_827 : f32 to vector<16xf32>
        %mul3A_914 = arith.mulf %get3A_912, %mul3A_913 : vector<16xf32>
        %swap3A_915 = arith.index_cast %add3A_831 : i32 to index
        %swap3A_916 = arith.constant 112 : index
        %swap3A_917 = tpu.vector_load %arg11[%swap3A_915, %swap3A_916] {strides = array<i32>} : memref<256x128xf32, #tpu.memory_space<vmem>>, vector<1x16xf32>,
        %swap3A_918 = vector.shape_cast %swap3A_917 : vector<1x16xf32> to vector<16xf32>
        %swap3A_919 = vector.shape_cast %mul3A_914 : vector<16xf32> to vector<1x16xf32>
        tpu.vector_store %arg11[%swap3A_915, %swap3A_916], %swap3A_919 {strides = array<i32>} : memref<256x128xf32, #tpu.memory_space<vmem>>, vector<1x16xf32>,
        %slice3A_920 = vector.extract_strided_slice %get3A_170 {offsets = [8], sizes = [1], strides = [1]} : vector<16xf32> to vector<1xf32>
        %squeeze3A_921 = vector.extract %slice3A_920[0] : f32 from vector<1xf32>
        %mul3A_922 = arith.constant 16 : i32
        %mul3A_923 = arith.muli %scan3A_165, %mul3A_922 : i32
        %add3A_924 = arith.constant 8 : i32
        %add3A_925 = arith.addi %mul3A_923, %add3A_924 : i32
        %get3A_926 = arith.index_cast %add3A_925 : i32 to index
        %get3A_927 = arith.constant 0 : index
        %get3A_928 = tpu.vector_load %arg11[%get3A_926, %get3A_927] {strides = array<i32>} : memref<256x128xf32, #tpu.memory_space<vmem>>, vector<1x16xf32>,
        %get3A_929 = vector.shape_cast %get3A_928 : vector<1x16xf32> to vector<16xf32>
        %mul3A_930 = vector.broadcast %squeeze3A_921 : f32 to vector<16xf32>
        %mul3A_931 = arith.mulf %get3A_929, %mul3A_930 : vector<16xf32>
        %swap3A_932 = arith.index_cast %add3A_925 : i32 to index
        %swap3A_933 = arith.constant 0 : index
        %swap3A_934 = tpu.vector_load %arg11[%swap3A_932, %swap3A_933] {strides = array<i32>} : memref<256x128xf32, #tpu.memory_space<vmem>>, vector<1x16xf32>,
        %swap3A_935 = vector.shape_cast %swap3A_934 : vector<1x16xf32> to vector<16xf32>
        %swap3A_936 = vector.shape_cast %mul3A_931 : vector<16xf32> to vector<1x16xf32>
        tpu.vector_store %arg11[%swap3A_932, %swap3A_933], %swap3A_936 {strides = array<i32>} : memref<256x128xf32, #tpu.memory_space<vmem>>, vector<1x16xf32>,
        %get3A_937 = arith.index_cast %add3A_925 : i32 to index
        %get3A_938 = arith.constant 16 : index
        %get3A_939 = tpu.vector_load %arg11[%get3A_937, %get3A_938] {strides = array<i32>} : memref<256x128xf32, #tpu.memory_space<vmem>>, vector<1x16xf32>,
        %get3A_940 = vector.shape_cast %get3A_939 : vector<1x16xf32> to vector<16xf32>
        %mul3A_941 = vector.broadcast %squeeze3A_921 : f32 to vector<16xf32>
        %mul3A_942 = arith.mulf %get3A_940, %mul3A_941 : vector<16xf32>
        %swap3A_943 = arith.index_cast %add3A_925 : i32 to index
        %swap3A_944 = arith.constant 16 : index
        %swap3A_945 = tpu.vector_load %arg11[%swap3A_943, %swap3A_944] {strides = array<i32>} : memref<256x128xf32, #tpu.memory_space<vmem>>, vector<1x16xf32>,
        %swap3A_946 = vector.shape_cast %swap3A_945 : vector<1x16xf32> to vector<16xf32>
        %swap3A_947 = vector.shape_cast %mul3A_942 : vector<16xf32> to vector<1x16xf32>
        tpu.vector_store %arg11[%swap3A_943, %swap3A_944], %swap3A_947 {strides = array<i32>} : memref<256x128xf32, #tpu.memory_space<vmem>>, vector<1x16xf32>,
        %get3A_948 = arith.index_cast %add3A_925 : i32 to index
        %get3A_949 = arith.constant 32 : index
        %get3A_950 = tpu.vector_load %arg11[%get3A_948, %get3A_949] {strides = array<i32>} : memref<256x128xf32, #tpu.memory_space<vmem>>, vector<1x16xf32>,
        %get3A_951 = vector.shape_cast %get3A_950 : vector<1x16xf32> to vector<16xf32>
        %mul3A_952 = vector.broadcast %squeeze3A_921 : f32 to vector<16xf32>
        %mul3A_953 = arith.mulf %get3A_951, %mul3A_952 : vector<16xf32>
        %swap3A_954 = arith.index_cast %add3A_925 : i32 to index
        %swap3A_955 = arith.constant 32 : index
        %swap3A_956 = tpu.vector_load %arg11[%swap3A_954, %swap3A_955] {strides = array<i32>} : memref<256x128xf32, #tpu.memory_space<vmem>>, vector<1x16xf32>,
        %swap3A_957 = vector.shape_cast %swap3A_956 : vector<1x16xf32> to vector<16xf32>
        %swap3A_958 = vector.shape_cast %mul3A_953 : vector<16xf32> to vector<1x16xf32>
        tpu.vector_store %arg11[%swap3A_954, %swap3A_955], %swap3A_958 {strides = array<i32>} : memref<256x128xf32, #tpu.memory_space<vmem>>, vector<1x16xf32>,
        %get3A_959 = arith.index_cast %add3A_925 : i32 to index
        %get3A_960 = arith.constant 48 : index
        %get3A_961 = tpu.vector_load %arg11[%get3A_959, %get3A_960] {strides = array<i32>} : memref<256x128xf32, #tpu.memory_space<vmem>>, vector<1x16xf32>,
        %get3A_962 = vector.shape_cast %get3A_961 : vector<1x16xf32> to vector<16xf32>
        %mul3A_963 = vector.broadcast %squeeze3A_921 : f32 to vector<16xf32>
        %mul3A_964 = arith.mulf %get3A_962, %mul3A_963 : vector<16xf32>
        %swap3A_965 = arith.index_cast %add3A_925 : i32 to index
        %swap3A_966 = arith.constant 48 : index
        %swap3A_967 = tpu.vector_load %arg11[%swap3A_965, %swap3A_966] {strides = array<i32>} : memref<256x128xf32, #tpu.memory_space<vmem>>, vector<1x16xf32>,
        %swap3A_968 = vector.shape_cast %swap3A_967 : vector<1x16xf32> to vector<16xf32>
        %swap3A_969 = vector.shape_cast %mul3A_964 : vector<16xf32> to vector<1x16xf32>
        tpu.vector_store %arg11[%swap3A_965, %swap3A_966], %swap3A_969 {strides = array<i32>} : memref<256x128xf32, #tpu.memory_space<vmem>>, vector<1x16xf32>,
        %get3A_970 = arith.index_cast %add3A_925 : i32 to index
        %get3A_971 = arith.constant 64 : index
        %get3A_972 = tpu.vector_load %arg11[%get3A_970, %get3A_971] {strides = array<i32>} : memref<256x128xf32, #tpu.memory_space<vmem>>, vector<1x16xf32>,
        %get3A_973 = vector.shape_cast %get3A_972 : vector<1x16xf32> to vector<16xf32>
        %mul3A_974 = vector.broadcast %squeeze3A_921 : f32 to vector<16xf32>
        %mul3A_975 = arith.mulf %get3A_973, %mul3A_974 : vector<16xf32>
        %swap3A_976 = arith.index_cast %add3A_925 : i32 to index
        %swap3A_977 = arith.constant 64 : index
        %swap3A_978 = tpu.vector_load %arg11[%swap3A_976, %swap3A_977] {strides = array<i32>} : memref<256x128xf32, #tpu.memory_space<vmem>>, vector<1x16xf32>,
        %swap3A_979 = vector.shape_cast %swap3A_978 : vector<1x16xf32> to vector<16xf32>
        %swap3A_980 = vector.shape_cast %mul3A_975 : vector<16xf32> to vector<1x16xf32>
        tpu.vector_store %arg11[%swap3A_976, %swap3A_977], %swap3A_980 {strides = array<i32>} : memref<256x128xf32, #tpu.memory_space<vmem>>, vector<1x16xf32>,
        %get3A_981 = arith.index_cast %add3A_925 : i32 to index
        %get3A_982 = arith.constant 80 : index
        %get3A_983 = tpu.vector_load %arg11[%get3A_981, %get3A_982] {strides = array<i32>} : memref<256x128xf32, #tpu.memory_space<vmem>>, vector<1x16xf32>,
        %get3A_984 = vector.shape_cast %get3A_983 : vector<1x16xf32> to vector<16xf32>
        %mul3A_985 = vector.broadcast %squeeze3A_921 : f32 to vector<16xf32>
        %mul3A_986 = arith.mulf %get3A_984, %mul3A_985 : vector<16xf32>
        %swap3A_987 = arith.index_cast %add3A_925 : i32 to index
        %swap3A_988 = arith.constant 80 : index
        %swap3A_989 = tpu.vector_load %arg11[%swap3A_987, %swap3A_988] {strides = array<i32>} : memref<256x128xf32, #tpu.memory_space<vmem>>, vector<1x16xf32>,
        %swap3A_990 = vector.shape_cast %swap3A_989 : vector<1x16xf32> to vector<16xf32>
        %swap3A_991 = vector.shape_cast %mul3A_986 : vector<16xf32> to vector<1x16xf32>
        tpu.vector_store %arg11[%swap3A_987, %swap3A_988], %swap3A_991 {strides = array<i32>} : memref<256x128xf32, #tpu.memory_space<vmem>>, vector<1x16xf32>,
        %get3A_992 = arith.index_cast %add3A_925 : i32 to index
        %get3A_993 = arith.constant 96 : index
        %get3A_994 = tpu.vector_load %arg11[%get3A_992, %get3A_993] {strides = array<i32>} : memref<256x128xf32, #tpu.memory_space<vmem>>, vector<1x16xf32>,
        %get3A_995 = vector.shape_cast %get3A_994 : vector<1x16xf32> to vector<16xf32>
        %mul3A_996 = vector.broadcast %squeeze3A_921 : f32 to vector<16xf32>
        %mul3A_997 = arith.mulf %get3A_995, %mul3A_996 : vector<16xf32>
        %swap3A_998 = arith.index_cast %add3A_925 : i32 to index
        %swap3A_999 = arith.constant 96 : index
        %swap3A_1000 = tpu.vector_load %arg11[%swap3A_998, %swap3A_999] {strides = array<i32>} : memref<256x128xf32, #tpu.memory_space<vmem>>, vector<1x16xf32>,
        %swap3A_1001 = vector.shape_cast %swap3A_1000 : vector<1x16xf32> to vector<16xf32>
        %swap3A_1002 = vector.shape_cast %mul3A_997 : vector<16xf32> to vector<1x16xf32>
        tpu.vector_store %arg11[%swap3A_998, %swap3A_999], %swap3A_1002 {strides = array<i32>} : memref<256x128xf32, #tpu.memory_space<vmem>>, vector<1x16xf32>,
        %get3A_1003 = arith.index_cast %add3A_925 : i32 to index
        %get3A_1004 = arith.constant 112 : index
        %get3A_1005 = tpu.vector_load %arg11[%get3A_1003, %get3A_1004] {strides = array<i32>} : memref<256x128xf32, #tpu.memory_space<vmem>>, vector<1x16xf32>,
        %get3A_1006 = vector.shape_cast %get3A_1005 : vector<1x16xf32> to vector<16xf32>
        %mul3A_1007 = vector.broadcast %squeeze3A_921 : f32 to vector<16xf32>
        %mul3A_1008 = arith.mulf %get3A_1006, %mul3A_1007 : vector<16xf32>
        %swap3A_1009 = arith.index_cast %add3A_925 : i32 to index
        %swap3A_1010 = arith.constant 112 : index
        %swap3A_1011 = tpu.vector_load %arg11[%swap3A_1009, %swap3A_1010] {strides = array<i32>} : memref<256x128xf32, #tpu.memory_space<vmem>>, vector<1x16xf32>,
        %swap3A_1012 = vector.shape_cast %swap3A_1011 : vector<1x16xf32> to vector<16xf32>
        %swap3A_1013 = vector.shape_cast %mul3A_1008 : vector<16xf32> to vector<1x16xf32>
        tpu.vector_store %arg11[%swap3A_1009, %swap3A_1010], %swap3A_1013 {strides = array<i32>} : memref<256x128xf32, #tpu.memory_space<vmem>>, vector<1x16xf32>,
        %slice3A_1014 = vector.extract_strided_slice %get3A_170 {offsets = [9], sizes = [1], strides = [1]} : vector<16xf32> to vector<1xf32>
        %squeeze3A_1015 = vector.extract %slice3A_1014[0] : f32 from vector<1xf32>
        %mul3A_1016 = arith.constant 16 : i32
        %mul3A_1017 = arith.muli %scan3A_165, %mul3A_1016 : i32
        %add3A_1018 = arith.constant 9 : i32
        %add3A_1019 = arith.addi %mul3A_1017, %add3A_1018 : i32
        %get3A_1020 = arith.index_cast %add3A_1019 : i32 to index
        %get3A_1021 = arith.constant 0 : index
        %get3A_1022 = tpu.vector_load %arg11[%get3A_1020, %get3A_1021] {strides = array<i32>} : memref<256x128xf32, #tpu.memory_space<vmem>>, vector<1x16xf32>,
        %get3A_1023 = vector.shape_cast %get3A_1022 : vector<1x16xf32> to vector<16xf32>
        %mul3A_1024 = vector.broadcast %squeeze3A_1015 : f32 to vector<16xf32>
        %mul3A_1025 = arith.mulf %get3A_1023, %mul3A_1024 : vector<16xf32>
        %swap3A_1026 = arith.index_cast %add3A_1019 : i32 to index
        %swap3A_1027 = arith.constant 0 : index
        %swap3A_1028 = tpu.vector_load %arg11[%swap3A_1026, %swap3A_1027] {strides = array<i32>} : memref<256x128xf32, #tpu.memory_space<vmem>>, vector<1x16xf32>,
        %swap3A_1029 = vector.shape_cast %swap3A_1028 : vector<1x16xf32> to vector<16xf32>
        %swap3A_1030 = vector.shape_cast %mul3A_1025 : vector<16xf32> to vector<1x16xf32>
        tpu.vector_store %arg11[%swap3A_1026, %swap3A_1027], %swap3A_1030 {strides = array<i32>} : memref<256x128xf32, #tpu.memory_space<vmem>>, vector<1x16xf32>,
        %get3A_1031 = arith.index_cast %add3A_1019 : i32 to index
        %get3A_1032 = arith.constant 16 : index
        %get3A_1033 = tpu.vector_load %arg11[%get3A_1031, %get3A_1032] {strides = array<i32>} : memref<256x128xf32, #tpu.memory_space<vmem>>, vector<1x16xf32>,
        %get3A_1034 = vector.shape_cast %get3A_1033 : vector<1x16xf32> to vector<16xf32>
        %mul3A_1035 = vector.broadcast %squeeze3A_1015 : f32 to vector<16xf32>
        %mul3A_1036 = arith.mulf %get3A_1034, %mul3A_1035 : vector<16xf32>
        %swap3A_1037 = arith.index_cast %add3A_1019 : i32 to index
        %swap3A_1038 = arith.constant 16 : index
        %swap3A_1039 = tpu.vector_load %arg11[%swap3A_1037, %swap3A_1038] {strides = array<i32>} : memref<256x128xf32, #tpu.memory_space<vmem>>, vector<1x16xf32>,
        %swap3A_1040 = vector.shape_cast %swap3A_1039 : vector<1x16xf32> to vector<16xf32>
        %swap3A_1041 = vector.shape_cast %mul3A_1036 : vector<16xf32> to vector<1x16xf32>
        tpu.vector_store %arg11[%swap3A_1037, %swap3A_1038], %swap3A_1041 {strides = array<i32>} : memref<256x128xf32, #tpu.memory_space<vmem>>, vector<1x16xf32>,
        %get3A_1042 = arith.index_cast %add3A_1019 : i32 to index
        %get3A_1043 = arith.constant 32 : index
        %get3A_1044 = tpu.vector_load %arg11[%get3A_1042, %get3A_1043] {strides = array<i32>} : memref<256x128xf32, #tpu.memory_space<vmem>>, vector<1x16xf32>,
        %get3A_1045 = vector.shape_cast %get3A_1044 : vector<1x16xf32> to vector<16xf32>
        %mul3A_1046 = vector.broadcast %squeeze3A_1015 : f32 to vector<16xf32>
        %mul3A_1047 = arith.mulf %get3A_1045, %mul3A_1046 : vector<16xf32>
        %swap3A_1048 = arith.index_cast %add3A_1019 : i32 to index
        %swap3A_1049 = arith.constant 32 : index
        %swap3A_1050 = tpu.vector_load %arg11[%swap3A_1048, %swap3A_1049] {strides = array<i32>} : memref<256x128xf32, #tpu.memory_space<vmem>>, vector<1x16xf32>,
        %swap3A_1051 = vector.shape_cast %swap3A_1050 : vector<1x16xf32> to vector<16xf32>
        %swap3A_1052 = vector.shape_cast %mul3A_1047 : vector<16xf32> to vector<1x16xf32>
        tpu.vector_store %arg11[%swap3A_1048, %swap3A_1049], %swap3A_1052 {strides = array<i32>} : memref<256x128xf32, #tpu.memory_space<vmem>>, vector<1x16xf32>,
        %get3A_1053 = arith.index_cast %add3A_1019 : i32 to index
        %get3A_1054 = arith.constant 48 : index
        %get3A_1055 = tpu.vector_load %arg11[%get3A_1053, %get3A_1054] {strides = array<i32>} : memref<256x128xf32, #tpu.memory_space<vmem>>, vector<1x16xf32>,
        %get3A_1056 = vector.shape_cast %get3A_1055 : vector<1x16xf32> to vector<16xf32>
        %mul3A_1057 = vector.broadcast %squeeze3A_1015 : f32 to vector<16xf32>
        %mul3A_1058 = arith.mulf %get3A_1056, %mul3A_1057 : vector<16xf32>
        %swap3A_1059 = arith.index_cast %add3A_1019 : i32 to index
        %swap3A_1060 = arith.constant 48 : index
        %swap3A_1061 = tpu.vector_load %arg11[%swap3A_1059, %swap3A_1060] {strides = array<i32>} : memref<256x128xf32, #tpu.memory_space<vmem>>, vector<1x16xf32>,
        %swap3A_1062 = vector.shape_cast %swap3A_1061 : vector<1x16xf32> to vector<16xf32>
        %swap3A_1063 = vector.shape_cast %mul3A_1058 : vector<16xf32> to vector<1x16xf32>
        tpu.vector_store %arg11[%swap3A_1059, %swap3A_1060], %swap3A_1063 {strides = array<i32>} : memref<256x128xf32, #tpu.memory_space<vmem>>, vector<1x16xf32>,
        %get3A_1064 = arith.index_cast %add3A_1019 : i32 to index
        %get3A_1065 = arith.constant 64 : index
        %get3A_1066 = tpu.vector_load %arg11[%get3A_1064, %get3A_1065] {strides = array<i32>} : memref<256x128xf32, #tpu.memory_space<vmem>>, vector<1x16xf32>,
        %get3A_1067 = vector.shape_cast %get3A_1066 : vector<1x16xf32> to vector<16xf32>
        %mul3A_1068 = vector.broadcast %squeeze3A_1015 : f32 to vector<16xf32>
        %mul3A_1069 = arith.mulf %get3A_1067, %mul3A_1068 : vector<16xf32>
        %swap3A_1070 = arith.index_cast %add3A_1019 : i32 to index
        %swap3A_1071 = arith.constant 64 : index
        %swap3A_1072 = tpu.vector_load %arg11[%swap3A_1070, %swap3A_1071] {strides = array<i32>} : memref<256x128xf32, #tpu.memory_space<vmem>>, vector<1x16xf32>,
        %swap3A_1073 = vector.shape_cast %swap3A_1072 : vector<1x16xf32> to vector<16xf32>
        %swap3A_1074 = vector.shape_cast %mul3A_1069 : vector<16xf32> to vector<1x16xf32>
        tpu.vector_store %arg11[%swap3A_1070, %swap3A_1071], %swap3A_1074 {strides = array<i32>} : memref<256x128xf32, #tpu.memory_space<vmem>>, vector<1x16xf32>,
        %get3A_1075 = arith.index_cast %add3A_1019 : i32 to index
        %get3A_1076 = arith.constant 80 : index
        %get3A_1077 = tpu.vector_load %arg11[%get3A_1075, %get3A_1076] {strides = array<i32>} : memref<256x128xf32, #tpu.memory_space<vmem>>, vector<1x16xf32>,
        %get3A_1078 = vector.shape_cast %get3A_1077 : vector<1x16xf32> to vector<16xf32>
        %mul3A_1079 = vector.broadcast %squeeze3A_1015 : f32 to vector<16xf32>
        %mul3A_1080 = arith.mulf %get3A_1078, %mul3A_1079 : vector<16xf32>
        %swap3A_1081 = arith.index_cast %add3A_1019 : i32 to index
        %swap3A_1082 = arith.constant 80 : index
        %swap3A_1083 = tpu.vector_load %arg11[%swap3A_1081, %swap3A_1082] {strides = array<i32>} : memref<256x128xf32, #tpu.memory_space<vmem>>, vector<1x16xf32>,
        %swap3A_1084 = vector.shape_cast %swap3A_1083 : vector<1x16xf32> to vector<16xf32>
        %swap3A_1085 = vector.shape_cast %mul3A_1080 : vector<16xf32> to vector<1x16xf32>
        tpu.vector_store %arg11[%swap3A_1081, %swap3A_1082], %swap3A_1085 {strides = array<i32>} : memref<256x128xf32, #tpu.memory_space<vmem>>, vector<1x16xf32>,
        %get3A_1086 = arith.index_cast %add3A_1019 : i32 to index
        %get3A_1087 = arith.constant 96 : index
        %get3A_1088 = tpu.vector_load %arg11[%get3A_1086, %get3A_1087] {strides = array<i32>} : memref<256x128xf32, #tpu.memory_space<vmem>>, vector<1x16xf32>,
        %get3A_1089 = vector.shape_cast %get3A_1088 : vector<1x16xf32> to vector<16xf32>
        %mul3A_1090 = vector.broadcast %squeeze3A_1015 : f32 to vector<16xf32>
        %mul3A_1091 = arith.mulf %get3A_1089, %mul3A_1090 : vector<16xf32>
        %swap3A_1092 = arith.index_cast %add3A_1019 : i32 to index
        %swap3A_1093 = arith.constant 96 : index
        %swap3A_1094 = tpu.vector_load %arg11[%swap3A_1092, %swap3A_1093] {strides = array<i32>} : memref<256x128xf32, #tpu.memory_space<vmem>>, vector<1x16xf32>,
        %swap3A_1095 = vector.shape_cast %swap3A_1094 : vector<1x16xf32> to vector<16xf32>
        %swap3A_1096 = vector.shape_cast %mul3A_1091 : vector<16xf32> to vector<1x16xf32>
        tpu.vector_store %arg11[%swap3A_1092, %swap3A_1093], %swap3A_1096 {strides = array<i32>} : memref<256x128xf32, #tpu.memory_space<vmem>>, vector<1x16xf32>,
        %get3A_1097 = arith.index_cast %add3A_1019 : i32 to index
        %get3A_1098 = arith.constant 112 : index
        %get3A_1099 = tpu.vector_load %arg11[%get3A_1097, %get3A_1098] {strides = array<i32>} : memref<256x128xf32, #tpu.memory_space<vmem>>, vector<1x16xf32>,
        %get3A_1100 = vector.shape_cast %get3A_1099 : vector<1x16xf32> to vector<16xf32>
        %mul3A_1101 = vector.broadcast %squeeze3A_1015 : f32 to vector<16xf32>
        %mul3A_1102 = arith.mulf %get3A_1100, %mul3A_1101 : vector<16xf32>
        %swap3A_1103 = arith.index_cast %add3A_1019 : i32 to index
        %swap3A_1104 = arith.constant 112 : index
        %swap3A_1105 = tpu.vector_load %arg11[%swap3A_1103, %swap3A_1104] {strides = array<i32>} : memref<256x128xf32, #tpu.memory_space<vmem>>, vector<1x16xf32>,
        %swap3A_1106 = vector.shape_cast %swap3A_1105 : vector<1x16xf32> to vector<16xf32>
        %swap3A_1107 = vector.shape_cast %mul3A_1102 : vector<16xf32> to vector<1x16xf32>
        tpu.vector_store %arg11[%swap3A_1103, %swap3A_1104], %swap3A_1107 {strides = array<i32>} : memref<256x128xf32, #tpu.memory_space<vmem>>, vector<1x16xf32>,
        %slice3A_1108 = vector.extract_strided_slice %get3A_170 {offsets = [10], sizes = [1], strides = [1]} : vector<16xf32> to vector<1xf32>
        %squeeze3A_1109 = vector.extract %slice3A_1108[0] : f32 from vector<1xf32>
        %mul3A_1110 = arith.constant 16 : i32
        %mul3A_1111 = arith.muli %scan3A_165, %mul3A_1110 : i32
        %add3A_1112 = arith.constant 10 : i32
        %add3A_1113 = arith.addi %mul3A_1111, %add3A_1112 : i32
        %get3A_1114 = arith.index_cast %add3A_1113 : i32 to index
        %get3A_1115 = arith.constant 0 : index
        %get3A_1116 = tpu.vector_load %arg11[%get3A_1114, %get3A_1115] {strides = array<i32>} : memref<256x128xf32, #tpu.memory_space<vmem>>, vector<1x16xf32>,
        %get3A_1117 = vector.shape_cast %get3A_1116 : vector<1x16xf32> to vector<16xf32>
        %mul3A_1118 = vector.broadcast %squeeze3A_1109 : f32 to vector<16xf32>
        %mul3A_1119 = arith.mulf %get3A_1117, %mul3A_1118 : vector<16xf32>
        %swap3A_1120 = arith.index_cast %add3A_1113 : i32 to index
        %swap3A_1121 = arith.constant 0 : index
        %swap3A_1122 = tpu.vector_load %arg11[%swap3A_1120, %swap3A_1121] {strides = array<i32>} : memref<256x128xf32, #tpu.memory_space<vmem>>, vector<1x16xf32>,
        %swap3A_1123 = vector.shape_cast %swap3A_1122 : vector<1x16xf32> to vector<16xf32>
        %swap3A_1124 = vector.shape_cast %mul3A_1119 : vector<16xf32> to vector<1x16xf32>
        tpu.vector_store %arg11[%swap3A_1120, %swap3A_1121], %swap3A_1124 {strides = array<i32>} : memref<256x128xf32, #tpu.memory_space<vmem>>, vector<1x16xf32>,
        %get3A_1125 = arith.index_cast %add3A_1113 : i32 to index
        %get3A_1126 = arith.constant 16 : index
        %get3A_1127 = tpu.vector_load %arg11[%get3A_1125, %get3A_1126] {strides = array<i32>} : memref<256x128xf32, #tpu.memory_space<vmem>>, vector<1x16xf32>,
        %get3A_1128 = vector.shape_cast %get3A_1127 : vector<1x16xf32> to vector<16xf32>
        %mul3A_1129 = vector.broadcast %squeeze3A_1109 : f32 to vector<16xf32>
        %mul3A_1130 = arith.mulf %get3A_1128, %mul3A_1129 : vector<16xf32>
        %swap3A_1131 = arith.index_cast %add3A_1113 : i32 to index
        %swap3A_1132 = arith.constant 16 : index
        %swap3A_1133 = tpu.vector_load %arg11[%swap3A_1131, %swap3A_1132] {strides = array<i32>} : memref<256x128xf32, #tpu.memory_space<vmem>>, vector<1x16xf32>,
        %swap3A_1134 = vector.shape_cast %swap3A_1133 : vector<1x16xf32> to vector<16xf32>
        %swap3A_1135 = vector.shape_cast %mul3A_1130 : vector<16xf32> to vector<1x16xf32>
        tpu.vector_store %arg11[%swap3A_1131, %swap3A_1132], %swap3A_1135 {strides = array<i32>} : memref<256x128xf32, #tpu.memory_space<vmem>>, vector<1x16xf32>,
        %get3A_1136 = arith.index_cast %add3A_1113 : i32 to index
        %get3A_1137 = arith.constant 32 : index
        %get3A_1138 = tpu.vector_load %arg11[%get3A_1136, %get3A_1137] {strides = array<i32>} : memref<256x128xf32, #tpu.memory_space<vmem>>, vector<1x16xf32>,
        %get3A_1139 = vector.shape_cast %get3A_1138 : vector<1x16xf32> to vector<16xf32>
        %mul3A_1140 = vector.broadcast %squeeze3A_1109 : f32 to vector<16xf32>
        %mul3A_1141 = arith.mulf %get3A_1139, %mul3A_1140 : vector<16xf32>
        %swap3A_1142 = arith.index_cast %add3A_1113 : i32 to index
        %swap3A_1143 = arith.constant 32 : index
        %swap3A_1144 = tpu.vector_load %arg11[%swap3A_1142, %swap3A_1143] {strides = array<i32>} : memref<256x128xf32, #tpu.memory_space<vmem>>, vector<1x16xf32>,
        %swap3A_1145 = vector.shape_cast %swap3A_1144 : vector<1x16xf32> to vector<16xf32>
        %swap3A_1146 = vector.shape_cast %mul3A_1141 : vector<16xf32> to vector<1x16xf32>
        tpu.vector_store %arg11[%swap3A_1142, %swap3A_1143], %swap3A_1146 {strides = array<i32>} : memref<256x128xf32, #tpu.memory_space<vmem>>, vector<1x16xf32>,
        %get3A_1147 = arith.index_cast %add3A_1113 : i32 to index
        %get3A_1148 = arith.constant 48 : index
        %get3A_1149 = tpu.vector_load %arg11[%get3A_1147, %get3A_1148] {strides = array<i32>} : memref<256x128xf32, #tpu.memory_space<vmem>>, vector<1x16xf32>,
        %get3A_1150 = vector.shape_cast %get3A_1149 : vector<1x16xf32> to vector<16xf32>
        %mul3A_1151 = vector.broadcast %squeeze3A_1109 : f32 to vector<16xf32>
        %mul3A_1152 = arith.mulf %get3A_1150, %mul3A_1151 : vector<16xf32>
        %swap3A_1153 = arith.index_cast %add3A_1113 : i32 to index
        %swap3A_1154 = arith.constant 48 : index
        %swap3A_1155 = tpu.vector_load %arg11[%swap3A_1153, %swap3A_1154] {strides = array<i32>} : memref<256x128xf32, #tpu.memory_space<vmem>>, vector<1x16xf32>,
        %swap3A_1156 = vector.shape_cast %swap3A_1155 : vector<1x16xf32> to vector<16xf32>
        %swap3A_1157 = vector.shape_cast %mul3A_1152 : vector<16xf32> to vector<1x16xf32>
        tpu.vector_store %arg11[%swap3A_1153, %swap3A_1154], %swap3A_1157 {strides = array<i32>} : memref<256x128xf32, #tpu.memory_space<vmem>>, vector<1x16xf32>,
        %get3A_1158 = arith.index_cast %add3A_1113 : i32 to index
        %get3A_1159 = arith.constant 64 : index
        %get3A_1160 = tpu.vector_load %arg11[%get3A_1158, %get3A_1159] {strides = array<i32>} : memref<256x128xf32, #tpu.memory_space<vmem>>, vector<1x16xf32>,
        %get3A_1161 = vector.shape_cast %get3A_1160 : vector<1x16xf32> to vector<16xf32>
        %mul3A_1162 = vector.broadcast %squeeze3A_1109 : f32 to vector<16xf32>
        %mul3A_1163 = arith.mulf %get3A_1161, %mul3A_1162 : vector<16xf32>
        %swap3A_1164 = arith.index_cast %add3A_1113 : i32 to index
        %swap3A_1165 = arith.constant 64 : index
        %swap3A_1166 = tpu.vector_load %arg11[%swap3A_1164, %swap3A_1165] {strides = array<i32>} : memref<256x128xf32, #tpu.memory_space<vmem>>, vector<1x16xf32>,
        %swap3A_1167 = vector.shape_cast %swap3A_1166 : vector<1x16xf32> to vector<16xf32>
        %swap3A_1168 = vector.shape_cast %mul3A_1163 : vector<16xf32> to vector<1x16xf32>
        tpu.vector_store %arg11[%swap3A_1164, %swap3A_1165], %swap3A_1168 {strides = array<i32>} : memref<256x128xf32, #tpu.memory_space<vmem>>, vector<1x16xf32>,
        %get3A_1169 = arith.index_cast %add3A_1113 : i32 to index
        %get3A_1170 = arith.constant 80 : index
        %get3A_1171 = tpu.vector_load %arg11[%get3A_1169, %get3A_1170] {strides = array<i32>} : memref<256x128xf32, #tpu.memory_space<vmem>>, vector<1x16xf32>,
        %get3A_1172 = vector.shape_cast %get3A_1171 : vector<1x16xf32> to vector<16xf32>
        %mul3A_1173 = vector.broadcast %squeeze3A_1109 : f32 to vector<16xf32>
        %mul3A_1174 = arith.mulf %get3A_1172, %mul3A_1173 : vector<16xf32>
        %swap3A_1175 = arith.index_cast %add3A_1113 : i32 to index
        %swap3A_1176 = arith.constant 80 : index
        %swap3A_1177 = tpu.vector_load %arg11[%swap3A_1175, %swap3A_1176] {strides = array<i32>} : memref<256x128xf32, #tpu.memory_space<vmem>>, vector<1x16xf32>,
        %swap3A_1178 = vector.shape_cast %swap3A_1177 : vector<1x16xf32> to vector<16xf32>
        %swap3A_1179 = vector.shape_cast %mul3A_1174 : vector<16xf32> to vector<1x16xf32>
        tpu.vector_store %arg11[%swap3A_1175, %swap3A_1176], %swap3A_1179 {strides = array<i32>} : memref<256x128xf32, #tpu.memory_space<vmem>>, vector<1x16xf32>,
        %get3A_1180 = arith.index_cast %add3A_1113 : i32 to index
        %get3A_1181 = arith.constant 96 : index
        %get3A_1182 = tpu.vector_load %arg11[%get3A_1180, %get3A_1181] {strides = array<i32>} : memref<256x128xf32, #tpu.memory_space<vmem>>, vector<1x16xf32>,
        %get3A_1183 = vector.shape_cast %get3A_1182 : vector<1x16xf32> to vector<16xf32>
        %mul3A_1184 = vector.broadcast %squeeze3A_1109 : f32 to vector<16xf32>
        %mul3A_1185 = arith.mulf %get3A_1183, %mul3A_1184 : vector<16xf32>
        %swap3A_1186 = arith.index_cast %add3A_1113 : i32 to index
        %swap3A_1187 = arith.constant 96 : index
        %swap3A_1188 = tpu.vector_load %arg11[%swap3A_1186, %swap3A_1187] {strides = array<i32>} : memref<256x128xf32, #tpu.memory_space<vmem>>, vector<1x16xf32>,
        %swap3A_1189 = vector.shape_cast %swap3A_1188 : vector<1x16xf32> to vector<16xf32>
        %swap3A_1190 = vector.shape_cast %mul3A_1185 : vector<16xf32> to vector<1x16xf32>
        tpu.vector_store %arg11[%swap3A_1186, %swap3A_1187], %swap3A_1190 {strides = array<i32>} : memref<256x128xf32, #tpu.memory_space<vmem>>, vector<1x16xf32>,
        %get3A_1191 = arith.index_cast %add3A_1113 : i32 to index
        %get3A_1192 = arith.constant 112 : index
        %get3A_1193 = tpu.vector_load %arg11[%get3A_1191, %get3A_1192] {strides = array<i32>} : memref<256x128xf32, #tpu.memory_space<vmem>>, vector<1x16xf32>,
        %get3A_1194 = vector.shape_cast %get3A_1193 : vector<1x16xf32> to vector<16xf32>
        %mul3A_1195 = vector.broadcast %squeeze3A_1109 : f32 to vector<16xf32>
        %mul3A_1196 = arith.mulf %get3A_1194, %mul3A_1195 : vector<16xf32>
        %swap3A_1197 = arith.index_cast %add3A_1113 : i32 to index
        %swap3A_1198 = arith.constant 112 : index
        %swap3A_1199 = tpu.vector_load %arg11[%swap3A_1197, %swap3A_1198] {strides = array<i32>} : memref<256x128xf32, #tpu.memory_space<vmem>>, vector<1x16xf32>,
        %swap3A_1200 = vector.shape_cast %swap3A_1199 : vector<1x16xf32> to vector<16xf32>
        %swap3A_1201 = vector.shape_cast %mul3A_1196 : vector<16xf32> to vector<1x16xf32>
        tpu.vector_store %arg11[%swap3A_1197, %swap3A_1198], %swap3A_1201 {strides = array<i32>} : memref<256x128xf32, #tpu.memory_space<vmem>>, vector<1x16xf32>,
        %slice3A_1202 = vector.extract_strided_slice %get3A_170 {offsets = [11], sizes = [1], strides = [1]} : vector<16xf32> to vector<1xf32>
        %squeeze3A_1203 = vector.extract %slice3A_1202[0] : f32 from vector<1xf32>
        %mul3A_1204 = arith.constant 16 : i32
        %mul3A_1205 = arith.muli %scan3A_165, %mul3A_1204 : i32
        %add3A_1206 = arith.constant 11 : i32
        %add3A_1207 = arith.addi %mul3A_1205, %add3A_1206 : i32
        %get3A_1208 = arith.index_cast %add3A_1207 : i32 to index
        %get3A_1209 = arith.constant 0 : index
        %get3A_1210 = tpu.vector_load %arg11[%get3A_1208, %get3A_1209] {strides = array<i32>} : memref<256x128xf32, #tpu.memory_space<vmem>>, vector<1x16xf32>,
        %get3A_1211 = vector.shape_cast %get3A_1210 : vector<1x16xf32> to vector<16xf32>
        %mul3A_1212 = vector.broadcast %squeeze3A_1203 : f32 to vector<16xf32>
        %mul3A_1213 = arith.mulf %get3A_1211, %mul3A_1212 : vector<16xf32>
        %swap3A_1214 = arith.index_cast %add3A_1207 : i32 to index
        %swap3A_1215 = arith.constant 0 : index
        %swap3A_1216 = tpu.vector_load %arg11[%swap3A_1214, %swap3A_1215] {strides = array<i32>} : memref<256x128xf32, #tpu.memory_space<vmem>>, vector<1x16xf32>,
        %swap3A_1217 = vector.shape_cast %swap3A_1216 : vector<1x16xf32> to vector<16xf32>
        %swap3A_1218 = vector.shape_cast %mul3A_1213 : vector<16xf32> to vector<1x16xf32>
        tpu.vector_store %arg11[%swap3A_1214, %swap3A_1215], %swap3A_1218 {strides = array<i32>} : memref<256x128xf32, #tpu.memory_space<vmem>>, vector<1x16xf32>,
        %get3A_1219 = arith.index_cast %add3A_1207 : i32 to index
        %get3A_1220 = arith.constant 16 : index
        %get3A_1221 = tpu.vector_load %arg11[%get3A_1219, %get3A_1220] {strides = array<i32>} : memref<256x128xf32, #tpu.memory_space<vmem>>, vector<1x16xf32>,
        %get3A_1222 = vector.shape_cast %get3A_1221 : vector<1x16xf32> to vector<16xf32>
        %mul3A_1223 = vector.broadcast %squeeze3A_1203 : f32 to vector<16xf32>
        %mul3A_1224 = arith.mulf %get3A_1222, %mul3A_1223 : vector<16xf32>
        %swap3A_1225 = arith.index_cast %add3A_1207 : i32 to index
        %swap3A_1226 = arith.constant 16 : index
        %swap3A_1227 = tpu.vector_load %arg11[%swap3A_1225, %swap3A_1226] {strides = array<i32>} : memref<256x128xf32, #tpu.memory_space<vmem>>, vector<1x16xf32>,
        %swap3A_1228 = vector.shape_cast %swap3A_1227 : vector<1x16xf32> to vector<16xf32>
        %swap3A_1229 = vector.shape_cast %mul3A_1224 : vector<16xf32> to vector<1x16xf32>
        tpu.vector_store %arg11[%swap3A_1225, %swap3A_1226], %swap3A_1229 {strides = array<i32>} : memref<256x128xf32, #tpu.memory_space<vmem>>, vector<1x16xf32>,
        %get3A_1230 = arith.index_cast %add3A_1207 : i32 to index
        %get3A_1231 = arith.constant 32 : index
        %get3A_1232 = tpu.vector_load %arg11[%get3A_1230, %get3A_1231] {strides = array<i32>} : memref<256x128xf32, #tpu.memory_space<vmem>>, vector<1x16xf32>,
        %get3A_1233 = vector.shape_cast %get3A_1232 : vector<1x16xf32> to vector<16xf32>
        %mul3A_1234 = vector.broadcast %squeeze3A_1203 : f32 to vector<16xf32>
        %mul3A_1235 = arith.mulf %get3A_1233, %mul3A_1234 : vector<16xf32>
        %swap3A_1236 = arith.index_cast %add3A_1207 : i32 to index
        %swap3A_1237 = arith.constant 32 : index
        %swap3A_1238 = tpu.vector_load %arg11[%swap3A_1236, %swap3A_1237] {strides = array<i32>} : memref<256x128xf32, #tpu.memory_space<vmem>>, vector<1x16xf32>,
        %swap3A_1239 = vector.shape_cast %swap3A_1238 : vector<1x16xf32> to vector<16xf32>
        %swap3A_1240 = vector.shape_cast %mul3A_1235 : vector<16xf32> to vector<1x16xf32>
        tpu.vector_store %arg11[%swap3A_1236, %swap3A_1237], %swap3A_1240 {strides = array<i32>} : memref<256x128xf32, #tpu.memory_space<vmem>>, vector<1x16xf32>,
        %get3A_1241 = arith.index_cast %add3A_1207 : i32 to index
        %get3A_1242 = arith.constant 48 : index
        %get3A_1243 = tpu.vector_load %arg11[%get3A_1241, %get3A_1242] {strides = array<i32>} : memref<256x128xf32, #tpu.memory_space<vmem>>, vector<1x16xf32>,
        %get3A_1244 = vector.shape_cast %get3A_1243 : vector<1x16xf32> to vector<16xf32>
        %mul3A_1245 = vector.broadcast %squeeze3A_1203 : f32 to vector<16xf32>
        %mul3A_1246 = arith.mulf %get3A_1244, %mul3A_1245 : vector<16xf32>
        %swap3A_1247 = arith.index_cast %add3A_1207 : i32 to index
        %swap3A_1248 = arith.constant 48 : index
        %swap3A_1249 = tpu.vector_load %arg11[%swap3A_1247, %swap3A_1248] {strides = array<i32>} : memref<256x128xf32, #tpu.memory_space<vmem>>, vector<1x16xf32>,
        %swap3A_1250 = vector.shape_cast %swap3A_1249 : vector<1x16xf32> to vector<16xf32>
        %swap3A_1251 = vector.shape_cast %mul3A_1246 : vector<16xf32> to vector<1x16xf32>
        tpu.vector_store %arg11[%swap3A_1247, %swap3A_1248], %swap3A_1251 {strides = array<i32>} : memref<256x128xf32, #tpu.memory_space<vmem>>, vector<1x16xf32>,
        %get3A_1252 = arith.index_cast %add3A_1207 : i32 to index
        %get3A_1253 = arith.constant 64 : index
        %get3A_1254 = tpu.vector_load %arg11[%get3A_1252, %get3A_1253] {strides = array<i32>} : memref<256x128xf32, #tpu.memory_space<vmem>>, vector<1x16xf32>,
        %get3A_1255 = vector.shape_cast %get3A_1254 : vector<1x16xf32> to vector<16xf32>
        %mul3A_1256 = vector.broadcast %squeeze3A_1203 : f32 to vector<16xf32>
        %mul3A_1257 = arith.mulf %get3A_1255, %mul3A_1256 : vector<16xf32>
        %swap3A_1258 = arith.index_cast %add3A_1207 : i32 to index
        %swap3A_1259 = arith.constant 64 : index
        %swap3A_1260 = tpu.vector_load %arg11[%swap3A_1258, %swap3A_1259] {strides = array<i32>} : memref<256x128xf32, #tpu.memory_space<vmem>>, vector<1x16xf32>,
        %swap3A_1261 = vector.shape_cast %swap3A_1260 : vector<1x16xf32> to vector<16xf32>
        %swap3A_1262 = vector.shape_cast %mul3A_1257 : vector<16xf32> to vector<1x16xf32>
        tpu.vector_store %arg11[%swap3A_1258, %swap3A_1259], %swap3A_1262 {strides = array<i32>} : memref<256x128xf32, #tpu.memory_space<vmem>>, vector<1x16xf32>,
        %get3A_1263 = arith.index_cast %add3A_1207 : i32 to index
        %get3A_1264 = arith.constant 80 : index
        %get3A_1265 = tpu.vector_load %arg11[%get3A_1263, %get3A_1264] {strides = array<i32>} : memref<256x128xf32, #tpu.memory_space<vmem>>, vector<1x16xf32>,
        %get3A_1266 = vector.shape_cast %get3A_1265 : vector<1x16xf32> to vector<16xf32>
        %mul3A_1267 = vector.broadcast %squeeze3A_1203 : f32 to vector<16xf32>
        %mul3A_1268 = arith.mulf %get3A_1266, %mul3A_1267 : vector<16xf32>
        %swap3A_1269 = arith.index_cast %add3A_1207 : i32 to index
        %swap3A_1270 = arith.constant 80 : index
        %swap3A_1271 = tpu.vector_load %arg11[%swap3A_1269, %swap3A_1270] {strides = array<i32>} : memref<256x128xf32, #tpu.memory_space<vmem>>, vector<1x16xf32>,
        %swap3A_1272 = vector.shape_cast %swap3A_1271 : vector<1x16xf32> to vector<16xf32>
        %swap3A_1273 = vector.shape_cast %mul3A_1268 : vector<16xf32> to vector<1x16xf32>
        tpu.vector_store %arg11[%swap3A_1269, %swap3A_1270], %swap3A_1273 {strides = array<i32>} : memref<256x128xf32, #tpu.memory_space<vmem>>, vector<1x16xf32>,
        %get3A_1274 = arith.index_cast %add3A_1207 : i32 to index
        %get3A_1275 = arith.constant 96 : index
        %get3A_1276 = tpu.vector_load %arg11[%get3A_1274, %get3A_1275] {strides = array<i32>} : memref<256x128xf32, #tpu.memory_space<vmem>>, vector<1x16xf32>,
        %get3A_1277 = vector.shape_cast %get3A_1276 : vector<1x16xf32> to vector<16xf32>
        %mul3A_1278 = vector.broadcast %squeeze3A_1203 : f32 to vector<16xf32>
        %mul3A_1279 = arith.mulf %get3A_1277, %mul3A_1278 : vector<16xf32>
        %swap3A_1280 = arith.index_cast %add3A_1207 : i32 to index
        %swap3A_1281 = arith.constant 96 : index
        %swap3A_1282 = tpu.vector_load %arg11[%swap3A_1280, %swap3A_1281] {strides = array<i32>} : memref<256x128xf32, #tpu.memory_space<vmem>>, vector<1x16xf32>,
        %swap3A_1283 = vector.shape_cast %swap3A_1282 : vector<1x16xf32> to vector<16xf32>
        %swap3A_1284 = vector.shape_cast %mul3A_1279 : vector<16xf32> to vector<1x16xf32>
        tpu.vector_store %arg11[%swap3A_1280, %swap3A_1281], %swap3A_1284 {strides = array<i32>} : memref<256x128xf32, #tpu.memory_space<vmem>>, vector<1x16xf32>,
        %get3A_1285 = arith.index_cast %add3A_1207 : i32 to index
        %get3A_1286 = arith.constant 112 : index
        %get3A_1287 = tpu.vector_load %arg11[%get3A_1285, %get3A_1286] {strides = array<i32>} : memref<256x128xf32, #tpu.memory_space<vmem>>, vector<1x16xf32>,
        %get3A_1288 = vector.shape_cast %get3A_1287 : vector<1x16xf32> to vector<16xf32>
        %mul3A_1289 = vector.broadcast %squeeze3A_1203 : f32 to vector<16xf32>
        %mul3A_1290 = arith.mulf %get3A_1288, %mul3A_1289 : vector<16xf32>
        %swap3A_1291 = arith.index_cast %add3A_1207 : i32 to index
        %swap3A_1292 = arith.constant 112 : index
        %swap3A_1293 = tpu.vector_load %arg11[%swap3A_1291, %swap3A_1292] {strides = array<i32>} : memref<256x128xf32, #tpu.memory_space<vmem>>, vector<1x16xf32>,
        %swap3A_1294 = vector.shape_cast %swap3A_1293 : vector<1x16xf32> to vector<16xf32>
        %swap3A_1295 = vector.shape_cast %mul3A_1290 : vector<16xf32> to vector<1x16xf32>
        tpu.vector_store %arg11[%swap3A_1291, %swap3A_1292], %swap3A_1295 {strides = array<i32>} : memref<256x128xf32, #tpu.memory_space<vmem>>, vector<1x16xf32>,
        %slice3A_1296 = vector.extract_strided_slice %get3A_170 {offsets = [12], sizes = [1], strides = [1]} : vector<16xf32> to vector<1xf32>
        %squeeze3A_1297 = vector.extract %slice3A_1296[0] : f32 from vector<1xf32>
        %mul3A_1298 = arith.constant 16 : i32
        %mul3A_1299 = arith.muli %scan3A_165, %mul3A_1298 : i32
        %add3A_1300 = arith.constant 12 : i32
        %add3A_1301 = arith.addi %mul3A_1299, %add3A_1300 : i32
        %get3A_1302 = arith.index_cast %add3A_1301 : i32 to index
        %get3A_1303 = arith.constant 0 : index
        %get3A_1304 = tpu.vector_load %arg11[%get3A_1302, %get3A_1303] {strides = array<i32>} : memref<256x128xf32, #tpu.memory_space<vmem>>, vector<1x16xf32>,
        %get3A_1305 = vector.shape_cast %get3A_1304 : vector<1x16xf32> to vector<16xf32>
        %mul3A_1306 = vector.broadcast %squeeze3A_1297 : f32 to vector<16xf32>
        %mul3A_1307 = arith.mulf %get3A_1305, %mul3A_1306 : vector<16xf32>
        %swap3A_1308 = arith.index_cast %add3A_1301 : i32 to index
        %swap3A_1309 = arith.constant 0 : index
        %swap3A_1310 = tpu.vector_load %arg11[%swap3A_1308, %swap3A_1309] {strides = array<i32>} : memref<256x128xf32, #tpu.memory_space<vmem>>, vector<1x16xf32>,
        %swap3A_1311 = vector.shape_cast %swap3A_1310 : vector<1x16xf32> to vector<16xf32>
        %swap3A_1312 = vector.shape_cast %mul3A_1307 : vector<16xf32> to vector<1x16xf32>
        tpu.vector_store %arg11[%swap3A_1308, %swap3A_1309], %swap3A_1312 {strides = array<i32>} : memref<256x128xf32, #tpu.memory_space<vmem>>, vector<1x16xf32>,
        %get3A_1313 = arith.index_cast %add3A_1301 : i32 to index
        %get3A_1314 = arith.constant 16 : index
        %get3A_1315 = tpu.vector_load %arg11[%get3A_1313, %get3A_1314] {strides = array<i32>} : memref<256x128xf32, #tpu.memory_space<vmem>>, vector<1x16xf32>,
        %get3A_1316 = vector.shape_cast %get3A_1315 : vector<1x16xf32> to vector<16xf32>
        %mul3A_1317 = vector.broadcast %squeeze3A_1297 : f32 to vector<16xf32>
        %mul3A_1318 = arith.mulf %get3A_1316, %mul3A_1317 : vector<16xf32>
        %swap3A_1319 = arith.index_cast %add3A_1301 : i32 to index
        %swap3A_1320 = arith.constant 16 : index
        %swap3A_1321 = tpu.vector_load %arg11[%swap3A_1319, %swap3A_1320] {strides = array<i32>} : memref<256x128xf32, #tpu.memory_space<vmem>>, vector<1x16xf32>,
        %swap3A_1322 = vector.shape_cast %swap3A_1321 : vector<1x16xf32> to vector<16xf32>
        %swap3A_1323 = vector.shape_cast %mul3A_1318 : vector<16xf32> to vector<1x16xf32>
        tpu.vector_store %arg11[%swap3A_1319, %swap3A_1320], %swap3A_1323 {strides = array<i32>} : memref<256x128xf32, #tpu.memory_space<vmem>>, vector<1x16xf32>,
        %get3A_1324 = arith.index_cast %add3A_1301 : i32 to index
        %get3A_1325 = arith.constant 32 : index
        %get3A_1326 = tpu.vector_load %arg11[%get3A_1324, %get3A_1325] {strides = array<i32>} : memref<256x128xf32, #tpu.memory_space<vmem>>, vector<1x16xf32>,
        %get3A_1327 = vector.shape_cast %get3A_1326 : vector<1x16xf32> to vector<16xf32>
        %mul3A_1328 = vector.broadcast %squeeze3A_1297 : f32 to vector<16xf32>
        %mul3A_1329 = arith.mulf %get3A_1327, %mul3A_1328 : vector<16xf32>
        %swap3A_1330 = arith.index_cast %add3A_1301 : i32 to index
        %swap3A_1331 = arith.constant 32 : index
        %swap3A_1332 = tpu.vector_load %arg11[%swap3A_1330, %swap3A_1331] {strides = array<i32>} : memref<256x128xf32, #tpu.memory_space<vmem>>, vector<1x16xf32>,
        %swap3A_1333 = vector.shape_cast %swap3A_1332 : vector<1x16xf32> to vector<16xf32>
        %swap3A_1334 = vector.shape_cast %mul3A_1329 : vector<16xf32> to vector<1x16xf32>
        tpu.vector_store %arg11[%swap3A_1330, %swap3A_1331], %swap3A_1334 {strides = array<i32>} : memref<256x128xf32, #tpu.memory_space<vmem>>, vector<1x16xf32>,
        %get3A_1335 = arith.index_cast %add3A_1301 : i32 to index
        %get3A_1336 = arith.constant 48 : index
        %get3A_1337 = tpu.vector_load %arg11[%get3A_1335, %get3A_1336] {strides = array<i32>} : memref<256x128xf32, #tpu.memory_space<vmem>>, vector<1x16xf32>,
        %get3A_1338 = vector.shape_cast %get3A_1337 : vector<1x16xf32> to vector<16xf32>
        %mul3A_1339 = vector.broadcast %squeeze3A_1297 : f32 to vector<16xf32>
        %mul3A_1340 = arith.mulf %get3A_1338, %mul3A_1339 : vector<16xf32>
        %swap3A_1341 = arith.index_cast %add3A_1301 : i32 to index
        %swap3A_1342 = arith.constant 48 : index
        %swap3A_1343 = tpu.vector_load %arg11[%swap3A_1341, %swap3A_1342] {strides = array<i32>} : memref<256x128xf32, #tpu.memory_space<vmem>>, vector<1x16xf32>,
        %swap3A_1344 = vector.shape_cast %swap3A_1343 : vector<1x16xf32> to vector<16xf32>
        %swap3A_1345 = vector.shape_cast %mul3A_1340 : vector<16xf32> to vector<1x16xf32>
        tpu.vector_store %arg11[%swap3A_1341, %swap3A_1342], %swap3A_1345 {strides = array<i32>} : memref<256x128xf32, #tpu.memory_space<vmem>>, vector<1x16xf32>,
        %get3A_1346 = arith.index_cast %add3A_1301 : i32 to index
        %get3A_1347 = arith.constant 64 : index
        %get3A_1348 = tpu.vector_load %arg11[%get3A_1346, %get3A_1347] {strides = array<i32>} : memref<256x128xf32, #tpu.memory_space<vmem>>, vector<1x16xf32>,
        %get3A_1349 = vector.shape_cast %get3A_1348 : vector<1x16xf32> to vector<16xf32>
        %mul3A_1350 = vector.broadcast %squeeze3A_1297 : f32 to vector<16xf32>
        %mul3A_1351 = arith.mulf %get3A_1349, %mul3A_1350 : vector<16xf32>
        %swap3A_1352 = arith.index_cast %add3A_1301 : i32 to index
        %swap3A_1353 = arith.constant 64 : index
        %swap3A_1354 = tpu.vector_load %arg11[%swap3A_1352, %swap3A_1353] {strides = array<i32>} : memref<256x128xf32, #tpu.memory_space<vmem>>, vector<1x16xf32>,
        %swap3A_1355 = vector.shape_cast %swap3A_1354 : vector<1x16xf32> to vector<16xf32>
        %swap3A_1356 = vector.shape_cast %mul3A_1351 : vector<16xf32> to vector<1x16xf32>
        tpu.vector_store %arg11[%swap3A_1352, %swap3A_1353], %swap3A_1356 {strides = array<i32>} : memref<256x128xf32, #tpu.memory_space<vmem>>, vector<1x16xf32>,
        %get3A_1357 = arith.index_cast %add3A_1301 : i32 to index
        %get3A_1358 = arith.constant 80 : index
        %get3A_1359 = tpu.vector_load %arg11[%get3A_1357, %get3A_1358] {strides = array<i32>} : memref<256x128xf32, #tpu.memory_space<vmem>>, vector<1x16xf32>,
        %get3A_1360 = vector.shape_cast %get3A_1359 : vector<1x16xf32> to vector<16xf32>
        %mul3A_1361 = vector.broadcast %squeeze3A_1297 : f32 to vector<16xf32>
        %mul3A_1362 = arith.mulf %get3A_1360, %mul3A_1361 : vector<16xf32>
        %swap3A_1363 = arith.index_cast %add3A_1301 : i32 to index
        %swap3A_1364 = arith.constant 80 : index
        %swap3A_1365 = tpu.vector_load %arg11[%swap3A_1363, %swap3A_1364] {strides = array<i32>} : memref<256x128xf32, #tpu.memory_space<vmem>>, vector<1x16xf32>,
        %swap3A_1366 = vector.shape_cast %swap3A_1365 : vector<1x16xf32> to vector<16xf32>
        %swap3A_1367 = vector.shape_cast %mul3A_1362 : vector<16xf32> to vector<1x16xf32>
        tpu.vector_store %arg11[%swap3A_1363, %swap3A_1364], %swap3A_1367 {strides = array<i32>} : memref<256x128xf32, #tpu.memory_space<vmem>>, vector<1x16xf32>,
        %get3A_1368 = arith.index_cast %add3A_1301 : i32 to index
        %get3A_1369 = arith.constant 96 : index
        %get3A_1370 = tpu.vector_load %arg11[%get3A_1368, %get3A_1369] {strides = array<i32>} : memref<256x128xf32, #tpu.memory_space<vmem>>, vector<1x16xf32>,
        %get3A_1371 = vector.shape_cast %get3A_1370 : vector<1x16xf32> to vector<16xf32>
        %mul3A_1372 = vector.broadcast %squeeze3A_1297 : f32 to vector<16xf32>
        %mul3A_1373 = arith.mulf %get3A_1371, %mul3A_1372 : vector<16xf32>
        %swap3A_1374 = arith.index_cast %add3A_1301 : i32 to index
        %swap3A_1375 = arith.constant 96 : index
        %swap3A_1376 = tpu.vector_load %arg11[%swap3A_1374, %swap3A_1375] {strides = array<i32>} : memref<256x128xf32, #tpu.memory_space<vmem>>, vector<1x16xf32>,
        %swap3A_1377 = vector.shape_cast %swap3A_1376 : vector<1x16xf32> to vector<16xf32>
        %swap3A_1378 = vector.shape_cast %mul3A_1373 : vector<16xf32> to vector<1x16xf32>
        tpu.vector_store %arg11[%swap3A_1374, %swap3A_1375], %swap3A_1378 {strides = array<i32>} : memref<256x128xf32, #tpu.memory_space<vmem>>, vector<1x16xf32>,
        %get3A_1379 = arith.index_cast %add3A_1301 : i32 to index
        %get3A_1380 = arith.constant 112 : index
        %get3A_1381 = tpu.vector_load %arg11[%get3A_1379, %get3A_1380] {strides = array<i32>} : memref<256x128xf32, #tpu.memory_space<vmem>>, vector<1x16xf32>,
        %get3A_1382 = vector.shape_cast %get3A_1381 : vector<1x16xf32> to vector<16xf32>
        %mul3A_1383 = vector.broadcast %squeeze3A_1297 : f32 to vector<16xf32>
        %mul3A_1384 = arith.mulf %get3A_1382, %mul3A_1383 : vector<16xf32>
        %swap3A_1385 = arith.index_cast %add3A_1301 : i32 to index
        %swap3A_1386 = arith.constant 112 : index
        %swap3A_1387 = tpu.vector_load %arg11[%swap3A_1385, %swap3A_1386] {strides = array<i32>} : memref<256x128xf32, #tpu.memory_space<vmem>>, vector<1x16xf32>,
        %swap3A_1388 = vector.shape_cast %swap3A_1387 : vector<1x16xf32> to vector<16xf32>
        %swap3A_1389 = vector.shape_cast %mul3A_1384 : vector<16xf32> to vector<1x16xf32>
        tpu.vector_store %arg11[%swap3A_1385, %swap3A_1386], %swap3A_1389 {strides = array<i32>} : memref<256x128xf32, #tpu.memory_space<vmem>>, vector<1x16xf32>,
        %slice3A_1390 = vector.extract_strided_slice %get3A_170 {offsets = [13], sizes = [1], strides = [1]} : vector<16xf32> to vector<1xf32>
        %squeeze3A_1391 = vector.extract %slice3A_1390[0] : f32 from vector<1xf32>
        %mul3A_1392 = arith.constant 16 : i32
        %mul3A_1393 = arith.muli %scan3A_165, %mul3A_1392 : i32
        %add3A_1394 = arith.constant 13 : i32
        %add3A_1395 = arith.addi %mul3A_1393, %add3A_1394 : i32
        %get3A_1396 = arith.index_cast %add3A_1395 : i32 to index
        %get3A_1397 = arith.constant 0 : index
        %get3A_1398 = tpu.vector_load %arg11[%get3A_1396, %get3A_1397] {strides = array<i32>} : memref<256x128xf32, #tpu.memory_space<vmem>>, vector<1x16xf32>,
        %get3A_1399 = vector.shape_cast %get3A_1398 : vector<1x16xf32> to vector<16xf32>
        %mul3A_1400 = vector.broadcast %squeeze3A_1391 : f32 to vector<16xf32>
        %mul3A_1401 = arith.mulf %get3A_1399, %mul3A_1400 : vector<16xf32>
        %swap3A_1402 = arith.index_cast %add3A_1395 : i32 to index
        %swap3A_1403 = arith.constant 0 : index
        %swap3A_1404 = tpu.vector_load %arg11[%swap3A_1402, %swap3A_1403] {strides = array<i32>} : memref<256x128xf32, #tpu.memory_space<vmem>>, vector<1x16xf32>,
        %swap3A_1405 = vector.shape_cast %swap3A_1404 : vector<1x16xf32> to vector<16xf32>
        %swap3A_1406 = vector.shape_cast %mul3A_1401 : vector<16xf32> to vector<1x16xf32>
        tpu.vector_store %arg11[%swap3A_1402, %swap3A_1403], %swap3A_1406 {strides = array<i32>} : memref<256x128xf32, #tpu.memory_space<vmem>>, vector<1x16xf32>,
        %get3A_1407 = arith.index_cast %add3A_1395 : i32 to index
        %get3A_1408 = arith.constant 16 : index
        %get3A_1409 = tpu.vector_load %arg11[%get3A_1407, %get3A_1408] {strides = array<i32>} : memref<256x128xf32, #tpu.memory_space<vmem>>, vector<1x16xf32>,
        %get3A_1410 = vector.shape_cast %get3A_1409 : vector<1x16xf32> to vector<16xf32>
        %mul3A_1411 = vector.broadcast %squeeze3A_1391 : f32 to vector<16xf32>
        %mul3A_1412 = arith.mulf %get3A_1410, %mul3A_1411 : vector<16xf32>
        %swap3A_1413 = arith.index_cast %add3A_1395 : i32 to index
        %swap3A_1414 = arith.constant 16 : index
        %swap3A_1415 = tpu.vector_load %arg11[%swap3A_1413, %swap3A_1414] {strides = array<i32>} : memref<256x128xf32, #tpu.memory_space<vmem>>, vector<1x16xf32>,
        %swap3A_1416 = vector.shape_cast %swap3A_1415 : vector<1x16xf32> to vector<16xf32>
        %swap3A_1417 = vector.shape_cast %mul3A_1412 : vector<16xf32> to vector<1x16xf32>
        tpu.vector_store %arg11[%swap3A_1413, %swap3A_1414], %swap3A_1417 {strides = array<i32>} : memref<256x128xf32, #tpu.memory_space<vmem>>, vector<1x16xf32>,
        %get3A_1418 = arith.index_cast %add3A_1395 : i32 to index
        %get3A_1419 = arith.constant 32 : index
        %get3A_1420 = tpu.vector_load %arg11[%get3A_1418, %get3A_1419] {strides = array<i32>} : memref<256x128xf32, #tpu.memory_space<vmem>>, vector<1x16xf32>,
        %get3A_1421 = vector.shape_cast %get3A_1420 : vector<1x16xf32> to vector<16xf32>
        %mul3A_1422 = vector.broadcast %squeeze3A_1391 : f32 to vector<16xf32>
        %mul3A_1423 = arith.mulf %get3A_1421, %mul3A_1422 : vector<16xf32>
        %swap3A_1424 = arith.index_cast %add3A_1395 : i32 to index
        %swap3A_1425 = arith.constant 32 : index
        %swap3A_1426 = tpu.vector_load %arg11[%swap3A_1424, %swap3A_1425] {strides = array<i32>} : memref<256x128xf32, #tpu.memory_space<vmem>>, vector<1x16xf32>,
        %swap3A_1427 = vector.shape_cast %swap3A_1426 : vector<1x16xf32> to vector<16xf32>
        %swap3A_1428 = vector.shape_cast %mul3A_1423 : vector<16xf32> to vector<1x16xf32>
        tpu.vector_store %arg11[%swap3A_1424, %swap3A_1425], %swap3A_1428 {strides = array<i32>} : memref<256x128xf32, #tpu.memory_space<vmem>>, vector<1x16xf32>,
        %get3A_1429 = arith.index_cast %add3A_1395 : i32 to index
        %get3A_1430 = arith.constant 48 : index
        %get3A_1431 = tpu.vector_load %arg11[%get3A_1429, %get3A_1430] {strides = array<i32>} : memref<256x128xf32, #tpu.memory_space<vmem>>, vector<1x16xf32>,
        %get3A_1432 = vector.shape_cast %get3A_1431 : vector<1x16xf32> to vector<16xf32>
        %mul3A_1433 = vector.broadcast %squeeze3A_1391 : f32 to vector<16xf32>
        %mul3A_1434 = arith.mulf %get3A_1432, %mul3A_1433 : vector<16xf32>
        %swap3A_1435 = arith.index_cast %add3A_1395 : i32 to index
        %swap3A_1436 = arith.constant 48 : index
        %swap3A_1437 = tpu.vector_load %arg11[%swap3A_1435, %swap3A_1436] {strides = array<i32>} : memref<256x128xf32, #tpu.memory_space<vmem>>, vector<1x16xf32>,
        %swap3A_1438 = vector.shape_cast %swap3A_1437 : vector<1x16xf32> to vector<16xf32>
        %swap3A_1439 = vector.shape_cast %mul3A_1434 : vector<16xf32> to vector<1x16xf32>
        tpu.vector_store %arg11[%swap3A_1435, %swap3A_1436], %swap3A_1439 {strides = array<i32>} : memref<256x128xf32, #tpu.memory_space<vmem>>, vector<1x16xf32>,
        %get3A_1440 = arith.index_cast %add3A_1395 : i32 to index
        %get3A_1441 = arith.constant 64 : index
        %get3A_1442 = tpu.vector_load %arg11[%get3A_1440, %get3A_1441] {strides = array<i32>} : memref<256x128xf32, #tpu.memory_space<vmem>>, vector<1x16xf32>,
        %get3A_1443 = vector.shape_cast %get3A_1442 : vector<1x16xf32> to vector<16xf32>
        %mul3A_1444 = vector.broadcast %squeeze3A_1391 : f32 to vector<16xf32>
        %mul3A_1445 = arith.mulf %get3A_1443, %mul3A_1444 : vector<16xf32>
        %swap3A_1446 = arith.index_cast %add3A_1395 : i32 to index
        %swap3A_1447 = arith.constant 64 : index
        %swap3A_1448 = tpu.vector_load %arg11[%swap3A_1446, %swap3A_1447] {strides = array<i32>} : memref<256x128xf32, #tpu.memory_space<vmem>>, vector<1x16xf32>,
        %swap3A_1449 = vector.shape_cast %swap3A_1448 : vector<1x16xf32> to vector<16xf32>
        %swap3A_1450 = vector.shape_cast %mul3A_1445 : vector<16xf32> to vector<1x16xf32>
        tpu.vector_store %arg11[%swap3A_1446, %swap3A_1447], %swap3A_1450 {strides = array<i32>} : memref<256x128xf32, #tpu.memory_space<vmem>>, vector<1x16xf32>,
        %get3A_1451 = arith.index_cast %add3A_1395 : i32 to index
        %get3A_1452 = arith.constant 80 : index
        %get3A_1453 = tpu.vector_load %arg11[%get3A_1451, %get3A_1452] {strides = array<i32>} : memref<256x128xf32, #tpu.memory_space<vmem>>, vector<1x16xf32>,
        %get3A_1454 = vector.shape_cast %get3A_1453 : vector<1x16xf32> to vector<16xf32>
        %mul3A_1455 = vector.broadcast %squeeze3A_1391 : f32 to vector<16xf32>
        %mul3A_1456 = arith.mulf %get3A_1454, %mul3A_1455 : vector<16xf32>
        %swap3A_1457 = arith.index_cast %add3A_1395 : i32 to index
        %swap3A_1458 = arith.constant 80 : index
        %swap3A_1459 = tpu.vector_load %arg11[%swap3A_1457, %swap3A_1458] {strides = array<i32>} : memref<256x128xf32, #tpu.memory_space<vmem>>, vector<1x16xf32>,
        %swap3A_1460 = vector.shape_cast %swap3A_1459 : vector<1x16xf32> to vector<16xf32>
        %swap3A_1461 = vector.shape_cast %mul3A_1456 : vector<16xf32> to vector<1x16xf32>
        tpu.vector_store %arg11[%swap3A_1457, %swap3A_1458], %swap3A_1461 {strides = array<i32>} : memref<256x128xf32, #tpu.memory_space<vmem>>, vector<1x16xf32>,
        %get3A_1462 = arith.index_cast %add3A_1395 : i32 to index
        %get3A_1463 = arith.constant 96 : index
        %get3A_1464 = tpu.vector_load %arg11[%get3A_1462, %get3A_1463] {strides = array<i32>} : memref<256x128xf32, #tpu.memory_space<vmem>>, vector<1x16xf32>,
        %get3A_1465 = vector.shape_cast %get3A_1464 : vector<1x16xf32> to vector<16xf32>
        %mul3A_1466 = vector.broadcast %squeeze3A_1391 : f32 to vector<16xf32>
        %mul3A_1467 = arith.mulf %get3A_1465, %mul3A_1466 : vector<16xf32>
        %swap3A_1468 = arith.index_cast %add3A_1395 : i32 to index
        %swap3A_1469 = arith.constant 96 : index
        %swap3A_1470 = tpu.vector_load %arg11[%swap3A_1468, %swap3A_1469] {strides = array<i32>} : memref<256x128xf32, #tpu.memory_space<vmem>>, vector<1x16xf32>,
        %swap3A_1471 = vector.shape_cast %swap3A_1470 : vector<1x16xf32> to vector<16xf32>
        %swap3A_1472 = vector.shape_cast %mul3A_1467 : vector<16xf32> to vector<1x16xf32>
        tpu.vector_store %arg11[%swap3A_1468, %swap3A_1469], %swap3A_1472 {strides = array<i32>} : memref<256x128xf32, #tpu.memory_space<vmem>>, vector<1x16xf32>,
        %get3A_1473 = arith.index_cast %add3A_1395 : i32 to index
        %get3A_1474 = arith.constant 112 : index
        %get3A_1475 = tpu.vector_load %arg11[%get3A_1473, %get3A_1474] {strides = array<i32>} : memref<256x128xf32, #tpu.memory_space<vmem>>, vector<1x16xf32>,
        %get3A_1476 = vector.shape_cast %get3A_1475 : vector<1x16xf32> to vector<16xf32>
        %mul3A_1477 = vector.broadcast %squeeze3A_1391 : f32 to vector<16xf32>
        %mul3A_1478 = arith.mulf %get3A_1476, %mul3A_1477 : vector<16xf32>
        %swap3A_1479 = arith.index_cast %add3A_1395 : i32 to index
        %swap3A_1480 = arith.constant 112 : index
        %swap3A_1481 = tpu.vector_load %arg11[%swap3A_1479, %swap3A_1480] {strides = array<i32>} : memref<256x128xf32, #tpu.memory_space<vmem>>, vector<1x16xf32>,
        %swap3A_1482 = vector.shape_cast %swap3A_1481 : vector<1x16xf32> to vector<16xf32>
        %swap3A_1483 = vector.shape_cast %mul3A_1478 : vector<16xf32> to vector<1x16xf32>
        tpu.vector_store %arg11[%swap3A_1479, %swap3A_1480], %swap3A_1483 {strides = array<i32>} : memref<256x128xf32, #tpu.memory_space<vmem>>, vector<1x16xf32>,
        %slice3A_1484 = vector.extract_strided_slice %get3A_170 {offsets = [14], sizes = [1], strides = [1]} : vector<16xf32> to vector<1xf32>
        %squeeze3A_1485 = vector.extract %slice3A_1484[0] : f32 from vector<1xf32>
        %mul3A_1486 = arith.constant 16 : i32
        %mul3A_1487 = arith.muli %scan3A_165, %mul3A_1486 : i32
        %add3A_1488 = arith.constant 14 : i32
        %add3A_1489 = arith.addi %mul3A_1487, %add3A_1488 : i32
        %get3A_1490 = arith.index_cast %add3A_1489 : i32 to index
        %get3A_1491 = arith.constant 0 : index
        %get3A_1492 = tpu.vector_load %arg11[%get3A_1490, %get3A_1491] {strides = array<i32>} : memref<256x128xf32, #tpu.memory_space<vmem>>, vector<1x16xf32>,
        %get3A_1493 = vector.shape_cast %get3A_1492 : vector<1x16xf32> to vector<16xf32>
        %mul3A_1494 = vector.broadcast %squeeze3A_1485 : f32 to vector<16xf32>
        %mul3A_1495 = arith.mulf %get3A_1493, %mul3A_1494 : vector<16xf32>
        %swap3A_1496 = arith.index_cast %add3A_1489 : i32 to index
        %swap3A_1497 = arith.constant 0 : index
        %swap3A_1498 = tpu.vector_load %arg11[%swap3A_1496, %swap3A_1497] {strides = array<i32>} : memref<256x128xf32, #tpu.memory_space<vmem>>, vector<1x16xf32>,
        %swap3A_1499 = vector.shape_cast %swap3A_1498 : vector<1x16xf32> to vector<16xf32>
        %swap3A_1500 = vector.shape_cast %mul3A_1495 : vector<16xf32> to vector<1x16xf32>
        tpu.vector_store %arg11[%swap3A_1496, %swap3A_1497], %swap3A_1500 {strides = array<i32>} : memref<256x128xf32, #tpu.memory_space<vmem>>, vector<1x16xf32>,
        %get3A_1501 = arith.index_cast %add3A_1489 : i32 to index
        %get3A_1502 = arith.constant 16 : index
        %get3A_1503 = tpu.vector_load %arg11[%get3A_1501, %get3A_1502] {strides = array<i32>} : memref<256x128xf32, #tpu.memory_space<vmem>>, vector<1x16xf32>,
        %get3A_1504 = vector.shape_cast %get3A_1503 : vector<1x16xf32> to vector<16xf32>
        %mul3A_1505 = vector.broadcast %squeeze3A_1485 : f32 to vector<16xf32>
        %mul3A_1506 = arith.mulf %get3A_1504, %mul3A_1505 : vector<16xf32>
        %swap3A_1507 = arith.index_cast %add3A_1489 : i32 to index
        %swap3A_1508 = arith.constant 16 : index
        %swap3A_1509 = tpu.vector_load %arg11[%swap3A_1507, %swap3A_1508] {strides = array<i32>} : memref<256x128xf32, #tpu.memory_space<vmem>>, vector<1x16xf32>,
        %swap3A_1510 = vector.shape_cast %swap3A_1509 : vector<1x16xf32> to vector<16xf32>
        %swap3A_1511 = vector.shape_cast %mul3A_1506 : vector<16xf32> to vector<1x16xf32>
        tpu.vector_store %arg11[%swap3A_1507, %swap3A_1508], %swap3A_1511 {strides = array<i32>} : memref<256x128xf32, #tpu.memory_space<vmem>>, vector<1x16xf32>,
        %get3A_1512 = arith.index_cast %add3A_1489 : i32 to index
        %get3A_1513 = arith.constant 32 : index
        %get3A_1514 = tpu.vector_load %arg11[%get3A_1512, %get3A_1513] {strides = array<i32>} : memref<256x128xf32, #tpu.memory_space<vmem>>, vector<1x16xf32>,
        %get3A_1515 = vector.shape_cast %get3A_1514 : vector<1x16xf32> to vector<16xf32>
        %mul3A_1516 = vector.broadcast %squeeze3A_1485 : f32 to vector<16xf32>
        %mul3A_1517 = arith.mulf %get3A_1515, %mul3A_1516 : vector<16xf32>
        %swap3A_1518 = arith.index_cast %add3A_1489 : i32 to index
        %swap3A_1519 = arith.constant 32 : index
        %swap3A_1520 = tpu.vector_load %arg11[%swap3A_1518, %swap3A_1519] {strides = array<i32>} : memref<256x128xf32, #tpu.memory_space<vmem>>, vector<1x16xf32>,
        %swap3A_1521 = vector.shape_cast %swap3A_1520 : vector<1x16xf32> to vector<16xf32>
        %swap3A_1522 = vector.shape_cast %mul3A_1517 : vector<16xf32> to vector<1x16xf32>
        tpu.vector_store %arg11[%swap3A_1518, %swap3A_1519], %swap3A_1522 {strides = array<i32>} : memref<256x128xf32, #tpu.memory_space<vmem>>, vector<1x16xf32>,
        %get3A_1523 = arith.index_cast %add3A_1489 : i32 to index
        %get3A_1524 = arith.constant 48 : index
        %get3A_1525 = tpu.vector_load %arg11[%get3A_1523, %get3A_1524] {strides = array<i32>} : memref<256x128xf32, #tpu.memory_space<vmem>>, vector<1x16xf32>,
        %get3A_1526 = vector.shape_cast %get3A_1525 : vector<1x16xf32> to vector<16xf32>
        %mul3A_1527 = vector.broadcast %squeeze3A_1485 : f32 to vector<16xf32>
        %mul3A_1528 = arith.mulf %get3A_1526, %mul3A_1527 : vector<16xf32>
        %swap3A_1529 = arith.index_cast %add3A_1489 : i32 to index
        %swap3A_1530 = arith.constant 48 : index
        %swap3A_1531 = tpu.vector_load %arg11[%swap3A_1529, %swap3A_1530] {strides = array<i32>} : memref<256x128xf32, #tpu.memory_space<vmem>>, vector<1x16xf32>,
        %swap3A_1532 = vector.shape_cast %swap3A_1531 : vector<1x16xf32> to vector<16xf32>
        %swap3A_1533 = vector.shape_cast %mul3A_1528 : vector<16xf32> to vector<1x16xf32>
        tpu.vector_store %arg11[%swap3A_1529, %swap3A_1530], %swap3A_1533 {strides = array<i32>} : memref<256x128xf32, #tpu.memory_space<vmem>>, vector<1x16xf32>,
        %get3A_1534 = arith.index_cast %add3A_1489 : i32 to index
        %get3A_1535 = arith.constant 64 : index
        %get3A_1536 = tpu.vector_load %arg11[%get3A_1534, %get3A_1535] {strides = array<i32>} : memref<256x128xf32, #tpu.memory_space<vmem>>, vector<1x16xf32>,
        %get3A_1537 = vector.shape_cast %get3A_1536 : vector<1x16xf32> to vector<16xf32>
        %mul3A_1538 = vector.broadcast %squeeze3A_1485 : f32 to vector<16xf32>
        %mul3A_1539 = arith.mulf %get3A_1537, %mul3A_1538 : vector<16xf32>
        %swap3A_1540 = arith.index_cast %add3A_1489 : i32 to index
        %swap3A_1541 = arith.constant 64 : index
        %swap3A_1542 = tpu.vector_load %arg11[%swap3A_1540, %swap3A_1541] {strides = array<i32>} : memref<256x128xf32, #tpu.memory_space<vmem>>, vector<1x16xf32>,
        %swap3A_1543 = vector.shape_cast %swap3A_1542 : vector<1x16xf32> to vector<16xf32>
        %swap3A_1544 = vector.shape_cast %mul3A_1539 : vector<16xf32> to vector<1x16xf32>
        tpu.vector_store %arg11[%swap3A_1540, %swap3A_1541], %swap3A_1544 {strides = array<i32>} : memref<256x128xf32, #tpu.memory_space<vmem>>, vector<1x16xf32>,
        %get3A_1545 = arith.index_cast %add3A_1489 : i32 to index
        %get3A_1546 = arith.constant 80 : index
        %get3A_1547 = tpu.vector_load %arg11[%get3A_1545, %get3A_1546] {strides = array<i32>} : memref<256x128xf32, #tpu.memory_space<vmem>>, vector<1x16xf32>,
        %get3A_1548 = vector.shape_cast %get3A_1547 : vector<1x16xf32> to vector<16xf32>
        %mul3A_1549 = vector.broadcast %squeeze3A_1485 : f32 to vector<16xf32>
        %mul3A_1550 = arith.mulf %get3A_1548, %mul3A_1549 : vector<16xf32>
        %swap3A_1551 = arith.index_cast %add3A_1489 : i32 to index
        %swap3A_1552 = arith.constant 80 : index
        %swap3A_1553 = tpu.vector_load %arg11[%swap3A_1551, %swap3A_1552] {strides = array<i32>} : memref<256x128xf32, #tpu.memory_space<vmem>>, vector<1x16xf32>,
        %swap3A_1554 = vector.shape_cast %swap3A_1553 : vector<1x16xf32> to vector<16xf32>
        %swap3A_1555 = vector.shape_cast %mul3A_1550 : vector<16xf32> to vector<1x16xf32>
        tpu.vector_store %arg11[%swap3A_1551, %swap3A_1552], %swap3A_1555 {strides = array<i32>} : memref<256x128xf32, #tpu.memory_space<vmem>>, vector<1x16xf32>,
        %get3A_1556 = arith.index_cast %add3A_1489 : i32 to index
        %get3A_1557 = arith.constant 96 : index
        %get3A_1558 = tpu.vector_load %arg11[%get3A_1556, %get3A_1557] {strides = array<i32>} : memref<256x128xf32, #tpu.memory_space<vmem>>, vector<1x16xf32>,
        %get3A_1559 = vector.shape_cast %get3A_1558 : vector<1x16xf32> to vector<16xf32>
        %mul3A_1560 = vector.broadcast %squeeze3A_1485 : f32 to vector<16xf32>
        %mul3A_1561 = arith.mulf %get3A_1559, %mul3A_1560 : vector<16xf32>
        %swap3A_1562 = arith.index_cast %add3A_1489 : i32 to index
        %swap3A_1563 = arith.constant 96 : index
        %swap3A_1564 = tpu.vector_load %arg11[%swap3A_1562, %swap3A_1563] {strides = array<i32>} : memref<256x128xf32, #tpu.memory_space<vmem>>, vector<1x16xf32>,
        %swap3A_1565 = vector.shape_cast %swap3A_1564 : vector<1x16xf32> to vector<16xf32>
        %swap3A_1566 = vector.shape_cast %mul3A_1561 : vector<16xf32> to vector<1x16xf32>
        tpu.vector_store %arg11[%swap3A_1562, %swap3A_1563], %swap3A_1566 {strides = array<i32>} : memref<256x128xf32, #tpu.memory_space<vmem>>, vector<1x16xf32>,
        %get3A_1567 = arith.index_cast %add3A_1489 : i32 to index
        %get3A_1568 = arith.constant 112 : index
        %get3A_1569 = tpu.vector_load %arg11[%get3A_1567, %get3A_1568] {strides = array<i32>} : memref<256x128xf32, #tpu.memory_space<vmem>>, vector<1x16xf32>,
        %get3A_1570 = vector.shape_cast %get3A_1569 : vector<1x16xf32> to vector<16xf32>
        %mul3A_1571 = vector.broadcast %squeeze3A_1485 : f32 to vector<16xf32>
        %mul3A_1572 = arith.mulf %get3A_1570, %mul3A_1571 : vector<16xf32>
        %swap3A_1573 = arith.index_cast %add3A_1489 : i32 to index
        %swap3A_1574 = arith.constant 112 : index
        %swap3A_1575 = tpu.vector_load %arg11[%swap3A_1573, %swap3A_1574] {strides = array<i32>} : memref<256x128xf32, #tpu.memory_space<vmem>>, vector<1x16xf32>,
        %swap3A_1576 = vector.shape_cast %swap3A_1575 : vector<1x16xf32> to vector<16xf32>
        %swap3A_1577 = vector.shape_cast %mul3A_1572 : vector<16xf32> to vector<1x16xf32>
        tpu.vector_store %arg11[%swap3A_1573, %swap3A_1574], %swap3A_1577 {strides = array<i32>} : memref<256x128xf32, #tpu.memory_space<vmem>>, vector<1x16xf32>,
        %slice3A_1578 = vector.extract_strided_slice %get3A_170 {offsets = [15], sizes = [1], strides = [1]} : vector<16xf32> to vector<1xf32>
        %squeeze3A_1579 = vector.extract %slice3A_1578[0] : f32 from vector<1xf32>
        %mul3A_1580 = arith.constant 16 : i32
        %mul3A_1581 = arith.muli %scan3A_165, %mul3A_1580 : i32
        %add3A_1582 = arith.constant 15 : i32
        %add3A_1583 = arith.addi %mul3A_1581, %add3A_1582 : i32
        %get3A_1584 = arith.index_cast %add3A_1583 : i32 to index
        %get3A_1585 = arith.constant 0 : index
        %get3A_1586 = tpu.vector_load %arg11[%get3A_1584, %get3A_1585] {strides = array<i32>} : memref<256x128xf32, #tpu.memory_space<vmem>>, vector<1x16xf32>,
        %get3A_1587 = vector.shape_cast %get3A_1586 : vector<1x16xf32> to vector<16xf32>
        %mul3A_1588 = vector.broadcast %squeeze3A_1579 : f32 to vector<16xf32>
        %mul3A_1589 = arith.mulf %get3A_1587, %mul3A_1588 : vector<16xf32>
        %swap3A_1590 = arith.index_cast %add3A_1583 : i32 to index
        %swap3A_1591 = arith.constant 0 : index
        %swap3A_1592 = tpu.vector_load %arg11[%swap3A_1590, %swap3A_1591] {strides = array<i32>} : memref<256x128xf32, #tpu.memory_space<vmem>>, vector<1x16xf32>,
        %swap3A_1593 = vector.shape_cast %swap3A_1592 : vector<1x16xf32> to vector<16xf32>
        %swap3A_1594 = vector.shape_cast %mul3A_1589 : vector<16xf32> to vector<1x16xf32>
        tpu.vector_store %arg11[%swap3A_1590, %swap3A_1591], %swap3A_1594 {strides = array<i32>} : memref<256x128xf32, #tpu.memory_space<vmem>>, vector<1x16xf32>,
        %get3A_1595 = arith.index_cast %add3A_1583 : i32 to index
        %get3A_1596 = arith.constant 16 : index
        %get3A_1597 = tpu.vector_load %arg11[%get3A_1595, %get3A_1596] {strides = array<i32>} : memref<256x128xf32, #tpu.memory_space<vmem>>, vector<1x16xf32>,
        %get3A_1598 = vector.shape_cast %get3A_1597 : vector<1x16xf32> to vector<16xf32>
        %mul3A_1599 = vector.broadcast %squeeze3A_1579 : f32 to vector<16xf32>
        %mul3A_1600 = arith.mulf %get3A_1598, %mul3A_1599 : vector<16xf32>
        %swap3A_1601 = arith.index_cast %add3A_1583 : i32 to index
        %swap3A_1602 = arith.constant 16 : index
        %swap3A_1603 = tpu.vector_load %arg11[%swap3A_1601, %swap3A_1602] {strides = array<i32>} : memref<256x128xf32, #tpu.memory_space<vmem>>, vector<1x16xf32>,
        %swap3A_1604 = vector.shape_cast %swap3A_1603 : vector<1x16xf32> to vector<16xf32>
        %swap3A_1605 = vector.shape_cast %mul3A_1600 : vector<16xf32> to vector<1x16xf32>
        tpu.vector_store %arg11[%swap3A_1601, %swap3A_1602], %swap3A_1605 {strides = array<i32>} : memref<256x128xf32, #tpu.memory_space<vmem>>, vector<1x16xf32>,
        %get3A_1606 = arith.index_cast %add3A_1583 : i32 to index
        %get3A_1607 = arith.constant 32 : index
        %get3A_1608 = tpu.vector_load %arg11[%get3A_1606, %get3A_1607] {strides = array<i32>} : memref<256x128xf32, #tpu.memory_space<vmem>>, vector<1x16xf32>,
        %get3A_1609 = vector.shape_cast %get3A_1608 : vector<1x16xf32> to vector<16xf32>
        %mul3A_1610 = vector.broadcast %squeeze3A_1579 : f32 to vector<16xf32>
        %mul3A_1611 = arith.mulf %get3A_1609, %mul3A_1610 : vector<16xf32>
        %swap3A_1612 = arith.index_cast %add3A_1583 : i32 to index
        %swap3A_1613 = arith.constant 32 : index
        %swap3A_1614 = tpu.vector_load %arg11[%swap3A_1612, %swap3A_1613] {strides = array<i32>} : memref<256x128xf32, #tpu.memory_space<vmem>>, vector<1x16xf32>,
        %swap3A_1615 = vector.shape_cast %swap3A_1614 : vector<1x16xf32> to vector<16xf32>
        %swap3A_1616 = vector.shape_cast %mul3A_1611 : vector<16xf32> to vector<1x16xf32>
        tpu.vector_store %arg11[%swap3A_1612, %swap3A_1613], %swap3A_1616 {strides = array<i32>} : memref<256x128xf32, #tpu.memory_space<vmem>>, vector<1x16xf32>,
        %get3A_1617 = arith.index_cast %add3A_1583 : i32 to index
        %get3A_1618 = arith.constant 48 : index
        %get3A_1619 = tpu.vector_load %arg11[%get3A_1617, %get3A_1618] {strides = array<i32>} : memref<256x128xf32, #tpu.memory_space<vmem>>, vector<1x16xf32>,
        %get3A_1620 = vector.shape_cast %get3A_1619 : vector<1x16xf32> to vector<16xf32>
        %mul3A_1621 = vector.broadcast %squeeze3A_1579 : f32 to vector<16xf32>
        %mul3A_1622 = arith.mulf %get3A_1620, %mul3A_1621 : vector<16xf32>
        %swap3A_1623 = arith.index_cast %add3A_1583 : i32 to index
        %swap3A_1624 = arith.constant 48 : index
        %swap3A_1625 = tpu.vector_load %arg11[%swap3A_1623, %swap3A_1624] {strides = array<i32>} : memref<256x128xf32, #tpu.memory_space<vmem>>, vector<1x16xf32>,
        %swap3A_1626 = vector.shape_cast %swap3A_1625 : vector<1x16xf32> to vector<16xf32>
        %swap3A_1627 = vector.shape_cast %mul3A_1622 : vector<16xf32> to vector<1x16xf32>
        tpu.vector_store %arg11[%swap3A_1623, %swap3A_1624], %swap3A_1627 {strides = array<i32>} : memref<256x128xf32, #tpu.memory_space<vmem>>, vector<1x16xf32>,
        %get3A_1628 = arith.index_cast %add3A_1583 : i32 to index
        %get3A_1629 = arith.constant 64 : index
        %get3A_1630 = tpu.vector_load %arg11[%get3A_1628, %get3A_1629] {strides = array<i32>} : memref<256x128xf32, #tpu.memory_space<vmem>>, vector<1x16xf32>,
        %get3A_1631 = vector.shape_cast %get3A_1630 : vector<1x16xf32> to vector<16xf32>
        %mul3A_1632 = vector.broadcast %squeeze3A_1579 : f32 to vector<16xf32>
        %mul3A_1633 = arith.mulf %get3A_1631, %mul3A_1632 : vector<16xf32>
        %swap3A_1634 = arith.index_cast %add3A_1583 : i32 to index
        %swap3A_1635 = arith.constant 64 : index
        %swap3A_1636 = tpu.vector_load %arg11[%swap3A_1634, %swap3A_1635] {strides = array<i32>} : memref<256x128xf32, #tpu.memory_space<vmem>>, vector<1x16xf32>,
        %swap3A_1637 = vector.shape_cast %swap3A_1636 : vector<1x16xf32> to vector<16xf32>
        %swap3A_1638 = vector.shape_cast %mul3A_1633 : vector<16xf32> to vector<1x16xf32>
        tpu.vector_store %arg11[%swap3A_1634, %swap3A_1635], %swap3A_1638 {strides = array<i32>} : memref<256x128xf32, #tpu.memory_space<vmem>>, vector<1x16xf32>,
        %get3A_1639 = arith.index_cast %add3A_1583 : i32 to index
        %get3A_1640 = arith.constant 80 : index
        %get3A_1641 = tpu.vector_load %arg11[%get3A_1639, %get3A_1640] {strides = array<i32>} : memref<256x128xf32, #tpu.memory_space<vmem>>, vector<1x16xf32>,
        %get3A_1642 = vector.shape_cast %get3A_1641 : vector<1x16xf32> to vector<16xf32>
        %mul3A_1643 = vector.broadcast %squeeze3A_1579 : f32 to vector<16xf32>
        %mul3A_1644 = arith.mulf %get3A_1642, %mul3A_1643 : vector<16xf32>
        %swap3A_1645 = arith.index_cast %add3A_1583 : i32 to index
        %swap3A_1646 = arith.constant 80 : index
        %swap3A_1647 = tpu.vector_load %arg11[%swap3A_1645, %swap3A_1646] {strides = array<i32>} : memref<256x128xf32, #tpu.memory_space<vmem>>, vector<1x16xf32>,
        %swap3A_1648 = vector.shape_cast %swap3A_1647 : vector<1x16xf32> to vector<16xf32>
        %swap3A_1649 = vector.shape_cast %mul3A_1644 : vector<16xf32> to vector<1x16xf32>
        tpu.vector_store %arg11[%swap3A_1645, %swap3A_1646], %swap3A_1649 {strides = array<i32>} : memref<256x128xf32, #tpu.memory_space<vmem>>, vector<1x16xf32>,
        %get3A_1650 = arith.index_cast %add3A_1583 : i32 to index
        %get3A_1651 = arith.constant 96 : index
        %get3A_1652 = tpu.vector_load %arg11[%get3A_1650, %get3A_1651] {strides = array<i32>} : memref<256x128xf32, #tpu.memory_space<vmem>>, vector<1x16xf32>,
        %get3A_1653 = vector.shape_cast %get3A_1652 : vector<1x16xf32> to vector<16xf32>
        %mul3A_1654 = vector.broadcast %squeeze3A_1579 : f32 to vector<16xf32>
        %mul3A_1655 = arith.mulf %get3A_1653, %mul3A_1654 : vector<16xf32>
        %swap3A_1656 = arith.index_cast %add3A_1583 : i32 to index
        %swap3A_1657 = arith.constant 96 : index
        %swap3A_1658 = tpu.vector_load %arg11[%swap3A_1656, %swap3A_1657] {strides = array<i32>} : memref<256x128xf32, #tpu.memory_space<vmem>>, vector<1x16xf32>,
        %swap3A_1659 = vector.shape_cast %swap3A_1658 : vector<1x16xf32> to vector<16xf32>
        %swap3A_1660 = vector.shape_cast %mul3A_1655 : vector<16xf32> to vector<1x16xf32>
        tpu.vector_store %arg11[%swap3A_1656, %swap3A_1657], %swap3A_1660 {strides = array<i32>} : memref<256x128xf32, #tpu.memory_space<vmem>>, vector<1x16xf32>,
        %get3A_1661 = arith.index_cast %add3A_1583 : i32 to index
        %get3A_1662 = arith.constant 112 : index
        %get3A_1663 = tpu.vector_load %arg11[%get3A_1661, %get3A_1662] {strides = array<i32>} : memref<256x128xf32, #tpu.memory_space<vmem>>, vector<1x16xf32>,
        %get3A_1664 = vector.shape_cast %get3A_1663 : vector<1x16xf32> to vector<16xf32>
        %mul3A_1665 = vector.broadcast %squeeze3A_1579 : f32 to vector<16xf32>
        %mul3A_1666 = arith.mulf %get3A_1664, %mul3A_1665 : vector<16xf32>
        %swap3A_1667 = arith.index_cast %add3A_1583 : i32 to index
        %swap3A_1668 = arith.constant 112 : index
        %swap3A_1669 = tpu.vector_load %arg11[%swap3A_1667, %swap3A_1668] {strides = array<i32>} : memref<256x128xf32, #tpu.memory_space<vmem>>, vector<1x16xf32>,
        %swap3A_1670 = vector.shape_cast %swap3A_1669 : vector<1x16xf32> to vector<16xf32>
        %swap3A_1671 = vector.shape_cast %mul3A_1666 : vector<16xf32> to vector<1x16xf32>
        tpu.vector_store %arg11[%swap3A_1667, %swap3A_1668], %swap3A_1671 {strides = array<i32>} : memref<256x128xf32, #tpu.memory_space<vmem>>, vector<1x16xf32>,
        %scan3A_1672 = arith.constant 0 : i32
        scf.yield %scan3A_1672 : i32
      }
      %scan3A_161 = arith.constant 16 : i32
      %run_scoped3A_162 = arith.constant 0 : i32
      "tpu.region"() ({
        %run_scoped3A_165 = tpu.sem_alloc : memref<!tpu.dma_semaphore, #tpu.memory_space<semaphore_mem>>
        %dma_start3A_166 = arith.constant 0 : i32
        %dma_start3A_167 = arith.constant 0 : i32
        %dma_start3A_168 = tpu.memref_slice %arg11[%dma_start3A_166, %dma_start3A_167] : memref<256x128xf32, #tpu.memory_space<vmem>> -> memref<128x128xf32, #tpu.memory_space<vmem>>
        %dma_start3A_169 = arith.constant 0 : i32
        %dma_start3A_170 = tpu.memref_slice %arg9[%run_scoped3A_162, %dma_start3A_169] : memref<2x128xi32, #tpu.memory_space<vmem>> -> memref<1x128xi32, #tpu.memory_space<vmem>>
        %dma_start3A_171 = tpu.memref_squeeze %dma_start3A_170 : memref<1x128xi32, #tpu.memory_space<vmem>> -> memref<128xi32, #tpu.memory_space<vmem>>
        %dma_start3A_172 = arith.constant 0 : i32
        %dma_start3A_173 = arith.constant 0 : i32
        %dma_start3A_174 = tpu.memref_slice %arg12[%dma_start3A_172, %dma_start3A_173] : memref<10240x128xf32, #tpu.memory_space<vmem_shared>> -> memref<10240x128xf32, #tpu.memory_space<vmem_shared>>
        tpu.enqueue_indirect_dma source(%dma_start3A_168 : memref<128x128xf32, #tpu.memory_space<vmem>>) target(%dma_start3A_174 : memref<10240x128xf32, #tpu.memory_space<vmem_shared>>) offsets(%dma_start3A_171 : memref<128xi32, #tpu.memory_space<vmem>>) semaphore(%run_scoped3A_165 : memref<!tpu.dma_semaphore, #tpu.memory_space<semaphore_mem>>) {add = true}
        %dma_wait3A_175 = arith.constant 0 : i32
        %dma_wait3A_176 = arith.constant 0 : i32
        %dma_wait3A_177 = tpu.memref_slice %arg11[%dma_wait3A_175, %dma_wait3A_176] : memref<256x128xf32, #tpu.memory_space<vmem>> -> memref<128x128xf32, #tpu.memory_space<vmem>>
        %dma_wait3A_178 = arith.constant 0 : i32
        %dma_wait3A_179 = tpu.memref_slice %arg9[%run_scoped3A_162, %dma_wait3A_178] : memref<2x128xi32, #tpu.memory_space<vmem>> -> memref<1x128xi32, #tpu.memory_space<vmem>>
        %dma_wait3A_180 = tpu.memref_squeeze %dma_wait3A_179 : memref<1x128xi32, #tpu.memory_space<vmem>> -> memref<128xi32, #tpu.memory_space<vmem>>
        %dma_wait3A_181 = arith.constant 0 : i32
        %dma_wait3A_182 = arith.constant 0 : i32
        %dma_wait3A_183 = tpu.memref_slice %arg12[%dma_wait3A_181, %dma_wait3A_182] : memref<10240x128xf32, #tpu.memory_space<vmem_shared>> -> memref<10240x128xf32, #tpu.memory_space<vmem_shared>>
        tpu.wait_indirect_dma semaphore(%run_scoped3A_165 : memref<!tpu.dma_semaphore, #tpu.memory_space<semaphore_mem>>) src(%dma_wait3A_177 : memref<128x128xf32, #tpu.memory_space<vmem>>) dst(%dma_wait3A_183 : memref<10240x128xf32, #tpu.memory_space<vmem_shared>>)
        tpu.yield
      }) : () -> ()
      %run_scoped3A_163 = arith.constant 1 : i32
      "tpu.region"() ({
        %run_scoped3A_165 = tpu.sem_alloc : memref<!tpu.dma_semaphore, #tpu.memory_space<semaphore_mem>>
        %dma_start3A_166 = arith.constant 128 : i32
        %dma_start3A_167 = arith.constant 0 : i32
        %dma_start3A_168 = tpu.memref_slice %arg11[%dma_start3A_166, %dma_start3A_167] : memref<256x128xf32, #tpu.memory_space<vmem>> -> memref<128x128xf32, #tpu.memory_space<vmem>>
        %dma_start3A_169 = arith.constant 0 : i32
        %dma_start3A_170 = tpu.memref_slice %arg9[%run_scoped3A_163, %dma_start3A_169] : memref<2x128xi32, #tpu.memory_space<vmem>> -> memref<1x128xi32, #tpu.memory_space<vmem>>
        %dma_start3A_171 = tpu.memref_squeeze %dma_start3A_170 : memref<1x128xi32, #tpu.memory_space<vmem>> -> memref<128xi32, #tpu.memory_space<vmem>>
        %dma_start3A_172 = arith.constant 0 : i32
        %dma_start3A_173 = arith.constant 0 : i32
        %dma_start3A_174 = tpu.memref_slice %arg12[%dma_start3A_172, %dma_start3A_173] : memref<10240x128xf32, #tpu.memory_space<vmem_shared>> -> memref<10240x128xf32, #tpu.memory_space<vmem_shared>>
        tpu.enqueue_indirect_dma source(%dma_start3A_168 : memref<128x128xf32, #tpu.memory_space<vmem>>) target(%dma_start3A_174 : memref<10240x128xf32, #tpu.memory_space<vmem_shared>>) offsets(%dma_start3A_171 : memref<128xi32, #tpu.memory_space<vmem>>) semaphore(%run_scoped3A_165 : memref<!tpu.dma_semaphore, #tpu.memory_space<semaphore_mem>>) {add = true}
        %dma_wait3A_175 = arith.constant 128 : i32
        %dma_wait3A_176 = arith.constant 0 : i32
        %dma_wait3A_177 = tpu.memref_slice %arg11[%dma_wait3A_175, %dma_wait3A_176] : memref<256x128xf32, #tpu.memory_space<vmem>> -> memref<128x128xf32, #tpu.memory_space<vmem>>
        %dma_wait3A_178 = arith.constant 0 : i32
        %dma_wait3A_179 = tpu.memref_slice %arg9[%run_scoped3A_163, %dma_wait3A_178] : memref<2x128xi32, #tpu.memory_space<vmem>> -> memref<1x128xi32, #tpu.memory_space<vmem>>
        %dma_wait3A_180 = tpu.memref_squeeze %dma_wait3A_179 : memref<1x128xi32, #tpu.memory_space<vmem>> -> memref<128xi32, #tpu.memory_space<vmem>>
        %dma_wait3A_181 = arith.constant 0 : i32
        %dma_wait3A_182 = arith.constant 0 : i32
        %dma_wait3A_183 = tpu.memref_slice %arg12[%dma_wait3A_181, %dma_wait3A_182] : memref<10240x128xf32, #tpu.memory_space<vmem_shared>> -> memref<10240x128xf32, #tpu.memory_space<vmem_shared>>
        tpu.wait_indirect_dma semaphore(%run_scoped3A_165 : memref<!tpu.dma_semaphore, #tpu.memory_space<semaphore_mem>>) src(%dma_wait3A_177 : memref<128x128xf32, #tpu.memory_space<vmem>>) dst(%dma_wait3A_183 : memref<10240x128xf32, #tpu.memory_space<vmem_shared>>)
        tpu.yield
      }) : () -> ()
      %scan3A_164 = arith.constant 0 : i32
      scf.yield %scan3A_164 : i32
    }
    %scan3A_95 = arith.constant 40 : i32
    %barrier3A_96 = arith.constant 0 : index
    tpu.barrier barrier_id(%barrier3A_96)
    %mul3A_97 = arith.constant 640 : i32
    %mul3A_98 = arith.muli %arg1, %mul3A_97 : i32
    %mul3A_99 = arith.constant 640 : i32
    %mul3A_100 = arith.muli %arg1, %mul3A_99 : i32
    "tpu.region"() ({
      %run_scoped3A = tpu.sem_alloc : memref<!tpu.dma_semaphore, #tpu.memory_space<semaphore_mem>>
      %dma_start3A = arith.constant 0 : i32
      %dma_start3A_101 = tpu.memref_slice %arg6[%arg0, %mul3A_100, %dma_start3A] : memref<2x10240x128xf32, #tpu.memory_space<hbm>> -> memref<1x640x128xf32, #tpu.memory_space<hbm>>
      %dma_start3A_102 = tpu.memref_squeeze %dma_start3A_101 : memref<1x640x128xf32, #tpu.memory_space<hbm>> -> memref<640x128xf32, #tpu.memory_space<hbm>>
      %dma_start3A_103 = arith.constant 0 : i32
      %dma_start3A_104 = tpu.memref_slice %arg12[%mul3A_98, %dma_start3A_103] : memref<10240x128xf32, #tpu.memory_space<vmem_shared>> -> memref<640x128xf32, #tpu.memory_space<vmem_shared>>
      tpu.enqueue_dma source(%dma_start3A_104 : memref<640x128xf32, #tpu.memory_space<vmem_shared>>) target(%dma_start3A_102 : memref<640x128xf32, #tpu.memory_space<hbm>>) target_semaphore(%run_scoped3A : memref<!tpu.dma_semaphore, #tpu.memory_space<semaphore_mem>>)
      %dma_wait3A = arith.constant 0 : i32
      %dma_wait3A_105 = tpu.memref_slice %arg6[%arg0, %mul3A_100, %dma_wait3A] : memref<2x10240x128xf32, #tpu.memory_space<hbm>> -> memref<1x640x128xf32, #tpu.memory_space<hbm>>
      %dma_wait3A_106 = tpu.memref_squeeze %dma_wait3A_105 : memref<1x640x128xf32, #tpu.memory_space<hbm>> -> memref<640x128xf32, #tpu.memory_space<hbm>>
      %dma_wait3A_107 = arith.constant 0 : i32
      %dma_wait3A_108 = tpu.memref_slice %arg12[%mul3A_98, %dma_wait3A_107] : memref<10240x128xf32, #tpu.memory_space<vmem_shared>> -> memref<640x128xf32, #tpu.memory_space<vmem_shared>>
      tpu.wait_dma2 semaphore(%run_scoped3A : memref<!tpu.dma_semaphore, #tpu.memory_space<semaphore_mem>>) src(%dma_wait3A_108 : memref<640x128xf32, #tpu.memory_space<vmem_shared>>) dst(%dma_wait3A_106 : memref<640x128xf32, #tpu.memory_space<hbm>>)
      tpu.yield
    }) : () -> ()
    return
  }
}

#map = affine_map<(d0, d1) -> (0)>
#map1 = affine_map<(d0, d1) -> (0, 0)>
module attributes {stable_mosaic.version = 14 : i64} {
  func.func @_deg_body(%arg0: i32, %arg1: i32, %arg2: memref<327680xi32, #tpu.memory_space<hbm>>, %arg3: memref<327680xf32, #tpu.memory_space<hbm>>, %arg4: memref<2x10240xf32, #tpu.memory_space<hbm>>, %arg5: memref<640xf32, #tpu.memory_space<vmem>>, %arg6: memref<1024xf32, #tpu.memory_space<vmem>>, %arg7: memref<8x128xi32, #tpu.memory_space<vmem>>, %arg8: memref<10240xf32, #tpu.memory_space<vmem_shared>>, %arg9: memref<!tpu.dma_semaphore, #tpu.memory_space<semaphore_mem>>) attributes {dimension_semantics = [#tpu.dimension_semantics<core_parallel>, #tpu.dimension_semantics<subcore_parallel>], iteration_bounds = array<i64: 2, 16>, scalar_prefetch = 0 : i64, scratch_operands = 5 : i64, tpu.core_type = #tpu.core_type<sc_vector_subcore>, window_params = [{transform_indices = #map}, {transform_indices = #map}, {transform_indices = #map1}]} {
    %mul3A = arith.constant 2 : i32
    %mul3A_0 = arith.muli %arg1, %mul3A : i32
    %add3A = arith.addi %mul3A_0, %arg0 : i32
    %mul3A_1 = arith.constant 10240 : i32
    %mul3A_2 = arith.muli %add3A, %mul3A_1 : i32
    %scan3A = arith.constant 0 : i32
    %scan3A_3 = arith.constant 0 : i32
    %scan3A_4 = arith.constant 40 : i32
    %scan3A_5 = arith.addi %scan3A_3, %scan3A_4 : i32
    %scan3A_6 = arith.constant 1 : i32
    %scan3A_7 = scf.for %scan3A_23 = %scan3A_3 to %scan3A_5 step %scan3A_6 iter_args(%scan3A_24 = %scan3A) -> (i32)  : i32 {
      %broadcast_in_dim3A = arith.constant 0.000000e+00 : f32
      %broadcast_in_dim3A_25 = vector.broadcast %broadcast_in_dim3A : f32 to vector<16xf32>
      %mul3A_26 = arith.constant 16 : i32
      %mul3A_27 = arith.muli %scan3A_23, %mul3A_26 : i32
      %swap3A = arith.index_cast %mul3A_27 : i32 to index
      %swap3A_28 = tpu.vector_load %arg5[%swap3A] {strides = array<i32>} : memref<640xf32, #tpu.memory_space<vmem>>, vector<16xf32>,
      %swap3A_29 = vector.shape_cast %swap3A_28 : vector<16xf32> to vector<16xf32>
      %swap3A_30 = vector.shape_cast %broadcast_in_dim3A_25 : vector<16xf32> to vector<16xf32>
      tpu.vector_store %arg5[%swap3A], %swap3A_30 {strides = array<i32>} : memref<640xf32, #tpu.memory_space<vmem>>, vector<16xf32>,
      %scan3A_31 = arith.constant 0 : i32
      scf.yield %scan3A_31 : i32
    }
    %scan3A_8 = arith.constant 40 : i32
    %mul3A_9 = arith.constant 640 : i32
    %mul3A_10 = arith.muli %arg1, %mul3A_9 : i32
    "tpu.region"() ({
      %run_scoped3A = tpu.sem_alloc : memref<!tpu.dma_semaphore, #tpu.memory_space<semaphore_mem>>
      %dma_start3A = tpu.memref_slice %arg8[%mul3A_10] : memref<10240xf32, #tpu.memory_space<vmem_shared>> -> memref<640xf32, #tpu.memory_space<vmem_shared>>
      %dma_start3A_23 = tpu.memref_slice %arg8[%mul3A_10] : memref<10240xf32, #tpu.memory_space<vmem_shared>> -> memref<640xf32, #tpu.memory_space<vmem_shared>>
      tpu.enqueue_dma source(%arg5 : memref<640xf32, #tpu.memory_space<vmem>>) target(%dma_start3A_23 : memref<640xf32, #tpu.memory_space<vmem_shared>>) target_semaphore(%run_scoped3A : memref<!tpu.dma_semaphore, #tpu.memory_space<semaphore_mem>>)
      %dma_wait3A = tpu.memref_slice %arg8[%mul3A_10] : memref<10240xf32, #tpu.memory_space<vmem_shared>> -> memref<640xf32, #tpu.memory_space<vmem_shared>>
      %dma_wait3A_24 = tpu.memref_slice %arg8[%mul3A_10] : memref<10240xf32, #tpu.memory_space<vmem_shared>> -> memref<640xf32, #tpu.memory_space<vmem_shared>>
      tpu.wait_dma2 semaphore(%run_scoped3A : memref<!tpu.dma_semaphore, #tpu.memory_space<semaphore_mem>>) src(%arg5 : memref<640xf32, #tpu.memory_space<vmem>>) dst(%dma_wait3A_24 : memref<640xf32, #tpu.memory_space<vmem_shared>>)
      tpu.yield
    }) : () -> ()
    %barrier3A = arith.constant 0 : index
    tpu.barrier barrier_id(%barrier3A)
    %scan3A_11 = arith.constant 0 : i32
    %scan3A_12 = arith.constant 0 : i32
    %scan3A_13 = arith.constant 10 : i32
    %scan3A_14 = arith.addi %scan3A_12, %scan3A_13 : i32
    %scan3A_15 = arith.constant 1 : i32
    %scan3A_16 = scf.for %scan3A_23 = %scan3A_12 to %scan3A_14 step %scan3A_15 iter_args(%scan3A_24 = %scan3A_11) -> (i32)  : i32 {
      %mul3A_25 = arith.constant 1024 : i32
      %mul3A_26 = arith.muli %scan3A_23, %mul3A_25 : i32
      %add3A_27 = arith.addi %mul3A_2, %mul3A_26 : i32
      "tpu.region"() ({
        %run_scoped3A_60 = tpu.sem_alloc : memref<!tpu.dma_semaphore, #tpu.memory_space<semaphore_mem>>
        %dma_start3A = tpu.memref_slice %arg3[%add3A_27] : memref<327680xf32, #tpu.memory_space<hbm>> -> memref<1024xf32, #tpu.memory_space<hbm>>
        %dma_start3A_61 = tpu.memref_slice %arg3[%add3A_27] : memref<327680xf32, #tpu.memory_space<hbm>> -> memref<1024xf32, #tpu.memory_space<hbm>>
        tpu.enqueue_dma source(%dma_start3A_61 : memref<1024xf32, #tpu.memory_space<hbm>>) target(%arg6 : memref<1024xf32, #tpu.memory_space<vmem>>) target_semaphore(%run_scoped3A_60 : memref<!tpu.dma_semaphore, #tpu.memory_space<semaphore_mem>>)
        %dma_wait3A = tpu.memref_slice %arg3[%add3A_27] : memref<327680xf32, #tpu.memory_space<hbm>> -> memref<1024xf32, #tpu.memory_space<hbm>>
        %dma_wait3A_62 = tpu.memref_slice %arg3[%add3A_27] : memref<327680xf32, #tpu.memory_space<hbm>> -> memref<1024xf32, #tpu.memory_space<hbm>>
        tpu.wait_dma2 semaphore(%run_scoped3A_60 : memref<!tpu.dma_semaphore, #tpu.memory_space<semaphore_mem>>) src(%dma_wait3A_62 : memref<1024xf32, #tpu.memory_space<hbm>>) dst(%arg6 : memref<1024xf32, #tpu.memory_space<vmem>>)
        tpu.yield
      }) : () -> ()
      %add3A_28 = arith.constant 0 : i32
      %add3A_29 = arith.addi %add3A_27, %add3A_28 : i32
      %run_scoped3A = arith.constant 0 : i32
      "tpu.region"() ({
        %run_scoped3A_60 = tpu.sem_alloc : memref<!tpu.dma_semaphore, #tpu.memory_space<semaphore_mem>>
        %dma_start3A = arith.constant 0 : i32
        %dma_start3A_61 = tpu.memref_slice %arg7[%run_scoped3A, %dma_start3A] : memref<8x128xi32, #tpu.memory_space<vmem>> -> memref<1x128xi32, #tpu.memory_space<vmem>>
        %dma_start3A_62 = tpu.memref_squeeze %dma_start3A_61 : memref<1x128xi32, #tpu.memory_space<vmem>> -> memref<128xi32, #tpu.memory_space<vmem>>
        %dma_start3A_63 = tpu.memref_slice %arg2[%add3A_29] : memref<327680xi32, #tpu.memory_space<hbm>> -> memref<128xi32, #tpu.memory_space<hbm>>
        %dma_start3A_64 = arith.constant 0 : i32
        %dma_start3A_65 = tpu.memref_slice %arg7[%run_scoped3A, %dma_start3A_64] : memref<8x128xi32, #tpu.memory_space<vmem>> -> memref<1x128xi32, #tpu.memory_space<vmem>>
        %dma_start3A_66 = tpu.memref_squeeze %dma_start3A_65 : memref<1x128xi32, #tpu.memory_space<vmem>> -> memref<128xi32, #tpu.memory_space<vmem>>
        %dma_start3A_67 = tpu.memref_slice %arg2[%add3A_29] : memref<327680xi32, #tpu.memory_space<hbm>> -> memref<128xi32, #tpu.memory_space<hbm>>
        tpu.enqueue_dma source(%dma_start3A_67 : memref<128xi32, #tpu.memory_space<hbm>>) target(%dma_start3A_66 : memref<128xi32, #tpu.memory_space<vmem>>) target_semaphore(%run_scoped3A_60 : memref<!tpu.dma_semaphore, #tpu.memory_space<semaphore_mem>>)
        %dma_wait3A = arith.constant 0 : i32
        %dma_wait3A_68 = tpu.memref_slice %arg7[%run_scoped3A, %dma_wait3A] : memref<8x128xi32, #tpu.memory_space<vmem>> -> memref<1x128xi32, #tpu.memory_space<vmem>>
        %dma_wait3A_69 = tpu.memref_squeeze %dma_wait3A_68 : memref<1x128xi32, #tpu.memory_space<vmem>> -> memref<128xi32, #tpu.memory_space<vmem>>
        %dma_wait3A_70 = tpu.memref_slice %arg2[%add3A_29] : memref<327680xi32, #tpu.memory_space<hbm>> -> memref<128xi32, #tpu.memory_space<hbm>>
        %dma_wait3A_71 = arith.constant 0 : i32
        %dma_wait3A_72 = tpu.memref_slice %arg7[%run_scoped3A, %dma_wait3A_71] : memref<8x128xi32, #tpu.memory_space<vmem>> -> memref<1x128xi32, #tpu.memory_space<vmem>>
        %dma_wait3A_73 = tpu.memref_squeeze %dma_wait3A_72 : memref<1x128xi32, #tpu.memory_space<vmem>> -> memref<128xi32, #tpu.memory_space<vmem>>
        %dma_wait3A_74 = tpu.memref_slice %arg2[%add3A_29] : memref<327680xi32, #tpu.memory_space<hbm>> -> memref<128xi32, #tpu.memory_space<hbm>>
        tpu.wait_dma2 semaphore(%run_scoped3A_60 : memref<!tpu.dma_semaphore, #tpu.memory_space<semaphore_mem>>) src(%dma_wait3A_74 : memref<128xi32, #tpu.memory_space<hbm>>) dst(%dma_wait3A_73 : memref<128xi32, #tpu.memory_space<vmem>>)
        tpu.yield
      }) : () -> ()
      %add3A_30 = arith.constant 128 : i32
      %add3A_31 = arith.addi %add3A_27, %add3A_30 : i32
      %run_scoped3A_32 = arith.constant 1 : i32
      "tpu.region"() ({
        %run_scoped3A_60 = tpu.sem_alloc : memref<!tpu.dma_semaphore, #tpu.memory_space<semaphore_mem>>
        %dma_start3A = arith.constant 0 : i32
        %dma_start3A_61 = tpu.memref_slice %arg7[%run_scoped3A_32, %dma_start3A] : memref<8x128xi32, #tpu.memory_space<vmem>> -> memref<1x128xi32, #tpu.memory_space<vmem>>
        %dma_start3A_62 = tpu.memref_squeeze %dma_start3A_61 : memref<1x128xi32, #tpu.memory_space<vmem>> -> memref<128xi32, #tpu.memory_space<vmem>>
        %dma_start3A_63 = tpu.memref_slice %arg2[%add3A_31] : memref<327680xi32, #tpu.memory_space<hbm>> -> memref<128xi32, #tpu.memory_space<hbm>>
        %dma_start3A_64 = arith.constant 0 : i32
        %dma_start3A_65 = tpu.memref_slice %arg7[%run_scoped3A_32, %dma_start3A_64] : memref<8x128xi32, #tpu.memory_space<vmem>> -> memref<1x128xi32, #tpu.memory_space<vmem>>
        %dma_start3A_66 = tpu.memref_squeeze %dma_start3A_65 : memref<1x128xi32, #tpu.memory_space<vmem>> -> memref<128xi32, #tpu.memory_space<vmem>>
        %dma_start3A_67 = tpu.memref_slice %arg2[%add3A_31] : memref<327680xi32, #tpu.memory_space<hbm>> -> memref<128xi32, #tpu.memory_space<hbm>>
        tpu.enqueue_dma source(%dma_start3A_67 : memref<128xi32, #tpu.memory_space<hbm>>) target(%dma_start3A_66 : memref<128xi32, #tpu.memory_space<vmem>>) target_semaphore(%run_scoped3A_60 : memref<!tpu.dma_semaphore, #tpu.memory_space<semaphore_mem>>)
        %dma_wait3A = arith.constant 0 : i32
        %dma_wait3A_68 = tpu.memref_slice %arg7[%run_scoped3A_32, %dma_wait3A] : memref<8x128xi32, #tpu.memory_space<vmem>> -> memref<1x128xi32, #tpu.memory_space<vmem>>
        %dma_wait3A_69 = tpu.memref_squeeze %dma_wait3A_68 : memref<1x128xi32, #tpu.memory_space<vmem>> -> memref<128xi32, #tpu.memory_space<vmem>>
        %dma_wait3A_70 = tpu.memref_slice %arg2[%add3A_31] : memref<327680xi32, #tpu.memory_space<hbm>> -> memref<128xi32, #tpu.memory_space<hbm>>
        %dma_wait3A_71 = arith.constant 0 : i32
        %dma_wait3A_72 = tpu.memref_slice %arg7[%run_scoped3A_32, %dma_wait3A_71] : memref<8x128xi32, #tpu.memory_space<vmem>> -> memref<1x128xi32, #tpu.memory_space<vmem>>
        %dma_wait3A_73 = tpu.memref_squeeze %dma_wait3A_72 : memref<1x128xi32, #tpu.memory_space<vmem>> -> memref<128xi32, #tpu.memory_space<vmem>>
        %dma_wait3A_74 = tpu.memref_slice %arg2[%add3A_31] : memref<327680xi32, #tpu.memory_space<hbm>> -> memref<128xi32, #tpu.memory_space<hbm>>
        tpu.wait_dma2 semaphore(%run_scoped3A_60 : memref<!tpu.dma_semaphore, #tpu.memory_space<semaphore_mem>>) src(%dma_wait3A_74 : memref<128xi32, #tpu.memory_space<hbm>>) dst(%dma_wait3A_73 : memref<128xi32, #tpu.memory_space<vmem>>)
        tpu.yield
      }) : () -> ()
      %add3A_33 = arith.constant 256 : i32
      %add3A_34 = arith.addi %add3A_27, %add3A_33 : i32
      %run_scoped3A_35 = arith.constant 2 : i32
      "tpu.region"() ({
        %run_scoped3A_60 = tpu.sem_alloc : memref<!tpu.dma_semaphore, #tpu.memory_space<semaphore_mem>>
        %dma_start3A = arith.constant 0 : i32
        %dma_start3A_61 = tpu.memref_slice %arg7[%run_scoped3A_35, %dma_start3A] : memref<8x128xi32, #tpu.memory_space<vmem>> -> memref<1x128xi32, #tpu.memory_space<vmem>>
        %dma_start3A_62 = tpu.memref_squeeze %dma_start3A_61 : memref<1x128xi32, #tpu.memory_space<vmem>> -> memref<128xi32, #tpu.memory_space<vmem>>
        %dma_start3A_63 = tpu.memref_slice %arg2[%add3A_34] : memref<327680xi32, #tpu.memory_space<hbm>> -> memref<128xi32, #tpu.memory_space<hbm>>
        %dma_start3A_64 = arith.constant 0 : i32
        %dma_start3A_65 = tpu.memref_slice %arg7[%run_scoped3A_35, %dma_start3A_64] : memref<8x128xi32, #tpu.memory_space<vmem>> -> memref<1x128xi32, #tpu.memory_space<vmem>>
        %dma_start3A_66 = tpu.memref_squeeze %dma_start3A_65 : memref<1x128xi32, #tpu.memory_space<vmem>> -> memref<128xi32, #tpu.memory_space<vmem>>
        %dma_start3A_67 = tpu.memref_slice %arg2[%add3A_34] : memref<327680xi32, #tpu.memory_space<hbm>> -> memref<128xi32, #tpu.memory_space<hbm>>
        tpu.enqueue_dma source(%dma_start3A_67 : memref<128xi32, #tpu.memory_space<hbm>>) target(%dma_start3A_66 : memref<128xi32, #tpu.memory_space<vmem>>) target_semaphore(%run_scoped3A_60 : memref<!tpu.dma_semaphore, #tpu.memory_space<semaphore_mem>>)
        %dma_wait3A = arith.constant 0 : i32
        %dma_wait3A_68 = tpu.memref_slice %arg7[%run_scoped3A_35, %dma_wait3A] : memref<8x128xi32, #tpu.memory_space<vmem>> -> memref<1x128xi32, #tpu.memory_space<vmem>>
        %dma_wait3A_69 = tpu.memref_squeeze %dma_wait3A_68 : memref<1x128xi32, #tpu.memory_space<vmem>> -> memref<128xi32, #tpu.memory_space<vmem>>
        %dma_wait3A_70 = tpu.memref_slice %arg2[%add3A_34] : memref<327680xi32, #tpu.memory_space<hbm>> -> memref<128xi32, #tpu.memory_space<hbm>>
        %dma_wait3A_71 = arith.constant 0 : i32
        %dma_wait3A_72 = tpu.memref_slice %arg7[%run_scoped3A_35, %dma_wait3A_71] : memref<8x128xi32, #tpu.memory_space<vmem>> -> memref<1x128xi32, #tpu.memory_space<vmem>>
        %dma_wait3A_73 = tpu.memref_squeeze %dma_wait3A_72 : memref<1x128xi32, #tpu.memory_space<vmem>> -> memref<128xi32, #tpu.memory_space<vmem>>
        %dma_wait3A_74 = tpu.memref_slice %arg2[%add3A_34] : memref<327680xi32, #tpu.memory_space<hbm>> -> memref<128xi32, #tpu.memory_space<hbm>>
        tpu.wait_dma2 semaphore(%run_scoped3A_60 : memref<!tpu.dma_semaphore, #tpu.memory_space<semaphore_mem>>) src(%dma_wait3A_74 : memref<128xi32, #tpu.memory_space<hbm>>) dst(%dma_wait3A_73 : memref<128xi32, #tpu.memory_space<vmem>>)
        tpu.yield
      }) : () -> ()
      %add3A_36 = arith.constant 384 : i32
      %add3A_37 = arith.addi %add3A_27, %add3A_36 : i32
      %run_scoped3A_38 = arith.constant 3 : i32
      "tpu.region"() ({
        %run_scoped3A_60 = tpu.sem_alloc : memref<!tpu.dma_semaphore, #tpu.memory_space<semaphore_mem>>
        %dma_start3A = arith.constant 0 : i32
        %dma_start3A_61 = tpu.memref_slice %arg7[%run_scoped3A_38, %dma_start3A] : memref<8x128xi32, #tpu.memory_space<vmem>> -> memref<1x128xi32, #tpu.memory_space<vmem>>
        %dma_start3A_62 = tpu.memref_squeeze %dma_start3A_61 : memref<1x128xi32, #tpu.memory_space<vmem>> -> memref<128xi32, #tpu.memory_space<vmem>>
        %dma_start3A_63 = tpu.memref_slice %arg2[%add3A_37] : memref<327680xi32, #tpu.memory_space<hbm>> -> memref<128xi32, #tpu.memory_space<hbm>>
        %dma_start3A_64 = arith.constant 0 : i32
        %dma_start3A_65 = tpu.memref_slice %arg7[%run_scoped3A_38, %dma_start3A_64] : memref<8x128xi32, #tpu.memory_space<vmem>> -> memref<1x128xi32, #tpu.memory_space<vmem>>
        %dma_start3A_66 = tpu.memref_squeeze %dma_start3A_65 : memref<1x128xi32, #tpu.memory_space<vmem>> -> memref<128xi32, #tpu.memory_space<vmem>>
        %dma_start3A_67 = tpu.memref_slice %arg2[%add3A_37] : memref<327680xi32, #tpu.memory_space<hbm>> -> memref<128xi32, #tpu.memory_space<hbm>>
        tpu.enqueue_dma source(%dma_start3A_67 : memref<128xi32, #tpu.memory_space<hbm>>) target(%dma_start3A_66 : memref<128xi32, #tpu.memory_space<vmem>>) target_semaphore(%run_scoped3A_60 : memref<!tpu.dma_semaphore, #tpu.memory_space<semaphore_mem>>)
        %dma_wait3A = arith.constant 0 : i32
        %dma_wait3A_68 = tpu.memref_slice %arg7[%run_scoped3A_38, %dma_wait3A] : memref<8x128xi32, #tpu.memory_space<vmem>> -> memref<1x128xi32, #tpu.memory_space<vmem>>
        %dma_wait3A_69 = tpu.memref_squeeze %dma_wait3A_68 : memref<1x128xi32, #tpu.memory_space<vmem>> -> memref<128xi32, #tpu.memory_space<vmem>>
        %dma_wait3A_70 = tpu.memref_slice %arg2[%add3A_37] : memref<327680xi32, #tpu.memory_space<hbm>> -> memref<128xi32, #tpu.memory_space<hbm>>
        %dma_wait3A_71 = arith.constant 0 : i32
        %dma_wait3A_72 = tpu.memref_slice %arg7[%run_scoped3A_38, %dma_wait3A_71] : memref<8x128xi32, #tpu.memory_space<vmem>> -> memref<1x128xi32, #tpu.memory_space<vmem>>
        %dma_wait3A_73 = tpu.memref_squeeze %dma_wait3A_72 : memref<1x128xi32, #tpu.memory_space<vmem>> -> memref<128xi32, #tpu.memory_space<vmem>>
        %dma_wait3A_74 = tpu.memref_slice %arg2[%add3A_37] : memref<327680xi32, #tpu.memory_space<hbm>> -> memref<128xi32, #tpu.memory_space<hbm>>
        tpu.wait_dma2 semaphore(%run_scoped3A_60 : memref<!tpu.dma_semaphore, #tpu.memory_space<semaphore_mem>>) src(%dma_wait3A_74 : memref<128xi32, #tpu.memory_space<hbm>>) dst(%dma_wait3A_73 : memref<128xi32, #tpu.memory_space<vmem>>)
        tpu.yield
      }) : () -> ()
      %add3A_39 = arith.constant 512 : i32
      %add3A_40 = arith.addi %add3A_27, %add3A_39 : i32
      %run_scoped3A_41 = arith.constant 4 : i32
      "tpu.region"() ({
        %run_scoped3A_60 = tpu.sem_alloc : memref<!tpu.dma_semaphore, #tpu.memory_space<semaphore_mem>>
        %dma_start3A = arith.constant 0 : i32
        %dma_start3A_61 = tpu.memref_slice %arg7[%run_scoped3A_41, %dma_start3A] : memref<8x128xi32, #tpu.memory_space<vmem>> -> memref<1x128xi32, #tpu.memory_space<vmem>>
        %dma_start3A_62 = tpu.memref_squeeze %dma_start3A_61 : memref<1x128xi32, #tpu.memory_space<vmem>> -> memref<128xi32, #tpu.memory_space<vmem>>
        %dma_start3A_63 = tpu.memref_slice %arg2[%add3A_40] : memref<327680xi32, #tpu.memory_space<hbm>> -> memref<128xi32, #tpu.memory_space<hbm>>
        %dma_start3A_64 = arith.constant 0 : i32
        %dma_start3A_65 = tpu.memref_slice %arg7[%run_scoped3A_41, %dma_start3A_64] : memref<8x128xi32, #tpu.memory_space<vmem>> -> memref<1x128xi32, #tpu.memory_space<vmem>>
        %dma_start3A_66 = tpu.memref_squeeze %dma_start3A_65 : memref<1x128xi32, #tpu.memory_space<vmem>> -> memref<128xi32, #tpu.memory_space<vmem>>
        %dma_start3A_67 = tpu.memref_slice %arg2[%add3A_40] : memref<327680xi32, #tpu.memory_space<hbm>> -> memref<128xi32, #tpu.memory_space<hbm>>
        tpu.enqueue_dma source(%dma_start3A_67 : memref<128xi32, #tpu.memory_space<hbm>>) target(%dma_start3A_66 : memref<128xi32, #tpu.memory_space<vmem>>) target_semaphore(%run_scoped3A_60 : memref<!tpu.dma_semaphore, #tpu.memory_space<semaphore_mem>>)
        %dma_wait3A = arith.constant 0 : i32
        %dma_wait3A_68 = tpu.memref_slice %arg7[%run_scoped3A_41, %dma_wait3A] : memref<8x128xi32, #tpu.memory_space<vmem>> -> memref<1x128xi32, #tpu.memory_space<vmem>>
        %dma_wait3A_69 = tpu.memref_squeeze %dma_wait3A_68 : memref<1x128xi32, #tpu.memory_space<vmem>> -> memref<128xi32, #tpu.memory_space<vmem>>
        %dma_wait3A_70 = tpu.memref_slice %arg2[%add3A_40] : memref<327680xi32, #tpu.memory_space<hbm>> -> memref<128xi32, #tpu.memory_space<hbm>>
        %dma_wait3A_71 = arith.constant 0 : i32
        %dma_wait3A_72 = tpu.memref_slice %arg7[%run_scoped3A_41, %dma_wait3A_71] : memref<8x128xi32, #tpu.memory_space<vmem>> -> memref<1x128xi32, #tpu.memory_space<vmem>>
        %dma_wait3A_73 = tpu.memref_squeeze %dma_wait3A_72 : memref<1x128xi32, #tpu.memory_space<vmem>> -> memref<128xi32, #tpu.memory_space<vmem>>
        %dma_wait3A_74 = tpu.memref_slice %arg2[%add3A_40] : memref<327680xi32, #tpu.memory_space<hbm>> -> memref<128xi32, #tpu.memory_space<hbm>>
        tpu.wait_dma2 semaphore(%run_scoped3A_60 : memref<!tpu.dma_semaphore, #tpu.memory_space<semaphore_mem>>) src(%dma_wait3A_74 : memref<128xi32, #tpu.memory_space<hbm>>) dst(%dma_wait3A_73 : memref<128xi32, #tpu.memory_space<vmem>>)
        tpu.yield
      }) : () -> ()
      %add3A_42 = arith.constant 640 : i32
      %add3A_43 = arith.addi %add3A_27, %add3A_42 : i32
      %run_scoped3A_44 = arith.constant 5 : i32
      "tpu.region"() ({
        %run_scoped3A_60 = tpu.sem_alloc : memref<!tpu.dma_semaphore, #tpu.memory_space<semaphore_mem>>
        %dma_start3A = arith.constant 0 : i32
        %dma_start3A_61 = tpu.memref_slice %arg7[%run_scoped3A_44, %dma_start3A] : memref<8x128xi32, #tpu.memory_space<vmem>> -> memref<1x128xi32, #tpu.memory_space<vmem>>
        %dma_start3A_62 = tpu.memref_squeeze %dma_start3A_61 : memref<1x128xi32, #tpu.memory_space<vmem>> -> memref<128xi32, #tpu.memory_space<vmem>>
        %dma_start3A_63 = tpu.memref_slice %arg2[%add3A_43] : memref<327680xi32, #tpu.memory_space<hbm>> -> memref<128xi32, #tpu.memory_space<hbm>>
        %dma_start3A_64 = arith.constant 0 : i32
        %dma_start3A_65 = tpu.memref_slice %arg7[%run_scoped3A_44, %dma_start3A_64] : memref<8x128xi32, #tpu.memory_space<vmem>> -> memref<1x128xi32, #tpu.memory_space<vmem>>
        %dma_start3A_66 = tpu.memref_squeeze %dma_start3A_65 : memref<1x128xi32, #tpu.memory_space<vmem>> -> memref<128xi32, #tpu.memory_space<vmem>>
        %dma_start3A_67 = tpu.memref_slice %arg2[%add3A_43] : memref<327680xi32, #tpu.memory_space<hbm>> -> memref<128xi32, #tpu.memory_space<hbm>>
        tpu.enqueue_dma source(%dma_start3A_67 : memref<128xi32, #tpu.memory_space<hbm>>) target(%dma_start3A_66 : memref<128xi32, #tpu.memory_space<vmem>>) target_semaphore(%run_scoped3A_60 : memref<!tpu.dma_semaphore, #tpu.memory_space<semaphore_mem>>)
        %dma_wait3A = arith.constant 0 : i32
        %dma_wait3A_68 = tpu.memref_slice %arg7[%run_scoped3A_44, %dma_wait3A] : memref<8x128xi32, #tpu.memory_space<vmem>> -> memref<1x128xi32, #tpu.memory_space<vmem>>
        %dma_wait3A_69 = tpu.memref_squeeze %dma_wait3A_68 : memref<1x128xi32, #tpu.memory_space<vmem>> -> memref<128xi32, #tpu.memory_space<vmem>>
        %dma_wait3A_70 = tpu.memref_slice %arg2[%add3A_43] : memref<327680xi32, #tpu.memory_space<hbm>> -> memref<128xi32, #tpu.memory_space<hbm>>
        %dma_wait3A_71 = arith.constant 0 : i32
        %dma_wait3A_72 = tpu.memref_slice %arg7[%run_scoped3A_44, %dma_wait3A_71] : memref<8x128xi32, #tpu.memory_space<vmem>> -> memref<1x128xi32, #tpu.memory_space<vmem>>
        %dma_wait3A_73 = tpu.memref_squeeze %dma_wait3A_72 : memref<1x128xi32, #tpu.memory_space<vmem>> -> memref<128xi32, #tpu.memory_space<vmem>>
        %dma_wait3A_74 = tpu.memref_slice %arg2[%add3A_43] : memref<327680xi32, #tpu.memory_space<hbm>> -> memref<128xi32, #tpu.memory_space<hbm>>
        tpu.wait_dma2 semaphore(%run_scoped3A_60 : memref<!tpu.dma_semaphore, #tpu.memory_space<semaphore_mem>>) src(%dma_wait3A_74 : memref<128xi32, #tpu.memory_space<hbm>>) dst(%dma_wait3A_73 : memref<128xi32, #tpu.memory_space<vmem>>)
        tpu.yield
      }) : () -> ()
      %add3A_45 = arith.constant 768 : i32
      %add3A_46 = arith.addi %add3A_27, %add3A_45 : i32
      %run_scoped3A_47 = arith.constant 6 : i32
      "tpu.region"() ({
        %run_scoped3A_60 = tpu.sem_alloc : memref<!tpu.dma_semaphore, #tpu.memory_space<semaphore_mem>>
        %dma_start3A = arith.constant 0 : i32
        %dma_start3A_61 = tpu.memref_slice %arg7[%run_scoped3A_47, %dma_start3A] : memref<8x128xi32, #tpu.memory_space<vmem>> -> memref<1x128xi32, #tpu.memory_space<vmem>>
        %dma_start3A_62 = tpu.memref_squeeze %dma_start3A_61 : memref<1x128xi32, #tpu.memory_space<vmem>> -> memref<128xi32, #tpu.memory_space<vmem>>
        %dma_start3A_63 = tpu.memref_slice %arg2[%add3A_46] : memref<327680xi32, #tpu.memory_space<hbm>> -> memref<128xi32, #tpu.memory_space<hbm>>
        %dma_start3A_64 = arith.constant 0 : i32
        %dma_start3A_65 = tpu.memref_slice %arg7[%run_scoped3A_47, %dma_start3A_64] : memref<8x128xi32, #tpu.memory_space<vmem>> -> memref<1x128xi32, #tpu.memory_space<vmem>>
        %dma_start3A_66 = tpu.memref_squeeze %dma_start3A_65 : memref<1x128xi32, #tpu.memory_space<vmem>> -> memref<128xi32, #tpu.memory_space<vmem>>
        %dma_start3A_67 = tpu.memref_slice %arg2[%add3A_46] : memref<327680xi32, #tpu.memory_space<hbm>> -> memref<128xi32, #tpu.memory_space<hbm>>
        tpu.enqueue_dma source(%dma_start3A_67 : memref<128xi32, #tpu.memory_space<hbm>>) target(%dma_start3A_66 : memref<128xi32, #tpu.memory_space<vmem>>) target_semaphore(%run_scoped3A_60 : memref<!tpu.dma_semaphore, #tpu.memory_space<semaphore_mem>>)
        %dma_wait3A = arith.constant 0 : i32
        %dma_wait3A_68 = tpu.memref_slice %arg7[%run_scoped3A_47, %dma_wait3A] : memref<8x128xi32, #tpu.memory_space<vmem>> -> memref<1x128xi32, #tpu.memory_space<vmem>>
        %dma_wait3A_69 = tpu.memref_squeeze %dma_wait3A_68 : memref<1x128xi32, #tpu.memory_space<vmem>> -> memref<128xi32, #tpu.memory_space<vmem>>
        %dma_wait3A_70 = tpu.memref_slice %arg2[%add3A_46] : memref<327680xi32, #tpu.memory_space<hbm>> -> memref<128xi32, #tpu.memory_space<hbm>>
        %dma_wait3A_71 = arith.constant 0 : i32
        %dma_wait3A_72 = tpu.memref_slice %arg7[%run_scoped3A_47, %dma_wait3A_71] : memref<8x128xi32, #tpu.memory_space<vmem>> -> memref<1x128xi32, #tpu.memory_space<vmem>>
        %dma_wait3A_73 = tpu.memref_squeeze %dma_wait3A_72 : memref<1x128xi32, #tpu.memory_space<vmem>> -> memref<128xi32, #tpu.memory_space<vmem>>
        %dma_wait3A_74 = tpu.memref_slice %arg2[%add3A_46] : memref<327680xi32, #tpu.memory_space<hbm>> -> memref<128xi32, #tpu.memory_space<hbm>>
        tpu.wait_dma2 semaphore(%run_scoped3A_60 : memref<!tpu.dma_semaphore, #tpu.memory_space<semaphore_mem>>) src(%dma_wait3A_74 : memref<128xi32, #tpu.memory_space<hbm>>) dst(%dma_wait3A_73 : memref<128xi32, #tpu.memory_space<vmem>>)
        tpu.yield
      }) : () -> ()
      %add3A_48 = arith.constant 896 : i32
      %add3A_49 = arith.addi %add3A_27, %add3A_48 : i32
      %run_scoped3A_50 = arith.constant 7 : i32
      "tpu.region"() ({
        %run_scoped3A_60 = tpu.sem_alloc : memref<!tpu.dma_semaphore, #tpu.memory_space<semaphore_mem>>
        %dma_start3A = arith.constant 0 : i32
        %dma_start3A_61 = tpu.memref_slice %arg7[%run_scoped3A_50, %dma_start3A] : memref<8x128xi32, #tpu.memory_space<vmem>> -> memref<1x128xi32, #tpu.memory_space<vmem>>
        %dma_start3A_62 = tpu.memref_squeeze %dma_start3A_61 : memref<1x128xi32, #tpu.memory_space<vmem>> -> memref<128xi32, #tpu.memory_space<vmem>>
        %dma_start3A_63 = tpu.memref_slice %arg2[%add3A_49] : memref<327680xi32, #tpu.memory_space<hbm>> -> memref<128xi32, #tpu.memory_space<hbm>>
        %dma_start3A_64 = arith.constant 0 : i32
        %dma_start3A_65 = tpu.memref_slice %arg7[%run_scoped3A_50, %dma_start3A_64] : memref<8x128xi32, #tpu.memory_space<vmem>> -> memref<1x128xi32, #tpu.memory_space<vmem>>
        %dma_start3A_66 = tpu.memref_squeeze %dma_start3A_65 : memref<1x128xi32, #tpu.memory_space<vmem>> -> memref<128xi32, #tpu.memory_space<vmem>>
        %dma_start3A_67 = tpu.memref_slice %arg2[%add3A_49] : memref<327680xi32, #tpu.memory_space<hbm>> -> memref<128xi32, #tpu.memory_space<hbm>>
        tpu.enqueue_dma source(%dma_start3A_67 : memref<128xi32, #tpu.memory_space<hbm>>) target(%dma_start3A_66 : memref<128xi32, #tpu.memory_space<vmem>>) target_semaphore(%run_scoped3A_60 : memref<!tpu.dma_semaphore, #tpu.memory_space<semaphore_mem>>)
        %dma_wait3A = arith.constant 0 : i32
        %dma_wait3A_68 = tpu.memref_slice %arg7[%run_scoped3A_50, %dma_wait3A] : memref<8x128xi32, #tpu.memory_space<vmem>> -> memref<1x128xi32, #tpu.memory_space<vmem>>
        %dma_wait3A_69 = tpu.memref_squeeze %dma_wait3A_68 : memref<1x128xi32, #tpu.memory_space<vmem>> -> memref<128xi32, #tpu.memory_space<vmem>>
        %dma_wait3A_70 = tpu.memref_slice %arg2[%add3A_49] : memref<327680xi32, #tpu.memory_space<hbm>> -> memref<128xi32, #tpu.memory_space<hbm>>
        %dma_wait3A_71 = arith.constant 0 : i32
        %dma_wait3A_72 = tpu.memref_slice %arg7[%run_scoped3A_50, %dma_wait3A_71] : memref<8x128xi32, #tpu.memory_space<vmem>> -> memref<1x128xi32, #tpu.memory_space<vmem>>
        %dma_wait3A_73 = tpu.memref_squeeze %dma_wait3A_72 : memref<1x128xi32, #tpu.memory_space<vmem>> -> memref<128xi32, #tpu.memory_space<vmem>>
        %dma_wait3A_74 = tpu.memref_slice %arg2[%add3A_49] : memref<327680xi32, #tpu.memory_space<hbm>> -> memref<128xi32, #tpu.memory_space<hbm>>
        tpu.wait_dma2 semaphore(%run_scoped3A_60 : memref<!tpu.dma_semaphore, #tpu.memory_space<semaphore_mem>>) src(%dma_wait3A_74 : memref<128xi32, #tpu.memory_space<hbm>>) dst(%dma_wait3A_73 : memref<128xi32, #tpu.memory_space<vmem>>)
        tpu.yield
      }) : () -> ()
      %run_scoped3A_51 = arith.constant 0 : i32
      "tpu.region"() ({
        %run_scoped3A_60 = tpu.sem_alloc : memref<!tpu.dma_semaphore, #tpu.memory_space<semaphore_mem>>
        %dma_start3A = arith.constant 0 : i32
        %dma_start3A_61 = tpu.memref_slice %arg6[%dma_start3A] : memref<1024xf32, #tpu.memory_space<vmem>> -> memref<128xf32, #tpu.memory_space<vmem>>
        %dma_start3A_62 = arith.constant 0 : i32
        %dma_start3A_63 = tpu.memref_slice %arg7[%run_scoped3A_51, %dma_start3A_62] : memref<8x128xi32, #tpu.memory_space<vmem>> -> memref<1x128xi32, #tpu.memory_space<vmem>>
        %dma_start3A_64 = tpu.memref_squeeze %dma_start3A_63 : memref<1x128xi32, #tpu.memory_space<vmem>> -> memref<128xi32, #tpu.memory_space<vmem>>
        %dma_start3A_65 = arith.constant 0 : i32
        %dma_start3A_66 = tpu.memref_slice %arg8[%dma_start3A_65] : memref<10240xf32, #tpu.memory_space<vmem_shared>> -> memref<10240xf32, #tpu.memory_space<vmem_shared>>
        tpu.enqueue_indirect_dma source(%dma_start3A_61 : memref<128xf32, #tpu.memory_space<vmem>>) target(%dma_start3A_66 : memref<10240xf32, #tpu.memory_space<vmem_shared>>) offsets(%dma_start3A_64 : memref<128xi32, #tpu.memory_space<vmem>>) semaphore(%run_scoped3A_60 : memref<!tpu.dma_semaphore, #tpu.memory_space<semaphore_mem>>) {add = true}
        %dma_wait3A = arith.constant 0 : i32
        %dma_wait3A_67 = tpu.memref_slice %arg6[%dma_wait3A] : memref<1024xf32, #tpu.memory_space<vmem>> -> memref<128xf32, #tpu.memory_space<vmem>>
        %dma_wait3A_68 = arith.constant 0 : i32
        %dma_wait3A_69 = tpu.memref_slice %arg7[%run_scoped3A_51, %dma_wait3A_68] : memref<8x128xi32, #tpu.memory_space<vmem>> -> memref<1x128xi32, #tpu.memory_space<vmem>>
        %dma_wait3A_70 = tpu.memref_squeeze %dma_wait3A_69 : memref<1x128xi32, #tpu.memory_space<vmem>> -> memref<128xi32, #tpu.memory_space<vmem>>
        %dma_wait3A_71 = arith.constant 0 : i32
        %dma_wait3A_72 = tpu.memref_slice %arg8[%dma_wait3A_71] : memref<10240xf32, #tpu.memory_space<vmem_shared>> -> memref<10240xf32, #tpu.memory_space<vmem_shared>>
        tpu.wait_indirect_dma semaphore(%run_scoped3A_60 : memref<!tpu.dma_semaphore, #tpu.memory_space<semaphore_mem>>) src(%dma_wait3A_67 : memref<128xf32, #tpu.memory_space<vmem>>) dst(%dma_wait3A_72 : memref<10240xf32, #tpu.memory_space<vmem_shared>>)
        tpu.yield
      }) : () -> ()
      %run_scoped3A_52 = arith.constant 1 : i32
      "tpu.region"() ({
        %run_scoped3A_60 = tpu.sem_alloc : memref<!tpu.dma_semaphore, #tpu.memory_space<semaphore_mem>>
        %dma_start3A = arith.constant 128 : i32
        %dma_start3A_61 = tpu.memref_slice %arg6[%dma_start3A] : memref<1024xf32, #tpu.memory_space<vmem>> -> memref<128xf32, #tpu.memory_space<vmem>>
        %dma_start3A_62 = arith.constant 0 : i32
        %dma_start3A_63 = tpu.memref_slice %arg7[%run_scoped3A_52, %dma_start3A_62] : memref<8x128xi32, #tpu.memory_space<vmem>> -> memref<1x128xi32, #tpu.memory_space<vmem>>
        %dma_start3A_64 = tpu.memref_squeeze %dma_start3A_63 : memref<1x128xi32, #tpu.memory_space<vmem>> -> memref<128xi32, #tpu.memory_space<vmem>>
        %dma_start3A_65 = arith.constant 0 : i32
        %dma_start3A_66 = tpu.memref_slice %arg8[%dma_start3A_65] : memref<10240xf32, #tpu.memory_space<vmem_shared>> -> memref<10240xf32, #tpu.memory_space<vmem_shared>>
        tpu.enqueue_indirect_dma source(%dma_start3A_61 : memref<128xf32, #tpu.memory_space<vmem>>) target(%dma_start3A_66 : memref<10240xf32, #tpu.memory_space<vmem_shared>>) offsets(%dma_start3A_64 : memref<128xi32, #tpu.memory_space<vmem>>) semaphore(%run_scoped3A_60 : memref<!tpu.dma_semaphore, #tpu.memory_space<semaphore_mem>>) {add = true}
        %dma_wait3A = arith.constant 128 : i32
        %dma_wait3A_67 = tpu.memref_slice %arg6[%dma_wait3A] : memref<1024xf32, #tpu.memory_space<vmem>> -> memref<128xf32, #tpu.memory_space<vmem>>
        %dma_wait3A_68 = arith.constant 0 : i32
        %dma_wait3A_69 = tpu.memref_slice %arg7[%run_scoped3A_52, %dma_wait3A_68] : memref<8x128xi32, #tpu.memory_space<vmem>> -> memref<1x128xi32, #tpu.memory_space<vmem>>
        %dma_wait3A_70 = tpu.memref_squeeze %dma_wait3A_69 : memref<1x128xi32, #tpu.memory_space<vmem>> -> memref<128xi32, #tpu.memory_space<vmem>>
        %dma_wait3A_71 = arith.constant 0 : i32
        %dma_wait3A_72 = tpu.memref_slice %arg8[%dma_wait3A_71] : memref<10240xf32, #tpu.memory_space<vmem_shared>> -> memref<10240xf32, #tpu.memory_space<vmem_shared>>
        tpu.wait_indirect_dma semaphore(%run_scoped3A_60 : memref<!tpu.dma_semaphore, #tpu.memory_space<semaphore_mem>>) src(%dma_wait3A_67 : memref<128xf32, #tpu.memory_space<vmem>>) dst(%dma_wait3A_72 : memref<10240xf32, #tpu.memory_space<vmem_shared>>)
        tpu.yield
      }) : () -> ()
      %run_scoped3A_53 = arith.constant 2 : i32
      "tpu.region"() ({
        %run_scoped3A_60 = tpu.sem_alloc : memref<!tpu.dma_semaphore, #tpu.memory_space<semaphore_mem>>
        %dma_start3A = arith.constant 256 : i32
        %dma_start3A_61 = tpu.memref_slice %arg6[%dma_start3A] : memref<1024xf32, #tpu.memory_space<vmem>> -> memref<128xf32, #tpu.memory_space<vmem>>
        %dma_start3A_62 = arith.constant 0 : i32
        %dma_start3A_63 = tpu.memref_slice %arg7[%run_scoped3A_53, %dma_start3A_62] : memref<8x128xi32, #tpu.memory_space<vmem>> -> memref<1x128xi32, #tpu.memory_space<vmem>>
        %dma_start3A_64 = tpu.memref_squeeze %dma_start3A_63 : memref<1x128xi32, #tpu.memory_space<vmem>> -> memref<128xi32, #tpu.memory_space<vmem>>
        %dma_start3A_65 = arith.constant 0 : i32
        %dma_start3A_66 = tpu.memref_slice %arg8[%dma_start3A_65] : memref<10240xf32, #tpu.memory_space<vmem_shared>> -> memref<10240xf32, #tpu.memory_space<vmem_shared>>
        tpu.enqueue_indirect_dma source(%dma_start3A_61 : memref<128xf32, #tpu.memory_space<vmem>>) target(%dma_start3A_66 : memref<10240xf32, #tpu.memory_space<vmem_shared>>) offsets(%dma_start3A_64 : memref<128xi32, #tpu.memory_space<vmem>>) semaphore(%run_scoped3A_60 : memref<!tpu.dma_semaphore, #tpu.memory_space<semaphore_mem>>) {add = true}
        %dma_wait3A = arith.constant 256 : i32
        %dma_wait3A_67 = tpu.memref_slice %arg6[%dma_wait3A] : memref<1024xf32, #tpu.memory_space<vmem>> -> memref<128xf32, #tpu.memory_space<vmem>>
        %dma_wait3A_68 = arith.constant 0 : i32
        %dma_wait3A_69 = tpu.memref_slice %arg7[%run_scoped3A_53, %dma_wait3A_68] : memref<8x128xi32, #tpu.memory_space<vmem>> -> memref<1x128xi32, #tpu.memory_space<vmem>>
        %dma_wait3A_70 = tpu.memref_squeeze %dma_wait3A_69 : memref<1x128xi32, #tpu.memory_space<vmem>> -> memref<128xi32, #tpu.memory_space<vmem>>
        %dma_wait3A_71 = arith.constant 0 : i32
        %dma_wait3A_72 = tpu.memref_slice %arg8[%dma_wait3A_71] : memref<10240xf32, #tpu.memory_space<vmem_shared>> -> memref<10240xf32, #tpu.memory_space<vmem_shared>>
        tpu.wait_indirect_dma semaphore(%run_scoped3A_60 : memref<!tpu.dma_semaphore, #tpu.memory_space<semaphore_mem>>) src(%dma_wait3A_67 : memref<128xf32, #tpu.memory_space<vmem>>) dst(%dma_wait3A_72 : memref<10240xf32, #tpu.memory_space<vmem_shared>>)
        tpu.yield
      }) : () -> ()
      %run_scoped3A_54 = arith.constant 3 : i32
      "tpu.region"() ({
        %run_scoped3A_60 = tpu.sem_alloc : memref<!tpu.dma_semaphore, #tpu.memory_space<semaphore_mem>>
        %dma_start3A = arith.constant 384 : i32
        %dma_start3A_61 = tpu.memref_slice %arg6[%dma_start3A] : memref<1024xf32, #tpu.memory_space<vmem>> -> memref<128xf32, #tpu.memory_space<vmem>>
        %dma_start3A_62 = arith.constant 0 : i32
        %dma_start3A_63 = tpu.memref_slice %arg7[%run_scoped3A_54, %dma_start3A_62] : memref<8x128xi32, #tpu.memory_space<vmem>> -> memref<1x128xi32, #tpu.memory_space<vmem>>
        %dma_start3A_64 = tpu.memref_squeeze %dma_start3A_63 : memref<1x128xi32, #tpu.memory_space<vmem>> -> memref<128xi32, #tpu.memory_space<vmem>>
        %dma_start3A_65 = arith.constant 0 : i32
        %dma_start3A_66 = tpu.memref_slice %arg8[%dma_start3A_65] : memref<10240xf32, #tpu.memory_space<vmem_shared>> -> memref<10240xf32, #tpu.memory_space<vmem_shared>>
        tpu.enqueue_indirect_dma source(%dma_start3A_61 : memref<128xf32, #tpu.memory_space<vmem>>) target(%dma_start3A_66 : memref<10240xf32, #tpu.memory_space<vmem_shared>>) offsets(%dma_start3A_64 : memref<128xi32, #tpu.memory_space<vmem>>) semaphore(%run_scoped3A_60 : memref<!tpu.dma_semaphore, #tpu.memory_space<semaphore_mem>>) {add = true}
        %dma_wait3A = arith.constant 384 : i32
        %dma_wait3A_67 = tpu.memref_slice %arg6[%dma_wait3A] : memref<1024xf32, #tpu.memory_space<vmem>> -> memref<128xf32, #tpu.memory_space<vmem>>
        %dma_wait3A_68 = arith.constant 0 : i32
        %dma_wait3A_69 = tpu.memref_slice %arg7[%run_scoped3A_54, %dma_wait3A_68] : memref<8x128xi32, #tpu.memory_space<vmem>> -> memref<1x128xi32, #tpu.memory_space<vmem>>
        %dma_wait3A_70 = tpu.memref_squeeze %dma_wait3A_69 : memref<1x128xi32, #tpu.memory_space<vmem>> -> memref<128xi32, #tpu.memory_space<vmem>>
        %dma_wait3A_71 = arith.constant 0 : i32
        %dma_wait3A_72 = tpu.memref_slice %arg8[%dma_wait3A_71] : memref<10240xf32, #tpu.memory_space<vmem_shared>> -> memref<10240xf32, #tpu.memory_space<vmem_shared>>
        tpu.wait_indirect_dma semaphore(%run_scoped3A_60 : memref<!tpu.dma_semaphore, #tpu.memory_space<semaphore_mem>>) src(%dma_wait3A_67 : memref<128xf32, #tpu.memory_space<vmem>>) dst(%dma_wait3A_72 : memref<10240xf32, #tpu.memory_space<vmem_shared>>)
        tpu.yield
      }) : () -> ()
      %run_scoped3A_55 = arith.constant 4 : i32
      "tpu.region"() ({
        %run_scoped3A_60 = tpu.sem_alloc : memref<!tpu.dma_semaphore, #tpu.memory_space<semaphore_mem>>
        %dma_start3A = arith.constant 512 : i32
        %dma_start3A_61 = tpu.memref_slice %arg6[%dma_start3A] : memref<1024xf32, #tpu.memory_space<vmem>> -> memref<128xf32, #tpu.memory_space<vmem>>
        %dma_start3A_62 = arith.constant 0 : i32
        %dma_start3A_63 = tpu.memref_slice %arg7[%run_scoped3A_55, %dma_start3A_62] : memref<8x128xi32, #tpu.memory_space<vmem>> -> memref<1x128xi32, #tpu.memory_space<vmem>>
        %dma_start3A_64 = tpu.memref_squeeze %dma_start3A_63 : memref<1x128xi32, #tpu.memory_space<vmem>> -> memref<128xi32, #tpu.memory_space<vmem>>
        %dma_start3A_65 = arith.constant 0 : i32
        %dma_start3A_66 = tpu.memref_slice %arg8[%dma_start3A_65] : memref<10240xf32, #tpu.memory_space<vmem_shared>> -> memref<10240xf32, #tpu.memory_space<vmem_shared>>
        tpu.enqueue_indirect_dma source(%dma_start3A_61 : memref<128xf32, #tpu.memory_space<vmem>>) target(%dma_start3A_66 : memref<10240xf32, #tpu.memory_space<vmem_shared>>) offsets(%dma_start3A_64 : memref<128xi32, #tpu.memory_space<vmem>>) semaphore(%run_scoped3A_60 : memref<!tpu.dma_semaphore, #tpu.memory_space<semaphore_mem>>) {add = true}
        %dma_wait3A = arith.constant 512 : i32
        %dma_wait3A_67 = tpu.memref_slice %arg6[%dma_wait3A] : memref<1024xf32, #tpu.memory_space<vmem>> -> memref<128xf32, #tpu.memory_space<vmem>>
        %dma_wait3A_68 = arith.constant 0 : i32
        %dma_wait3A_69 = tpu.memref_slice %arg7[%run_scoped3A_55, %dma_wait3A_68] : memref<8x128xi32, #tpu.memory_space<vmem>> -> memref<1x128xi32, #tpu.memory_space<vmem>>
        %dma_wait3A_70 = tpu.memref_squeeze %dma_wait3A_69 : memref<1x128xi32, #tpu.memory_space<vmem>> -> memref<128xi32, #tpu.memory_space<vmem>>
        %dma_wait3A_71 = arith.constant 0 : i32
        %dma_wait3A_72 = tpu.memref_slice %arg8[%dma_wait3A_71] : memref<10240xf32, #tpu.memory_space<vmem_shared>> -> memref<10240xf32, #tpu.memory_space<vmem_shared>>
        tpu.wait_indirect_dma semaphore(%run_scoped3A_60 : memref<!tpu.dma_semaphore, #tpu.memory_space<semaphore_mem>>) src(%dma_wait3A_67 : memref<128xf32, #tpu.memory_space<vmem>>) dst(%dma_wait3A_72 : memref<10240xf32, #tpu.memory_space<vmem_shared>>)
        tpu.yield
      }) : () -> ()
      %run_scoped3A_56 = arith.constant 5 : i32
      "tpu.region"() ({
        %run_scoped3A_60 = tpu.sem_alloc : memref<!tpu.dma_semaphore, #tpu.memory_space<semaphore_mem>>
        %dma_start3A = arith.constant 640 : i32
        %dma_start3A_61 = tpu.memref_slice %arg6[%dma_start3A] : memref<1024xf32, #tpu.memory_space<vmem>> -> memref<128xf32, #tpu.memory_space<vmem>>
        %dma_start3A_62 = arith.constant 0 : i32
        %dma_start3A_63 = tpu.memref_slice %arg7[%run_scoped3A_56, %dma_start3A_62] : memref<8x128xi32, #tpu.memory_space<vmem>> -> memref<1x128xi32, #tpu.memory_space<vmem>>
        %dma_start3A_64 = tpu.memref_squeeze %dma_start3A_63 : memref<1x128xi32, #tpu.memory_space<vmem>> -> memref<128xi32, #tpu.memory_space<vmem>>
        %dma_start3A_65 = arith.constant 0 : i32
        %dma_start3A_66 = tpu.memref_slice %arg8[%dma_start3A_65] : memref<10240xf32, #tpu.memory_space<vmem_shared>> -> memref<10240xf32, #tpu.memory_space<vmem_shared>>
        tpu.enqueue_indirect_dma source(%dma_start3A_61 : memref<128xf32, #tpu.memory_space<vmem>>) target(%dma_start3A_66 : memref<10240xf32, #tpu.memory_space<vmem_shared>>) offsets(%dma_start3A_64 : memref<128xi32, #tpu.memory_space<vmem>>) semaphore(%run_scoped3A_60 : memref<!tpu.dma_semaphore, #tpu.memory_space<semaphore_mem>>) {add = true}
        %dma_wait3A = arith.constant 640 : i32
        %dma_wait3A_67 = tpu.memref_slice %arg6[%dma_wait3A] : memref<1024xf32, #tpu.memory_space<vmem>> -> memref<128xf32, #tpu.memory_space<vmem>>
        %dma_wait3A_68 = arith.constant 0 : i32
        %dma_wait3A_69 = tpu.memref_slice %arg7[%run_scoped3A_56, %dma_wait3A_68] : memref<8x128xi32, #tpu.memory_space<vmem>> -> memref<1x128xi32, #tpu.memory_space<vmem>>
        %dma_wait3A_70 = tpu.memref_squeeze %dma_wait3A_69 : memref<1x128xi32, #tpu.memory_space<vmem>> -> memref<128xi32, #tpu.memory_space<vmem>>
        %dma_wait3A_71 = arith.constant 0 : i32
        %dma_wait3A_72 = tpu.memref_slice %arg8[%dma_wait3A_71] : memref<10240xf32, #tpu.memory_space<vmem_shared>> -> memref<10240xf32, #tpu.memory_space<vmem_shared>>
        tpu.wait_indirect_dma semaphore(%run_scoped3A_60 : memref<!tpu.dma_semaphore, #tpu.memory_space<semaphore_mem>>) src(%dma_wait3A_67 : memref<128xf32, #tpu.memory_space<vmem>>) dst(%dma_wait3A_72 : memref<10240xf32, #tpu.memory_space<vmem_shared>>)
        tpu.yield
      }) : () -> ()
      %run_scoped3A_57 = arith.constant 6 : i32
      "tpu.region"() ({
        %run_scoped3A_60 = tpu.sem_alloc : memref<!tpu.dma_semaphore, #tpu.memory_space<semaphore_mem>>
        %dma_start3A = arith.constant 768 : i32
        %dma_start3A_61 = tpu.memref_slice %arg6[%dma_start3A] : memref<1024xf32, #tpu.memory_space<vmem>> -> memref<128xf32, #tpu.memory_space<vmem>>
        %dma_start3A_62 = arith.constant 0 : i32
        %dma_start3A_63 = tpu.memref_slice %arg7[%run_scoped3A_57, %dma_start3A_62] : memref<8x128xi32, #tpu.memory_space<vmem>> -> memref<1x128xi32, #tpu.memory_space<vmem>>
        %dma_start3A_64 = tpu.memref_squeeze %dma_start3A_63 : memref<1x128xi32, #tpu.memory_space<vmem>> -> memref<128xi32, #tpu.memory_space<vmem>>
        %dma_start3A_65 = arith.constant 0 : i32
        %dma_start3A_66 = tpu.memref_slice %arg8[%dma_start3A_65] : memref<10240xf32, #tpu.memory_space<vmem_shared>> -> memref<10240xf32, #tpu.memory_space<vmem_shared>>
        tpu.enqueue_indirect_dma source(%dma_start3A_61 : memref<128xf32, #tpu.memory_space<vmem>>) target(%dma_start3A_66 : memref<10240xf32, #tpu.memory_space<vmem_shared>>) offsets(%dma_start3A_64 : memref<128xi32, #tpu.memory_space<vmem>>) semaphore(%run_scoped3A_60 : memref<!tpu.dma_semaphore, #tpu.memory_space<semaphore_mem>>) {add = true}
        %dma_wait3A = arith.constant 768 : i32
        %dma_wait3A_67 = tpu.memref_slice %arg6[%dma_wait3A] : memref<1024xf32, #tpu.memory_space<vmem>> -> memref<128xf32, #tpu.memory_space<vmem>>
        %dma_wait3A_68 = arith.constant 0 : i32
        %dma_wait3A_69 = tpu.memref_slice %arg7[%run_scoped3A_57, %dma_wait3A_68] : memref<8x128xi32, #tpu.memory_space<vmem>> -> memref<1x128xi32, #tpu.memory_space<vmem>>
        %dma_wait3A_70 = tpu.memref_squeeze %dma_wait3A_69 : memref<1x128xi32, #tpu.memory_space<vmem>> -> memref<128xi32, #tpu.memory_space<vmem>>
        %dma_wait3A_71 = arith.constant 0 : i32
        %dma_wait3A_72 = tpu.memref_slice %arg8[%dma_wait3A_71] : memref<10240xf32, #tpu.memory_space<vmem_shared>> -> memref<10240xf32, #tpu.memory_space<vmem_shared>>
        tpu.wait_indirect_dma semaphore(%run_scoped3A_60 : memref<!tpu.dma_semaphore, #tpu.memory_space<semaphore_mem>>) src(%dma_wait3A_67 : memref<128xf32, #tpu.memory_space<vmem>>) dst(%dma_wait3A_72 : memref<10240xf32, #tpu.memory_space<vmem_shared>>)
        tpu.yield
      }) : () -> ()
      %run_scoped3A_58 = arith.constant 7 : i32
      "tpu.region"() ({
        %run_scoped3A_60 = tpu.sem_alloc : memref<!tpu.dma_semaphore, #tpu.memory_space<semaphore_mem>>
        %dma_start3A = arith.constant 896 : i32
        %dma_start3A_61 = tpu.memref_slice %arg6[%dma_start3A] : memref<1024xf32, #tpu.memory_space<vmem>> -> memref<128xf32, #tpu.memory_space<vmem>>
        %dma_start3A_62 = arith.constant 0 : i32
        %dma_start3A_63 = tpu.memref_slice %arg7[%run_scoped3A_58, %dma_start3A_62] : memref<8x128xi32, #tpu.memory_space<vmem>> -> memref<1x128xi32, #tpu.memory_space<vmem>>
        %dma_start3A_64 = tpu.memref_squeeze %dma_start3A_63 : memref<1x128xi32, #tpu.memory_space<vmem>> -> memref<128xi32, #tpu.memory_space<vmem>>
        %dma_start3A_65 = arith.constant 0 : i32
        %dma_start3A_66 = tpu.memref_slice %arg8[%dma_start3A_65] : memref<10240xf32, #tpu.memory_space<vmem_shared>> -> memref<10240xf32, #tpu.memory_space<vmem_shared>>
        tpu.enqueue_indirect_dma source(%dma_start3A_61 : memref<128xf32, #tpu.memory_space<vmem>>) target(%dma_start3A_66 : memref<10240xf32, #tpu.memory_space<vmem_shared>>) offsets(%dma_start3A_64 : memref<128xi32, #tpu.memory_space<vmem>>) semaphore(%run_scoped3A_60 : memref<!tpu.dma_semaphore, #tpu.memory_space<semaphore_mem>>) {add = true}
        %dma_wait3A = arith.constant 896 : i32
        %dma_wait3A_67 = tpu.memref_slice %arg6[%dma_wait3A] : memref<1024xf32, #tpu.memory_space<vmem>> -> memref<128xf32, #tpu.memory_space<vmem>>
        %dma_wait3A_68 = arith.constant 0 : i32
        %dma_wait3A_69 = tpu.memref_slice %arg7[%run_scoped3A_58, %dma_wait3A_68] : memref<8x128xi32, #tpu.memory_space<vmem>> -> memref<1x128xi32, #tpu.memory_space<vmem>>
        %dma_wait3A_70 = tpu.memref_squeeze %dma_wait3A_69 : memref<1x128xi32, #tpu.memory_space<vmem>> -> memref<128xi32, #tpu.memory_space<vmem>>
        %dma_wait3A_71 = arith.constant 0 : i32
        %dma_wait3A_72 = tpu.memref_slice %arg8[%dma_wait3A_71] : memref<10240xf32, #tpu.memory_space<vmem_shared>> -> memref<10240xf32, #tpu.memory_space<vmem_shared>>
        tpu.wait_indirect_dma semaphore(%run_scoped3A_60 : memref<!tpu.dma_semaphore, #tpu.memory_space<semaphore_mem>>) src(%dma_wait3A_67 : memref<128xf32, #tpu.memory_space<vmem>>) dst(%dma_wait3A_72 : memref<10240xf32, #tpu.memory_space<vmem_shared>>)
        tpu.yield
      }) : () -> ()
      %scan3A_59 = arith.constant 0 : i32
      scf.yield %scan3A_59 : i32
    }
    %scan3A_17 = arith.constant 10 : i32
    %barrier3A_18 = arith.constant 0 : index
    tpu.barrier barrier_id(%barrier3A_18)
    %mul3A_19 = arith.constant 640 : i32
    %mul3A_20 = arith.muli %arg1, %mul3A_19 : i32
    %mul3A_21 = arith.constant 640 : i32
    %mul3A_22 = arith.muli %arg1, %mul3A_21 : i32
    "tpu.region"() ({
      %run_scoped3A = tpu.sem_alloc : memref<!tpu.dma_semaphore, #tpu.memory_space<semaphore_mem>>
      %dma_start3A = tpu.memref_slice %arg4[%arg0, %mul3A_22] : memref<2x10240xf32, #tpu.memory_space<hbm>> -> memref<1x640xf32, #tpu.memory_space<hbm>>
      %dma_start3A_23 = tpu.memref_squeeze %dma_start3A : memref<1x640xf32, #tpu.memory_space<hbm>> -> memref<640xf32, #tpu.memory_space<hbm>>
      %dma_start3A_24 = tpu.memref_slice %arg8[%mul3A_20] : memref<10240xf32, #tpu.memory_space<vmem_shared>> -> memref<640xf32, #tpu.memory_space<vmem_shared>>
      tpu.enqueue_dma source(%dma_start3A_24 : memref<640xf32, #tpu.memory_space<vmem_shared>>) target(%dma_start3A_23 : memref<640xf32, #tpu.memory_space<hbm>>) target_semaphore(%run_scoped3A : memref<!tpu.dma_semaphore, #tpu.memory_space<semaphore_mem>>)
      %dma_wait3A = tpu.memref_slice %arg4[%arg0, %mul3A_22] : memref<2x10240xf32, #tpu.memory_space<hbm>> -> memref<1x640xf32, #tpu.memory_space<hbm>>
      %dma_wait3A_25 = tpu.memref_squeeze %dma_wait3A : memref<1x640xf32, #tpu.memory_space<hbm>> -> memref<640xf32, #tpu.memory_space<hbm>>
      %dma_wait3A_26 = tpu.memref_slice %arg8[%mul3A_20] : memref<10240xf32, #tpu.memory_space<vmem_shared>> -> memref<640xf32, #tpu.memory_space<vmem_shared>>
      tpu.wait_dma2 semaphore(%run_scoped3A : memref<!tpu.dma_semaphore, #tpu.memory_space<semaphore_mem>>) src(%dma_wait3A_26 : memref<640xf32, #tpu.memory_space<vmem_shared>>) dst(%dma_wait3A_25 : memref<640xf32, #tpu.memory_space<hbm>>)
      tpu.yield
    }) : () -> ()
    return
  }
}

module attributes {stable_mosaic.version = 14 : i64} {
  func.func @_mm_body(%arg0: i32, %arg1: memref<1000x128xf32, #tpu.memory_space<vmem>>, %arg2: memref<128x128xf32, #tpu.memory_space<vmem>>, %arg3: memref<1000x1xf32, #tpu.memory_space<vmem>>, %arg4: memref<1000x1xf32, #tpu.memory_space<vmem>>, %arg5: memref<1000x128xf32, #tpu.memory_space<vmem>>, %arg6: memref<1000x1xf32, #tpu.memory_space<vmem>>) attributes {dimension_semantics = [#tpu.dimension_semantics<arbitrary>], iteration_bounds = array<i64: 10>, scalar_prefetch = 0 : i64, scratch_operands = 0 : i64, tpu.core_type = #tpu.core_type<tc>, window_params = [{transform_indices = @transform_0, window_bounds = array<i64: 1000, 128>}, {pipeline_mode = #tpu.pipeline_mode<synchronous>, transform_indices = @transform_1, window_bounds = array<i64: 128, 128>}, {transform_indices = @transform_2, window_bounds = array<i64: 1000, 1>}, {transform_indices = @transform_3, window_bounds = array<i64: 1000, 1>}, {transform_indices = @transform_4, window_bounds = array<i64: 1000, 128>}, {transform_indices = @transform_5, window_bounds = array<i64: 1000, 1>}]} {
    %get3A = arith.constant 0 : index
    %get3A_0 = arith.constant 0 : index
    %get3A_1 = vector.load %arg3[%get3A, %get3A_0] : memref<1000x1xf32, #tpu.memory_space<vmem>>, vector<1000x1xf32>
    %get3A_2 = arith.constant 0 : index
    %get3A_3 = arith.constant 0 : index
    %get3A_4 = vector.load %arg4[%get3A_2, %get3A_3] : memref<1000x1xf32, #tpu.memory_space<vmem>>, vector<1000x1xf32>
    %add3A = arith.addf %get3A_1, %get3A_4 : vector<1000x1xf32>
    %add3A_5 = arith.constant 1.000000e+00 : f32
    %add3A_6 = vector.broadcast %add3A_5 : f32 to vector<1000x1xf32>
    %add3A_7 = arith.addf %add3A, %add3A_6 : vector<1000x1xf32>
    %gt3A = arith.constant 0.000000e+00 : f32
    %gt3A_8 = vector.broadcast %gt3A : f32 to vector<1000x1xf32>
    %gt3A_9 = arith.cmpf ogt, %add3A_7, %gt3A_8 : vector<1000x1xf32>
    %rsqrt3A = math.rsqrt %add3A_7 : vector<1000x1xf32>
    %jit3A = arith.constant 0.000000e+00 : f32
    %broadcast_in_dim3A = vector.broadcast %jit3A : f32 to vector<1000x1xf32>
    %select_n3A = arith.select %gt3A_9, %rsqrt3A, %broadcast_in_dim3A : vector<1000x1xi1>, vector<1000x1xf32>
    %get3A_10 = arith.constant 0 : index
    %get3A_11 = arith.constant 0 : index
    %get3A_12 = vector.load %arg1[%get3A_10, %get3A_11] : memref<1000x128xf32, #tpu.memory_space<vmem>>, vector<1000x128xf32>
    %get3A_13 = arith.constant 0 : index
    %get3A_14 = arith.constant 0 : index
    %get3A_15 = vector.load %arg2[%get3A_13, %get3A_14] : memref<128x128xf32, #tpu.memory_space<vmem>>, vector<128x128xf32>
    %dot_general3A = arith.constant dense<0.000000e+00> : vector<1000x128xf32>
    %dot_general3A_16 = tpu.matmul %get3A_12, %get3A_15, %dot_general3A {dimension_numbers = #tpu.dot_dimension_numbers<[1], [0], [0], [1], [0, 0, 1, 1], [], []>, transpose_lhs_hint = false} : vector<1000x128xf32>, vector<128x128xf32>, vector<1000x128xf32> -> vector<1000x128xf32>
    %mul3A = vector.broadcast %select_n3A : vector<1000x1xf32> to vector<1000x128xf32>
    %mul3A_17 = arith.mulf %dot_general3A_16, %mul3A : vector<1000x128xf32>
    %swap3A = arith.constant 0 : index
    %swap3A_18 = arith.constant 0 : index
    %swap3A_19 = vector.load %arg5[%swap3A, %swap3A_18] : memref<1000x128xf32, #tpu.memory_space<vmem>>, vector<1000x128xf32>
    tpu.vector_store %arg5[%swap3A, %swap3A_18], %mul3A_17 {strides = array<i32>} : memref<1000x128xf32, #tpu.memory_space<vmem>>, vector<1000x128xf32>,
    %swap3A_20 = arith.constant 0 : index
    %swap3A_21 = arith.constant 0 : index
    %swap3A_22 = vector.load %arg6[%swap3A_20, %swap3A_21] : memref<1000x1xf32, #tpu.memory_space<vmem>>, vector<1000x1xf32>
    tpu.vector_store %arg6[%swap3A_20, %swap3A_21], %select_n3A {strides = array<i32>} : memref<1000x1xf32, #tpu.memory_space<vmem>>, vector<1000x1xf32>,
    return
  }
  func.func @transform_0(%arg0: i32) -> (i32, i32) {
    %c0_i32 = arith.constant 0 : i32
    %c0_i32_0 = arith.constant 0 : i32
    return %arg0, %c0_i32 : i32, i32
  }
  func.func @transform_1(%arg0: i32) -> (i32, i32) {
    %c0_i32 = arith.constant 0 : i32
    %c0_i32_0 = arith.constant 0 : i32
    %c0_i32_1 = arith.constant 0 : i32
    return %c0_i32, %c0_i32_0 : i32, i32
  }
  func.func @transform_2(%arg0: i32) -> (i32, i32) {
    %c0_i32 = arith.constant 0 : i32
    %c0_i32_0 = arith.constant 0 : i32
    return %arg0, %c0_i32 : i32, i32
  }
  func.func @transform_3(%arg0: i32) -> (i32, i32) {
    %c0_i32 = arith.constant 0 : i32
    %c0_i32_0 = arith.constant 0 : i32
    return %arg0, %c0_i32 : i32, i32
  }
  func.func @transform_4(%arg0: i32) -> (i32, i32) {
    %c0_i32 = arith.constant 0 : i32
    %c0_i32_0 = arith.constant 0 : i32
    return %arg0, %c0_i32 : i32, i32
  }
  func.func @transform_5(%arg0: i32) -> (i32, i32) {
    %c0_i32 = arith.constant 0 : i32
    %c0_i32_0 = arith.constant 0 : i32
    return %arg0, %c0_i32 : i32, i32
  }
}

module attributes {stable_mosaic.version = 14 : i64} {
  func.func @_gru_body(%arg0: i32, %arg1: memref<1000x128xf32, #tpu.memory_space<vmem>>, %arg2: memref<1000x128xf32, #tpu.memory_space<vmem>>, %arg3: memref<1000x128xf32, #tpu.memory_space<vmem>>, %arg4: memref<1000x1xf32, #tpu.memory_space<vmem>>, %arg5: memref<1x128xf32, #tpu.memory_space<vmem>>, %arg6: memref<128x128xf32, #tpu.memory_space<vmem>>, %arg7: memref<1x128xf32, #tpu.memory_space<vmem>>, %arg8: memref<128x128xf32, #tpu.memory_space<vmem>>, %arg9: memref<1x128xf32, #tpu.memory_space<vmem>>, %arg10: memref<128x10xf32, #tpu.memory_space<vmem>>, %arg11: memref<1x10xf32, #tpu.memory_space<vmem>>, %arg12: memref<1000x10xf32, #tpu.memory_space<vmem>>, %arg13: memref<1000x128xf32, #tpu.memory_space<vmem>>) attributes {dimension_semantics = [#tpu.dimension_semantics<arbitrary>], iteration_bounds = array<i64: 10>, scalar_prefetch = 0 : i64, scratch_operands = 0 : i64, tpu.core_type = #tpu.core_type<tc>, window_params = [{transform_indices = @transform_0, window_bounds = array<i64: 1000, 128>}, {transform_indices = @transform_1, window_bounds = array<i64: 1000, 128>}, {transform_indices = @transform_2, window_bounds = array<i64: 1000, 128>}, {transform_indices = @transform_3, window_bounds = array<i64: 1000, 1>}, {pipeline_mode = #tpu.pipeline_mode<synchronous>, transform_indices = @transform_4, window_bounds = array<i64: 1, 128>}, {pipeline_mode = #tpu.pipeline_mode<synchronous>, transform_indices = @transform_5, window_bounds = array<i64: 128, 128>}, {pipeline_mode = #tpu.pipeline_mode<synchronous>, transform_indices = @transform_6, window_bounds = array<i64: 1, 128>}, {pipeline_mode = #tpu.pipeline_mode<synchronous>, transform_indices = @transform_7, window_bounds = array<i64: 128, 128>}, {pipeline_mode = #tpu.pipeline_mode<synchronous>, transform_indices = @transform_8, window_bounds = array<i64: 1, 128>}, {pipeline_mode = #tpu.pipeline_mode<synchronous>, transform_indices = @transform_9, window_bounds = array<i64: 128, 10>}, {pipeline_mode = #tpu.pipeline_mode<synchronous>, transform_indices = @transform_10, window_bounds = array<i64: 1, 10>}, {transform_indices = @transform_11, window_bounds = array<i64: 1000, 10>}, {transform_indices = @transform_12, window_bounds = array<i64: 1000, 128>}]} {
    %get3A = arith.constant 0 : index
    %get3A_0 = arith.constant 0 : index
    %get3A_1 = vector.load %arg4[%get3A, %get3A_0] : memref<1000x1xf32, #tpu.memory_space<vmem>>, vector<1000x1xf32>
    %get3A_2 = arith.constant 0 : index
    %get3A_3 = arith.constant 0 : index
    %get3A_4 = vector.load %arg1[%get3A_2, %get3A_3] : memref<1000x128xf32, #tpu.memory_space<vmem>>, vector<1000x128xf32>
    %get3A_5 = arith.constant 0 : index
    %get3A_6 = arith.constant 0 : index
    %get3A_7 = vector.load %arg2[%get3A_5, %get3A_6] : memref<1000x128xf32, #tpu.memory_space<vmem>>, vector<1000x128xf32>
    %add3A = arith.addf %get3A_4, %get3A_7 : vector<1000x128xf32>
    %get3A_8 = arith.constant 0 : index
    %get3A_9 = arith.constant 0 : index
    %get3A_10 = vector.load %arg3[%get3A_8, %get3A_9] : memref<1000x128xf32, #tpu.memory_space<vmem>>, vector<1000x128xf32>
    %add3A_11 = arith.addf %add3A, %get3A_10 : vector<1000x128xf32>
    %mul3A = vector.broadcast %get3A_1 : vector<1000x1xf32> to vector<1000x128xf32>
    %mul3A_12 = arith.mulf %mul3A, %add3A_11 : vector<1000x128xf32>
    %get3A_13 = arith.constant 0 : index
    %get3A_14 = arith.constant 0 : index
    %get3A_15 = vector.load %arg5[%get3A_13, %get3A_14] : memref<1x128xf32, #tpu.memory_space<vmem>>, vector<1x128xf32>
    %add3A_16 = vector.broadcast %get3A_15 : vector<1x128xf32> to vector<1000x128xf32>
    %add3A_17 = arith.addf %mul3A_12, %add3A_16 : vector<1000x128xf32>
    %get3A_18 = arith.constant 0 : index
    %get3A_19 = arith.constant 0 : index
    %get3A_20 = vector.load %arg6[%get3A_18, %get3A_19] : memref<128x128xf32, #tpu.memory_space<vmem>>, vector<128x128xf32>
    %dot_general3A = arith.constant dense<0.000000e+00> : vector<1000x128xf32>
    %dot_general3A_21 = tpu.matmul %add3A_17, %get3A_20, %dot_general3A {dimension_numbers = #tpu.dot_dimension_numbers<[1], [0], [0], [1], [0, 0, 1, 1], [], []>, transpose_lhs_hint = false} : vector<1000x128xf32>, vector<128x128xf32>, vector<1000x128xf32> -> vector<1000x128xf32>
    %get3A_22 = arith.constant 0 : index
    %get3A_23 = arith.constant 0 : index
    %get3A_24 = vector.load %arg7[%get3A_22, %get3A_23] : memref<1x128xf32, #tpu.memory_space<vmem>>, vector<1x128xf32>
    %add3A_25 = vector.broadcast %get3A_24 : vector<1x128xf32> to vector<1000x128xf32>
    %add3A_26 = arith.addf %dot_general3A_21, %add3A_25 : vector<1000x128xf32>
    %logistic3A = arith.negf %add3A_26 : vector<1000x128xf32>
    %logistic3A_27 = math.exp %logistic3A : vector<1000x128xf32>
    %logistic3A_28 = arith.constant 1.000000e+00 : f32
    %logistic3A_29 = vector.broadcast %logistic3A_28 : f32 to vector<1000x128xf32>
    %logistic3A_30 = arith.addf %logistic3A_29, %logistic3A_27 : vector<1000x128xf32>
    %logistic3A_31 = arith.divf %logistic3A_29, %logistic3A_30 : vector<1000x128xf32>
    %get3A_32 = arith.constant 0 : index
    %get3A_33 = arith.constant 0 : index
    %get3A_34 = vector.load %arg8[%get3A_32, %get3A_33] : memref<128x128xf32, #tpu.memory_space<vmem>>, vector<128x128xf32>
    %dot_general3A_35 = arith.constant dense<0.000000e+00> : vector<1000x128xf32>
    %dot_general3A_36 = tpu.matmul %add3A_17, %get3A_34, %dot_general3A_35 {dimension_numbers = #tpu.dot_dimension_numbers<[1], [0], [0], [1], [0, 0, 1, 1], [], []>, transpose_lhs_hint = false} : vector<1000x128xf32>, vector<128x128xf32>, vector<1000x128xf32> -> vector<1000x128xf32>
    %get3A_37 = arith.constant 0 : index
    %get3A_38 = arith.constant 0 : index
    %get3A_39 = vector.load %arg9[%get3A_37, %get3A_38] : memref<1x128xf32, #tpu.memory_space<vmem>>, vector<1x128xf32>
    %add3A_40 = vector.broadcast %get3A_39 : vector<1x128xf32> to vector<1000x128xf32>
    %add3A_41 = arith.addf %dot_general3A_36, %add3A_40 : vector<1000x128xf32>
    %tanh3A = math.tanh %add3A_41 : vector<1000x128xf32>
    %sub3A = arith.constant 1.000000e+00 : f32
    %sub3A_42 = vector.broadcast %sub3A : f32 to vector<1000x128xf32>
    %sub3A_43 = arith.subf %sub3A_42, %logistic3A_31 : vector<1000x128xf32>
    %mul3A_44 = arith.mulf %sub3A_43, %tanh3A : vector<1000x128xf32>
    %max3A = arith.constant 0.000000e+00 : f32
    %max3A_45 = vector.broadcast %max3A : f32 to vector<1000x128xf32>
    %max3A_46 = arith.maximumf %mul3A_44, %max3A_45 : vector<1000x128xf32>
    %get3A_47 = arith.constant 0 : index
    %get3A_48 = arith.constant 0 : index
    %get3A_49 = vector.load %arg10[%get3A_47, %get3A_48] : memref<128x10xf32, #tpu.memory_space<vmem>>, vector<128x10xf32>
    %dot_general3A_50 = arith.constant dense<0.000000e+00> : vector<1000x10xf32>
    %dot_general3A_51 = tpu.matmul %max3A_46, %get3A_49, %dot_general3A_50 {dimension_numbers = #tpu.dot_dimension_numbers<[1], [0], [0], [1], [0, 0, 1, 1], [], []>, transpose_lhs_hint = false} : vector<1000x128xf32>, vector<128x10xf32>, vector<1000x10xf32> -> vector<1000x10xf32>
    %get3A_52 = arith.constant 0 : index
    %get3A_53 = arith.constant 0 : index
    %get3A_54 = vector.load %arg11[%get3A_52, %get3A_53] : memref<1x10xf32, #tpu.memory_space<vmem>>, vector<1x10xf32>
    %add3A_55 = vector.broadcast %get3A_54 : vector<1x10xf32> to vector<1000x10xf32>
    %add3A_56 = arith.addf %dot_general3A_51, %add3A_55 : vector<1000x10xf32>
    %reduce_max3A = arith.constant dense<0xFF800000> : vector<1000xf32>
    %reduce_max3A_57 = vector.multi_reduction <maximumf>, %add3A_56, %reduce_max3A [1] : vector<1000x10xf32> to vector<1000xf32>
    %broadcast_in_dim3A = vector.shape_cast %reduce_max3A_57 : vector<1000xf32> to vector<1000x1xf32>
    %sub3A_58 = vector.broadcast %broadcast_in_dim3A : vector<1000x1xf32> to vector<1000x10xf32>
    %sub3A_59 = arith.subf %add3A_56, %sub3A_58 : vector<1000x10xf32>
    %exp3A = math.exp %sub3A_59 : vector<1000x10xf32>
    %reduce_sum3A = arith.constant dense<0.000000e+00> : vector<1000xf32>
    %reduce_sum3A_60 = vector.multi_reduction <add>, %exp3A, %reduce_sum3A [1] : vector<1000x10xf32> to vector<1000xf32>
    %broadcast_in_dim3A_61 = vector.shape_cast %reduce_sum3A_60 : vector<1000xf32> to vector<1000x1xf32>
    %div3A = vector.broadcast %broadcast_in_dim3A_61 : vector<1000x1xf32> to vector<1000x10xf32>
    %div3A_62 = arith.divf %exp3A, %div3A : vector<1000x10xf32>
    %swap3A = arith.constant 0 : index
    %swap3A_63 = arith.constant 0 : index
    %swap3A_64 = vector.load %arg12[%swap3A, %swap3A_63] : memref<1000x10xf32, #tpu.memory_space<vmem>>, vector<1000x10xf32>
    tpu.vector_store %arg12[%swap3A, %swap3A_63], %div3A_62 {strides = array<i32>} : memref<1000x10xf32, #tpu.memory_space<vmem>>, vector<1000x10xf32>,
    %swap3A_65 = arith.constant 0 : index
    %swap3A_66 = arith.constant 0 : index
    %swap3A_67 = vector.load %arg13[%swap3A_65, %swap3A_66] : memref<1000x128xf32, #tpu.memory_space<vmem>>, vector<1000x128xf32>
    tpu.vector_store %arg13[%swap3A_65, %swap3A_66], %mul3A_44 {strides = array<i32>} : memref<1000x128xf32, #tpu.memory_space<vmem>>, vector<1000x128xf32>,
    return
  }
  func.func @transform_0(%arg0: i32) -> (i32, i32) {
    %c0_i32 = arith.constant 0 : i32
    %c0_i32_0 = arith.constant 0 : i32
    return %arg0, %c0_i32 : i32, i32
  }
  func.func @transform_1(%arg0: i32) -> (i32, i32) {
    %c0_i32 = arith.constant 0 : i32
    %c0_i32_0 = arith.constant 0 : i32
    return %arg0, %c0_i32 : i32, i32
  }
  func.func @transform_2(%arg0: i32) -> (i32, i32) {
    %c0_i32 = arith.constant 0 : i32
    %c0_i32_0 = arith.constant 0 : i32
    return %arg0, %c0_i32 : i32, i32
  }
  func.func @transform_3(%arg0: i32) -> (i32, i32) {
    %c0_i32 = arith.constant 0 : i32
    %c0_i32_0 = arith.constant 0 : i32
    return %arg0, %c0_i32 : i32, i32
  }
  func.func @transform_4(%arg0: i32) -> (i32, i32) {
    %c0_i32 = arith.constant 0 : i32
    %c0_i32_0 = arith.constant 0 : i32
    %c0_i32_1 = arith.constant 0 : i32
    return %c0_i32, %c0_i32_0 : i32, i32
  }
  func.func @transform_5(%arg0: i32) -> (i32, i32) {
    %c0_i32 = arith.constant 0 : i32
    %c0_i32_0 = arith.constant 0 : i32
    %c0_i32_1 = arith.constant 0 : i32
    return %c0_i32, %c0_i32_0 : i32, i32
  }
  func.func @transform_6(%arg0: i32) -> (i32, i32) {
    %c0_i32 = arith.constant 0 : i32
    %c0_i32_0 = arith.constant 0 : i32
    %c0_i32_1 = arith.constant 0 : i32
    return %c0_i32, %c0_i32_0 : i32, i32
  }
  func.func @transform_7(%arg0: i32) -> (i32, i32) {
    %c0_i32 = arith.constant 0 : i32
    %c0_i32_0 = arith.constant 0 : i32
    %c0_i32_1 = arith.constant 0 : i32
    return %c0_i32, %c0_i32_0 : i32, i32
  }
  func.func @transform_8(%arg0: i32) -> (i32, i32) {
    %c0_i32 = arith.constant 0 : i32
    %c0_i32_0 = arith.constant 0 : i32
    %c0_i32_1 = arith.constant 0 : i32
    return %c0_i32, %c0_i32_0 : i32, i32
  }
  func.func @transform_9(%arg0: i32) -> (i32, i32) {
    %c0_i32 = arith.constant 0 : i32
    %c0_i32_0 = arith.constant 0 : i32
    %c0_i32_1 = arith.constant 0 : i32
    return %c0_i32, %c0_i32_0 : i32, i32
  }
  func.func @transform_10(%arg0: i32) -> (i32, i32) {
    %c0_i32 = arith.constant 0 : i32
    %c0_i32_0 = arith.constant 0 : i32
    %c0_i32_1 = arith.constant 0 : i32
    return %c0_i32, %c0_i32_0 : i32, i32
  }
  func.func @transform_11(%arg0: i32) -> (i32, i32) {
    %c0_i32 = arith.constant 0 : i32
    %c0_i32_0 = arith.constant 0 : i32
    return %arg0, %c0_i32 : i32, i32
  }
  func.func @transform_12(%arg0: i32) -> (i32, i32) {
    %c0_i32 = arith.constant 0 : i32
    %c0_i32_0 = arith.constant 0 : i32
    return %arg0, %c0_i32 : i32, i32
  }
}

</mosaic_0001>

<sc_bundles>
// kernel: kernel.6.cloned.1.call-start
scs
__scs_entry_jumppad:
0x0: {  	(pc) =	sbr.rel $0x88, $3  }
0x1: {  	(tag) =	ssettag $0x0;
	lr =	simm.s32 $0x1  }
0x2: {  	[smem:$0x3F96] =	sst lr;
	_ =	strace $0xD0000000  }
0x3: {  	_ = 	snop  }
0x4: {  	_ = 	snop  }
0x5: {  	_ = 	snop  }
0x6: {  	_ = 	snop  }
0x7: {  	_ = 	snop  }
__scs_overlays_trampoline_lowered:
0x8: {  	[smem:$0x3FA5] =	sst s0  }
0x9: {  	[smem:$0x3FA6] =	sst s1  }
0xa: {  	[smem:$0x3FA7] =	sst s2  }
0xb: {  	[smem:$0x3FA8] =	sst s3  }
0xc: {  	[smem:$0x3FA9] =	sst s4  }
0xd: {  	[smem:$0x3FAA] =	sst s5  }
0xe: {  	[smem:$0x3FAB] =	sst s6  }
0xf: {  	[smem:$0x3FAC] =	sst s7  }
0x10: {  	[smem:$0x3FAD] =	sst s8  }
0x11: {  	[smem:$0x3FAE] =	sst s9;
	s0 =	simm.s32 @!p0 $0x0  }
0x12: {  	s1 =	sld [smem:$0x3F94];
	s0 =	simm.s32 @p0 $0x1  }
0x13: {  	[smem:$0x3FAF] =	sst s0;
	s0 =	simm.s32 @!p1 $0x0  }
0x14: {  	s2 =	sld [smem:$0x3F93];
	s0 =	simm.s32 @p1 $0x1  }
0x15: {  	[smem:$0x3FB0] =	sst s0;
	s0 =	simm.s32 @!p2 $0x0  }
0x16: {  	s3 =	sld [smem:$0x3FDB];
	s0 =	simm.s32 @p2 $0x1  }
0x17: {  	s4 =	simm.s32 $0x1BF5;
	[smem:$0x3FB2] =	sst s0  }
0x18: {  	s0 =	sld [smem:$0x3F95];
	_ =	swait.ge [sflag:s4], $0x0  }
0x19: {  	s7 =	sld [smem:$0x3F96]  }
0x1a: {  	s8 =	sadd.s32 $0xFFFFE003, lr  }
0x1b: {  	s9 =	sadd.s32 $0xFFFFFEF7, lr;
	s5 =	simm.s32 $0xFFFFFFFF;
	p2 =	slt.u32 s8, $0xFFFFF086  }
0x1c: {  	p1 =	slt.u32 s9, $0xF7A;
	s5 =	simm.s32 @!p2 $0x0  }
0x1d: {  	s5 =	simm.s32 @p1 $0x1;
	p0 =	seq.s32 s7, s2  }
0x1e: {  	s7 =	smul.u32 @!p0 $0xF7A, s2;
	p2 =	seq.s32 @!p0 s5, $0x0  }
0x1f: {  	s9 =	smul.u32 $0xF7A, s1;
	s8 =	simm.s32 @!p0 $0x1BF5;
	p2 =	por !p2, p0  }
0x20: {  	[sflag:s8] =	ssyncset.s32 @!p0 $0xFFFFF086;
	s6 =	sadd.s32 @!p0 s3, s7;
	s7 =	simm.s32 @!p0 $0x108  }
0x21: {  	s3 =	sadd.s32 s3, s9;
	s6 =	sadd.s32 @!p0 $0x88, s6;
	s7 =	simm.s32 @p2 $0x1082  }
0x22: {  	[simem:s7], [sflag:s8] =	dma.local @!p0 [hbm:s6], $0xF7A  }
0x23: {  	s9 =	sor.u32 $0xD0000000, s2;
	s6 =	simm.s32 $0x108;
	_ =	swait.ge @!p0 [sflag:s8], $0x0  }
0x24: {  	s3 =	sadd.s32 $0x88, s3;
	s6 =	simm.s32 @!p1 $0x1082;
	[sflag:s4] =	ssyncset.s32 $0xFFFFF086  }
0x25: {  	[simem:s6], [sflag:s4] =	dma.local [hbm:s3], $0xF7A  }
0x26: {  	[smem:$0x3F96] =	sst s1;
	(tag) =	ssettag s2;
	_ =	strace s9  }
0x27: {  	s1 =	sld [smem:$0x3FA6]  }
0x28: {  	s2 =	sld [smem:$0x3FA7]  }
0x29: {  	s4 =	sld [smem:$0x3FA9]  }
0x2a: {  	p0 =	seq.s32 s5, $0x0;
	s5 =	sld [smem:$0x3FAA]  }
0x2b: {  	s6 =	sld [smem:$0x3FAB]  }
0x2c: {  	s7 =	sld [smem:$0x3FAC]  }
0x2d: {  	s3 =	simm.s32 $0x108;
	s8 =	sld [smem:$0x3FAD]  }
0x2e: {  	s3 =	simm.s32 @!p0 $0x1082;
	s9 =	sld [smem:$0x3FAE]  }
0x2f: {  	lr =	sadd.s32 s0, s3;
	s0 =	sld [smem:$0x3FA5]  }
0x30: {  	s3 =	sld [smem:$0x3FA8]  }
0x31: {  	[smem:$0x3FB1] =	sst s10  }
0x32: {  	s10 =	sld [smem:$0x3FAF];
	_ =	sdelay $0x3  }
0x33: {  	p0 =	seq.s32 s10, $0x1;
	s10 =	sld [smem:$0x3FB1];
	_ =	sdelay $0x3  }
0x34: {  	[smem:$0x3FB1] =	sst s10  }
0x35: {  	s10 =	sld [smem:$0x3FB0];
	_ =	sdelay $0x3  }
0x36: {  	p1 =	seq.s32 s10, $0x1;
	s10 =	sld [smem:$0x3FB1];
	_ =	sdelay $0x3  }
0x37: {  	[smem:$0x3FB1] =	sst s10  }
0x38: {  	s10 =	sld [smem:$0x3FB2]  }
0x39: {  	_ = 	snop;
	(pc) =	sbr.ind lr, $3  }
0x3a: {  	_ = 	snop  }
0x3b: {  	_ = 	snop  }
0x3c: {  	p2 =	seq.s32 s10, $0x1;
	s10 =	sld [smem:$0x3FB1]  }
0x3d: {  	_ =	shalt  }
0x3e: {  	_ =	shalt  }
0x3f: {  	_ =	shalt  }
0x40: {  	_ =	shalt  }
0x41: {  	_ =	shalt  }
0x42: {  	_ =	shalt  }
0x43: {  	_ =	shalt  }
0x44: {  	_ =	shalt  }
0x45: {  	_ =	shalt  }
0x46: {  	_ =	shalt  }
0x47: {  	_ =	shalt  }
0x48: {  	_ =	shalt  }
0x49: {  	_ =	shalt  }
0x4a: {  	_ =	shalt  }
0x4b: {  	_ =	shalt  }
0x4c: {  	_ =	shalt  }
0x4d: {  	_ =	shalt  }
0x4e: {  	_ =	shalt  }
0x4f: {  	_ =	shalt  }
0x50: {  	_ =	shalt  }
0x51: {  	_ =	shalt  }
0x52: {  	_ =	shalt  }
0x53: {  	_ =	shalt  }
0x54: {  	_ =	shalt  }
0x55: {  	_ =	shalt  }
0x56: {  	_ =	shalt  }
0x57: {  	_ =	shalt  }
0x58: {  	_ =	shalt  }
0x59: {  	_ =	shalt  }
0x5a: {  	_ =	shalt  }
0x5b: {  	_ =	shalt  }
0x5c: {  	_ =	shalt  }
0x5d: {  	_ =	shalt  }
0x5e: {  	_ =	shalt  }
0x5f: {  	_ =	shalt  }
0x60: {  	_ =	shalt  }
0x61: {  	_ =	shalt  }
0x62: {  	_ =	shalt  }
0x63: {  	_ =	shalt  }
0x64: {  	_ =	shalt  }
0x65: {  	_ =	shalt  }
0x66: {  	_ =	shalt  }
0x67: {  	_ =	shalt  }
0x68: {  	_ =	shalt  }
0x69: {  	_ =	shalt  }
0x6a: {  	_ =	shalt  }
0x6b: {  	_ =	shalt  }
0x6c: {  	_ =	shalt  }
0x6d: {  	_ =	shalt  }
0x6e: {  	_ =	shalt  }
0x6f: {  	_ =	shalt  }
0x70: {  	_ =	shalt  }
0x71: {  	_ =	shalt  }
0x72: {  	_ =	shalt  }
0x73: {  	_ =	shalt  }
0x74: {  	_ =	shalt  }
0x75: {  	_ =	shalt  }
0x76: {  	_ =	shalt  }
0x77: {  	_ =	shalt  }
0x78: {  	_ =	shalt  }
0x79: {  	_ =	shalt  }
0x7a: {  	_ =	shalt  }
0x7b: {  	_ =	shalt  }
0x7c: {  	_ =	shalt  }
0x7d: {  	_ =	shalt  }
0x7e: {  	_ =	shalt  }
0x7f: {  	_ =	shalt  }
0x80: {  	_ =	shalt  }
0x81: {  	_ =	shalt  }
0x82: {  	_ =	shalt  }
0x83: {  	_ =	shalt  }
0x84: {  	_ =	shalt  }
0x85: {  	_ =	shalt  }
0x86: {  	_ =	shalt  }
0x87: {  	_ =	shalt  }
.Lfunc_end0:
.L_simem_size_0:
called_computation_lowered:
.L_overlay_start_0:
0x88: {  	s2 =	sld [smem:$0x3FD9]  }
0x89: {  	s3 =	sld [smem:$0x3FFE];
	_ =	sdelay $0x1  }
0x8a: {  	s1 =	srdreg.scid  }
0x8b: {  	s0 =	sand.u32 $0x1, s1  }
0x8c: {  	s14 =	sshll.u32 s0, $0xA;
	s2 =	sadd.s32 s3, s2  }
0x8d: {  	s2 =	sadd.s32 s2, s14  }
0x8e: {  	[smem:$0x3FBD] =	sst s2  }
0x8f: {  	_ = 	snop  }
0x90: {  	s2 =	sld [smem:$0x3FD0];
	_ =	sdelay $0x2  }
0x91: {  	s15 =	simm.s32 $0xA;
	s4 =	simm.s32 $0x10  }
0x92: {  	[smem:s4], [sflag:s15] =	dma.local [hbm:s2], $0x1  }
0x93: {  	_ =	swait.eq [sflag:s15], $0x1  }
0x94: {  	[sflag:s15] =	ssyncset.done $0x0  }
0x95: {  	[sflag:s15] =	ssyncadd.s32 $0xFFFFFFFF  }
0x96: {  	s16 =	sld [smem:$0x10];
	(tm) =	ssettm $0x1  }
0x97: {  	s17 =	sld [smem:$0x3FFB];
	_ =	sdelay $0x3  }
0x98: {  	_ =	strace s17  }
0x99: {  	s3 =	sld [smem:$0x3FFC];
	_ =	sdelay $0x3  }
0x9a: {  	_ =	strace s3  }
0x9b: {  	s3 =	sld [smem:$0x3FFD];
	_ =	sdelay $0x3  }
0x9c: {  	_ =	strace s3  }
0x9d: {  	_ =	strace $0x8FFFFFFF  }
0x9e: {  	s18 =	sld [smem:$0x3FDB];
	_ =	sdelay $0x1  }
0x9f: {  	s19 =	simm.s32 $_scs_section_size  }
0xa0: {  	s5 =	simm.s32 $_size__tile_overlayer_lowered;
	s6 =	simm.s32 $_tile_overlayer_lowered  }
0xa1: {  	s22 =	simm.s32 $0x1BFF;
	s21 =	sshll.u32 s6, $0x1;
	s3 =	sadd.s32 s19, s18  }
0xa2: {  	s7 =	simm.s32 $0x0;
	s20 =	sshll.u32 s5, $0x1;
	s5 =	sadd.s32 s21, s3  }
0xa3: {  	[timem:s7], [sflag:s22] =	dma.local [hbm:s5], s20  }
0xa4: {  	_ =	swait.ge [sflag:s22], s20  }
0xa5: {  	s4 =	ssub.s32 $0x0, s20;
	[sflag:s22] =	ssyncset.done $0x0  }
0xa6: {  	[sflag:s22] =	ssyncadd.s32 s4;
	_ =	sdelay $0x1  }
0xa7: {  	s23 =	simm.s32 $0x1B8B  }
0xa8: {  	_ =	swait.ge [sflag:s23], $0x1  }
0xa9: {  	[sflag:s23] =	ssyncset.done $0x0  }
0xaa: {  	s25 =	simm.s32 $0x1B8E;
	s24 =	sld [smem:$0x3FFE];
	[sflag:s23] =	ssyncadd.s32 $0xFFFFFFFF  }
0xab: {  	s26 =	simm.s32 $execute0_lowered;
	[smem:$0x3FD2] =	sst s25  }
0xac: {  	s5 =	sshll.u32 s26, $0x1;
	_ =	strace $0x80000046;
	[dreg:$0x1] =	wrdreg $0xFFFFFFFF  }
0xad: {  	s28 =	simm.s32 $_size_execute0_lowered;
	s3 =	sadd.s32 s3, s5;
	[dreg:$0x0] =	wrdreg $0x0  }
0xae: {  	s5 =	sshll.u32 s28, $0x1;
	[dreg:$0x2] =	wrdreg s3  }
0xaf: {  	[dreg:$0x3] =	wrdreg s5  }
0xb0: {  	[dreg:$0x4] =	wrdreg $0xC0  }
0xb1: {  	_ =	task [dreg:s7], $0x5FFFF  }
0xb2: {  	[dreg:$0x1] =	wrdreg $0xFFFFFFFF  }
0xb3: {  	[dreg:$0x0] =	wrdreg $0x60  }
0xb4: {  	[dreg:$0x2] =	wrdreg s24  }
0xb5: {  	[dreg:$0x3] =	wrdreg s16  }
0xb6: {  	[dreg:$0x4] =	wrdreg $0xA800  }
0xb7: {  	[dreg:$0x5] =	wrdreg $0x9  }
0xb8: {  	_ =	task.clear_ibuf [dreg:s7], $0x6FFFF;
	_ =	strace $0x90000046  }
0xb9: {  	s29 =	simm.s32 $0x9;
	_ =	strace $0x80000048  }
0xba: {  	_ =	swait.ge [sflag:s29], $0x1  }
0xbb: {  	[sflag:s29] =	ssyncadd.s32 $0xFFFFFFFF  }
0xbc: {  	_ =	strace $0x90000048  }
0xbd: {  	_ =	sfence  }
0xbe: {  	s30 =	sld [smem:$0x0];
	_ =	sdelay $0x2  }
0xbf: {  	s31 =	sshll.u32 s1, $0xD;
	s1 =	sshrl.u32 s1, $0x2  }
0xc0: {  	s3 =	sand.u32 $0x4000, s31;
	s1 =	sadd.s32 s1, s30  }
0xc1: {  	s0 =	sor.u32 s3, s0;
	s1 =	sshll.u32 s1, $0x11  }
0xc2: {  	s0 =	sor.u32 s1, s0  }
0xc3: {  	s0 =	sadd.s32 $0x8F2B, s0  }
0xc4: {  	[sflag:s0] =	ssyncadd.remote.s32 $0x1  }
0xc5: {  	_ =	sfence.sel $0xFFFF  }
0xc6: {  	[dreg:$0x0] =	wrdreg $0xFFFFFFFF;
	(pc) =	sbr.abs _section_cstart, $3  }
0xc7: {  	[dreg:$0x1] =	wrdreg $0xFFFFFFFF  }
0xc8: {  	_ =	task.clear_ibuf [dreg:s7], $0x2FFFF;
	_ =	strace $0x9FFFFFFF  }
0xc9: {  	(tm) =	ssettm $0x7FFFFFFF  }
tec
execute0_lowered:
.L_overlay_start_1:
0x0: {  	(tag) =	ssettag $0x1  }
0x1: {  	s1 =	rddreg [dreg:$0x0];
	s2 =	srdreg.scid  }
0x2: {  	s0 =	stileid.u32;
	s5 =	rddreg [dreg:$0x1]  }
0x3: {  	s3 =	simm.s32 $0x0;
	s10 =	simm.s32 $0x680;
	s11 =	simm.s32 $0x700  }
0x4: {  	s12 =	simm.s32 $0x780;
	s13 =	simm.s32 $0x800;
	s14 =	simm.s32 $0x880  }
0x5: {  	s15 =	simm.s32 $0x900;
	s16 =	simm.s32 $0x980;
	s17 =	simm.s32 $0xA00  }
0x6: {  	s18 =	simm.s32 $0x80;
	s19 =	simm.s32 $0x300;
	s20 =	simm.s32 $0x380  }
0x7: {  	s21 =	simm.s32 $0x400;
	s22 =	simm.s32 $0x480;
	s6 =	smul.u32 $0x5000, s0  }
0x8: {  	s23 =	simm.s32 $0x500;
	s28 =	simm.s32 $0x10;
	s24 =	smul.u32 $0x500, s0  }
0x9: {  	s4 =	sand.u32 $0x1, s2;
	s2 =	rddreg [dreg:$0x2];
	s9 =	smul.u32 $0xA00, s0  }
0xa: {  	s29 =	simm.s32 $0x0;
	[smem:$0x7FF] =	sst s3;
	s7 =	smul.u32 $0x2800, s4  }
0xb: {  	_ =	strace $0x80000047;
	s8 =	ssub.s32 $0x2, s4;
	s4 =	sshll.u32 s4, $0x7  }
0xc: {  	s25 =	sshrl.u32 s8, $0x1;
	s4 =	sor.u32 s4, s24;
	s26 =	sshrl.u32 s9, $0x2  }
0xd: {  	s9 =	simm.s32 $0x280;
	s24 =	simm.s32 $0x580;
	s6 =	sadd.s32 s7, s6  }
0xe: {  	s30 =	sshrl.u32 s4, $0x3;
	s4 =	sadd.s32 s26, s2;
	s6 =	sshrl.u32 s6, $0x3  }
0xf: {  	s5 =	sadd.s32 s5, s30;
	s1 =	sadd.s32 s6, s1;
	s6 =	ssub.s32 s8, s25  }
0x10: {  	s8 =	simm.s32 $0x1;
	s25 =	simm.s32 $0x600;
	s31 =	sadd.s32 $0x3400, s1  }
0x11: {  	v0 =	vimm.f32 $0.0e+00;
	s6 =	smax.u32 s6, $0x1;
	s7 =	sadd.s32 $0xD400, s1;
	[dreg:$0x4] =	wrdreg s31  }
.LBB2_1:
0x12: {  	[tilespmem:$0x0] =	vst v0  }
0x13: {  	[tilespmem:$0x10] =	vst v0  }
0x14: {  	[tilespmem:$0x20] =	vst v0  }
0x15: {  	[tilespmem:$0x30] =	vst v0  }
0x16: {  	[tilespmem:$0x40] =	vst v0  }
0x17: {  	[tilespmem:$0x50] =	vst v0  }
0x18: {  	[tilespmem:$0x60] =	vst v0  }
0x19: {  	[tilespmem:$0x70] =	vst v0  }
0x1a: {  	[tilespmem:$0x80] =	vst v0  }
0x1b: {  	[tilespmem:$0x90] =	vst v0  }
0x1c: {  	[tilespmem:$0xA0] =	vst v0  }
0x1d: {  	[tilespmem:$0xB0] =	vst v0  }
0x1e: {  	[tilespmem:$0xC0] =	vst v0  }
0x1f: {  	[tilespmem:$0xD0] =	vst v0  }
0x20: {  	[tilespmem:$0xE0] =	vst v0  }
0x21: {  	[tilespmem:$0xF0] =	vst v0  }
0x22: {  	[tilespmem:$0x100] =	vst v0  }
0x23: {  	[tilespmem:$0x110] =	vst v0  }
0x24: {  	[tilespmem:$0x120] =	vst v0  }
0x25: {  	[tilespmem:$0x130] =	vst v0  }
0x26: {  	[tilespmem:$0x140] =	vst v0  }
0x27: {  	[tilespmem:$0x150] =	vst v0  }
0x28: {  	[tilespmem:$0x160] =	vst v0  }
0x29: {  	[tilespmem:$0x170] =	vst v0  }
0x2a: {  	[tilespmem:$0x180] =	vst v0  }
0x2b: {  	[tilespmem:$0x190] =	vst v0  }
0x2c: {  	[tilespmem:$0x1A0] =	vst v0  }
0x2d: {  	[tilespmem:$0x1B0] =	vst v0  }
0x2e: {  	[tilespmem:$0x1C0] =	vst v0  }
0x2f: {  	[tilespmem:$0x1D0] =	vst v0  }
0x30: {  	[tilespmem:$0x1E0] =	vst v0  }
0x31: {  	[tilespmem:$0x1F0] =	vst v0  }
0x32: {  	[tilespmem:$0x200] =	vst v0  }
0x33: {  	[tilespmem:$0x210] =	vst v0  }
0x34: {  	[tilespmem:$0x220] =	vst v0  }
0x35: {  	[tilespmem:$0x230] =	vst v0  }
0x36: {  	[tilespmem:$0x240] =	vst v0  }
0x37: {  	[tilespmem:$0x250] =	vst v0  }
0x38: {  	[tilespmem:$0x260] =	vst v0  }
0x39: {  	[tilespmem:$0x270] =	vst v0  }
0x3a: {  	[spmem:s4] =	stream.linear.scatter [tilespmem:s3], [sflag:$0x1], $0x280, $0x38;
	[tilespmem:$0xD00] =	vst v63  }
0x3b: {  	_ =	swait.ge [sflag:s8], $0x280  }
0x3c: {  	[sflag:s8] =	ssyncset.done $0x0  }
0x3d: {  	[sflag:s8] =	ssyncadd.s32 $0xFFFFFD80  }
0x3e: {  	s1 =	sadd.s32 $0x0, s7;
	[bflag:$0x0] =	sbarrier.arrive $0xFFFF  }
0x3f: {  	[tilespmem:s9], [sflag:$0x1] =	stream.linear.gather [hbm4b:s1+s3], $0x400, $0x38;
	[tilespmem:$0xD00] =	vst v63  }
0x40: {  	_ =	swait.ge [sflag:s8], $0x400  }
0x41: {  	s31 =	rddreg [dreg:$0x4];
	[sflag:s8] =	ssyncset.done $0x0  }
0x42: {  	[sflag:s8] =	ssyncadd.s32 $0xFFFFFC00;
	s1 =	sadd.s32 $0x0, s31  }
0x43: {  	[tilespmem:s10], [sflag:$0x1] =	stream.linear.gather [hbm4b:s1+s3], $0x80, $0x38;
	[tilespmem:$0xD00] =	vst v63  }
0x44: {  	_ =	swait.ge [sflag:s8], $0x80  }
0x45: {  	[sflag:s8] =	ssyncset.done $0x0  }
0x46: {  	s30 =	sadd.s32 $0x10, s1;
	[sflag:s8] =	ssyncadd.s32 $0xFFFFFF80  }
0x47: {  	[tilespmem:s11], [sflag:$0x1] =	stream.linear.gather [hbm4b:s30+s3], $0x80, $0x38;
	[tilespmem:$0xD00] =	vst v63  }
0x48: {  	_ =	swait.ge [sflag:s8], $0x80  }
0x49: {  	[sflag:s8] =	ssyncset.done $0x0  }
0x4a: {  	s30 =	sadd.s32 $0x20, s1;
	[sflag:s8] =	ssyncadd.s32 $0xFFFFFF80  }
0x4b: {  	[tilespmem:s12], [sflag:$0x1] =	stream.linear.gather [hbm4b:s30+s3], $0x80, $0x38;
	[tilespmem:$0xD00] =	vst v63  }
0x4c: {  	_ =	swait.ge [sflag:s8], $0x80  }
0x4d: {  	[sflag:s8] =	ssyncset.done $0x0  }
0x4e: {  	s30 =	sadd.s32 $0x30, s1;
	[sflag:s8] =	ssyncadd.s32 $0xFFFFFF80  }
0x4f: {  	[tilespmem:s13], [sflag:$0x1] =	stream.linear.gather [hbm4b:s30+s3], $0x80, $0x38;
	[tilespmem:$0xD00] =	vst v63  }
0x50: {  	_ =	swait.ge [sflag:s8], $0x80  }
0x51: {  	[sflag:s8] =	ssyncset.done $0x0  }
0x52: {  	s30 =	sadd.s32 $0x40, s1;
	[sflag:s8] =	ssyncadd.s32 $0xFFFFFF80  }
0x53: {  	[tilespmem:s14], [sflag:$0x1] =	stream.linear.gather [hbm4b:s30+s3], $0x80, $0x38;
	[tilespmem:$0xD00] =	vst v63  }
0x54: {  	_ =	swait.ge [sflag:s8], $0x80  }
0x55: {  	[sflag:s8] =	ssyncset.done $0x0  }
0x56: {  	s30 =	sadd.s32 $0x50, s1;
	[sflag:s8] =	ssyncadd.s32 $0xFFFFFF80  }
0x57: {  	[tilespmem:s15], [sflag:$0x1] =	stream.linear.gather [hbm4b:s30+s3], $0x80, $0x38;
	[tilespmem:$0xD00] =	vst v63  }
0x58: {  	_ =	swait.ge [sflag:s8], $0x80  }
0x59: {  	[sflag:s8] =	ssyncset.done $0x0  }
0x5a: {  	s30 =	sadd.s32 $0x60, s1;
	[sflag:s8] =	ssyncadd.s32 $0xFFFFFF80  }
0x5b: {  	[tilespmem:s16], [sflag:$0x1] =	stream.linear.gather [hbm4b:s30+s3], $0x80, $0x38;
	[tilespmem:$0xD00] =	vst v63  }
0x5c: {  	_ =	swait.ge [sflag:s8], $0x80  }
0x5d: {  	[sflag:s8] =	ssyncset.done $0x0  }
0x5e: {  	s1 =	sadd.s32 $0x70, s1;
	[sflag:s8] =	ssyncadd.s32 $0xFFFFFF80  }
0x5f: {  	[tilespmem:s17], [sflag:$0x1] =	stream.linear.gather [hbm4b:s1+s3], $0x80, $0x38;
	[tilespmem:$0xD00] =	vst v63  }
0x60: {  	_ =	swait.ge [sflag:s8], $0x80  }
0x61: {  	[sflag:s8] =	ssyncset.done $0x0  }
0x62: {  	[sflag:s8] =	ssyncadd.s32 $0xFFFFFF80  }
0x63: {  	[spmem:s2] =	stream.indirect.scatter.add.f32 [tilespmem:s9], [sflag:$0x1], $0x1, s10, s18, $0xb8;
	[tilespmem:$0xD00] =	vst v63  }
0x64: {  	_ =	swait.ge [sflag:s8], $0x80  }
0x65: {  	[sflag:s8] =	ssyncset.done $0x0  }
0x66: {  	[sflag:s8] =	ssyncadd.s32 $0xFFFFFF80  }
0x67: {  	[spmem:s2] =	stream.indirect.scatter.add.f32 [tilespmem:s19], [sflag:$0x1], $0x1, s11, s18, $0xb8;
	[tilespmem:$0xD00] =	vst v63  }
0x68: {  	_ =	swait.ge [sflag:s8], $0x80  }
0x69: {  	[sflag:s8] =	ssyncset.done $0x0  }
0x6a: {  	[sflag:s8] =	ssyncadd.s32 $0xFFFFFF80  }
0x6b: {  	[spmem:s2] =	stream.indirect.scatter.add.f32 [tilespmem:s20], [sflag:$0x1], $0x1, s12, s18, $0xb8;
	[tilespmem:$0xD00] =	vst v63  }
0x6c: {  	_ =	swait.ge [sflag:s8], $0x80  }
0x6d: {  	[sflag:s8] =	ssyncset.done $0x0  }
0x6e: {  	[sflag:s8] =	ssyncadd.s32 $0xFFFFFF80  }
0x6f: {  	[spmem:s2] =	stream.indirect.scatter.add.f32 [tilespmem:s21], [sflag:$0x1], $0x1, s13, s18, $0xb8;
	[tilespmem:$0xD00] =	vst v63  }
0x70: {  	_ =	swait.ge [sflag:s8], $0x80  }
0x71: {  	[sflag:s8] =	ssyncset.done $0x0  }
0x72: {  	[sflag:s8] =	ssyncadd.s32 $0xFFFFFF80  }
0x73: {  	[spmem:s2] =	stream.indirect.scatter.add.f32 [tilespmem:s22], [sflag:$0x1], $0x1, s14, s18, $0xb8;
	[tilespmem:$0xD00] =	vst v63  }
0x74: {  	_ =	swait.ge [sflag:s8], $0x80  }
0x75: {  	[sflag:s8] =	ssyncset.done $0x0  }
0x76: {  	[sflag:s8] =	ssyncadd.s32 $0xFFFFFF80  }
0x77: {  	[spmem:s2] =	stream.indirect.scatter.add.f32 [tilespmem:s23], [sflag:$0x1], $0x1, s15, s18, $0xb8;
	[tilespmem:$0xD00] =	vst v63  }
0x78: {  	_ =	swait.ge [sflag:s8], $0x80  }
0x79: {  	[sflag:s8] =	ssyncset.done $0x0  }
0x7a: {  	[sflag:s8] =	ssyncadd.s32 $0xFFFFFF80  }
0x7b: {  	[spmem:s2] =	stream.indirect.scatter.add.f32 [tilespmem:s24], [sflag:$0x1], $0x1, s16, s18, $0xb8;
	[tilespmem:$0xD00] =	vst v63  }
0x7c: {  	_ =	swait.ge [sflag:s8], $0x80  }
0x7d: {  	[sflag:s8] =	ssyncset.done $0x0  }
0x7e: {  	[sflag:s8] =	ssyncadd.s32 $0xFFFFFF80  }
0x7f: {  	[spmem:s2] =	stream.indirect.scatter.add.f32 [tilespmem:s25], [sflag:$0x1], $0x1, s17, s18, $0xb8;
	[tilespmem:$0xD00] =	vst v63  }
0x80: {  	_ =	swait.ge [sflag:s8], $0x80  }
0x81: {  	s30 =	simm.s32 $0x80;
	s1 =	simm.s32 $0x100;
	[sflag:s8] =	ssyncset.done $0x0  }
.LBB2_2:
0x82: {  	s0 =	sadd.s32 s30, s7;
	[sflag:s8] =	ssyncadd.s32 $0xFFFFFF80  }
0x83: {  	[tilespmem:s9], [sflag:$0x1] =	stream.linear.gather [hbm4b:s0+s3], $0x400, $0x38;
	[tilespmem:$0xD00] =	vst v63  }
0x84: {  	s26 =	smov.u32 s1;
	s31 =	sadd.s32 $0x80, s1;
	_ =	swait.ge [sflag:s8], $0x400  }
0x85: {  	p0 =	sne.s32 s1, $0x480;
	s1 =	rddreg [dreg:$0x4];
	[sflag:s8] =	ssyncset.done $0x0  }
0x86: {  	[sflag:s8] =	ssyncadd.s32 $0xFFFFFC00;
	s1 =	sadd.s32 s30, s1  }
0x87: {  	[tilespmem:s10], [sflag:$0x1] =	stream.linear.gather [hbm4b:s1+s3], $0x80, $0x38;
	[tilespmem:$0xD00] =	vst v63  }
0x88: {  	_ =	swait.ge [sflag:s8], $0x80  }
0x89: {  	[sflag:s8] =	ssyncset.done $0x0  }
0x8a: {  	s0 =	sadd.s32 $0x10, s1;
	[sflag:s8] =	ssyncadd.s32 $0xFFFFFF80  }
0x8b: {  	[tilespmem:s11], [sflag:$0x1] =	stream.linear.gather [hbm4b:s0+s3], $0x80, $0x38;
	[tilespmem:$0xD00] =	vst v63  }
0x8c: {  	_ =	swait.ge [sflag:s8], $0x80  }
0x8d: {  	[sflag:s8] =	ssyncset.done $0x0  }
0x8e: {  	s30 =	smov.u32 s26;
	s26 =	sadd.s32 $0x20, s1;
	[sflag:s8] =	ssyncadd.s32 $0xFFFFFF80  }
0x8f: {  	[tilespmem:s12], [sflag:$0x1] =	stream.linear.gather [hbm4b:s26+s3], $0x80, $0x38;
	[tilespmem:$0xD00] =	vst v63  }
0x90: {  	_ =	swait.ge [sflag:s8], $0x80  }
0x91: {  	[sflag:s8] =	ssyncset.done $0x0  }
0x92: {  	s26 =	sadd.s32 $0x30, s1;
	[sflag:s8] =	ssyncadd.s32 $0xFFFFFF80  }
0x93: {  	[tilespmem:s13], [sflag:$0x1] =	stream.linear.gather [hbm4b:s26+s3], $0x80, $0x38;
	[tilespmem:$0xD00] =	vst v63  }
0x94: {  	_ =	swait.ge [sflag:s8], $0x80  }
0x95: {  	[sflag:s8] =	ssyncset.done $0x0  }
0x96: {  	s26 =	sadd.s32 $0x40, s1;
	[sflag:s8] =	ssyncadd.s32 $0xFFFFFF80  }
0x97: {  	[tilespmem:s14], [sflag:$0x1] =	stream.linear.gather [hbm4b:s26+s3], $0x80, $0x38;
	[tilespmem:$0xD00] =	vst v63  }
0x98: {  	_ =	swait.ge [sflag:s8], $0x80  }
0x99: {  	[sflag:s8] =	ssyncset.done $0x0  }
0x9a: {  	s26 =	sadd.s32 $0x50, s1;
	[sflag:s8] =	ssyncadd.s32 $0xFFFFFF80  }
0x9b: {  	[tilespmem:s15], [sflag:$0x1] =	stream.linear.gather [hbm4b:s26+s3], $0x80, $0x38;
	[tilespmem:$0xD00] =	vst v63  }
0x9c: {  	_ =	swait.ge [sflag:s8], $0x80  }
0x9d: {  	[sflag:s8] =	ssyncset.done $0x0  }
0x9e: {  	s26 =	sadd.s32 $0x60, s1;
	[sflag:s8] =	ssyncadd.s32 $0xFFFFFF80  }
0x9f: {  	[tilespmem:s16], [sflag:$0x1] =	stream.linear.gather [hbm4b:s26+s3], $0x80, $0x38;
	[tilespmem:$0xD00] =	vst v63  }
0xa0: {  	_ =	swait.ge [sflag:s8], $0x80  }
0xa1: {  	[sflag:s8] =	ssyncset.done $0x0  }
0xa2: {  	s26 =	sadd.s32 $0x70, s1;
	[sflag:s8] =	ssyncadd.s32 $0xFFFFFF80  }
0xa3: {  	[tilespmem:s17], [sflag:$0x1] =	stream.linear.gather [hbm4b:s26+s3], $0x80, $0x38;
	[tilespmem:$0xD00] =	vst v63  }
0xa4: {  	_ =	swait.ge [sflag:s8], $0x80  }
0xa5: {  	[sflag:s8] =	ssyncset.done $0x0  }
0xa6: {  	[sflag:s8] =	ssyncadd.s32 $0xFFFFFF80  }
0xa7: {  	[spmem:s2] =	stream.indirect.scatter.add.f32 [tilespmem:s9], [sflag:$0x1], $0x1, s10, s18, $0xb8;
	[tilespmem:$0xD00] =	vst v63  }
0xa8: {  	_ =	swait.ge [sflag:s8], $0x80  }
0xa9: {  	[sflag:s8] =	ssyncset.done $0x0  }
0xaa: {  	[sflag:s8] =	ssyncadd.s32 $0xFFFFFF80  }
0xab: {  	[spmem:s2] =	stream.indirect.scatter.add.f32 [tilespmem:s19], [sflag:$0x1], $0x1, s11, s18, $0xb8;
	[tilespmem:$0xD00] =	vst v63  }
0xac: {  	_ =	swait.ge [sflag:s8], $0x80  }
0xad: {  	[sflag:s8] =	ssyncset.done $0x0  }
0xae: {  	[sflag:s8] =	ssyncadd.s32 $0xFFFFFF80  }
0xaf: {  	[spmem:s2] =	stream.indirect.scatter.add.f32 [tilespmem:s20], [sflag:$0x1], $0x1, s12, s18, $0xb8;
	[tilespmem:$0xD00] =	vst v63  }
0xb0: {  	_ =	swait.ge [sflag:s8], $0x80  }
0xb1: {  	[sflag:s8] =	ssyncset.done $0x0  }
0xb2: {  	[sflag:s8] =	ssyncadd.s32 $0xFFFFFF80  }
0xb3: {  	[spmem:s2] =	stream.indirect.scatter.add.f32 [tilespmem:s21], [sflag:$0x1], $0x1, s13, s18, $0xb8;
	[tilespmem:$0xD00] =	vst v63  }
0xb4: {  	_ =	swait.ge [sflag:s8], $0x80  }
0xb5: {  	[sflag:s8] =	ssyncset.done $0x0  }
0xb6: {  	[sflag:s8] =	ssyncadd.s32 $0xFFFFFF80  }
0xb7: {  	[spmem:s2] =	stream.indirect.scatter.add.f32 [tilespmem:s22], [sflag:$0x1], $0x1, s14, s18, $0xb8;
	[tilespmem:$0xD00] =	vst v63  }
0xb8: {  	_ =	swait.ge [sflag:s8], $0x80  }
0xb9: {  	[sflag:s8] =	ssyncset.done $0x0  }
0xba: {  	[sflag:s8] =	ssyncadd.s32 $0xFFFFFF80  }
0xbb: {  	[spmem:s2] =	stream.indirect.scatter.add.f32 [tilespmem:s23], [sflag:$0x1], $0x1, s15, s18, $0xb8;
	[tilespmem:$0xD00] =	vst v63  }
0xbc: {  	_ =	swait.ge [sflag:s8], $0x80  }
0xbd: {  	[sflag:s8] =	ssyncset.done $0x0  }
0xbe: {  	[sflag:s8] =	ssyncadd.s32 $0xFFFFFF80  }
0xbf: {  	[spmem:s2] =	stream.indirect.scatter.add.f32 [tilespmem:s24], [sflag:$0x1], $0x1, s16, s18, $0xb8;
	[tilespmem:$0xD00] =	vst v63  }
0xc0: {  	_ =	swait.ge [sflag:s8], $0x80  }
.Ltmp0:
0xc1: {  	[sflag:s8] =	ssyncset.done $0x0;
	(pc) =	sbr.rel @p0 .LBB2_2-.Ltmp0, $4  }
0xc2: {  	[sflag:s8] =	ssyncadd.s32 $0xFFFFFF80  }
0xc3: {  	[spmem:s2] =	stream.indirect.scatter.add.f32 [tilespmem:s25], [sflag:$0x1], $0x1, s17, s18, $0xb8;
	[tilespmem:$0xD00] =	vst v63  }
0xc4: {  	_ =	swait.ge [sflag:s8], $0x80  }
0xc5: {  	s1 =	smov.u32 s31;
	[sflag:s8] =	ssyncset.done $0x0  }
0xc6: {  	s0 =	sadd.s32 s30, s7;
	[sflag:s8] =	ssyncadd.s32 $0xFFFFFF80  }
0xc7: {  	[tilespmem:s9], [sflag:$0x1] =	stream.linear.gather [hbm4b:s0+s3], $0x400, $0x38;
	[tilespmem:$0xD00] =	vst v63  }
0xc8: {  	_ =	swait.ge [sflag:s8], $0x400  }
0xc9: {  	s26 =	rddreg [dreg:$0x4];
	[sflag:s8] =	ssyncset.done $0x0  }
0xca: {  	[sflag:s8] =	ssyncadd.s32 $0xFFFFFC00;
	s0 =	sadd.s32 s30, s26  }
0xcb: {  	[tilespmem:s10], [sflag:$0x1] =	stream.linear.gather [hbm4b:s0+s3], $0x80, $0x38;
	[tilespmem:$0xD00] =	vst v63  }
0xcc: {  	_ =	swait.ge [sflag:s8], $0x80  }
0xcd: {  	[sflag:s8] =	ssyncset.done $0x0  }
0xce: {  	s1 =	sadd.s32 $0x10, s0;
	[sflag:s8] =	ssyncadd.s32 $0xFFFFFF80  }
0xcf: {  	[tilespmem:s11], [sflag:$0x1] =	stream.linear.gather [hbm4b:s1+s3], $0x80, $0x38;
	[tilespmem:$0xD00] =	vst v63  }
0xd0: {  	_ =	swait.ge [sflag:s8], $0x80  }
0xd1: {  	[sflag:s8] =	ssyncset.done $0x0  }
0xd2: {  	s31 =	sadd.s32 $0x20, s0;
	[sflag:s8] =	ssyncadd.s32 $0xFFFFFF80  }
0xd3: {  	[tilespmem:s12], [sflag:$0x1] =	stream.linear.gather [hbm4b:s31+s3], $0x80, $0x38;
	[tilespmem:$0xD00] =	vst v63  }
0xd4: {  	_ =	swait.ge [sflag:s8], $0x80  }
0xd5: {  	[sflag:s8] =	ssyncset.done $0x0  }
0xd6: {  	s26 =	sadd.s32 $0x30, s0;
	[sflag:s8] =	ssyncadd.s32 $0xFFFFFF80  }
0xd7: {  	[tilespmem:s13], [sflag:$0x1] =	stream.linear.gather [hbm4b:s26+s3], $0x80, $0x38;
	[tilespmem:$0xD00] =	vst v63  }
0xd8: {  	_ =	swait.ge [sflag:s8], $0x80  }
0xd9: {  	[sflag:s8] =	ssyncset.done $0x0  }
0xda: {  	s30 =	sadd.s32 $0x40, s0;
	[sflag:s8] =	ssyncadd.s32 $0xFFFFFF80  }
0xdb: {  	[tilespmem:s14], [sflag:$0x1] =	stream.linear.gather [hbm4b:s30+s3], $0x80, $0x38;
	[tilespmem:$0xD00] =	vst v63  }
0xdc: {  	_ =	swait.ge [sflag:s8], $0x80  }
0xdd: {  	[sflag:s8] =	ssyncset.done $0x0  }
0xde: {  	s31 =	sadd.s32 $0x50, s0;
	[sflag:s8] =	ssyncadd.s32 $0xFFFFFF80  }
0xdf: {  	[tilespmem:s15], [sflag:$0x1] =	stream.linear.gather [hbm4b:s31+s3], $0x80, $0x38;
	[tilespmem:$0xD00] =	vst v63  }
0xe0: {  	_ =	swait.ge [sflag:s8], $0x80  }
0xe1: {  	[sflag:s8] =	ssyncset.done $0x0  }
0xe2: {  	s26 =	sadd.s32 $0x60, s0;
	[sflag:s8] =	ssyncadd.s32 $0xFFFFFF80  }
0xe3: {  	[tilespmem:s16], [sflag:$0x1] =	stream.linear.gather [hbm4b:s26+s3], $0x80, $0x38;
	[tilespmem:$0xD00] =	vst v63  }
0xe4: {  	_ =	swait.ge [sflag:s8], $0x80  }
0xe5: {  	[sflag:s8] =	ssyncset.done $0x0  }
0xe6: {  	s0 =	sadd.s32 $0x70, s0;
	[sflag:s8] =	ssyncadd.s32 $0xFFFFFF80  }
0xe7: {  	[tilespmem:s17], [sflag:$0x1] =	stream.linear.gather [hbm4b:s0+s3], $0x80, $0x38;
	[tilespmem:$0xD00] =	vst v63  }
0xe8: {  	_ =	swait.ge [sflag:s8], $0x80  }
0xe9: {  	[sflag:s8] =	ssyncset.done $0x0  }
0xea: {  	[sflag:s8] =	ssyncadd.s32 $0xFFFFFF80  }
0xeb: {  	[spmem:s2] =	stream.indirect.scatter.add.f32 [tilespmem:s9], [sflag:$0x1], $0x1, s10, s18, $0xb8;
	[tilespmem:$0xD00] =	vst v63  }
0xec: {  	_ =	swait.ge [sflag:s8], $0x80  }
0xed: {  	[sflag:s8] =	ssyncset.done $0x0  }
0xee: {  	[sflag:s8] =	ssyncadd.s32 $0xFFFFFF80  }
0xef: {  	[spmem:s2] =	stream.indirect.scatter.add.f32 [tilespmem:s19], [sflag:$0x1], $0x1, s11, s18, $0xb8;
	[tilespmem:$0xD00] =	vst v63  }
0xf0: {  	_ =	swait.ge [sflag:s8], $0x80  }
0xf1: {  	[sflag:s8] =	ssyncset.done $0x0  }
0xf2: {  	[sflag:s8] =	ssyncadd.s32 $0xFFFFFF80  }
0xf3: {  	[spmem:s2] =	stream.indirect.scatter.add.f32 [tilespmem:s20], [sflag:$0x1], $0x1, s12, s18, $0xb8;
	[tilespmem:$0xD00] =	vst v63  }
0xf4: {  	_ =	swait.ge [sflag:s8], $0x80  }
0xf5: {  	[sflag:s8] =	ssyncset.done $0x0  }
0xf6: {  	[sflag:s8] =	ssyncadd.s32 $0xFFFFFF80  }
0xf7: {  	[spmem:s2] =	stream.indirect.scatter.add.f32 [tilespmem:s21], [sflag:$0x1], $0x1, s13, s18, $0xb8;
	[tilespmem:$0xD00] =	vst v63  }
0xf8: {  	_ =	swait.ge [sflag:s8], $0x80  }
0xf9: {  	[sflag:s8] =	ssyncset.done $0x0  }
0xfa: {  	[sflag:s8] =	ssyncadd.s32 $0xFFFFFF80  }
0xfb: {  	[spmem:s2] =	stream.indirect.scatter.add.f32 [tilespmem:s22], [sflag:$0x1], $0x1, s14, s18, $0xb8;
	[tilespmem:$0xD00] =	vst v63  }
0xfc: {  	_ =	swait.ge [sflag:s8], $0x80  }
0xfd: {  	[sflag:s8] =	ssyncset.done $0x0  }
0xfe: {  	[sflag:s8] =	ssyncadd.s32 $0xFFFFFF80  }
0xff: {  	[spmem:s2] =	stream.indirect.scatter.add.f32 [tilespmem:s23], [sflag:$0x1], $0x1, s15, s18, $0xb8;
	[tilespmem:$0xD00] =	vst v63  }
0x100: {  	_ =	swait.ge [sflag:s8], $0x80  }
0x101: {  	[sflag:s8] =	ssyncset.done $0x0  }
0x102: {  	[sflag:s8] =	ssyncadd.s32 $0xFFFFFF80  }
0x103: {  	[spmem:s2] =	stream.indirect.scatter.add.f32 [tilespmem:s24], [sflag:$0x1], $0x1, s16, s18, $0xb8;
	[tilespmem:$0xD00] =	vst v63  }
0x104: {  	_ =	swait.ge [sflag:s8], $0x80  }
0x105: {  	[sflag:s8] =	ssyncset.done $0x0  }
0x106: {  	s29 =	sadd.s32 $0x1, s29;
	[sflag:s8] =	ssyncadd.s32 $0xFFFFFF80  }
0x107: {  	[spmem:s2] =	stream.indirect.scatter.add.f32 [tilespmem:s25], [sflag:$0x1], $0x1, s17, s18, $0xb8;
	[tilespmem:$0xD00] =	vst v63  }
0x108: {  	p0 =	sne.s32 s29, s6;
	_ =	swait.ge [sflag:s8], $0x80  }
0x109: {  	s30 =	stileid.u32;
	s31 =	sshrl.u32 s4, $0x3;
	[sflag:s8] =	ssyncset.done $0x0  }
0x10a: {  	s26 =	simm.s32 $0x20;
	s0 =	sshll.u32 s30, $0x6;
	[sflag:s8] =	ssyncadd.s32 $0xFFFFFF80  }
.Ltmp1:
0x10b: {  	s0 =	sor.u32 $0x1C01, s0;
	[bflag:$0x0] =	sbarrier.arrive $0xFFFF;
	(pc) =	sbr.rel @p0 .LBB2_1-.Ltmp1, $4  }
0x10c: {  	[hbm:s5@s26], [sflag:s0] =	dma.strided [spmem:s31@s28], $0x50, s8, $0x10   }
0x10d: {  	_ =	swait.ge [sflag:s8], $0x50  }
0x10e: {  	[sflag:s8] =	ssyncset.done $0x0  }
0x10f: {  	[sflag:s8] =	ssyncadd.s32 $0xFFFFFFB0  }
0x110: {  	_ =	sfence.sel $0x180000  }
0x111: {  	[bflag:$0x0] =	sbarrier.arrive $0xFFFF  }
0x112: {  	_ =	strace $0x90000047  }
0x113: {  	s0 =	stileid.u32;
	[bflag:$0x2] =	sbarrier.arrive $0xFFFF  }
0x114: {  	p0 =	sne.s32 s0, $0x0;
	s0 =	rddreg [dreg:$0x3]  }
0x115: {  	s0 =	sadd.s32 @!p0 $0x100000, s0  }
0x116: {  	[sflag:s0] =	ssyncadd.tile.s32 @!p0 $0x1;
	_ =	shalt  }
.Lfunc_end2:
_tile_overlayer_lowered:
.L_overlay_start_2:
0x117: {  	(tag) =	ssettag $0x2  }
0x118: {  	s0 =	rddreg [dreg:$0x0];
	s2 =	stileid.u32  }
0x119: {  	s1 =	rddreg [dreg:$0x1];
	p0 =	sne.s32 s2, $0x0  }
0x11a: {  	s3 =	rddreg [dreg:$0x2];
	[bflag:$0x3] =	sbarrier.arrive $0xFFFF;
	s2 =	simm.s32 @!p0 $0x1C01  }
0x11b: {  	[timem:s3], [sflag:s2] =	dma.local @!p0 [hbm:s0], s1  }
0x11c: {  	s0 =	simm.s32 @!p0 $0x1  }
0x11d: {  	_ =	swait.ge @!p0 [sflag:s0], s1  }
0x11e: {  	s1 =	ssub.s32 @!p0 $0x0, s1;
	[sflag:s0] =	ssyncset.done @!p0 $0x0  }
0x11f: {  	[sflag:s0] =	ssyncadd.s32 @!p0 s1  }
0x120: {  	[bflag:$0x3] =	sbarrier.arrive $0xFFFF  }
0x121: {  	_ =	shalt  }

// kernel: kernel.9.cloned.1.call-start
scs
__scs_entry_jumppad:
0x0: {  	(pc) =	sbr.rel $0x88, $3  }
0x1: {  	(tag) =	ssettag $0x0;
	lr =	simm.s32 $0x1  }
0x2: {  	[smem:$0x3F96] =	sst lr;
	_ =	strace $0xD0000000  }
0x3: {  	_ = 	snop  }
0x4: {  	_ = 	snop  }
0x5: {  	_ = 	snop  }
0x6: {  	_ = 	snop  }
0x7: {  	_ = 	snop  }
__scs_overlays_trampoline_lowered:
0x8: {  	[smem:$0x3FA5] =	sst s0  }
0x9: {  	[smem:$0x3FA6] =	sst s1  }
0xa: {  	[smem:$0x3FA7] =	sst s2  }
0xb: {  	[smem:$0x3FA8] =	sst s3  }
0xc: {  	[smem:$0x3FA9] =	sst s4  }
0xd: {  	[smem:$0x3FAA] =	sst s5  }
0xe: {  	[smem:$0x3FAB] =	sst s6  }
0xf: {  	[smem:$0x3FAC] =	sst s7  }
0x10: {  	[smem:$0x3FAD] =	sst s8  }
0x11: {  	[smem:$0x3FAE] =	sst s9;
	s0 =	simm.s32 @!p0 $0x0  }
0x12: {  	s1 =	sld [smem:$0x3F94];
	s0 =	simm.s32 @p0 $0x1  }
0x13: {  	[smem:$0x3FAF] =	sst s0;
	s0 =	simm.s32 @!p1 $0x0  }
0x14: {  	s2 =	sld [smem:$0x3F93];
	s0 =	simm.s32 @p1 $0x1  }
0x15: {  	[smem:$0x3FB0] =	sst s0;
	s0 =	simm.s32 @!p2 $0x0  }
0x16: {  	s3 =	sld [smem:$0x3FDB];
	s0 =	simm.s32 @p2 $0x1  }
0x17: {  	s4 =	simm.s32 $0x1BF5;
	[smem:$0x3FB2] =	sst s0  }
0x18: {  	s0 =	sld [smem:$0x3F95];
	_ =	swait.ge [sflag:s4], $0x0  }
0x19: {  	s7 =	sld [smem:$0x3F96]  }
0x1a: {  	s8 =	sadd.s32 $0xFFFFE003, lr  }
0x1b: {  	s9 =	sadd.s32 $0xFFFFFEF7, lr;
	s5 =	simm.s32 $0xFFFFFFFF;
	p2 =	slt.u32 s8, $0xFFFFF086  }
0x1c: {  	p1 =	slt.u32 s9, $0xF7A;
	s5 =	simm.s32 @!p2 $0x0  }
0x1d: {  	s5 =	simm.s32 @p1 $0x1;
	p0 =	seq.s32 s7, s2  }
0x1e: {  	s7 =	smul.u32 @!p0 $0xF7A, s2;
	p2 =	seq.s32 @!p0 s5, $0x0  }
0x1f: {  	s9 =	smul.u32 $0xF7A, s1;
	s8 =	simm.s32 @!p0 $0x1BF5;
	p2 =	por !p2, p0  }
0x20: {  	[sflag:s8] =	ssyncset.s32 @!p0 $0xFFFFF086;
	s6 =	sadd.s32 @!p0 s3, s7;
	s7 =	simm.s32 @!p0 $0x108  }
0x21: {  	s3 =	sadd.s32 s3, s9;
	s6 =	sadd.s32 @!p0 $0x88, s6;
	s7 =	simm.s32 @p2 $0x1082  }
0x22: {  	[simem:s7], [sflag:s8] =	dma.local @!p0 [hbm:s6], $0xF7A  }
0x23: {  	s9 =	sor.u32 $0xD0000000, s2;
	s6 =	simm.s32 $0x108;
	_ =	swait.ge @!p0 [sflag:s8], $0x0  }
0x24: {  	s3 =	sadd.s32 $0x88, s3;
	s6 =	simm.s32 @!p1 $0x1082;
	[sflag:s4] =	ssyncset.s32 $0xFFFFF086  }
0x25: {  	[simem:s6], [sflag:s4] =	dma.local [hbm:s3], $0xF7A  }
0x26: {  	[smem:$0x3F96] =	sst s1;
	(tag) =	ssettag s2;
	_ =	strace s9  }
0x27: {  	s1 =	sld [smem:$0x3FA6]  }
0x28: {  	s2 =	sld [smem:$0x3FA7]  }
0x29: {  	s4 =	sld [smem:$0x3FA9]  }
0x2a: {  	p0 =	seq.s32 s5, $0x0;
	s5 =	sld [smem:$0x3FAA]  }
0x2b: {  	s6 =	sld [smem:$0x3FAB]  }
0x2c: {  	s7 =	sld [smem:$0x3FAC]  }
0x2d: {  	s3 =	simm.s32 $0x108;
	s8 =	sld [smem:$0x3FAD]  }
0x2e: {  	s3 =	simm.s32 @!p0 $0x1082;
	s9 =	sld [smem:$0x3FAE]  }
0x2f: {  	lr =	sadd.s32 s0, s3;
	s0 =	sld [smem:$0x3FA5]  }
0x30: {  	s3 =	sld [smem:$0x3FA8]  }
0x31: {  	[smem:$0x3FB1] =	sst s10  }
0x32: {  	s10 =	sld [smem:$0x3FAF];
	_ =	sdelay $0x3  }
0x33: {  	p0 =	seq.s32 s10, $0x1;
	s10 =	sld [smem:$0x3FB1];
	_ =	sdelay $0x3  }
0x34: {  	[smem:$0x3FB1] =	sst s10  }
0x35: {  	s10 =	sld [smem:$0x3FB0];
	_ =	sdelay $0x3  }
0x36: {  	p1 =	seq.s32 s10, $0x1;
	s10 =	sld [smem:$0x3FB1];
	_ =	sdelay $0x3  }
0x37: {  	[smem:$0x3FB1] =	sst s10  }
0x38: {  	s10 =	sld [smem:$0x3FB2]  }
0x39: {  	_ = 	snop;
	(pc) =	sbr.ind lr, $3  }
0x3a: {  	_ = 	snop  }
0x3b: {  	_ = 	snop  }
0x3c: {  	p2 =	seq.s32 s10, $0x1;
	s10 =	sld [smem:$0x3FB1]  }
0x3d: {  	_ =	shalt  }
0x3e: {  	_ =	shalt  }
0x3f: {  	_ =	shalt  }
0x40: {  	_ =	shalt  }
0x41: {  	_ =	shalt  }
0x42: {  	_ =	shalt  }
0x43: {  	_ =	shalt  }
0x44: {  	_ =	shalt  }
0x45: {  	_ =	shalt  }
0x46: {  	_ =	shalt  }
0x47: {  	_ =	shalt  }
0x48: {  	_ =	shalt  }
0x49: {  	_ =	shalt  }
0x4a: {  	_ =	shalt  }
0x4b: {  	_ =	shalt  }
0x4c: {  	_ =	shalt  }
0x4d: {  	_ =	shalt  }
0x4e: {  	_ =	shalt  }
0x4f: {  	_ =	shalt  }
0x50: {  	_ =	shalt  }
0x51: {  	_ =	shalt  }
0x52: {  	_ =	shalt  }
0x53: {  	_ =	shalt  }
0x54: {  	_ =	shalt  }
0x55: {  	_ =	shalt  }
0x56: {  	_ =	shalt  }
0x57: {  	_ =	shalt  }
0x58: {  	_ =	shalt  }
0x59: {  	_ =	shalt  }
0x5a: {  	_ =	shalt  }
0x5b: {  	_ =	shalt  }
0x5c: {  	_ =	shalt  }
0x5d: {  	_ =	shalt  }
0x5e: {  	_ =	shalt  }
0x5f: {  	_ =	shalt  }
0x60: {  	_ =	shalt  }
0x61: {  	_ =	shalt  }
0x62: {  	_ =	shalt  }
0x63: {  	_ =	shalt  }
0x64: {  	_ =	shalt  }
0x65: {  	_ =	shalt  }
0x66: {  	_ =	shalt  }
0x67: {  	_ =	shalt  }
0x68: {  	_ =	shalt  }
0x69: {  	_ =	shalt  }
0x6a: {  	_ =	shalt  }
0x6b: {  	_ =	shalt  }
0x6c: {  	_ =	shalt  }
0x6d: {  	_ =	shalt  }
0x6e: {  	_ =	shalt  }
0x6f: {  	_ =	shalt  }
0x70: {  	_ =	shalt  }
0x71: {  	_ =	shalt  }
0x72: {  	_ =	shalt  }
0x73: {  	_ =	shalt  }
0x74: {  	_ =	shalt  }
0x75: {  	_ =	shalt  }
0x76: {  	_ =	shalt  }
0x77: {  	_ =	shalt  }
0x78: {  	_ =	shalt  }
0x79: {  	_ =	shalt  }
0x7a: {  	_ =	shalt  }
0x7b: {  	_ =	shalt  }
0x7c: {  	_ =	shalt  }
0x7d: {  	_ =	shalt  }
0x7e: {  	_ =	shalt  }
0x7f: {  	_ =	shalt  }
0x80: {  	_ =	shalt  }
0x81: {  	_ =	shalt  }
0x82: {  	_ =	shalt  }
0x83: {  	_ =	shalt  }
0x84: {  	_ =	shalt  }
0x85: {  	_ =	shalt  }
0x86: {  	_ =	shalt  }
0x87: {  	_ =	shalt  }
.Lfunc_end0:
.L_simem_size_0:
called_computation.1_lowered:
.L_overlay_start_0:
0x88: {  	s2 =	sld [smem:$0x3FD9]  }
0x89: {  	s3 =	sld [smem:$0x3FFE];
	_ =	sdelay $0x1  }
0x8a: {  	s1 =	srdreg.scid  }
0x8b: {  	s0 =	sand.u32 $0x1, s1  }
0x8c: {  	s14 =	sshll.u32 s0, $0xA;
	s2 =	sadd.s32 s3, s2  }
0x8d: {  	s2 =	sadd.s32 s2, s14  }
0x8e: {  	[smem:$0x3FBD] =	sst s2  }
0x8f: {  	_ = 	snop  }
0x90: {  	s2 =	sld [smem:$0x3FD0];
	_ =	sdelay $0x2  }
0x91: {  	s15 =	simm.s32 $0xA;
	s4 =	simm.s32 $0x10  }
0x92: {  	[smem:s4], [sflag:s15] =	dma.local [hbm:s2], $0x1  }
0x93: {  	_ =	swait.eq [sflag:s15], $0x1  }
0x94: {  	[sflag:s15] =	ssyncset.done $0x0  }
0x95: {  	[sflag:s15] =	ssyncadd.s32 $0xFFFFFFFF  }
0x96: {  	s16 =	sld [smem:$0x11];
	(tm) =	ssettm $0x1  }
0x97: {  	s17 =	sld [smem:$0x3FFB];
	_ =	sdelay $0x3  }
0x98: {  	_ =	strace s17  }
0x99: {  	s3 =	sld [smem:$0x3FFC];
	_ =	sdelay $0x3  }
0x9a: {  	_ =	strace s3  }
0x9b: {  	s3 =	sld [smem:$0x3FFD];
	_ =	sdelay $0x3  }
0x9c: {  	_ =	strace s3  }
0x9d: {  	_ =	strace $0x8FFFFFFF  }
0x9e: {  	s18 =	sld [smem:$0x3FDB];
	_ =	sdelay $0x1  }
0x9f: {  	s19 =	simm.s32 $_scs_section_size  }
0xa0: {  	s5 =	simm.s32 $_size__tile_overlayer_lowered;
	s6 =	simm.s32 $_tile_overlayer_lowered  }
0xa1: {  	s22 =	simm.s32 $0x1BFF;
	s21 =	sshll.u32 s6, $0x1;
	s3 =	sadd.s32 s19, s18  }
0xa2: {  	s7 =	simm.s32 $0x0;
	s20 =	sshll.u32 s5, $0x1;
	s5 =	sadd.s32 s21, s3  }
0xa3: {  	[timem:s7], [sflag:s22] =	dma.local [hbm:s5], s20  }
0xa4: {  	_ =	swait.ge [sflag:s22], s20  }
0xa5: {  	s4 =	ssub.s32 $0x0, s20;
	[sflag:s22] =	ssyncset.done $0x0  }
0xa6: {  	[sflag:s22] =	ssyncadd.s32 s4;
	_ =	sdelay $0x1  }
0xa7: {  	s23 =	simm.s32 $0x1B8B  }
0xa8: {  	_ =	swait.ge [sflag:s23], $0x1  }
0xa9: {  	[sflag:s23] =	ssyncset.done $0x0  }
0xaa: {  	s25 =	simm.s32 $0x1B8E;
	s24 =	sld [smem:$0x3FFE];
	[sflag:s23] =	ssyncadd.s32 $0xFFFFFFFF  }
0xab: {  	s26 =	simm.s32 $execute0_lowered;
	[smem:$0x3FD2] =	sst s25  }
0xac: {  	s5 =	sshll.u32 s26, $0x1;
	_ =	strace $0x80000049;
	[dreg:$0x1] =	wrdreg $0xFFFFFFFF  }
0xad: {  	s28 =	simm.s32 $_size_execute0_lowered;
	s3 =	sadd.s32 s3, s5;
	[dreg:$0x0] =	wrdreg $0x0  }
0xae: {  	s5 =	sshll.u32 s28, $0x1;
	[dreg:$0x2] =	wrdreg s3  }
0xaf: {  	[dreg:$0x3] =	wrdreg s5  }
0xb0: {  	[dreg:$0x4] =	wrdreg $0xC0  }
0xb1: {  	_ =	task [dreg:s7], $0x5FFFF  }
0xb2: {  	[dreg:$0x1] =	wrdreg $0xFFFFFFFF  }
0xb3: {  	[dreg:$0x0] =	wrdreg $0x60  }
0xb4: {  	[dreg:$0x2] =	wrdreg s24  }
0xb5: {  	[dreg:$0x3] =	wrdreg s16  }
0xb6: {  	[dreg:$0x4] =	wrdreg $0x93000  }
0xb7: {  	[dreg:$0x5] =	wrdreg $0x9  }
0xb8: {  	_ =	task.clear_ibuf [dreg:s7], $0x6FFFF;
	_ =	strace $0x90000049  }
0xb9: {  	s29 =	simm.s32 $0x9;
	_ =	strace $0x8000004B  }
0xba: {  	_ =	swait.ge [sflag:s29], $0x1  }
0xbb: {  	[sflag:s29] =	ssyncadd.s32 $0xFFFFFFFF  }
0xbc: {  	_ =	strace $0x9000004B  }
0xbd: {  	_ =	sfence  }
0xbe: {  	s30 =	sld [smem:$0x0];
	_ =	sdelay $0x2  }
0xbf: {  	s31 =	sshll.u32 s1, $0xD;
	s1 =	sshrl.u32 s1, $0x2  }
0xc0: {  	s3 =	sand.u32 $0x4000, s31;
	s1 =	sadd.s32 s1, s30  }
0xc1: {  	s0 =	sor.u32 s3, s0;
	s1 =	sshll.u32 s1, $0x11  }
0xc2: {  	s0 =	sor.u32 s1, s0  }
0xc3: {  	s0 =	sadd.s32 $0x8F2B, s0  }
0xc4: {  	[sflag:s0] =	ssyncadd.remote.s32 $0x1  }
0xc5: {  	_ =	sfence.sel $0xFFFF  }
0xc6: {  	[dreg:$0x0] =	wrdreg $0xFFFFFFFF;
	(pc) =	sbr.abs _section_cstart, $3  }
0xc7: {  	[dreg:$0x1] =	wrdreg $0xFFFFFFFF  }
0xc8: {  	_ =	task.clear_ibuf [dreg:s7], $0x2FFFF;
	_ =	strace $0x9FFFFFFF  }
0xc9: {  	(tm) =	ssettm $0x7FFFFFFF  }
tec
execute0_lowered:
.L_overlay_start_1:
0x0: {  	(tag) =	ssettag $0x1  }
0x1: {  	s0 =	rddreg [dreg:$0x0]  }
0x2: {  	s2 =	rddreg [dreg:$0x1];
	s1 =	srdreg.scid  }
0x3: {  	s3 =	rddreg [dreg:$0x2];
	s10 =	stileid.u32  }
0x4: {  	s5 =	simm.s32 $0x0;
	s11 =	simm.s32 $0x1080;
	s8 =	smul.u32 $0x50000, s10  }
0x5: {  	s12 =	simm.s32 $0x1180;
	s1 =	sand.u32 $0x1, s1;
	s6 =	smul.u32 $0x14000, s10  }
0x6: {  	[smem:$0x7FF] =	sst s5;
	s5 =	sadd.s32 $0x17400, s0;
	s8 =	sshrl.u32 s8, $0x2  }
0x7: {  	s7 =	sadd.s32 $0xD400, s0;
	s10 =	sshll.u32 s10, $0x1;
	s8 =	sadd.s32 s8, s3  }
0x8: {  	s4 =	smul.u32 $0x140000, s1;
	_ =	strace $0x8000004A;
	s14 =	sadd.s32 $0x1000, s8  }
0x9: {  	s13 =	ssub.s32 $0x2, s1;
	s15 =	sadd.s32 $0x2000, s8;
	[dreg:$0x4] =	wrdreg s14  }
0xa: {  	s1 =	sor.u32 s1, s10;
	s16 =	sadd.s32 $0x3000, s8;
	[dreg:$0x5] =	wrdreg s15  }
0xb: {  	s10 =	simm.s32 $0x1100;
	s17 =	sadd.s32 $0x4000, s8;
	[dreg:$0x6] =	wrdreg s16  }
0xc: {  	s9 =	sshrl.u32 s13, $0x1;
	s18 =	sadd.s32 $0x5000, s8;
	[dreg:$0x7] =	wrdreg s17  }
0xd: {  	s4 =	sadd.s32 s6, s4;
	s19 =	sadd.s32 $0x6000, s8;
	[dreg:$0x8] =	wrdreg s18  }
0xe: {  	s6 =	sadd.s32 $0x3400, s0;
	s20 =	sadd.s32 $0x7000, s8;
	[dreg:$0x9] =	wrdreg s19  }
0xf: {  	s4 =	sshrl.u32 s4, $0x3;
	s21 =	sadd.s32 $0x8000, s8;
	[dreg:$0xa] =	wrdreg s20  }
0x10: {  	s22 =	sadd.s32 $0x9000, s8;
	s23 =	sadd.s32 $0xA000, s8;
	[dreg:$0xb] =	wrdreg s21  }
0x11: {  	s24 =	sadd.s32 $0xB000, s8;
	s25 =	sadd.s32 $0xC000, s8;
	[dreg:$0xc] =	wrdreg s22  }
0x12: {  	s26 =	sadd.s32 $0xD000, s8;
	s28 =	sadd.s32 $0x10000, s8;
	[dreg:$0xd] =	wrdreg s23  }
0x13: {  	s29 =	sadd.s32 $0x11000, s8;
	s30 =	sadd.s32 $0x12000, s8;
	[dreg:$0xe] =	wrdreg s24  }
0x14: {  	s31 =	sadd.s32 $0x13000, s8;
	s0 =	sadd.s32 s4, s0;
	[dreg:$0xf] =	wrdreg s25  }
0x15: {  	s4 =	ssub.s32 s13, s9;
	s9 =	smul.u32 $0x2800, s1;
	[dreg:$0x10] =	wrdreg s26  }
0x16: {  	s23 =	sadd.s32 $0xE000, s8;
	s26 =	sadd.s32 $0xF000, s8;
	s1 =	simm.s32 $0x1200  }
0x17: {  	s13 =	simm.s32 $0x80;
	s14 =	simm.s32 $0x1300;
	s15 =	simm.s32 $0x1  }
0x18: {  	s16 =	simm.s32 $0x5300;
	s17 =	simm.s32 $0x0;
	s24 =	sadd.s32 $0x48600, s0  }
0x19: {  	v0 =	vimm.f32 $0.0e+00;
	s25 =	smax.u32 s4, $0x1;
	s0 =	simm.s32 $0x2;
	s4 =	simm.s32 $0x1000  }
.LBB2_1:
0x1a: {  	s19 =	simm.s32 $0x0  }
0x1b: {  	s18 =	sand.u32 $0x3E00, s19  }
0x1c: {  	s19 =	sand.u32 $0x70, s19;
	s20 =	sshrl.u32 s18, $0x2  }
0x1d: {  	s18 =	simm.s32 $0x40;
	s20 =	sor.u32 s19, s20;
	s19 =	simm.s32 $0x0  }
.LBB2_2:
0x1e: {  	p0 =	sne.s32 s18, $0x3FC0  }
0x1f: {  	[tilespmem:s20+$0x0] =	vst v0;
	s19 =	sadd.s32 $0x10, s19;
	s20 =	smov.u32 s18;
	s18 =	sadd.s32 $0x40, s18  }
.Ltmp0:
0x20: {  	(pc) =	sbr.rel @p0 .LBB2_2-.Ltmp0, $4  }
0x21: {  	_ = 	snop  }
0x22: {  	s20 =	sand.u32 $0x3E00, s20  }
0x23: {  	s21 =	sand.u32 $0x70, s19;
	s20 =	sshrl.u32 s20, $0x2  }
0x24: {  	s20 =	sor.u32 s21, s20  }
0x25: {  	[tilespmem:s20+$0x0] =	vst v0;
	s18 =	simm.s32 $0x0  }
0x26: {  	[spmem:s8] =	stream.linear.scatter [tilespmem:s18], [sflag:$0x2], $0x1000, $0x38;
	[tilespmem:$0x1D300] =	vst v63  }
0x27: {  	_ =	swait.ge [sflag:s0], $0x1000  }
0x28: {  	[sflag:s0] =	ssyncset.done $0x0  }
0x29: {  	s19 =	rddreg [dreg:$0x4];
	[sflag:s0] =	ssyncadd.s32 $0xFFFFF000  }
0x2a: {  	[spmem:s19] =	stream.linear.scatter [tilespmem:s18], [sflag:$0x2], $0x1000, $0x38;
	[tilespmem:$0x1D300] =	vst v63  }
0x2b: {  	_ =	swait.ge [sflag:s0], $0x1000  }
0x2c: {  	[sflag:s0] =	ssyncset.done $0x0  }
0x2d: {  	s20 =	rddreg [dreg:$0x5];
	[sflag:s0] =	ssyncadd.s32 $0xFFFFF000  }
0x2e: {  	[spmem:s20] =	stream.linear.scatter [tilespmem:s18], [sflag:$0x2], $0x1000, $0x38;
	[tilespmem:$0x1D300] =	vst v63  }
0x2f: {  	_ =	swait.ge [sflag:s0], $0x1000  }
0x30: {  	[sflag:s0] =	ssyncset.done $0x0  }
0x31: {  	s21 =	rddreg [dreg:$0x6];
	[sflag:s0] =	ssyncadd.s32 $0xFFFFF000  }
0x32: {  	[spmem:s21] =	stream.linear.scatter [tilespmem:s18], [sflag:$0x2], $0x1000, $0x38;
	[tilespmem:$0x1D300] =	vst v63  }
0x33: {  	_ =	swait.ge [sflag:s0], $0x1000  }
0x34: {  	[sflag:s0] =	ssyncset.done $0x0  }
0x35: {  	s22 =	rddreg [dreg:$0x7];
	[sflag:s0] =	ssyncadd.s32 $0xFFFFF000  }
0x36: {  	[spmem:s22] =	stream.linear.scatter [tilespmem:s18], [sflag:$0x2], $0x1000, $0x38;
	[tilespmem:$0x1D300] =	vst v63  }
0x37: {  	_ =	swait.ge [sflag:s0], $0x1000  }
0x38: {  	[sflag:s0] =	ssyncset.done $0x0  }
0x39: {  	s20 =	rddreg [dreg:$0x8];
	[sflag:s0] =	ssyncadd.s32 $0xFFFFF000  }
0x3a: {  	[spmem:s20] =	stream.linear.scatter [tilespmem:s18], [sflag:$0x2], $0x1000, $0x38;
	[tilespmem:$0x1D300] =	vst v63  }
0x3b: {  	_ =	swait.ge [sflag:s0], $0x1000  }
0x3c: {  	[sflag:s0] =	ssyncset.done $0x0  }
0x3d: {  	s21 =	rddreg [dreg:$0x9];
	[sflag:s0] =	ssyncadd.s32 $0xFFFFF000  }
0x3e: {  	[spmem:s21] =	stream.linear.scatter [tilespmem:s18], [sflag:$0x2], $0x1000, $0x38;
	[tilespmem:$0x1D300] =	vst v63  }
0x3f: {  	_ =	swait.ge [sflag:s0], $0x1000  }
0x40: {  	[sflag:s0] =	ssyncset.done $0x0  }
0x41: {  	s22 =	rddreg [dreg:$0xa];
	[sflag:s0] =	ssyncadd.s32 $0xFFFFF000  }
0x42: {  	[spmem:s22] =	stream.linear.scatter [tilespmem:s18], [sflag:$0x2], $0x1000, $0x38;
	[tilespmem:$0x1D300] =	vst v63  }
0x43: {  	_ =	swait.ge [sflag:s0], $0x1000  }
0x44: {  	[sflag:s0] =	ssyncset.done $0x0  }
0x45: {  	s20 =	rddreg [dreg:$0xb];
	[sflag:s0] =	ssyncadd.s32 $0xFFFFF000  }
0x46: {  	[spmem:s20] =	stream.linear.scatter [tilespmem:s18], [sflag:$0x2], $0x1000, $0x38;
	[tilespmem:$0x1D300] =	vst v63  }
0x47: {  	_ =	swait.ge [sflag:s0], $0x1000  }
0x48: {  	[sflag:s0] =	ssyncset.done $0x0  }
0x49: {  	s21 =	rddreg [dreg:$0xc];
	[sflag:s0] =	ssyncadd.s32 $0xFFFFF000  }
0x4a: {  	[spmem:s21] =	stream.linear.scatter [tilespmem:s18], [sflag:$0x2], $0x1000, $0x38;
	[tilespmem:$0x1D300] =	vst v63  }
0x4b: {  	_ =	swait.ge [sflag:s0], $0x1000  }
0x4c: {  	[sflag:s0] =	ssyncset.done $0x0  }
0x4d: {  	s22 =	rddreg [dreg:$0xd];
	[sflag:s0] =	ssyncadd.s32 $0xFFFFF000  }
0x4e: {  	[spmem:s22] =	stream.linear.scatter [tilespmem:s18], [sflag:$0x2], $0x1000, $0x38;
	[tilespmem:$0x1D300] =	vst v63  }
0x4f: {  	_ =	swait.ge [sflag:s0], $0x1000  }
0x50: {  	[sflag:s0] =	ssyncset.done $0x0  }
0x51: {  	s20 =	rddreg [dreg:$0xe];
	[sflag:s0] =	ssyncadd.s32 $0xFFFFF000  }
0x52: {  	[spmem:s20] =	stream.linear.scatter [tilespmem:s18], [sflag:$0x2], $0x1000, $0x38;
	[tilespmem:$0x1D300] =	vst v63  }
0x53: {  	_ =	swait.ge [sflag:s0], $0x1000  }
0x54: {  	[sflag:s0] =	ssyncset.done $0x0  }
0x55: {  	s21 =	rddreg [dreg:$0xf];
	[sflag:s0] =	ssyncadd.s32 $0xFFFFF000  }
0x56: {  	[spmem:s21] =	stream.linear.scatter [tilespmem:s18], [sflag:$0x2], $0x1000, $0x38;
	[tilespmem:$0x1D300] =	vst v63  }
0x57: {  	_ =	swait.ge [sflag:s0], $0x1000  }
0x58: {  	[sflag:s0] =	ssyncset.done $0x0  }
0x59: {  	s22 =	rddreg [dreg:$0x10];
	[sflag:s0] =	ssyncadd.s32 $0xFFFFF000  }
0x5a: {  	[spmem:s22] =	stream.linear.scatter [tilespmem:s18], [sflag:$0x2], $0x1000, $0x38;
	[tilespmem:$0x1D300] =	vst v63  }
0x5b: {  	_ =	swait.ge [sflag:s0], $0x1000  }
0x5c: {  	[sflag:s0] =	ssyncset.done $0x0  }
0x5d: {  	[sflag:s0] =	ssyncadd.s32 $0xFFFFF000  }
0x5e: {  	[spmem:s23] =	stream.linear.scatter [tilespmem:s18], [sflag:$0x2], $0x1000, $0x38;
	[tilespmem:$0x1D300] =	vst v63  }
0x5f: {  	_ =	swait.ge [sflag:s0], $0x1000  }
0x60: {  	[sflag:s0] =	ssyncset.done $0x0  }
0x61: {  	[sflag:s0] =	ssyncadd.s32 $0xFFFFF000  }
0x62: {  	[spmem:s26] =	stream.linear.scatter [tilespmem:s18], [sflag:$0x2], $0x1000, $0x38;
	[tilespmem:$0x1D300] =	vst v63  }
0x63: {  	_ =	swait.ge [sflag:s0], $0x1000  }
0x64: {  	[sflag:s0] =	ssyncset.done $0x0  }
0x65: {  	[sflag:s0] =	ssyncadd.s32 $0xFFFFF000  }
0x66: {  	[spmem:s28] =	stream.linear.scatter [tilespmem:s18], [sflag:$0x2], $0x1000, $0x38;
	[tilespmem:$0x1D300] =	vst v63  }
0x67: {  	_ =	swait.ge [sflag:s0], $0x1000  }
0x68: {  	[sflag:s0] =	ssyncset.done $0x0  }
0x69: {  	[sflag:s0] =	ssyncadd.s32 $0xFFFFF000  }
0x6a: {  	[spmem:s29] =	stream.linear.scatter [tilespmem:s18], [sflag:$0x2], $0x1000, $0x38;
	[tilespmem:$0x1D300] =	vst v63  }
0x6b: {  	_ =	swait.ge [sflag:s0], $0x1000  }
0x6c: {  	[sflag:s0] =	ssyncset.done $0x0  }
0x6d: {  	[sflag:s0] =	ssyncadd.s32 $0xFFFFF000  }
0x6e: {  	[spmem:s30] =	stream.linear.scatter [tilespmem:s18], [sflag:$0x2], $0x1000, $0x38;
	[tilespmem:$0x1D300] =	vst v63  }
0x6f: {  	_ =	swait.ge [sflag:s0], $0x1000  }
0x70: {  	[sflag:s0] =	ssyncset.done $0x0  }
0x71: {  	[sflag:s0] =	ssyncadd.s32 $0xFFFFF000  }
0x72: {  	[spmem:s31] =	stream.linear.scatter [tilespmem:s18], [sflag:$0x2], $0x1000, $0x38;
	[tilespmem:$0x1D300] =	vst v63  }
0x73: {  	_ =	swait.ge [sflag:s0], $0x1000  }
0x74: {  	[sflag:s0] =	ssyncset.done $0x0  }
0x75: {  	[sflag:s0] =	ssyncadd.s32 $0xFFFFF000  }
0x76: {  	s19 =	simm.s32 $0x0;
	[bflag:$0x0] =	sbarrier.arrive $0xFFFF  }
.LBB2_4:
0x77: {  	s20 =	sshll.u32 s19, $0x8  }
0x78: {  	s20 =	sadd.s32 s9, s20  }
0x79: {  	s20 =	sshrl.u32 s20, $0x3  }
0x7a: {  	s21 =	sadd.s32 s7, s20  }
0x7b: {  	[tilespmem:s1], [sflag:$0x2] =	stream.linear.gather [hbm4b:s21+s18], $0x100, $0x38;
	[tilespmem:$0x1D300] =	vst v63  }
0x7c: {  	_ =	swait.ge [sflag:s0], $0x100  }
0x7d: {  	[sflag:s0] =	ssyncset.done $0x0  }
0x7e: {  	s22 =	sadd.s32 s5, s20;
	[sflag:s0] =	ssyncadd.s32 $0xFFFFFF00  }
0x7f: {  	[tilespmem:s4], [sflag:$0x2] =	stream.linear.gather [hbm4b:s22+s18], $0x80, $0x38;
	[tilespmem:$0x1D300] =	vst v63  }
0x80: {  	_ =	swait.ge [sflag:s0], $0x80  }
0x81: {  	[sflag:s0] =	ssyncset.done $0x0  }
0x82: {  	s22 =	sadd.s32 s6, s20;
	[sflag:s0] =	ssyncadd.s32 $0xFFFFFF80  }
0x83: {  	[tilespmem:s10], [sflag:$0x2] =	stream.linear.gather [hbm4b:s22+s18], $0x80, $0x38;
	[tilespmem:$0x1D300] =	vst v63  }
0x84: {  	_ =	swait.ge [sflag:s0], $0x80  }
0x85: {  	s20 =	sor.u32 $0x10, s20;
	[sflag:s0] =	ssyncset.done $0x0  }
0x86: {  	s22 =	sadd.s32 s5, s20;
	[sflag:s0] =	ssyncadd.s32 $0xFFFFFF80  }
0x87: {  	[tilespmem:s11], [sflag:$0x2] =	stream.linear.gather [hbm4b:s22+s18], $0x80, $0x38;
	[tilespmem:$0x1D300] =	vst v63  }
0x88: {  	_ =	swait.ge [sflag:s0], $0x80  }
0x89: {  	[sflag:s0] =	ssyncset.done $0x0  }
0x8a: {  	s20 =	sadd.s32 s6, s20;
	[sflag:s0] =	ssyncadd.s32 $0xFFFFFF80  }
0x8b: {  	[tilespmem:s12], [sflag:$0x2] =	stream.linear.gather [hbm4b:s20+s18], $0x80, $0x38;
	[tilespmem:$0x1D300] =	vst v63  }
0x8c: {  	_ =	swait.ge [sflag:s0], $0x80  }
0x8d: {  	[sflag:s0] =	ssyncset.done $0x0  }
0x8e: {  	[sflag:s0] =	ssyncadd.s32 $0xFFFFFF80  }
0x8f: {  	[tilespmem:s14], [sflag:$0x1] =	stream.indirect.gather [hbm4b:s2+s13], $0x80, s4, s13, $0xb8;
	[tilespmem:$0x1D300] =	vst v63  }
0x90: {  	_ =	swait.ge [sflag:s15], $0x4000  }
0x91: {  	[sflag:s15] =	ssyncset.done $0x0  }
0x92: {  	[sflag:s15] =	ssyncadd.s32 $0xFFFFC000  }
0x93: {  	[tilespmem:s16], [sflag:$0x1] =	stream.indirect.gather [hbm4b:s2+s13], $0x80, s11, s13, $0xb8;
	[tilespmem:$0x1D300] =	vst v63  }
0x94: {  	_ =	swait.ge [sflag:s15], $0x4000  }
0x95: {  	s21 =	simm.s32 $0x0;
	[sflag:s15] =	ssyncset.done $0x0  }
0x96: {  	s20 =	sand.u32 $0x3FFFFFF0, s21;
	[sflag:s15] =	ssyncadd.s32 $0xFFFFC000  }
0x97: {  	s22 =	simm.s32 $0x0;
	v1 =	vld [tilespmem:s20+$0x1200]  }
0x98: {  	s20 =	sand.u32 $0x3FFFF800, s22  }
0x99: {  	v3 =	vld [tilespmem:s20+$0x1320]  }
0x9a: {  	v4 =	vld [tilespmem:s20+$0x1330]  }
0x9b: {  	v10 =	vld [tilespmem:s20+$0x1360]  }
0x9c: {  	v11 =	vld [tilespmem:s20+$0x1370];
	v2 =	vbroadcast v1, $0x0  }
0x9d: {  	v12 =	vld [tilespmem:s20+$0x1380]  }
0x9e: {  	v13 =	vld [tilespmem:s20+$0x1390];
	v3 =	vmul.f32 v3, v2  }
0x9f: {  	v14 =	vld [tilespmem:s20+$0x13A0];
	v4 =	vmul.f32 v4, v2  }
0xa0: {  	v9 =	vld [tilespmem:s20+$0x13B0];
	v23 =	vbroadcast v1, $0x1;
	v22 =	vmul.f32 v10, v2;
	[tilespmem:s20+$0x1320] =	vst v3  }
0xa1: {  	v7 =	vld [tilespmem:s20+$0x13C0];
	v11 =	vmul.f32 v11, v2;
	[tilespmem:s20+$0x1330] =	vst v4  }
0xa2: {  	v8 =	vld [tilespmem:s20+$0x13D0];
	v12 =	vmul.f32 v12, v23;
	[tilespmem:s20+$0x1360] =	vst v22  }
0xa3: {  	v25 =	vld [tilespmem:s20+$0x13F0];
	v13 =	vmul.f32 v13, v23;
	[tilespmem:s20+$0x1370] =	vst v11  }
0xa4: {  	v26 =	vld [tilespmem:s20+$0x1400];
	v14 =	vmul.f32 v14, v23;
	[tilespmem:s20+$0x1380] =	vst v12  }
0xa5: {  	v27 =	vld [tilespmem:s20+$0x1410];
	v9 =	vmul.f32 v9, v23;
	[tilespmem:s20+$0x1390] =	vst v13  }
0xa6: {  	v6 =	vld [tilespmem:s20+$0x1870];
	v7 =	vmul.f32 v7, v23;
	[tilespmem:s20+$0x13A0] =	vst v14  }
0xa7: {  	v24 =	vld [tilespmem:s20+$0x13E0];
	v15 =	vbroadcast v1, $0x2;
	v8 =	vmul.f32 v8, v23;
	[tilespmem:s20+$0x13B0] =	vst v9  }
0xa8: {  	v28 =	vld [tilespmem:s20+$0x1420];
	v10 =	vmul.f32 v25, v23;
	[tilespmem:s20+$0x13C0] =	vst v7  }
0xa9: {  	v29 =	vld [tilespmem:s20+$0x1430];
	v5 =	vbroadcast v1, $0xA;
	v32 =	vmul.f32 v26, v15;
	[tilespmem:s20+$0x13D0] =	vst v8  }
0xaa: {  	v30 =	vld [tilespmem:s20+$0x1440];
	v34 =	vmul.f32 v27, v15;
	[tilespmem:s20+$0x13F0] =	vst v10  }
0xab: {  	v33 =	vld [tilespmem:s20+$0x1460];
	v3 =	vmul.f32 v6, v5;
	[tilespmem:s20+$0x1400] =	vst v32  }
0xac: {  	v35 =	vld [tilespmem:s20+$0x1470];
	v11 =	vmul.f32 v24, v23;
	[tilespmem:s20+$0x1410] =	vst v34  }
0xad: {  	v36 =	vld [tilespmem:s20+$0x1480];
	v9 =	vmul.f32 v28, v15;
	[tilespmem:s20+$0x1870] =	vst v3  }
0xae: {  	v31 =	vld [tilespmem:s20+$0x1450];
	v7 =	vmul.f32 v29, v15;
	[tilespmem:s20+$0x13E0] =	vst v11  }
0xaf: {  	v37 =	vld [tilespmem:s20+$0x1490];
	v8 =	vmul.f32 v30, v15;
	[tilespmem:s20+$0x1420] =	vst v9  }
0xb0: {  	v38 =	vld [tilespmem:s20+$0x14A0];
	v41 =	vbroadcast v1, $0x3;
	v10 =	vmul.f32 v33, v15;
	[tilespmem:s20+$0x1430] =	vst v7  }
0xb1: {  	v39 =	vld [tilespmem:s20+$0x14B0];
	v12 =	vmul.f32 v35, v15;
	[tilespmem:s20+$0x1440] =	vst v8  }
0xb2: {  	v42 =	vld [tilespmem:s20+$0x14D0];
	v13 =	vmul.f32 v36, v41;
	[tilespmem:s20+$0x1460] =	vst v10  }
0xb3: {  	v43 =	vld [tilespmem:s20+$0x14E0];
	v11 =	vmul.f32 v31, v15;
	[tilespmem:s20+$0x1470] =	vst v12  }
0xb4: {  	v44 =	vld [tilespmem:s20+$0x14F0];
	v9 =	vmul.f32 v37, v41;
	[tilespmem:s20+$0x1480] =	vst v13  }
0xb5: {  	v40 =	vld [tilespmem:s20+$0x14C0];
	v7 =	vmul.f32 v38, v41;
	[tilespmem:s20+$0x1450] =	vst v11  }
0xb6: {  	v45 =	vld [tilespmem:s20+$0x1500];
	v8 =	vmul.f32 v39, v41;
	[tilespmem:s20+$0x1490] =	vst v9  }
0xb7: {  	v46 =	vld [tilespmem:s20+$0x1510];
	v10 =	vmul.f32 v42, v41;
	[tilespmem:s20+$0x14A0] =	vst v7  }
0xb8: {  	v47 =	vld [tilespmem:s20+$0x1520];
	v12 =	vmul.f32 v43, v41;
	[tilespmem:s20+$0x14B0] =	vst v8  }
0xb9: {  	v49 =	vld [tilespmem:s20+$0x1540];
	v50 =	vbroadcast v1, $0x4;
	v13 =	vmul.f32 v44, v41;
	[tilespmem:s20+$0x14D0] =	vst v10  }
0xba: {  	v51 =	vld [tilespmem:s20+$0x1550];
	v11 =	vmul.f32 v40, v41;
	[tilespmem:s20+$0x14E0] =	vst v12  }
0xbb: {  	v52 =	vld [tilespmem:s20+$0x1560];
	v9 =	vmul.f32 v45, v50;
	[tilespmem:s20+$0x14F0] =	vst v13  }
0xbc: {  	v48 =	vld [tilespmem:s20+$0x1530];
	v7 =	vmul.f32 v46, v50;
	[tilespmem:s20+$0x14C0] =	vst v11  }
0xbd: {  	v53 =	vld [tilespmem:s20+$0x1570];
	v8 =	vmul.f32 v47, v50;
	[tilespmem:s20+$0x1500] =	vst v9  }
0xbe: {  	v54 =	vld [tilespmem:s20+$0x1580];
	v10 =	vmul.f32 v49, v50;
	[tilespmem:s20+$0x1510] =	vst v7  }
0xbf: {  	v55 =	vld [tilespmem:s20+$0x1590];
	v12 =	vmul.f32 v51, v50;
	[tilespmem:s20+$0x1520] =	vst v8  }
0xc0: {  	v57 =	vld [tilespmem:s20+$0x15B0];
	v13 =	vmul.f32 v52, v50;
	[tilespmem:s20+$0x1540] =	vst v10  }
0xc1: {  	v58 =	vld [tilespmem:s20+$0x15C0];
	v59 =	vbroadcast v1, $0x5;
	v11 =	vmul.f32 v48, v50;
	[tilespmem:s20+$0x1550] =	vst v12  }
0xc2: {  	v60 =	vld [tilespmem:s20+$0x15D0];
	v9 =	vmul.f32 v53, v50;
	[tilespmem:s20+$0x1560] =	vst v13  }
0xc3: {  	v56 =	vld [tilespmem:s20+$0x15A0];
	v7 =	vmul.f32 v54, v59;
	[tilespmem:s20+$0x1530] =	vst v11  }
0xc4: {  	v61 =	vld [tilespmem:s20+$0x15E0];
	v8 =	vmul.f32 v55, v59;
	[tilespmem:s20+$0x1570] =	vst v9  }
0xc5: {  	v62 =	vld [tilespmem:s20+$0x15F0];
	v10 =	vmul.f32 v57, v59;
	[tilespmem:s20+$0x1580] =	vst v7  }
0xc6: {  	v63 =	vld [tilespmem:s20+$0x1600];
	v12 =	vmul.f32 v58, v59;
	[tilespmem:s20+$0x1590] =	vst v8  }
0xc7: {  	v19 =	vld [tilespmem:s20+$0x1620];
	v13 =	vmul.f32 v60, v59;
	[tilespmem:s20+$0x15B0] =	vst v10  }
0xc8: {  	v20 =	vld [tilespmem:s20+$0x1630];
	v11 =	vmul.f32 v56, v59;
	[tilespmem:s20+$0x15C0] =	vst v12  }
0xc9: {  	v21 =	vld [tilespmem:s20+$0x1640];
	v22 =	vbroadcast v1, $0x6;
	v9 =	vmul.f32 v61, v59;
	[tilespmem:s20+$0x15D0] =	vst v13  }
0xca: {  	v18 =	vld [tilespmem:s20+$0x1610];
	v7 =	vmul.f32 v62, v59;
	[tilespmem:s20+$0x15A0] =	vst v11  }
0xcb: {  	v23 =	vld [tilespmem:s20+$0x1650];
	v8 =	vmul.f32 v63, v22;
	[tilespmem:s20+$0x15E0] =	vst v9  }
0xcc: {  	v24 =	vld [tilespmem:s20+$0x1660];
	v10 =	vmul.f32 v19, v22;
	[tilespmem:s20+$0x15F0] =	vst v7  }
0xcd: {  	v25 =	vld [tilespmem:s20+$0x1670];
	v12 =	vmul.f32 v20, v22;
	[tilespmem:s20+$0x1600] =	vst v8  }
0xce: {  	v27 =	vld [tilespmem:s20+$0x1690];
	v13 =	vmul.f32 v21, v22;
	[tilespmem:s20+$0x1620] =	vst v10  }
0xcf: {  	v28 =	vld [tilespmem:s20+$0x16A0];
	v11 =	vmul.f32 v18, v22;
	[tilespmem:s20+$0x1630] =	vst v12  }
0xd0: {  	v29 =	vld [tilespmem:s20+$0x16B0];
	v9 =	vmul.f32 v23, v22;
	[tilespmem:s20+$0x1640] =	vst v13  }
0xd1: {  	v31 =	vbroadcast v1, $0x7;
	v53 =	vld [tilespmem:s20+$0x1800];
	v7 =	vmul.f32 v24, v22;
	[tilespmem:s20+$0x1610] =	vst v11  }
0xd2: {  	v57 =	vld [tilespmem:s20+$0x1840];
	v8 =	vmul.f32 v25, v22;
	[tilespmem:s20+$0x1650] =	vst v9  }
0xd3: {  	v58 =	vld [tilespmem:s20+$0x1850];
	v10 =	vmul.f32 v27, v31;
	[tilespmem:s20+$0x1660] =	vst v7  }
0xd4: {  	v26 =	vld [tilespmem:s20+$0x1680];
	v12 =	vmul.f32 v28, v31;
	[tilespmem:s20+$0x1670] =	vst v8  }
0xd5: {  	v30 =	vld [tilespmem:s20+$0x16C0];
	v13 =	vmul.f32 v29, v31;
	[tilespmem:s20+$0x1690] =	vst v10  }
0xd6: {  	v32 =	vld [tilespmem:s20+$0x16D0];
	v59 =	vmul.f32 v53, v5;
	[tilespmem:s20+$0x16A0] =	vst v12  }
0xd7: {  	v33 =	vld [tilespmem:s20+$0x16E0];
	v18 =	vmul.f32 v57, v5;
	[tilespmem:s20+$0x16B0] =	vst v13  }
0xd8: {  	v35 =	vld [tilespmem:s20+$0x1700];
	v20 =	vmul.f32 v58, v5;
	[tilespmem:s20+$0x1800] =	vst v59  }
0xd9: {  	v36 =	vld [tilespmem:s20+$0x1710];
	v11 =	vmul.f32 v26, v31;
	[tilespmem:s20+$0x1840] =	vst v18  }
0xda: {  	v37 =	vld [tilespmem:s20+$0x1720];
	v9 =	vmul.f32 v30, v31;
	[tilespmem:s20+$0x1850] =	vst v20  }
0xdb: {  	v4 =	vld [tilespmem:s20+$0x1880];
	v40 =	vbroadcast v1, $0x8;
	v7 =	vmul.f32 v32, v31;
	[tilespmem:s20+$0x1680] =	vst v11  }
0xdc: {  	v6 =	vld [tilespmem:s20+$0x1890];
	v8 =	vmul.f32 v33, v31;
	[tilespmem:s20+$0x16C0] =	vst v9  }
0xdd: {  	v3 =	vld [tilespmem:s20+$0x1AD0];
	v10 =	vmul.f32 v35, v40;
	[tilespmem:s20+$0x16D0] =	vst v7  }
0xde: {  	v61 =	vld [tilespmem:s20+$0x1300];
	v23 =	vbroadcast v1, $0xB;
	v12 =	vmul.f32 v36, v40;
	[tilespmem:s20+$0x16E0] =	vst v8  }
0xdf: {  	v34 =	vld [tilespmem:s20+$0x16F0];
	v13 =	vmul.f32 v37, v40;
	[tilespmem:s20+$0x1700] =	vst v10  }
0xe0: {  	v38 =	vld [tilespmem:s20+$0x1730];
	v27 =	vbroadcast v1, $0xF;
	v4 =	vmul.f32 v4, v23;
	[tilespmem:s20+$0x1710] =	vst v12  }
0xe1: {  	v39 =	vld [tilespmem:s20+$0x1740];
	v6 =	vmul.f32 v6, v23;
	[tilespmem:s20+$0x1720] =	vst v13  }
0xe2: {  	v41 =	vld [tilespmem:s20+$0x1750];
	v3 =	vmul.f32 v3, v27;
	[tilespmem:s20+$0x1880] =	vst v4  }
0xe3: {  	v43 =	vld [tilespmem:s20+$0x1770];
	v24 =	vmul.f32 v2, v61;
	[tilespmem:s20+$0x1890] =	vst v6  }
0xe4: {  	v44 =	vld [tilespmem:s20+$0x1780];
	v11 =	vmul.f32 v34, v31;
	[tilespmem:s20+$0x1AD0] =	vst v3  }
0xe5: {  	v45 =	vld [tilespmem:s20+$0x1790];
	v9 =	vmul.f32 v38, v40;
	[tilespmem:s20+$0x1300] =	vst v24  }
0xe6: {  	v63 =	vld [tilespmem:s20+$0x1340];
	v7 =	vmul.f32 v39, v40;
	[tilespmem:s20+$0x16F0] =	vst v11  }
0xe7: {  	v49 =	vbroadcast v1, $0x9;
	v29 =	vld [tilespmem:s20+$0x18F0];
	v8 =	vmul.f32 v41, v40;
	[tilespmem:s20+$0x1730] =	vst v9  }
0xe8: {  	v42 =	vld [tilespmem:s20+$0x1760];
	v10 =	vmul.f32 v43, v40;
	[tilespmem:s20+$0x1740] =	vst v7  }
0xe9: {  	v46 =	vld [tilespmem:s20+$0x17A0];
	v12 =	vmul.f32 v44, v49;
	[tilespmem:s20+$0x1750] =	vst v8  }
0xea: {  	v47 =	vld [tilespmem:s20+$0x17B0];
	v13 =	vmul.f32 v45, v49;
	[tilespmem:s20+$0x1770] =	vst v10  }
0xeb: {  	v48 =	vld [tilespmem:s20+$0x17C0];
	v3 =	vmul.f32 v63, v2;
	[tilespmem:s20+$0x1780] =	vst v12  }
0xec: {  	v51 =	vld [tilespmem:s20+$0x17E0];
	v6 =	vmul.f32 v29, v23;
	[tilespmem:s20+$0x1790] =	vst v13  }
0xed: {  	v52 =	vld [tilespmem:s20+$0x17F0];
	v11 =	vmul.f32 v42, v40;
	[tilespmem:s20+$0x1340] =	vst v3  }
0xee: {  	v28 =	vld [tilespmem:s20+$0x18E0];
	v9 =	vmul.f32 v46, v49;
	[tilespmem:s20+$0x18F0] =	vst v6  }
0xef: {  	v26 =	vld [tilespmem:s20+$0x18D0];
	v7 =	vmul.f32 v47, v49;
	[tilespmem:s20+$0x1760] =	vst v11  }
0xf0: {  	v30 =	vld [tilespmem:s20+$0x1900];
	v8 =	vmul.f32 v48, v49;
	[tilespmem:s20+$0x17A0] =	vst v9  }
0xf1: {  	v50 =	vld [tilespmem:s20+$0x17D0];
	v10 =	vmul.f32 v51, v49;
	[tilespmem:s20+$0x17B0] =	vst v7  }
0xf2: {  	v54 =	vld [tilespmem:s20+$0x1810];
	v12 =	vmul.f32 v52, v49;
	[tilespmem:s20+$0x17C0] =	vst v8  }
0xf3: {  	v55 =	vld [tilespmem:s20+$0x1820];
	v35 =	vbroadcast v1, $0xC;
	v40 =	vmul.f32 v28, v23;
	[tilespmem:s20+$0x17E0] =	vst v10  }
0xf4: {  	v56 =	vld [tilespmem:s20+$0x1830];
	v32 =	vmul.f32 v26, v23;
	[tilespmem:s20+$0x17F0] =	vst v12  }
0xf5: {  	v60 =	vld [tilespmem:s20+$0x1860];
	v15 =	vmul.f32 v30, v35;
	[tilespmem:s20+$0x18E0] =	vst v40  }
0xf6: {  	v62 =	vld [tilespmem:s20+$0x1310];
	v11 =	vmul.f32 v50, v49;
	[tilespmem:s20+$0x18D0] =	vst v32  }
0xf7: {  	v19 =	vld [tilespmem:s20+$0x1350];
	v9 =	vmul.f32 v54, v5;
	[tilespmem:s20+$0x1900] =	vst v15  }
0xf8: {  	v33 =	vld [tilespmem:s20+$0x1930];
	v7 =	vmul.f32 v55, v5;
	[tilespmem:s20+$0x17D0] =	vst v11  }
0xf9: {  	v61 =	vld [tilespmem:s20+$0x1AF0];
	v8 =	vmul.f32 v56, v5;
	[tilespmem:s20+$0x1810] =	vst v9  }
0xfa: {  	v38 =	vld [tilespmem:s20+$0x1970];
	v5 =	vmul.f32 v60, v5;
	[tilespmem:s20+$0x1820] =	vst v7  }
0xfb: {  	v21 =	vld [tilespmem:s20+$0x18A0];
	v12 =	vmul.f32 v62, v2;
	[tilespmem:s20+$0x1830] =	vst v8  }
0xfc: {  	v22 =	vld [tilespmem:s20+$0x18B0];
	v2 =	vmul.f32 v19, v2;
	[tilespmem:s20+$0x1860] =	vst v5  }
0xfd: {  	v25 =	vld [tilespmem:s20+$0x18C0];
	v62 =	vmul.f32 v33, v35;
	[tilespmem:s20+$0x1310] =	vst v12  }
0xfe: {  	v31 =	vld [tilespmem:s20+$0x1910];
	v63 =	vmul.f32 v61, v27;
	[tilespmem:s20+$0x1350] =	vst v2  }
0xff: {  	v34 =	vld [tilespmem:s20+$0x1940];
	v15 =	vmul.f32 v38, v35;
	[tilespmem:s20+$0x1930] =	vst v62  }
0x100: {  	v41 =	vld [tilespmem:s20+$0x19A0];
	v7 =	vmul.f32 v21, v23;
	[tilespmem:s20+$0x1AF0] =	vst v63  }
0x101: {  	v46 =	vld [tilespmem:s20+$0x19E0];
	v8 =	vmul.f32 v22, v23;
	[tilespmem:s20+$0x1970] =	vst v15  }
0x102: {  	v36 =	vld [tilespmem:s20+$0x1950];
	v5 =	vmul.f32 v25, v23;
	[tilespmem:s20+$0x18A0] =	vst v7  }
0x103: {  	v44 =	vbroadcast v1, $0xD;
	v9 =	vmul.f32 v31, v35;
	v2 =	vld [tilespmem:s20+$0x1990];
	[tilespmem:s20+$0x18B0] =	vst v8  }
0x104: {  	v37 =	vld [tilespmem:s20+$0x1960];
	v12 =	vmul.f32 v34, v35;
	[tilespmem:s20+$0x18C0] =	vst v5  }
0x105: {  	v39 =	vld [tilespmem:s20+$0x1980];
	v11 =	vmul.f32 v41, v44;
	[tilespmem:s20+$0x1910] =	vst v9  }
0x106: {  	v42 =	vld [tilespmem:s20+$0x19B0];
	v51 =	vmul.f32 v46, v44;
	[tilespmem:s20+$0x1940] =	vst v12  }
0x107: {  	v48 =	vld [tilespmem:s20+$0x1A10];
	v8 =	vmul.f32 v36, v35;
	[tilespmem:s20+$0x19A0] =	vst v11  }
0x108: {  	v49 =	vld [tilespmem:s20+$0x1A20];
	[tilespmem:s20+$0x19E0] =	vst v51;
	v2 =	vmul.f32 v2, v44  }
0x109: {  	v50 =	vld [tilespmem:s20+$0x1A30];
	v5 =	vmul.f32 v37, v35;
	[tilespmem:s20+$0x1950] =	vst v8  }
0x10a: {  	v1 =	vbroadcast v1, $0xE;
	v9 =	vmul.f32 v39, v44;
	[tilespmem:s20+$0x1990] =	vst v2;
	v2 =	vld [tilespmem:s20+$0x1A00]  }
0x10b: {  	v60 =	vld [tilespmem:s20+$0x1AE0];
	v12 =	vmul.f32 v42, v44;
	[tilespmem:s20+$0x1960] =	vst v5  }
0x10c: {  	v45 =	vld [tilespmem:s20+$0x19D0];
	v11 =	vmul.f32 v48, v1;
	[tilespmem:s20+$0x1980] =	vst v9  }
0x10d: {  	v47 =	vld [tilespmem:s20+$0x19F0];
	v10 =	vmul.f32 v49, v1;
	[tilespmem:s20+$0x19B0] =	vst v12  }
0x10e: {  	v43 =	vld [tilespmem:s20+$0x19C0];
	v6 =	vmul.f32 v50, v1;
	[tilespmem:s20+$0x1A10] =	vst v11  }
0x10f: {  	v55 =	vld [tilespmem:s20+$0x1A80];
	[tilespmem:s20+$0x1A20] =	vst v10;
	v2 =	vmul.f32 v2, v1  }
0x110: {  	v57 =	vld [tilespmem:s20+$0x1AA0];
	v4 =	vmul.f32 v60, v27;
	[tilespmem:s20+$0x1A30] =	vst v6  }
0x111: {  	v5 =	vmul.f32 v45, v44;
	[tilespmem:s20+$0x1A00] =	vst v2;
	v2 =	vld [tilespmem:s20+$0x1A70]  }
0x112: {  	v52 =	vld [tilespmem:s20+$0x1A40];
	v9 =	vmul.f32 v47, v44;
	[tilespmem:s20+$0x1AE0] =	vst v4  }
0x113: {  	v56 =	vld [tilespmem:s20+$0x1A90];
	v8 =	vmul.f32 v43, v44;
	[tilespmem:s20+$0x19D0] =	vst v5  }
0x114: {  	v54 =	vld [tilespmem:s20+$0x1A60];
	v11 =	vmul.f32 v55, v27;
	[tilespmem:s20+$0x19F0] =	vst v9  }
0x115: {  	v58 =	vld [tilespmem:s20+$0x1AB0];
	v6 =	vmul.f32 v57, v27;
	[tilespmem:s20+$0x19C0] =	vst v8  }
0x116: {  	v53 =	vld [tilespmem:s20+$0x1A50];
	[tilespmem:s20+$0x1A80] =	vst v11;
	v2 =	vmul.f32 v2, v1  }
0x117: {  	v59 =	vld [tilespmem:s20+$0x1AC0];
	v5 =	vmul.f32 v52, v1;
	[tilespmem:s20+$0x1AA0] =	vst v6  }
0x118: {  	[tilespmem:s20+$0x1A70] =	vst v2;
	v2 =	vmul.f32 v56, v27  }
0x119: {  	v3 =	vld [tilespmem:s20+$0x1920];
	v9 =	vmul.f32 v54, v1;
	[tilespmem:s20+$0x1A40] =	vst v5  }
0x11a: {  	[tilespmem:s20+$0x1A90] =	vst v2;
	v2 =	vmul.f32 v58, v27  }
0x11b: {  	[tilespmem:s20+$0x1A60] =	vst v9;
	v1 =	vmul.f32 v53, v1  }
0x11c: {  	[tilespmem:s20+$0x1AB0] =	vst v2;
	v2 =	vmul.f32 v59, v27  }
0x11d: {  	[tilespmem:s20+$0x1A50] =	vst v1  }
0x11e: {  	s21 =	simm.s32 $0x1;
	[tilespmem:s20+$0x1AC0] =	vst v2;
	v2 =	vmul.f32 v3, v35  }
.LBB2_5:
0x11f: {  	s22 =	sshll.u32 s21, $0x4  }
0x120: {  	p0 =	sne.s32 s21, $0xF;
	[tilespmem:s20+$0x1920] =	vst v2;
	s20 =	smov.u32 s21;
	s21 =	sadd.s32 $0x1, s21  }
0x121: {  	s22 =	sand.u32 $0x3FFFFFF0, s22  }
0x122: {  	s20 =	sshll.u32 s20, $0xB;
	v1 =	vld [tilespmem:s22+$0x1200]  }
0x123: {  	s20 =	sand.u32 $0x3FFFF800, s20  }
0x124: {  	v8 =	vld [tilespmem:s20+$0x13C0]  }
0x125: {  	v9 =	vld [tilespmem:s20+$0x13D0]  }
0x126: {  	v10 =	vld [tilespmem:s20+$0x13B0]  }
0x127: {  	v2 =	vbroadcast v1, $0x0;
	v3 =	vld [tilespmem:s20+$0x1320];
	v7 =	vbroadcast v1, $0x4  }
0x128: {  	v5 =	vld [tilespmem:s20+$0x1330]  }
0x129: {  	v6 =	vld [tilespmem:s20+$0x1870]  }
0x12a: {  	v11 =	vld [tilespmem:s20+$0x1360]  }
0x12b: {  	v12 =	vld [tilespmem:s20+$0x1370]  }
0x12c: {  	v4 =	vbroadcast v1, $0xA;
	v3 =	vmul.f32 v3, v2;
	v13 =	vld [tilespmem:s20+$0x1380]  }
0x12d: {  	v5 =	vmul.f32 v5, v2;
	v14 =	vld [tilespmem:s20+$0x1390]  }
0x12e: {  	[tilespmem:s20+$0x1320] =	vst v3;
	v15 =	vld [tilespmem:s20+$0x13A0];
	v3 =	vmul.f32 v6, v4  }
0x12f: {  	[tilespmem:s20+$0x1330] =	vst v5;
	v6 =	vmul.f32 v11, v2;
	v11 =	vbroadcast v1, $0x1;
	v5 =	vld [tilespmem:s20+$0x1880]  }
0x130: {  	v12 =	vmul.f32 v12, v2;
	[tilespmem:s20+$0x1870] =	vst v3;
	v3 =	vld [tilespmem:s20+$0x1AD0]  }
0x131: {  	[tilespmem:s20+$0x1360] =	vst v6;
	v13 =	vmul.f32 v13, v11;
	v6 =	vld [tilespmem:s20+$0x1890]  }
0x132: {  	[tilespmem:s20+$0x1370] =	vst v12;
	v12 =	vmul.f32 v14, v11;
	v14 =	vld [tilespmem:s20+$0x13E0]  }
0x133: {  	[tilespmem:s20+$0x1380] =	vst v13;
	v13 =	vmul.f32 v15, v11;
	v15 =	vld [tilespmem:s20+$0x13F0]  }
0x134: {  	v10 =	vmul.f32 v10, v11;
	[tilespmem:s20+$0x1390] =	vst v12;
	v12 =	vld [tilespmem:s20+$0x1400]  }
0x135: {  	v8 =	vmul.f32 v8, v11;
	[tilespmem:s20+$0x13A0] =	vst v13;
	v13 =	vld [tilespmem:s20+$0x1410]  }
0x136: {  	v9 =	vmul.f32 v9, v11;
	[tilespmem:s20+$0x13B0] =	vst v10;
	v10 =	vld [tilespmem:s20+$0x1420]  }
0x137: {  	[tilespmem:s20+$0x13C0] =	vst v8;
	v8 =	vmul.f32 v14, v11;
	v14 =	vbroadcast v1, $0x2;
	v16 =	vld [tilespmem:s20+$0x1430]  }
0x138: {  	[tilespmem:s20+$0x13D0] =	vst v9;
	v9 =	vmul.f32 v15, v11;
	v11 =	vld [tilespmem:s20+$0x1440]  }
0x139: {  	[tilespmem:s20+$0x13E0] =	vst v8;
	v8 =	vmul.f32 v12, v14;
	v12 =	vld [tilespmem:s20+$0x1450]  }
0x13a: {  	[tilespmem:s20+$0x13F0] =	vst v9;
	v9 =	vmul.f32 v13, v14;
	v13 =	vld [tilespmem:s20+$0x1460]  }
0x13b: {  	[tilespmem:s20+$0x1400] =	vst v8;
	v8 =	vmul.f32 v10, v14;
	v10 =	vld [tilespmem:s20+$0x1470]  }
0x13c: {  	[tilespmem:s20+$0x1410] =	vst v9;
	v9 =	vmul.f32 v16, v14;
	v15 =	vld [tilespmem:s20+$0x1480]  }
0x13d: {  	[tilespmem:s20+$0x1420] =	vst v8;
	v8 =	vmul.f32 v11, v14;
	v11 =	vld [tilespmem:s20+$0x1490]  }
0x13e: {  	[tilespmem:s20+$0x1430] =	vst v9;
	v9 =	vmul.f32 v12, v14;
	v12 =	vld [tilespmem:s20+$0x14A0]  }
0x13f: {  	[tilespmem:s20+$0x1440] =	vst v8;
	v8 =	vmul.f32 v13, v14;
	v13 =	vbroadcast v1, $0x3;
	v16 =	vld [tilespmem:s20+$0x14B0]  }
0x140: {  	[tilespmem:s20+$0x1450] =	vst v9;
	v9 =	vmul.f32 v10, v14;
	v10 =	vld [tilespmem:s20+$0x14C0]  }
0x141: {  	[tilespmem:s20+$0x1460] =	vst v8;
	v8 =	vmul.f32 v15, v13;
	v14 =	vld [tilespmem:s20+$0x14D0]  }
0x142: {  	[tilespmem:s20+$0x1470] =	vst v9;
	v9 =	vmul.f32 v11, v13;
	v11 =	vld [tilespmem:s20+$0x14E0]  }
0x143: {  	[tilespmem:s20+$0x1480] =	vst v8;
	v8 =	vmul.f32 v12, v13;
	v12 =	vld [tilespmem:s20+$0x14F0]  }
0x144: {  	[tilespmem:s20+$0x1490] =	vst v9;
	v9 =	vmul.f32 v16, v13;
	v15 =	vld [tilespmem:s20+$0x1500]  }
0x145: {  	[tilespmem:s20+$0x14A0] =	vst v8;
	v8 =	vmul.f32 v10, v13;
	v10 =	vld [tilespmem:s20+$0x1510]  }
0x146: {  	[tilespmem:s20+$0x14B0] =	vst v9;
	v9 =	vmul.f32 v14, v13;
	v14 =	vld [tilespmem:s20+$0x1520]  }
0x147: {  	[tilespmem:s20+$0x14C0] =	vst v8;
	v8 =	vmul.f32 v11, v13;
	v11 =	vld [tilespmem:s20+$0x1530]  }
0x148: {  	[tilespmem:s20+$0x14D0] =	vst v9;
	v9 =	vmul.f32 v12, v13;
	v12 =	vld [tilespmem:s20+$0x1540]  }
0x149: {  	[tilespmem:s20+$0x14E0] =	vst v8;
	v8 =	vmul.f32 v15, v7;
	v13 =	vld [tilespmem:s20+$0x1550]  }
0x14a: {  	[tilespmem:s20+$0x14F0] =	vst v9;
	v9 =	vmul.f32 v10, v7;
	v10 =	vld [tilespmem:s20+$0x1560]  }
0x14b: {  	[tilespmem:s20+$0x1500] =	vst v8;
	v8 =	vmul.f32 v14, v7;
	v14 =	vld [tilespmem:s20+$0x1570]  }
0x14c: {  	[tilespmem:s20+$0x1510] =	vst v9;
	v9 =	vmul.f32 v11, v7;
	v11 =	vld [tilespmem:s20+$0x1580]  }
0x14d: {  	[tilespmem:s20+$0x1520] =	vst v8;
	v8 =	vmul.f32 v12, v7;
	v12 =	vld [tilespmem:s20+$0x1590]  }
0x14e: {  	[tilespmem:s20+$0x1530] =	vst v9;
	v9 =	vmul.f32 v13, v7;
	v13 =	vld [tilespmem:s20+$0x15A0]  }
0x14f: {  	[tilespmem:s20+$0x1540] =	vst v8;
	v8 =	vmul.f32 v10, v7;
	v10 =	vbroadcast v1, $0x5;
	v15 =	vld [tilespmem:s20+$0x15B0]  }
0x150: {  	[tilespmem:s20+$0x1550] =	vst v9;
	v7 =	vmul.f32 v14, v7;
	v9 =	vld [tilespmem:s20+$0x15C0]  }
0x151: {  	[tilespmem:s20+$0x1560] =	vst v8;
	v8 =	vmul.f32 v11, v10;
	v11 =	vld [tilespmem:s20+$0x15D0]  }
0x152: {  	[tilespmem:s20+$0x1570] =	vst v7;
	v7 =	vmul.f32 v12, v10;
	v12 =	vld [tilespmem:s20+$0x15E0]  }
0x153: {  	[tilespmem:s20+$0x1580] =	vst v8;
	v8 =	vmul.f32 v13, v10;
	v13 =	vld [tilespmem:s20+$0x15F0]  }
0x154: {  	[tilespmem:s20+$0x1590] =	vst v7;
	v7 =	vmul.f32 v15, v10;
	v14 =	vld [tilespmem:s20+$0x1600]  }
0x155: {  	[tilespmem:s20+$0x15A0] =	vst v8;
	v8 =	vmul.f32 v9, v10;
	v9 =	vld [tilespmem:s20+$0x1610]  }
0x156: {  	[tilespmem:s20+$0x15B0] =	vst v7;
	v7 =	vmul.f32 v11, v10;
	v11 =	vld [tilespmem:s20+$0x1620]  }
0x157: {  	[tilespmem:s20+$0x15C0] =	vst v8;
	v8 =	vmul.f32 v12, v10;
	v12 =	vbroadcast v1, $0x6;
	v15 =	vld [tilespmem:s20+$0x1630]  }
0x158: {  	[tilespmem:s20+$0x15D0] =	vst v7;
	v7 =	vmul.f32 v13, v10;
	v10 =	vld [tilespmem:s20+$0x1640]  }
0x159: {  	[tilespmem:s20+$0x15E0] =	vst v8;
	v8 =	vmul.f32 v14, v12;
	v13 =	vld [tilespmem:s20+$0x1650]  }
0x15a: {  	[tilespmem:s20+$0x15F0] =	vst v7;
	v7 =	vmul.f32 v9, v12;
	v9 =	vld [tilespmem:s20+$0x1660]  }
0x15b: {  	[tilespmem:s20+$0x1600] =	vst v8;
	v8 =	vmul.f32 v11, v12;
	v11 =	vld [tilespmem:s20+$0x1670]  }
0x15c: {  	[tilespmem:s20+$0x1610] =	vst v7;
	v7 =	vmul.f32 v15, v12;
	v14 =	vld [tilespmem:s20+$0x1680]  }
0x15d: {  	[tilespmem:s20+$0x1620] =	vst v8;
	v8 =	vmul.f32 v10, v12;
	v10 =	vld [tilespmem:s20+$0x1690]  }
0x15e: {  	[tilespmem:s20+$0x1630] =	vst v7;
	v7 =	vmul.f32 v13, v12;
	v13 =	vld [tilespmem:s20+$0x16A0]  }
0x15f: {  	[tilespmem:s20+$0x1640] =	vst v8;
	v8 =	vmul.f32 v9, v12;
	v9 =	vbroadcast v1, $0x7;
	v15 =	vld [tilespmem:s20+$0x16B0]  }
0x160: {  	[tilespmem:s20+$0x1650] =	vst v7;
	v7 =	vmul.f32 v11, v12;
	v11 =	vld [tilespmem:s20+$0x16C0]  }
0x161: {  	[tilespmem:s20+$0x1660] =	vst v8;
	v8 =	vmul.f32 v14, v9;
	v12 =	vld [tilespmem:s20+$0x16D0]  }
0x162: {  	[tilespmem:s20+$0x1670] =	vst v7;
	v7 =	vmul.f32 v10, v9;
	v10 =	vld [tilespmem:s20+$0x16E0]  }
0x163: {  	[tilespmem:s20+$0x1680] =	vst v8;
	v8 =	vmul.f32 v13, v9;
	v13 =	vld [tilespmem:s20+$0x16F0]  }
0x164: {  	[tilespmem:s20+$0x1690] =	vst v7;
	v7 =	vmul.f32 v15, v9;
	v14 =	vld [tilespmem:s20+$0x1700]  }
0x165: {  	[tilespmem:s20+$0x16A0] =	vst v8;
	v8 =	vmul.f32 v11, v9;
	v11 =	vld [tilespmem:s20+$0x1710]  }
0x166: {  	[tilespmem:s20+$0x16B0] =	vst v7;
	v7 =	vmul.f32 v12, v9;
	v12 =	vld [tilespmem:s20+$0x1720]  }
0x167: {  	[tilespmem:s20+$0x16C0] =	vst v8;
	v8 =	vmul.f32 v10, v9;
	v10 =	vbroadcast v1, $0x8;
	v15 =	vld [tilespmem:s20+$0x1730]  }
0x168: {  	[tilespmem:s20+$0x16D0] =	vst v7;
	v7 =	vmul.f32 v13, v9;
	v9 =	vld [tilespmem:s20+$0x1740]  }
0x169: {  	[tilespmem:s20+$0x16E0] =	vst v8;
	v8 =	vmul.f32 v14, v10;
	v13 =	vld [tilespmem:s20+$0x1750]  }
0x16a: {  	[tilespmem:s20+$0x16F0] =	vst v7;
	v7 =	vmul.f32 v11, v10;
	v11 =	vld [tilespmem:s20+$0x1760]  }
0x16b: {  	[tilespmem:s20+$0x1700] =	vst v8;
	v8 =	vmul.f32 v12, v10;
	v12 =	vld [tilespmem:s20+$0x1770]  }
0x16c: {  	[tilespmem:s20+$0x1710] =	vst v7;
	v7 =	vmul.f32 v15, v10;
	v14 =	vld [tilespmem:s20+$0x1780]  }
0x16d: {  	[tilespmem:s20+$0x1720] =	vst v8;
	v8 =	vmul.f32 v9, v10;
	v9 =	vld [tilespmem:s20+$0x1790]  }
0x16e: {  	[tilespmem:s20+$0x1730] =	vst v7;
	v7 =	vmul.f32 v13, v10;
	v13 =	vld [tilespmem:s20+$0x17A0]  }
0x16f: {  	[tilespmem:s20+$0x1740] =	vst v8;
	v8 =	vmul.f32 v11, v10;
	v11 =	vbroadcast v1, $0x9;
	v15 =	vld [tilespmem:s20+$0x17B0]  }
0x170: {  	[tilespmem:s20+$0x1750] =	vst v7;
	v7 =	vmul.f32 v12, v10;
	v10 =	vld [tilespmem:s20+$0x17C0]  }
0x171: {  	[tilespmem:s20+$0x1760] =	vst v8;
	v8 =	vmul.f32 v14, v11;
	v12 =	vld [tilespmem:s20+$0x17D0]  }
0x172: {  	[tilespmem:s20+$0x1770] =	vst v7;
	v7 =	vmul.f32 v9, v11;
	v9 =	vld [tilespmem:s20+$0x17E0]  }
0x173: {  	[tilespmem:s20+$0x1780] =	vst v8;
	v8 =	vmul.f32 v13, v11;
	v13 =	vld [tilespmem:s20+$0x17F0]  }
0x174: {  	[tilespmem:s20+$0x1790] =	vst v7;
	v7 =	vmul.f32 v15, v11;
	v14 =	vld [tilespmem:s20+$0x1800]  }
0x175: {  	[tilespmem:s20+$0x17A0] =	vst v8;
	v8 =	vmul.f32 v10, v11;
	v10 =	vld [tilespmem:s20+$0x1810]  }
0x176: {  	[tilespmem:s20+$0x17B0] =	vst v7;
	v7 =	vmul.f32 v12, v11;
	v12 =	vld [tilespmem:s20+$0x1820]  }
0x177: {  	[tilespmem:s20+$0x17C0] =	vst v8;
	v8 =	vmul.f32 v9, v11;
	v9 =	vld [tilespmem:s20+$0x1830]  }
0x178: {  	[tilespmem:s20+$0x17D0] =	vst v7;
	v7 =	vmul.f32 v13, v11;
	v11 =	vld [tilespmem:s20+$0x1840]  }
0x179: {  	[tilespmem:s20+$0x17E0] =	vst v8;
	v8 =	vmul.f32 v14, v4;
	v13 =	vld [tilespmem:s20+$0x1850]  }
0x17a: {  	[tilespmem:s20+$0x17F0] =	vst v7;
	v7 =	vmul.f32 v10, v4;
	v10 =	vld [tilespmem:s20+$0x1860]  }
0x17b: {  	v14 =	vld [tilespmem:s20+$0x1300];
	[tilespmem:s20+$0x1800] =	vst v8;
	v8 =	vmul.f32 v12, v4  }
0x17c: {  	v12 =	vld [tilespmem:s20+$0x1310];
	[tilespmem:s20+$0x1810] =	vst v7;
	v7 =	vmul.f32 v9, v4  }
0x17d: {  	v9 =	vld [tilespmem:s20+$0x1340];
	[tilespmem:s20+$0x1820] =	vst v8;
	v8 =	vmul.f32 v11, v4  }
0x17e: {  	v11 =	vld [tilespmem:s20+$0x1350];
	[tilespmem:s20+$0x1830] =	vst v7;
	v7 =	vmul.f32 v13, v4  }
0x17f: {  	[tilespmem:s20+$0x1840] =	vst v8;
	v8 =	vmul.f32 v10, v4;
	v10 =	vbroadcast v1, $0xB;
	v13 =	vld [tilespmem:s20+$0x18A0]  }
0x180: {  	v4 =	vbroadcast v1, $0xF;
	v14 =	vmul.f32 v2, v14;
	[tilespmem:s20+$0x1850] =	vst v7;
	v7 =	vld [tilespmem:s20+$0x18B0]  }
0x181: {  	v12 =	vmul.f32 v12, v2;
	[tilespmem:s20+$0x1860] =	vst v8;
	v5 =	vmul.f32 v5, v10;
	v8 =	vld [tilespmem:s20+$0x18C0]  }
0x182: {  	v6 =	vmul.f32 v6, v10;
	[tilespmem:s20+$0x1300] =	vst v14;
	v9 =	vmul.f32 v9, v2;
	v14 =	vld [tilespmem:s20+$0x18D0]  }
0x183: {  	v3 =	vmul.f32 v3, v4;
	v11 =	vmul.f32 v11, v2;
	[tilespmem:s20+$0x1880] =	vst v5;
	v2 =	vld [tilespmem:s20+$0x18E0]  }
0x184: {  	[tilespmem:s20+$0x1890] =	vst v6;
	v5 =	vmul.f32 v13, v10;
	v6 =	vld [tilespmem:s20+$0x18F0]  }
0x185: {  	v7 =	vmul.f32 v7, v10;
	v13 =	vld [tilespmem:s20+$0x1900];
	[tilespmem:s20+$0x1AD0] =	vst v3  }
0x186: {  	[tilespmem:s20+$0x1310] =	vst v12;
	v3 =	vmul.f32 v8, v10;
	v8 =	vld [tilespmem:s20+$0x1910]  }
0x187: {  	[tilespmem:s20+$0x1340] =	vst v9;
	v9 =	vmul.f32 v14, v10;
	v12 =	vld [tilespmem:s20+$0x1920]  }
0x188: {  	v14 =	vbroadcast v1, $0xC;
	[tilespmem:s20+$0x18A0] =	vst v5;
	v5 =	vmul.f32 v2, v10;
	v15 =	vld [tilespmem:s20+$0x1930]  }
0x189: {  	[tilespmem:s20+$0x18D0] =	vst v9;
	v6 =	vmul.f32 v6, v10;
	v9 =	vld [tilespmem:s20+$0x1940]  }
0x18a: {  	[tilespmem:s20+$0x18B0] =	vst v7;
	v2 =	vmul.f32 v13, v14;
	v7 =	vld [tilespmem:s20+$0x1950]  }
0x18b: {  	[tilespmem:s20+$0x18C0] =	vst v3;
	v3 =	vmul.f32 v8, v14;
	v8 =	vld [tilespmem:s20+$0x1960]  }
0x18c: {  	[tilespmem:s20+$0x1900] =	vst v2;
	v2 =	vmul.f32 v12, v14;
	v10 =	vld [tilespmem:s20+$0x1970]  }
0x18d: {  	[tilespmem:s20+$0x1910] =	vst v3;
	v3 =	vld [tilespmem:s20+$0x1980]  }
0x18e: {  	[tilespmem:s20+$0x1350] =	vst v11;
	v9 =	vmul.f32 v9, v14;
	v11 =	vld [tilespmem:s20+$0x1990]  }
0x18f: {  	[tilespmem:s20+$0x18E0] =	vst v5;
	v5 =	vmul.f32 v7, v14;
	v7 =	vld [tilespmem:s20+$0x19A0]  }
0x190: {  	[tilespmem:s20+$0x1940] =	vst v9;
	v8 =	vmul.f32 v8, v14;
	v9 =	vbroadcast v1, $0xD;
	v12 =	vld [tilespmem:s20+$0x19B0]  }
0x191: {  	[tilespmem:s20+$0x1950] =	vst v5;
	v5 =	vmul.f32 v10, v14;
	v10 =	vld [tilespmem:s20+$0x19C0]  }
0x192: {  	[tilespmem:s20+$0x1960] =	vst v8;
	v3 =	vmul.f32 v3, v9;
	v8 =	vld [tilespmem:s20+$0x19D0]  }
0x193: {  	[tilespmem:s20+$0x1970] =	vst v5;
	v5 =	vmul.f32 v11, v9;
	v11 =	vld [tilespmem:s20+$0x19E0]  }
0x194: {  	[tilespmem:s20+$0x1980] =	vst v3;
	v3 =	vmul.f32 v7, v9;
	v7 =	vld [tilespmem:s20+$0x19F0]  }
0x195: {  	[tilespmem:s20+$0x1990] =	vst v5;
	v5 =	vmul.f32 v12, v9;
	v12 =	vld [tilespmem:s20+$0x1A00]  }
0x196: {  	[tilespmem:s20+$0x19A0] =	vst v3;
	v3 =	vmul.f32 v10, v9;
	v10 =	vld [tilespmem:s20+$0x1A10]  }
0x197: {  	[tilespmem:s20+$0x19B0] =	vst v5;
	v5 =	vmul.f32 v8, v9;
	v8 =	vld [tilespmem:s20+$0x1A20]  }
0x198: {  	v1 =	vbroadcast v1, $0xE;
	[tilespmem:s20+$0x18F0] =	vst v6;
	v6 =	vmul.f32 v11, v9;
	v11 =	vld [tilespmem:s20+$0x1A30]  }
0x199: {  	[tilespmem:s20+$0x19D0] =	vst v5;
	v5 =	vmul.f32 v7, v9;
	v7 =	vld [tilespmem:s20+$0x1A40]  }
0x19a: {  	[tilespmem:s20+$0x19E0] =	vst v6;
	v6 =	vmul.f32 v12, v1;
	v9 =	vld [tilespmem:s20+$0x1A50]  }
0x19b: {  	[tilespmem:s20+$0x19F0] =	vst v5;
	v5 =	vmul.f32 v10, v1;
	v10 =	vld [tilespmem:s20+$0x1A60]  }
0x19c: {  	[tilespmem:s20+$0x1A00] =	vst v6;
	v6 =	vmul.f32 v8, v1;
	v8 =	vld [tilespmem:s20+$0x1A70]  }
0x19d: {  	[tilespmem:s20+$0x1A10] =	vst v5;
	v5 =	vmul.f32 v11, v1;
	v11 =	vld [tilespmem:s20+$0x1A80]  }
0x19e: {  	[tilespmem:s20+$0x1A20] =	vst v6;
	v6 =	vmul.f32 v7, v1;
	v7 =	vld [tilespmem:s20+$0x1A90]  }
0x19f: {  	[tilespmem:s20+$0x1A30] =	vst v5;
	v5 =	vmul.f32 v9, v1;
	v9 =	vld [tilespmem:s20+$0x1AA0]  }
0x1a0: {  	[tilespmem:s20+$0x1A40] =	vst v6;
	v6 =	vmul.f32 v10, v1;
	v10 =	vld [tilespmem:s20+$0x1AB0]  }
0x1a1: {  	[tilespmem:s20+$0x19C0] =	vst v3;
	v1 =	vmul.f32 v8, v1;
	v3 =	vld [tilespmem:s20+$0x1AC0]  }
0x1a2: {  	[tilespmem:s20+$0x1A60] =	vst v6;
	v6 =	vmul.f32 v11, v4;
	v8 =	vld [tilespmem:s20+$0x1AE0]  }
0x1a3: {  	[tilespmem:s20+$0x1A70] =	vst v1;
	v1 =	vmul.f32 v7, v4;
	v7 =	vld [tilespmem:s20+$0x1AF0]  }
0x1a4: {  	[tilespmem:s20+$0x1A80] =	vst v6;
	v6 =	vmul.f32 v9, v4  }
0x1a5: {  	[tilespmem:s20+$0x1A90] =	vst v1;
	v1 =	vmul.f32 v10, v4  }
0x1a6: {  	v9 =	vmul.f32 v15, v14;
	[tilespmem:s20+$0x1AA0] =	vst v6  }
0x1a7: {  	[tilespmem:s20+$0x1AB0] =	vst v1;
	v1 =	vmul.f32 v3, v4  }
.Ltmp1:
0x1a8: {  	[tilespmem:s20+$0x1930] =	vst v9;
	v3 =	vmul.f32 v7, v4;
	(pc) =	sbr.rel @p0 .LBB2_5-.Ltmp1, $4  }
0x1a9: {  	[tilespmem:s20+$0x1AC0] =	vst v1  }
0x1aa: {  	v1 =	vmul.f32 v8, v4;
	[tilespmem:s20+$0x1AF0] =	vst v3  }
0x1ab: {  	[tilespmem:s20+$0x1A50] =	vst v5  }
0x1ac: {  	[tilespmem:s20+$0x1AE0] =	vst v1  }
0x1ad: {  	[tilespmem:s20+$0x1920] =	vst v2  }
0x1ae: {  	[spmem:s3] =	stream.indirect.scatter.add.f32 [tilespmem:s14], [sflag:$0x2], $0x80, s10, s13, $0xb8;
	[tilespmem:$0x1D300] =	vst v63  }
0x1af: {  	s19 =	sadd.s32 $0x1, s19;
	_ =	swait.ge [sflag:s0], $0x4000  }
0x1b0: {  	p0 =	sne.s32 s19, $0x28;
	[sflag:s0] =	ssyncset.done $0x0  }
.Ltmp2:
0x1b1: {  	[sflag:s0] =	ssyncadd.s32 $0xFFFFC000;
	(pc) =	sbr.rel @p0 .LBB2_4-.Ltmp2, $4  }
0x1b2: {  	[spmem:s3] =	stream.indirect.scatter.add.f32 [tilespmem:s16], [sflag:$0x2], $0x80, s12, s13, $0xb8;
	[tilespmem:$0x1D300] =	vst v63  }
0x1b3: {  	_ =	swait.ge [sflag:s0], $0x4000  }
0x1b4: {  	[sflag:s0] =	ssyncset.done $0x0  }
0x1b5: {  	[sflag:s0] =	ssyncadd.s32 $0xFFFFC000  }
0x1b6: {  	s18 =	stileid.u32;
	s17 =	sadd.s32 $0x1, s17  }
0x1b7: {  	[bflag:$0x0] =	sbarrier.arrive $0xFFFF;
	s18 =	sshll.u32 s18, $0x6;
	p0 =	sne.s32 s17, s25  }
.Ltmp3:
0x1b8: {  	s19 =	sshrl.u32 s8, $0x3;
	s18 =	sor.u32 $0x1C02, s18;
	(pc) =	sbr.rel @p0 .LBB2_1-.Ltmp3, $4  }
0x1b9: {  	[hbm:s24], [sflag:s18] =	dma.local [spmem:s19], $0x2800  }
0x1ba: {  	_ =	swait.ge [sflag:s0], $0x2800  }
0x1bb: {  	[sflag:s0] =	ssyncset.done $0x0  }
0x1bc: {  	[sflag:s0] =	ssyncadd.s32 $0xFFFFD800  }
0x1bd: {  	_ =	sfence.sel $0x180000  }
0x1be: {  	[bflag:$0x0] =	sbarrier.arrive $0xFFFF  }
0x1bf: {  	_ =	strace $0x9000004A  }
0x1c0: {  	s0 =	stileid.u32;
	[bflag:$0x2] =	sbarrier.arrive $0xFFFF  }
0x1c1: {  	p0 =	sne.s32 s0, $0x0;
	s0 =	rddreg [dreg:$0x3]  }
0x1c2: {  	s0 =	sadd.s32 @!p0 $0x100000, s0  }
0x1c3: {  	[sflag:s0] =	ssyncadd.tile.s32 @!p0 $0x1;
	_ =	shalt  }
.Lfunc_end2:
_tile_overlayer_lowered:
.L_overlay_start_2:
0x1c4: {  	(tag) =	ssettag $0x2  }
0x1c5: {  	s0 =	rddreg [dreg:$0x0];
	s2 =	stileid.u32  }
0x1c6: {  	s1 =	rddreg [dreg:$0x1];
	p0 =	sne.s32 s2, $0x0  }
0x1c7: {  	s3 =	rddreg [dreg:$0x2];
	[bflag:$0x3] =	sbarrier.arrive $0xFFFF;
	s2 =	simm.s32 @!p0 $0x1C02  }
0x1c8: {  	[timem:s3], [sflag:s2] =	dma.local @!p0 [hbm:s0], s1  }
0x1c9: {  	s0 =	simm.s32 @!p0 $0x2  }
0x1ca: {  	_ =	swait.ge @!p0 [sflag:s0], s1  }
0x1cb: {  	s1 =	ssub.s32 @!p0 $0x0, s1;
	[sflag:s0] =	ssyncset.done @!p0 $0x0  }
0x1cc: {  	[sflag:s0] =	ssyncadd.s32 @!p0 s1  }
0x1cd: {  	[bflag:$0x3] =	sbarrier.arrive $0xFFFF  }
0x1ce: {  	_ =	shalt  }

</sc_bundles>
